<compile_context>
chip_gen: v7x
topology: tpu7x:2x2x1
jax: 0.10.2.dev20260603
libtpu: 0.0.44.dev20260713+nightly
codegen_flags: <defaults>
</compile_context>

<pallas_src>
import functools

import jax
import jax.numpy as jnp
from jax import lax
from jax.experimental import pallas as pl
from jax.experimental.pallas import tpu as pltpu
from jax.experimental.pallas import tpu_sc as plsc

NUM_REL = 20000
NUM_CLASSES = 51
PAYLOAD_W = 128
ROW_BLOCK = 2000

N_PAD = 20480
SORT_W = 16
CHUNK = N_PAD // SORT_W
VREGS = CHUNK // 16
GATHER_W = 32
GCHUNK = N_PAD // GATHER_W
STAGE_ROWS = 1248
STAGE_TAIL = NUM_REL - SORT_W * STAGE_ROWS
N_PASS = 8

_SC_PARAMS = pltpu.CompilerParams(needs_layout_passes=False)



def _row_sum_xla_order(e):
    x = jnp.pad(e, ((0, 0), (0, (-e.shape[1]) % 8)))
    acc = x[:, 0:8]
    for k in range(1, x.shape[1] // 8):
        acc = acc + x[:, k * 8:(k + 1) * 8]
    g = 4
    while g >= 1:
        acc = acc[:, :g] + acc[:, g:2 * g]
        g //= 2
    return acc


def _softmax_body(logits_ref, pairs_ref, payload_ref, score_ref):
    x = logits_ref[...]
    m = jnp.max(x, axis=1, keepdims=True)
    e = jnp.exp(x - m)
    s = _row_sum_xla_order(e)
    p = e / s
    fg = p[:, 1:]
    score = jnp.max(fg, axis=1)
    score_ref[0, 0, :] = lax.bitcast_convert_type(
        jnp.bitwise_not(lax.bitcast_convert_type(score, jnp.uint32)),
        jnp.int32)
    cls = jnp.argmax(fg, axis=1).astype(jnp.int32) + 1
    pair_bits = lax.bitcast_convert_type(pairs_ref[...], jnp.float32)
    cls_bits = lax.bitcast_convert_type(cls[:, None], jnp.float32)
    zeros = jnp.zeros((x.shape[0], PAYLOAD_W - NUM_CLASSES - 3), jnp.float32)
    payload_ref[...] = jnp.concatenate(
        [p, pair_bits, cls_bits, zeros], axis=1)


def _softmax_stage(rel_logits, rel_pairs):
    n_blocks = NUM_REL // ROW_BLOCK
    payload, score = pl.pallas_call(
        _softmax_body,
        grid=(n_blocks,),
        in_specs=[
            pl.BlockSpec((ROW_BLOCK, NUM_CLASSES), lambda i: (i, 0)),
            pl.BlockSpec((ROW_BLOCK, 2), lambda i: (i, 0)),
        ],
        out_specs=[
            pl.BlockSpec((ROW_BLOCK, PAYLOAD_W), lambda i: (i, 0)),
            pl.BlockSpec((1, 1, ROW_BLOCK), lambda i: (i, 0, 0)),
        ],
        out_shape=[
            jax.ShapeDtypeStruct((NUM_REL, PAYLOAD_W), jnp.float32),
            jax.ShapeDtypeStruct((n_blocks, 1, ROW_BLOCK), jnp.int32),
        ],
    )(rel_logits, rel_pairs)
    return payload, score.reshape(-1)



_GATHER_DN = lax.GatherDimensionNumbers(
    offset_dims=(), collapsed_slice_dims=(0,), start_index_map=(0,))


def _take16(x, idx):
    return lax.gather(x, idx[:, None], _GATHER_DN, slice_sizes=(1,),
                      mode=lax.GatherScatterMode.PROMISE_IN_BOUNDS)


def _sortgather_body(keys_hbm, vals_hbm, payload_hbm, out_hbm,
                     kst, av, bv, hist,
                     kb, vb, vs, ps, sd, sl, rk, cnt16, hv, ha,
                     idxa, idxb, rows, sem):
    w = lax.axis_index("s")
    cbase = w * CHUNK
    iota = lax.iota(jnp.int32, 16)

    pltpu.sync_copy(keys_hbm.at[pl.ds(cbase, CHUNK)],
                    kst.at[pl.ds(cbase, CHUNK)])
    plsc.subcore_barrier()

    def run_pass(p, src_v, dst_v):
        shift = 4 * p
        if p == 0:
            pltpu.sync_copy(vals_hbm.at[pl.ds(cbase, CHUNK)], vb)
        else:
            pltpu.sync_copy(src_v.at[pl.ds(cbase, CHUNK)], vb)
        pltpu.async_copy(kst.at[vb], kb, sem).wait()

        def hist_step(v, running):
            kv = kb[pl.ds(v * 16, 16)]
            dig = lax.shift_right_logical(kv, shift) & 15
            key16 = dig * 16 + iota
            srt = jnp.sort(key16)
            s_dig = lax.shift_right_logical(srt, 4)
            s_lane = srt & 15
            prev = _take16(s_dig, jnp.maximum(iota - 1, 0))
            runfirst = (iota == 0) | (s_dig != prev)
            start = plsc.cummax(jnp.where(runfirst, iota, 0))
            rank = iota - start
            nxt = _take16(s_dig, jnp.minimum(iota + 1, 15))
            runlast = (iota == 15) | (nxt != s_dig)
            cnt16[...] = jnp.zeros((16,), jnp.int32)
            plsc.store_scatter(cnt16, [s_dig], rank + 1, mask=runlast)
            sd[pl.ds(v * 16, 16)] = s_dig
            sl[pl.ds(v * 16, 16)] = s_lane
            rk[pl.ds(v * 16, 16)] = rank
            ps[pl.ds(v * 16, 16)] = running
            return running + cnt16[...]

        running = lax.fori_loop(0, VREGS, hist_step,
                                jnp.zeros((16,), jnp.int32))

        hv[...] = running
        pltpu.sync_copy(hv, hist.at[w])
        plsc.subcore_barrier()

        pltpu.sync_copy(hist, ha)
        tot = ha[0]
        before = jnp.where(0 < w, ha[0], 0)
        for r in range(1, SORT_W):
            row = ha[r]
            tot = tot + row
            before = before + jnp.where(r < w, row, 0)
        excl = plsc.cumsum(tot) - tot
        base = excl + before

        def perm_step(v, carry):
            vv = vb[pl.ds(v * 16, 16)]
            s_dig = sd[pl.ds(v * 16, 16)]
            s_lane = sl[pl.ds(v * 16, 16)]
            rank = rk[pl.ds(v * 16, 16)]
            pre = ps[pl.ds(v * 16, 16)]
            combined = base + pre
            pos = _take16(combined, s_dig) + rank
            vs[pl.ds(v * 16, 16)] = _take16(vv, s_lane)
            ps[pl.ds(v * 16, 16)] = pos
            return carry

        lax.fori_loop(0, VREGS, perm_step, jnp.int32(0))

        pltpu.async_copy(vs, dst_v.at[ps], sem).wait()
        plsc.subcore_barrier()

    for p in range(N_PASS):
        if p % 2 == 0:
            run_pass(p, av, bv)
        else:
            run_pass(p, bv, av)

    c = lax.axis_index("c")
    wid = c * SORT_W + w
    base = wid * GCHUNK
    half = GCHUNK // 2
    pltpu.sync_copy(av.at[pl.ds(base, half)], idxa)
    pltpu.sync_copy(av.at[pl.ds(base + half, half)], idxb)

    def clamp_step(v, carry):
        idxa[pl.ds(v * 16, 16)] = jnp.minimum(
            idxa[pl.ds(v * 16, 16)], NUM_REL - 1)
        idxb[pl.ds(v * 16, 16)] = jnp.minimum(
            idxb[pl.ds(v * 16, 16)], NUM_REL - 1)
        return carry

    lax.fori_loop(0, half // 16, clamp_step, jnp.int32(0))

    pltpu.async_copy(payload_hbm.at[idxa], rows, sem).wait()
    pltpu.sync_copy(rows, out_hbm.at[pl.ds(base, half)])
    pltpu.async_copy(payload_hbm.at[idxb], rows, sem).wait()
    pltpu.sync_copy(rows, out_hbm.at[pl.ds(base + half, half)])


def _sortgather_stage(keys, vals, payload):
    mesh = plsc.VectorSubcoreMesh(
        core_axis_name="c", subcore_axis_name="s", num_cores=2)
    f = functools.partial(
        pl.kernel,
        out_type=jax.ShapeDtypeStruct((N_PAD, PAYLOAD_W), jnp.float32),
        mesh=mesh,
        scratch_types=[
            pltpu.VMEM_SHARED((N_PAD,), jnp.int32),
            pltpu.VMEM_SHARED((N_PAD,), jnp.int32),
            pltpu.VMEM_SHARED((N_PAD,), jnp.int32),
            pltpu.VMEM_SHARED((SORT_W, 16), jnp.int32),
            pltpu.VMEM((CHUNK,), jnp.int32),
            pltpu.VMEM((CHUNK,), jnp.int32),
            pltpu.VMEM((CHUNK,), jnp.int32),
            pltpu.VMEM((CHUNK,), jnp.int32),
            pltpu.VMEM((CHUNK,), jnp.int32),
            pltpu.VMEM((CHUNK,), jnp.int32),
            pltpu.VMEM((CHUNK,), jnp.int32),
            pltpu.VMEM((16,), jnp.int32),
            pltpu.VMEM((16,), jnp.int32),
            pltpu.VMEM((SORT_W, 16), jnp.int32),
            pltpu.VMEM((GCHUNK // 2,), jnp.int32),
            pltpu.VMEM((GCHUNK // 2,), jnp.int32),
            pltpu.VMEM((GCHUNK // 2, PAYLOAD_W), jnp.float32),
            pltpu.SemaphoreType.DMA,
        ],
        compiler_params=_SC_PARAMS,
    )(_sortgather_body)
    return f(keys, vals, payload)



def kernel(rel_logits, rel_pair_idxs):
    payload, keys = _softmax_stage(rel_logits,
                                   rel_pair_idxs.astype(jnp.int32))
    keys = jnp.concatenate(
        [keys, jnp.full((N_PAD - NUM_REL,), -1, jnp.int32)])
    vals = jnp.arange(N_PAD, dtype=jnp.int32)

    out = _sortgather_stage(keys, vals, payload)

    outp = out[:NUM_REL, :NUM_CLASSES]
    outpair = lax.bitcast_convert_type(
        out[:NUM_REL, NUM_CLASSES:NUM_CLASSES + 2], jnp.int32)
    outc = lax.bitcast_convert_type(
        out[:NUM_REL, NUM_CLASSES + 2], jnp.int32)
    return (outpair, outp, outc)

# --- scband reference (transcript-rebuilt; emitter-appended) ---
"""Pipeline reference for scband-post-processor-62508954026402 (READ-ONLY COPY).

The authoritative reference and input builder live on the scoring server;
editing this copy changes nothing except your own understanding.
"""

import jax, jax.numpy as jnp
import numpy as np

NUM_REL = 20000
NUM_CLASSES = 51
NUM_OBJ = 80

def setup_inputs(seed: int = 0) -> dict:
    key = jax.random.key(seed)
    k1, k2 = jax.random.split(key)
    rel_logits = jax.random.normal(k1, (NUM_REL, NUM_CLASSES), dtype=jnp.float32)
    rel_pair_idxs = jax.random.randint(k2, (NUM_REL, 2), 0, NUM_OBJ).astype(jnp.int64)
    return {"rel_logits": rel_logits, "rel_pair_idxs": rel_pair_idxs}

def reference(rel_logits, rel_pair_idxs):
    # Single-image faithful translation of PostProcessor.forward body
    # (the per-image loop collapses to one iteration; boxlist dict fields
    #  are returned as a tuple).
    rel_class_prob = jax.nn.softmax(rel_logits, axis=-1)
    # max over classes excluding background (class 0)
    rel_scores = jnp.max(rel_class_prob[:, 1:], axis=1)
    rel_class = jnp.argmax(rel_class_prob[:, 1:], axis=1) + 1
    triple_scores = rel_scores.reshape(-1)
    # descending sort -> argsort of negated scores
    sorting_idx = jnp.argsort(-triple_scores)
    rel_pair_idx_sorted = rel_pair_idxs[sorting_idx]
    rel_class_prob_sorted = rel_class_prob[sorting_idx]
    rel_labels = rel_class[sorting_idx]
    return (rel_pair_idx_sorted, rel_class_prob_sorted, rel_labels)

if __name__ == "__main__":
    import jax
    _d = setup_inputs()
    print(jax.jit(kernel)(*tuple(_d.values())))

</pallas_src>

<mosaic_0001>
#map = affine_map<(d0, d1) -> (0)>
#map1 = affine_map<(d0, d1) -> (0, 0)>
module attributes {stable_mosaic.version = 14 : i64} {
  func.func @_sortgather_body(%arg0: i32, %arg1: i32, %arg2: memref<20480xi32, #tpu.memory_space<hbm>>, %arg3: memref<20480xi32, #tpu.memory_space<hbm>>, %arg4: memref<20000x128xf32, #tpu.memory_space<hbm>>, %arg5: memref<20480x128xf32, #tpu.memory_space<hbm>>, %arg6: memref<20480xi32, #tpu.memory_space<vmem_shared>>, %arg7: memref<20480xi32, #tpu.memory_space<vmem_shared>>, %arg8: memref<20480xi32, #tpu.memory_space<vmem_shared>>, %arg9: memref<16x16xi32, #tpu.memory_space<vmem_shared>>, %arg10: memref<1280xi32, #tpu.memory_space<vmem>>, %arg11: memref<1280xi32, #tpu.memory_space<vmem>>, %arg12: memref<1280xi32, #tpu.memory_space<vmem>>, %arg13: memref<1280xi32, #tpu.memory_space<vmem>>, %arg14: memref<1280xi32, #tpu.memory_space<vmem>>, %arg15: memref<1280xi32, #tpu.memory_space<vmem>>, %arg16: memref<1280xi32, #tpu.memory_space<vmem>>, %arg17: memref<16xi32, #tpu.memory_space<vmem>>, %arg18: memref<16xi32, #tpu.memory_space<vmem>>, %arg19: memref<16x16xi32, #tpu.memory_space<vmem>>, %arg20: memref<320xi32, #tpu.memory_space<vmem>>, %arg21: memref<320xi32, #tpu.memory_space<vmem>>, %arg22: memref<320x128xf32, #tpu.memory_space<vmem>>, %arg23: memref<!tpu.dma_semaphore, #tpu.memory_space<semaphore_mem>>) attributes {dimension_semantics = [#tpu.dimension_semantics<core_parallel>, #tpu.dimension_semantics<subcore_parallel>], iteration_bounds = array<i64: 2, 16>, scalar_prefetch = 0 : i64, scratch_operands = 18 : i64, tpu.core_type = #tpu.core_type<sc_vector_subcore>, window_params = [{transform_indices = #map}, {transform_indices = #map}, {transform_indices = #map1}, {transform_indices = #map1}]} {
    %mul3A = arith.constant 1280 : i32
    %mul3A_0 = arith.muli %arg1, %mul3A : i32
    %iota3A = tpu.iota {dimensions = array<i32: 0>} : vector<16xi32>
    "tpu.region"() ({
      %run_scoped3A = tpu.sem_alloc : memref<!tpu.dma_semaphore, #tpu.memory_space<semaphore_mem>>
      %dma_start3A_1688 = tpu.memref_slice %arg6[%mul3A_0] : memref<20480xi32, #tpu.memory_space<vmem_shared>> -> memref<1280xi32, #tpu.memory_space<vmem_shared>>
      %dma_start3A_1689 = tpu.memref_slice %arg2[%mul3A_0] : memref<20480xi32, #tpu.memory_space<hbm>> -> memref<1280xi32, #tpu.memory_space<hbm>>
      tpu.enqueue_dma source(%dma_start3A_1689 : memref<1280xi32, #tpu.memory_space<hbm>>) target(%dma_start3A_1688 : memref<1280xi32, #tpu.memory_space<vmem_shared>>) target_semaphore(%run_scoped3A : memref<!tpu.dma_semaphore, #tpu.memory_space<semaphore_mem>>)
      %dma_wait3A_1690 = tpu.memref_slice %arg6[%mul3A_0] : memref<20480xi32, #tpu.memory_space<vmem_shared>> -> memref<1280xi32, #tpu.memory_space<vmem_shared>>
      %dma_wait3A_1691 = tpu.memref_slice %arg2[%mul3A_0] : memref<20480xi32, #tpu.memory_space<hbm>> -> memref<1280xi32, #tpu.memory_space<hbm>>
      tpu.wait_dma2 semaphore(%run_scoped3A : memref<!tpu.dma_semaphore, #tpu.memory_space<semaphore_mem>>) src(%dma_wait3A_1691 : memref<1280xi32, #tpu.memory_space<hbm>>) dst(%dma_wait3A_1690 : memref<1280xi32, #tpu.memory_space<vmem_shared>>)
      tpu.yield
    }) : () -> ()
    %barrier3A = arith.constant 0 : index
    tpu.barrier barrier_id(%barrier3A)
    "tpu.region"() ({
      %run_scoped3A = tpu.sem_alloc : memref<!tpu.dma_semaphore, #tpu.memory_space<semaphore_mem>>
      %dma_start3A_1688 = tpu.memref_slice %arg3[%mul3A_0] : memref<20480xi32, #tpu.memory_space<hbm>> -> memref<1280xi32, #tpu.memory_space<hbm>>
      %dma_start3A_1689 = tpu.memref_slice %arg3[%mul3A_0] : memref<20480xi32, #tpu.memory_space<hbm>> -> memref<1280xi32, #tpu.memory_space<hbm>>
      tpu.enqueue_dma source(%dma_start3A_1689 : memref<1280xi32, #tpu.memory_space<hbm>>) target(%arg11 : memref<1280xi32, #tpu.memory_space<vmem>>) target_semaphore(%run_scoped3A : memref<!tpu.dma_semaphore, #tpu.memory_space<semaphore_mem>>)
      %dma_wait3A_1690 = tpu.memref_slice %arg3[%mul3A_0] : memref<20480xi32, #tpu.memory_space<hbm>> -> memref<1280xi32, #tpu.memory_space<hbm>>
      %dma_wait3A_1691 = tpu.memref_slice %arg3[%mul3A_0] : memref<20480xi32, #tpu.memory_space<hbm>> -> memref<1280xi32, #tpu.memory_space<hbm>>
      tpu.wait_dma2 semaphore(%run_scoped3A : memref<!tpu.dma_semaphore, #tpu.memory_space<semaphore_mem>>) src(%dma_wait3A_1691 : memref<1280xi32, #tpu.memory_space<hbm>>) dst(%arg11 : memref<1280xi32, #tpu.memory_space<vmem>>)
      tpu.yield
    }) : () -> ()
    %dma_start3A = arith.constant 0 : i32
    %dma_start3A_1 = tpu.memref_slice %arg6[%dma_start3A] : memref<20480xi32, #tpu.memory_space<vmem_shared>> -> memref<20480xi32, #tpu.memory_space<vmem_shared>>
    tpu.enqueue_indirect_dma source(%dma_start3A_1 : memref<20480xi32, #tpu.memory_space<vmem_shared>>) target(%arg10 : memref<1280xi32, #tpu.memory_space<vmem>>) offsets(%arg11 : memref<1280xi32, #tpu.memory_space<vmem>>) semaphore(%arg23 : memref<!tpu.dma_semaphore, #tpu.memory_space<semaphore_mem>>)
    %dma_wait3A = arith.constant 0 : i32
    %dma_wait3A_2 = tpu.memref_slice %arg6[%dma_wait3A] : memref<20480xi32, #tpu.memory_space<vmem_shared>> -> memref<20480xi32, #tpu.memory_space<vmem_shared>>
    tpu.wait_indirect_dma semaphore(%arg23 : memref<!tpu.dma_semaphore, #tpu.memory_space<semaphore_mem>>) src(%dma_wait3A_2 : memref<20480xi32, #tpu.memory_space<vmem_shared>>) dst(%arg10 : memref<1280xi32, #tpu.memory_space<vmem>>)
    %broadcast_in_dim3A = arith.constant 0 : i32
    %broadcast_in_dim3A_3 = vector.broadcast %broadcast_in_dim3A : i32 to vector<16xi32>
    %scan3A = arith.constant 0 : i32
    %scan3A_4 = arith.constant 80 : i32
    %scan3A_5 = arith.addi %scan3A, %scan3A_4 : i32
    %scan3A_6 = arith.constant 1 : i32
    %scan3A_7 = scf.for %scan3A_1688 = %scan3A to %scan3A_5 step %scan3A_6 iter_args(%scan3A_1689 = %broadcast_in_dim3A_3) -> (vector<16xi32>)  : i32 {
      %mul3A_1690 = arith.constant 16 : i32
      %mul3A_1691 = arith.muli %scan3A_1688, %mul3A_1690 : i32
      %get3A_1692 = arith.index_cast %mul3A_1691 : i32 to index
      %get3A_1693 = tpu.vector_load %arg10[%get3A_1692] {strides = array<i32>} : memref<1280xi32, #tpu.memory_space<vmem>>, vector<16xi32>,
      %shift_right_logical3A = arith.constant 0 : i32
      %shift_right_logical3A_1694 = vector.broadcast %shift_right_logical3A : i32 to vector<16xi32>
      %shift_right_logical3A_1695 = arith.shrui %get3A_1693, %shift_right_logical3A_1694 : vector<16xi32>
      %and3A = arith.constant 15 : i32
      %and3A_1696 = vector.broadcast %and3A : i32 to vector<16xi32>
      %and3A_1697 = arith.andi %shift_right_logical3A_1695, %and3A_1696 : vector<16xi32>
      %mul3A_1698 = arith.constant 16 : i32
      %mul3A_1699 = vector.broadcast %mul3A_1698 : i32 to vector<16xi32>
      %mul3A_1700 = arith.muli %and3A_1697, %mul3A_1699 : vector<16xi32>
      %add3A_1701 = arith.addi %mul3A_1700, %iota3A : vector<16xi32>
      %sort3A = arith.constant dense<true> : vector<16xi1>
      %sort3A_1702, %sort3A_1703, %sort3A_1704 = tpu.sort %add3A_1701, %add3A_1701 masked %sort3A : (vector<16xi32>, vector<16xi32>, vector<16xi1>) -> (vector<16xi1>, vector<16xi32>, vector<16xi32>)
      %shift_right_logical3A_1705 = arith.constant 4 : i32
      %shift_right_logical3A_1706 = vector.broadcast %shift_right_logical3A_1705 : i32 to vector<16xi32>
      %shift_right_logical3A_1707 = arith.shrui %sort3A_1703, %shift_right_logical3A_1706 : vector<16xi32>
      %and3A_1708 = arith.constant 15 : i32
      %and3A_1709 = vector.broadcast %and3A_1708 : i32 to vector<16xi32>
      %and3A_1710 = arith.andi %sort3A_1703, %and3A_1709 : vector<16xi32>
      %sub3A_1711 = arith.constant 1 : i32
      %sub3A_1712 = vector.broadcast %sub3A_1711 : i32 to vector<16xi32>
      %sub3A_1713 = arith.subi %iota3A, %sub3A_1712 : vector<16xi32>
      %max3A = arith.constant 0 : i32
      %max3A_1714 = vector.broadcast %max3A : i32 to vector<16xi32>
      %max3A_1715 = arith.maxsi %sub3A_1713, %max3A_1714 : vector<16xi32>
      %broadcast_in_dim3A_1716 = vector.shape_cast %max3A_1715 : vector<16xi32> to vector<16x1xi32>
      %gather3A = vector.shape_cast %broadcast_in_dim3A_1716 : vector<16x1xi32> to vector<16xi32>
      %gather3A_1717 = tpu.dynamic_gather %shift_right_logical3A_1707[%gather3A] in [0] : vector<16xi32>, vector<16xi32> -> vector<16xi32>
      %eq3A = arith.constant 0 : i32
      %eq3A_1718 = vector.broadcast %eq3A : i32 to vector<16xi32>
      %eq3A_1719 = arith.cmpi eq, %iota3A, %eq3A_1718 : vector<16xi32>
      %ne3A = arith.cmpi ne, %shift_right_logical3A_1707, %gather3A_1717 : vector<16xi32>
      %or3A = arith.ori %eq3A_1719, %ne3A : vector<16xi1>
      %jit3A_1720 = arith.constant 0 : i32
      %broadcast_in_dim3A_1721 = vector.broadcast %jit3A_1720 : i32 to vector<16xi32>
      %select_n3A_1722 = arith.select %or3A, %iota3A, %broadcast_in_dim3A_1721 : vector<16xi1>, vector<16xi32>
      %broadcast_in_dim3A_1723 = arith.constant true
      %broadcast_in_dim3A_1724 = vector.broadcast %broadcast_in_dim3A_1723 : i1 to vector<16xi1>
      %masked_cummax3A = arith.constant -2147483648 : i32
      %masked_cummax3A_1725 = vector.broadcast %masked_cummax3A : i32 to vector<16xi32>
      %masked_cummax3A_1726 = arith.xori %select_n3A_1722, %masked_cummax3A_1725 : vector<16xi32>
      %masked_cummax3A_1727 = tpu.scan <max>, %masked_cummax3A_1726 masked %broadcast_in_dim3A_1724 : vector<16xi32>, vector<16xi1> -> vector<16xi32>
      %masked_cummax3A_1728 = arith.xori %masked_cummax3A_1727, %masked_cummax3A_1725 : vector<16xi32>
      %sub3A_1729 = arith.subi %iota3A, %masked_cummax3A_1728 : vector<16xi32>
      %add3A_1730 = arith.constant 1 : i32
      %add3A_1731 = vector.broadcast %add3A_1730 : i32 to vector<16xi32>
      %add3A_1732 = arith.addi %iota3A, %add3A_1731 : vector<16xi32>
      %min3A = arith.constant 15 : i32
      %min3A_1733 = vector.broadcast %min3A : i32 to vector<16xi32>
      %min3A_1734 = arith.minsi %add3A_1732, %min3A_1733 : vector<16xi32>
      %broadcast_in_dim3A_1735 = vector.shape_cast %min3A_1734 : vector<16xi32> to vector<16x1xi32>
      %gather3A_1736 = vector.shape_cast %broadcast_in_dim3A_1735 : vector<16x1xi32> to vector<16xi32>
      %gather3A_1737 = tpu.dynamic_gather %shift_right_logical3A_1707[%gather3A_1736] in [0] : vector<16xi32>, vector<16xi32> -> vector<16xi32>
      %eq3A_1738 = arith.constant 15 : i32
      %eq3A_1739 = vector.broadcast %eq3A_1738 : i32 to vector<16xi32>
      %eq3A_1740 = arith.cmpi eq, %iota3A, %eq3A_1739 : vector<16xi32>
      %ne3A_1741 = arith.cmpi ne, %gather3A_1737, %shift_right_logical3A_1707 : vector<16xi32>
      %or3A_1742 = arith.ori %eq3A_1740, %ne3A_1741 : vector<16xi1>
      %broadcast_in_dim3A_1743 = arith.constant 0 : i32
      %broadcast_in_dim3A_1744 = vector.broadcast %broadcast_in_dim3A_1743 : i32 to vector<16xi32>
      %swap3A_1745 = arith.constant 0 : index
      %swap3A_1746 = tpu.vector_load %arg17[%swap3A_1745] {strides = array<i32>} : memref<16xi32, #tpu.memory_space<vmem>>, vector<16xi32>,
      tpu.vector_store %arg17[%swap3A_1745], %broadcast_in_dim3A_1744 {strides = array<i32>} : memref<16xi32, #tpu.memory_space<vmem>>, vector<16xi32>,
      %add3A_1747 = arith.constant 1 : i32
      %add3A_1748 = vector.broadcast %add3A_1747 : i32 to vector<16xi32>
      %add3A_1749 = arith.addi %sub3A_1729, %add3A_1748 : vector<16xi32>
      tpu.vector_store_idx %arg17[%shift_right_logical3A_1707], %add3A_1749 masked %or3A_1742 : memref<16xi32, #tpu.memory_space<vmem>>[vector<16xi32>], vector<16xi32>, vector<16xi1>
      %mul3A_1750 = arith.constant 16 : i32
      %mul3A_1751 = arith.muli %scan3A_1688, %mul3A_1750 : i32
      %swap3A_1752 = arith.index_cast %mul3A_1751 : i32 to index
      %swap3A_1753 = tpu.vector_load %arg14[%swap3A_1752] {strides = array<i32>} : memref<1280xi32, #tpu.memory_space<vmem>>, vector<16xi32>,
      tpu.vector_store %arg14[%swap3A_1752], %shift_right_logical3A_1707 {strides = array<i32>} : memref<1280xi32, #tpu.memory_space<vmem>>, vector<16xi32>,
      %mul3A_1754 = arith.constant 16 : i32
      %mul3A_1755 = arith.muli %scan3A_1688, %mul3A_1754 : i32
      %swap3A_1756 = arith.index_cast %mul3A_1755 : i32 to index
      %swap3A_1757 = tpu.vector_load %arg15[%swap3A_1756] {strides = array<i32>} : memref<1280xi32, #tpu.memory_space<vmem>>, vector<16xi32>,
      tpu.vector_store %arg15[%swap3A_1756], %and3A_1710 {strides = array<i32>} : memref<1280xi32, #tpu.memory_space<vmem>>, vector<16xi32>,
      %mul3A_1758 = arith.constant 16 : i32
      %mul3A_1759 = arith.muli %scan3A_1688, %mul3A_1758 : i32
      %swap3A_1760 = arith.index_cast %mul3A_1759 : i32 to index
      %swap3A_1761 = tpu.vector_load %arg16[%swap3A_1760] {strides = array<i32>} : memref<1280xi32, #tpu.memory_space<vmem>>, vector<16xi32>,
      tpu.vector_store %arg16[%swap3A_1760], %sub3A_1729 {strides = array<i32>} : memref<1280xi32, #tpu.memory_space<vmem>>, vector<16xi32>,
      %mul3A_1762 = arith.constant 16 : i32
      %mul3A_1763 = arith.muli %scan3A_1688, %mul3A_1762 : i32
      %swap3A_1764 = arith.index_cast %mul3A_1763 : i32 to index
      %swap3A_1765 = tpu.vector_load %arg13[%swap3A_1764] {strides = array<i32>} : memref<1280xi32, #tpu.memory_space<vmem>>, vector<16xi32>,
      tpu.vector_store %arg13[%swap3A_1764], %scan3A_1689 {strides = array<i32>} : memref<1280xi32, #tpu.memory_space<vmem>>, vector<16xi32>,
      %get3A_1766 = arith.constant 0 : index
      %get3A_1767 = tpu.vector_load %arg17[%get3A_1766] {strides = array<i32>} : memref<16xi32, #tpu.memory_space<vmem>>, vector<16xi32>,
      %add3A_1768 = arith.addi %scan3A_1689, %get3A_1767 : vector<16xi32>
      scf.yield %add3A_1768 : vector<16xi32>
    }
    %scan3A_8 = arith.constant 80 : i32
    %swap3A = arith.constant 0 : index
    %swap3A_9 = tpu.vector_load %arg18[%swap3A] {strides = array<i32>} : memref<16xi32, #tpu.memory_space<vmem>>, vector<16xi32>,
    tpu.vector_store %arg18[%swap3A], %scan3A_7 {strides = array<i32>} : memref<16xi32, #tpu.memory_space<vmem>>, vector<16xi32>,
    "tpu.region"() ({
      %run_scoped3A = tpu.sem_alloc : memref<!tpu.dma_semaphore, #tpu.memory_space<semaphore_mem>>
      %dma_start3A_1688 = arith.constant 0 : i32
      %dma_start3A_1689 = tpu.memref_slice %arg9[%arg1, %dma_start3A_1688] : memref<16x16xi32, #tpu.memory_space<vmem_shared>> -> memref<1x16xi32, #tpu.memory_space<vmem_shared>>
      %dma_start3A_1690 = tpu.memref_squeeze %dma_start3A_1689 : memref<1x16xi32, #tpu.memory_space<vmem_shared>> -> memref<16xi32, #tpu.memory_space<vmem_shared>>
      %dma_start3A_1691 = arith.constant 0 : i32
      %dma_start3A_1692 = tpu.memref_slice %arg9[%arg1, %dma_start3A_1691] : memref<16x16xi32, #tpu.memory_space<vmem_shared>> -> memref<1x16xi32, #tpu.memory_space<vmem_shared>>
      %dma_start3A_1693 = tpu.memref_squeeze %dma_start3A_1692 : memref<1x16xi32, #tpu.memory_space<vmem_shared>> -> memref<16xi32, #tpu.memory_space<vmem_shared>>
      tpu.enqueue_dma source(%arg18 : memref<16xi32, #tpu.memory_space<vmem>>) target(%dma_start3A_1693 : memref<16xi32, #tpu.memory_space<vmem_shared>>) target_semaphore(%run_scoped3A : memref<!tpu.dma_semaphore, #tpu.memory_space<semaphore_mem>>)
      %dma_wait3A_1694 = arith.constant 0 : i32
      %dma_wait3A_1695 = tpu.memref_slice %arg9[%arg1, %dma_wait3A_1694] : memref<16x16xi32, #tpu.memory_space<vmem_shared>> -> memref<1x16xi32, #tpu.memory_space<vmem_shared>>
      %dma_wait3A_1696 = tpu.memref_squeeze %dma_wait3A_1695 : memref<1x16xi32, #tpu.memory_space<vmem_shared>> -> memref<16xi32, #tpu.memory_space<vmem_shared>>
      %dma_wait3A_1697 = arith.constant 0 : i32
      %dma_wait3A_1698 = tpu.memref_slice %arg9[%arg1, %dma_wait3A_1697] : memref<16x16xi32, #tpu.memory_space<vmem_shared>> -> memref<1x16xi32, #tpu.memory_space<vmem_shared>>
      %dma_wait3A_1699 = tpu.memref_squeeze %dma_wait3A_1698 : memref<1x16xi32, #tpu.memory_space<vmem_shared>> -> memref<16xi32, #tpu.memory_space<vmem_shared>>
      tpu.wait_dma2 semaphore(%run_scoped3A : memref<!tpu.dma_semaphore, #tpu.memory_space<semaphore_mem>>) src(%arg18 : memref<16xi32, #tpu.memory_space<vmem>>) dst(%dma_wait3A_1699 : memref<16xi32, #tpu.memory_space<vmem_shared>>)
      tpu.yield
    }) : () -> ()
    %barrier3A_10 = arith.constant 0 : index
    tpu.barrier barrier_id(%barrier3A_10)
    "tpu.region"() ({
      %run_scoped3A = tpu.sem_alloc : memref<!tpu.dma_semaphore, #tpu.memory_space<semaphore_mem>>
      tpu.enqueue_dma source(%arg9 : memref<16x16xi32, #tpu.memory_space<vmem_shared>>) target(%arg19 : memref<16x16xi32, #tpu.memory_space<vmem>>) target_semaphore(%run_scoped3A : memref<!tpu.dma_semaphore, #tpu.memory_space<semaphore_mem>>)
      tpu.wait_dma2 semaphore(%run_scoped3A : memref<!tpu.dma_semaphore, #tpu.memory_space<semaphore_mem>>) src(%arg9 : memref<16x16xi32, #tpu.memory_space<vmem_shared>>) dst(%arg19 : memref<16x16xi32, #tpu.memory_space<vmem>>)
      tpu.yield
    }) : () -> ()
    %get3A = arith.constant 0 : i32
    %get3A_11 = arith.index_cast %get3A : i32 to index
    %get3A_12 = arith.constant 0 : index
    %get3A_13 = tpu.vector_load %arg19[%get3A_11, %get3A_12] {strides = array<i32>} : memref<16x16xi32, #tpu.memory_space<vmem>>, vector<16xi32>,
    %gt3A = arith.constant 0 : i32
    %gt3A_14 = arith.cmpi sgt, %arg1, %gt3A : i32
    %get3A_15 = arith.constant 0 : i32
    %get3A_16 = arith.index_cast %get3A_15 : i32 to index
    %get3A_17 = arith.constant 0 : index
    %get3A_18 = tpu.vector_load %arg19[%get3A_16, %get3A_17] {strides = array<i32>} : memref<16x16xi32, #tpu.memory_space<vmem>>, vector<16xi32>,
    %jit3A = arith.constant 0 : i32
    %broadcast_in_dim3A_19 = vector.broadcast %jit3A : i32 to vector<16xi32>
    %select_n3A = arith.select %gt3A_14, %get3A_18, %broadcast_in_dim3A_19 : vector<16xi32>
    %get3A_20 = arith.constant 1 : i32
    %get3A_21 = arith.index_cast %get3A_20 : i32 to index
    %get3A_22 = arith.constant 0 : index
    %get3A_23 = tpu.vector_load %arg19[%get3A_21, %get3A_22] {strides = array<i32>} : memref<16x16xi32, #tpu.memory_space<vmem>>, vector<16xi32>,
    %add3A = arith.addi %get3A_13, %get3A_23 : vector<16xi32>
    %gt3A_24 = arith.constant 1 : i32
    %gt3A_25 = arith.cmpi sgt, %arg1, %gt3A_24 : i32
    %jit3A_26 = arith.constant 0 : i32
    %broadcast_in_dim3A_27 = vector.broadcast %jit3A_26 : i32 to vector<16xi32>
    %select_n3A_28 = arith.select %gt3A_25, %get3A_23, %broadcast_in_dim3A_27 : vector<16xi32>
    %add3A_29 = arith.addi %select_n3A, %select_n3A_28 : vector<16xi32>
    %get3A_30 = arith.constant 2 : i32
    %get3A_31 = arith.index_cast %get3A_30 : i32 to index
    %get3A_32 = arith.constant 0 : index
    %get3A_33 = tpu.vector_load %arg19[%get3A_31, %get3A_32] {strides = array<i32>} : memref<16x16xi32, #tpu.memory_space<vmem>>, vector<16xi32>,
    %add3A_34 = arith.addi %add3A, %get3A_33 : vector<16xi32>
    %gt3A_35 = arith.constant 2 : i32
    %gt3A_36 = arith.cmpi sgt, %arg1, %gt3A_35 : i32
    %jit3A_37 = arith.constant 0 : i32
    %broadcast_in_dim3A_38 = vector.broadcast %jit3A_37 : i32 to vector<16xi32>
    %select_n3A_39 = arith.select %gt3A_36, %get3A_33, %broadcast_in_dim3A_38 : vector<16xi32>
    %add3A_40 = arith.addi %add3A_29, %select_n3A_39 : vector<16xi32>
    %get3A_41 = arith.constant 3 : i32
    %get3A_42 = arith.index_cast %get3A_41 : i32 to index
    %get3A_43 = arith.constant 0 : index
    %get3A_44 = tpu.vector_load %arg19[%get3A_42, %get3A_43] {strides = array<i32>} : memref<16x16xi32, #tpu.memory_space<vmem>>, vector<16xi32>,
    %add3A_45 = arith.addi %add3A_34, %get3A_44 : vector<16xi32>
    %gt3A_46 = arith.constant 3 : i32
    %gt3A_47 = arith.cmpi sgt, %arg1, %gt3A_46 : i32
    %jit3A_48 = arith.constant 0 : i32
    %broadcast_in_dim3A_49 = vector.broadcast %jit3A_48 : i32 to vector<16xi32>
    %select_n3A_50 = arith.select %gt3A_47, %get3A_44, %broadcast_in_dim3A_49 : vector<16xi32>
    %add3A_51 = arith.addi %add3A_40, %select_n3A_50 : vector<16xi32>
    %get3A_52 = arith.constant 4 : i32
    %get3A_53 = arith.index_cast %get3A_52 : i32 to index
    %get3A_54 = arith.constant 0 : index
    %get3A_55 = tpu.vector_load %arg19[%get3A_53, %get3A_54] {strides = array<i32>} : memref<16x16xi32, #tpu.memory_space<vmem>>, vector<16xi32>,
    %add3A_56 = arith.addi %add3A_45, %get3A_55 : vector<16xi32>
    %gt3A_57 = arith.constant 4 : i32
    %gt3A_58 = arith.cmpi sgt, %arg1, %gt3A_57 : i32
    %jit3A_59 = arith.constant 0 : i32
    %broadcast_in_dim3A_60 = vector.broadcast %jit3A_59 : i32 to vector<16xi32>
    %select_n3A_61 = arith.select %gt3A_58, %get3A_55, %broadcast_in_dim3A_60 : vector<16xi32>
    %add3A_62 = arith.addi %add3A_51, %select_n3A_61 : vector<16xi32>
    %get3A_63 = arith.constant 5 : i32
    %get3A_64 = arith.index_cast %get3A_63 : i32 to index
    %get3A_65 = arith.constant 0 : index
    %get3A_66 = tpu.vector_load %arg19[%get3A_64, %get3A_65] {strides = array<i32>} : memref<16x16xi32, #tpu.memory_space<vmem>>, vector<16xi32>,
    %add3A_67 = arith.addi %add3A_56, %get3A_66 : vector<16xi32>
    %gt3A_68 = arith.constant 5 : i32
    %gt3A_69 = arith.cmpi sgt, %arg1, %gt3A_68 : i32
    %jit3A_70 = arith.constant 0 : i32
    %broadcast_in_dim3A_71 = vector.broadcast %jit3A_70 : i32 to vector<16xi32>
    %select_n3A_72 = arith.select %gt3A_69, %get3A_66, %broadcast_in_dim3A_71 : vector<16xi32>
    %add3A_73 = arith.addi %add3A_62, %select_n3A_72 : vector<16xi32>
    %get3A_74 = arith.constant 6 : i32
    %get3A_75 = arith.index_cast %get3A_74 : i32 to index
    %get3A_76 = arith.constant 0 : index
    %get3A_77 = tpu.vector_load %arg19[%get3A_75, %get3A_76] {strides = array<i32>} : memref<16x16xi32, #tpu.memory_space<vmem>>, vector<16xi32>,
    %add3A_78 = arith.addi %add3A_67, %get3A_77 : vector<16xi32>
    %gt3A_79 = arith.constant 6 : i32
    %gt3A_80 = arith.cmpi sgt, %arg1, %gt3A_79 : i32
    %jit3A_81 = arith.constant 0 : i32
    %broadcast_in_dim3A_82 = vector.broadcast %jit3A_81 : i32 to vector<16xi32>
    %select_n3A_83 = arith.select %gt3A_80, %get3A_77, %broadcast_in_dim3A_82 : vector<16xi32>
    %add3A_84 = arith.addi %add3A_73, %select_n3A_83 : vector<16xi32>
    %get3A_85 = arith.constant 7 : i32
    %get3A_86 = arith.index_cast %get3A_85 : i32 to index
    %get3A_87 = arith.constant 0 : index
    %get3A_88 = tpu.vector_load %arg19[%get3A_86, %get3A_87] {strides = array<i32>} : memref<16x16xi32, #tpu.memory_space<vmem>>, vector<16xi32>,
    %add3A_89 = arith.addi %add3A_78, %get3A_88 : vector<16xi32>
    %gt3A_90 = arith.constant 7 : i32
    %gt3A_91 = arith.cmpi sgt, %arg1, %gt3A_90 : i32
    %jit3A_92 = arith.constant 0 : i32
    %broadcast_in_dim3A_93 = vector.broadcast %jit3A_92 : i32 to vector<16xi32>
    %select_n3A_94 = arith.select %gt3A_91, %get3A_88, %broadcast_in_dim3A_93 : vector<16xi32>
    %add3A_95 = arith.addi %add3A_84, %select_n3A_94 : vector<16xi32>
    %get3A_96 = arith.constant 8 : i32
    %get3A_97 = arith.index_cast %get3A_96 : i32 to index
    %get3A_98 = arith.constant 0 : index
    %get3A_99 = tpu.vector_load %arg19[%get3A_97, %get3A_98] {strides = array<i32>} : memref<16x16xi32, #tpu.memory_space<vmem>>, vector<16xi32>,
    %add3A_100 = arith.addi %add3A_89, %get3A_99 : vector<16xi32>
    %gt3A_101 = arith.constant 8 : i32
    %gt3A_102 = arith.cmpi sgt, %arg1, %gt3A_101 : i32
    %jit3A_103 = arith.constant 0 : i32
    %broadcast_in_dim3A_104 = vector.broadcast %jit3A_103 : i32 to vector<16xi32>
    %select_n3A_105 = arith.select %gt3A_102, %get3A_99, %broadcast_in_dim3A_104 : vector<16xi32>
    %add3A_106 = arith.addi %add3A_95, %select_n3A_105 : vector<16xi32>
    %get3A_107 = arith.constant 9 : i32
    %get3A_108 = arith.index_cast %get3A_107 : i32 to index
    %get3A_109 = arith.constant 0 : index
    %get3A_110 = tpu.vector_load %arg19[%get3A_108, %get3A_109] {strides = array<i32>} : memref<16x16xi32, #tpu.memory_space<vmem>>, vector<16xi32>,
    %add3A_111 = arith.addi %add3A_100, %get3A_110 : vector<16xi32>
    %gt3A_112 = arith.constant 9 : i32
    %gt3A_113 = arith.cmpi sgt, %arg1, %gt3A_112 : i32
    %jit3A_114 = arith.constant 0 : i32
    %broadcast_in_dim3A_115 = vector.broadcast %jit3A_114 : i32 to vector<16xi32>
    %select_n3A_116 = arith.select %gt3A_113, %get3A_110, %broadcast_in_dim3A_115 : vector<16xi32>
    %add3A_117 = arith.addi %add3A_106, %select_n3A_116 : vector<16xi32>
    %get3A_118 = arith.constant 10 : i32
    %get3A_119 = arith.index_cast %get3A_118 : i32 to index
    %get3A_120 = arith.constant 0 : index
    %get3A_121 = tpu.vector_load %arg19[%get3A_119, %get3A_120] {strides = array<i32>} : memref<16x16xi32, #tpu.memory_space<vmem>>, vector<16xi32>,
    %add3A_122 = arith.addi %add3A_111, %get3A_121 : vector<16xi32>
    %gt3A_123 = arith.constant 10 : i32
    %gt3A_124 = arith.cmpi sgt, %arg1, %gt3A_123 : i32
    %jit3A_125 = arith.constant 0 : i32
    %broadcast_in_dim3A_126 = vector.broadcast %jit3A_125 : i32 to vector<16xi32>
    %select_n3A_127 = arith.select %gt3A_124, %get3A_121, %broadcast_in_dim3A_126 : vector<16xi32>
    %add3A_128 = arith.addi %add3A_117, %select_n3A_127 : vector<16xi32>
    %get3A_129 = arith.constant 11 : i32
    %get3A_130 = arith.index_cast %get3A_129 : i32 to index
    %get3A_131 = arith.constant 0 : index
    %get3A_132 = tpu.vector_load %arg19[%get3A_130, %get3A_131] {strides = array<i32>} : memref<16x16xi32, #tpu.memory_space<vmem>>, vector<16xi32>,
    %add3A_133 = arith.addi %add3A_122, %get3A_132 : vector<16xi32>
    %gt3A_134 = arith.constant 11 : i32
    %gt3A_135 = arith.cmpi sgt, %arg1, %gt3A_134 : i32
    %jit3A_136 = arith.constant 0 : i32
    %broadcast_in_dim3A_137 = vector.broadcast %jit3A_136 : i32 to vector<16xi32>
    %select_n3A_138 = arith.select %gt3A_135, %get3A_132, %broadcast_in_dim3A_137 : vector<16xi32>
    %add3A_139 = arith.addi %add3A_128, %select_n3A_138 : vector<16xi32>
    %get3A_140 = arith.constant 12 : i32
    %get3A_141 = arith.index_cast %get3A_140 : i32 to index
    %get3A_142 = arith.constant 0 : index
    %get3A_143 = tpu.vector_load %arg19[%get3A_141, %get3A_142] {strides = array<i32>} : memref<16x16xi32, #tpu.memory_space<vmem>>, vector<16xi32>,
    %add3A_144 = arith.addi %add3A_133, %get3A_143 : vector<16xi32>
    %gt3A_145 = arith.constant 12 : i32
    %gt3A_146 = arith.cmpi sgt, %arg1, %gt3A_145 : i32
    %jit3A_147 = arith.constant 0 : i32
    %broadcast_in_dim3A_148 = vector.broadcast %jit3A_147 : i32 to vector<16xi32>
    %select_n3A_149 = arith.select %gt3A_146, %get3A_143, %broadcast_in_dim3A_148 : vector<16xi32>
    %add3A_150 = arith.addi %add3A_139, %select_n3A_149 : vector<16xi32>
    %get3A_151 = arith.constant 13 : i32
    %get3A_152 = arith.index_cast %get3A_151 : i32 to index
    %get3A_153 = arith.constant 0 : index
    %get3A_154 = tpu.vector_load %arg19[%get3A_152, %get3A_153] {strides = array<i32>} : memref<16x16xi32, #tpu.memory_space<vmem>>, vector<16xi32>,
    %add3A_155 = arith.addi %add3A_144, %get3A_154 : vector<16xi32>
    %gt3A_156 = arith.constant 13 : i32
    %gt3A_157 = arith.cmpi sgt, %arg1, %gt3A_156 : i32
    %jit3A_158 = arith.constant 0 : i32
    %broadcast_in_dim3A_159 = vector.broadcast %jit3A_158 : i32 to vector<16xi32>
    %select_n3A_160 = arith.select %gt3A_157, %get3A_154, %broadcast_in_dim3A_159 : vector<16xi32>
    %add3A_161 = arith.addi %add3A_150, %select_n3A_160 : vector<16xi32>
    %get3A_162 = arith.constant 14 : i32
    %get3A_163 = arith.index_cast %get3A_162 : i32 to index
    %get3A_164 = arith.constant 0 : index
    %get3A_165 = tpu.vector_load %arg19[%get3A_163, %get3A_164] {strides = array<i32>} : memref<16x16xi32, #tpu.memory_space<vmem>>, vector<16xi32>,
    %add3A_166 = arith.addi %add3A_155, %get3A_165 : vector<16xi32>
    %gt3A_167 = arith.constant 14 : i32
    %gt3A_168 = arith.cmpi sgt, %arg1, %gt3A_167 : i32
    %jit3A_169 = arith.constant 0 : i32
    %broadcast_in_dim3A_170 = vector.broadcast %jit3A_169 : i32 to vector<16xi32>
    %select_n3A_171 = arith.select %gt3A_168, %get3A_165, %broadcast_in_dim3A_170 : vector<16xi32>
    %add3A_172 = arith.addi %add3A_161, %select_n3A_171 : vector<16xi32>
    %get3A_173 = arith.constant 15 : i32
    %get3A_174 = arith.index_cast %get3A_173 : i32 to index
    %get3A_175 = arith.constant 0 : index
    %get3A_176 = tpu.vector_load %arg19[%get3A_174, %get3A_175] {strides = array<i32>} : memref<16x16xi32, #tpu.memory_space<vmem>>, vector<16xi32>,
    %add3A_177 = arith.addi %add3A_166, %get3A_176 : vector<16xi32>
    %gt3A_178 = arith.constant 15 : i32
    %gt3A_179 = arith.cmpi sgt, %arg1, %gt3A_178 : i32
    %jit3A_180 = arith.constant 0 : i32
    %broadcast_in_dim3A_181 = vector.broadcast %jit3A_180 : i32 to vector<16xi32>
    %select_n3A_182 = arith.select %gt3A_179, %get3A_176, %broadcast_in_dim3A_181 : vector<16xi32>
    %add3A_183 = arith.addi %add3A_172, %select_n3A_182 : vector<16xi32>
    %broadcast_in_dim3A_184 = arith.constant true
    %broadcast_in_dim3A_185 = vector.broadcast %broadcast_in_dim3A_184 : i1 to vector<16xi1>
    %masked_cumsum3A = tpu.scan <sum>, %add3A_177 masked %broadcast_in_dim3A_185 : vector<16xi32>, vector<16xi1> -> vector<16xi32>
    %sub3A = arith.subi %masked_cumsum3A, %add3A_177 : vector<16xi32>
    %add3A_186 = arith.addi %sub3A, %add3A_183 : vector<16xi32>
    %scan3A_187 = arith.constant 0 : i32
    %scan3A_188 = arith.constant 0 : i32
    %scan3A_189 = arith.constant 80 : i32
    %scan3A_190 = arith.addi %scan3A_188, %scan3A_189 : i32
    %scan3A_191 = arith.constant 1 : i32
    scf.for %scan3A_1688 = %scan3A_188 to %scan3A_190 step %scan3A_191  : i32 {
      %mul3A_1689 = arith.constant 16 : i32
      %mul3A_1690 = arith.muli %scan3A_1688, %mul3A_1689 : i32
      %get3A_1691 = arith.index_cast %mul3A_1690 : i32 to index
      %get3A_1692 = tpu.vector_load %arg11[%get3A_1691] {strides = array<i32>} : memref<1280xi32, #tpu.memory_space<vmem>>, vector<16xi32>,
      %mul3A_1693 = arith.constant 16 : i32
      %mul3A_1694 = arith.muli %scan3A_1688, %mul3A_1693 : i32
      %get3A_1695 = arith.index_cast %mul3A_1694 : i32 to index
      %get3A_1696 = tpu.vector_load %arg14[%get3A_1695] {strides = array<i32>} : memref<1280xi32, #tpu.memory_space<vmem>>, vector<16xi32>,
      %mul3A_1697 = arith.constant 16 : i32
      %mul3A_1698 = arith.muli %scan3A_1688, %mul3A_1697 : i32
      %get3A_1699 = arith.index_cast %mul3A_1698 : i32 to index
      %get3A_1700 = tpu.vector_load %arg15[%get3A_1699] {strides = array<i32>} : memref<1280xi32, #tpu.memory_space<vmem>>, vector<16xi32>,
      %mul3A_1701 = arith.constant 16 : i32
      %mul3A_1702 = arith.muli %scan3A_1688, %mul3A_1701 : i32
      %get3A_1703 = arith.index_cast %mul3A_1702 : i32 to index
      %get3A_1704 = tpu.vector_load %arg16[%get3A_1703] {strides = array<i32>} : memref<1280xi32, #tpu.memory_space<vmem>>, vector<16xi32>,
      %mul3A_1705 = arith.constant 16 : i32
      %mul3A_1706 = arith.muli %scan3A_1688, %mul3A_1705 : i32
      %get3A_1707 = arith.index_cast %mul3A_1706 : i32 to index
      %get3A_1708 = tpu.vector_load %arg13[%get3A_1707] {strides = array<i32>} : memref<1280xi32, #tpu.memory_space<vmem>>, vector<16xi32>,
      %add3A_1709 = arith.addi %add3A_186, %get3A_1708 : vector<16xi32>
      %broadcast_in_dim3A_1710 = vector.shape_cast %get3A_1696 : vector<16xi32> to vector<16x1xi32>
      %gather3A = vector.shape_cast %broadcast_in_dim3A_1710 : vector<16x1xi32> to vector<16xi32>
      %gather3A_1711 = tpu.dynamic_gather %add3A_1709[%gather3A] in [0] : vector<16xi32>, vector<16xi32> -> vector<16xi32>
      %add3A_1712 = arith.addi %gather3A_1711, %get3A_1704 : vector<16xi32>
      %broadcast_in_dim3A_1713 = vector.shape_cast %get3A_1700 : vector<16xi32> to vector<16x1xi32>
      %gather3A_1714 = vector.shape_cast %broadcast_in_dim3A_1713 : vector<16x1xi32> to vector<16xi32>
      %gather3A_1715 = tpu.dynamic_gather %get3A_1692[%gather3A_1714] in [0] : vector<16xi32>, vector<16xi32> -> vector<16xi32>
      %mul3A_1716 = arith.constant 16 : i32
      %mul3A_1717 = arith.muli %scan3A_1688, %mul3A_1716 : i32
      %swap3A_1718 = arith.index_cast %mul3A_1717 : i32 to index
      %swap3A_1719 = tpu.vector_load %arg12[%swap3A_1718] {strides = array<i32>} : memref<1280xi32, #tpu.memory_space<vmem>>, vector<16xi32>,
      tpu.vector_store %arg12[%swap3A_1718], %gather3A_1715 {strides = array<i32>} : memref<1280xi32, #tpu.memory_space<vmem>>, vector<16xi32>,
      %mul3A_1720 = arith.constant 16 : i32
      %mul3A_1721 = arith.muli %scan3A_1688, %mul3A_1720 : i32
      %swap3A_1722 = arith.index_cast %mul3A_1721 : i32 to index
      %swap3A_1723 = tpu.vector_load %arg13[%swap3A_1722] {strides = array<i32>} : memref<1280xi32, #tpu.memory_space<vmem>>, vector<16xi32>,
      tpu.vector_store %arg13[%swap3A_1722], %add3A_1712 {strides = array<i32>} : memref<1280xi32, #tpu.memory_space<vmem>>, vector<16xi32>,
    }
    %scan3A_192 = arith.constant 80 : i32
    %dma_start3A_193 = arith.constant 0 : i32
    %dma_start3A_194 = tpu.memref_slice %arg8[%dma_start3A_193] : memref<20480xi32, #tpu.memory_space<vmem_shared>> -> memref<20480xi32, #tpu.memory_space<vmem_shared>>
    tpu.enqueue_indirect_dma source(%arg12 : memref<1280xi32, #tpu.memory_space<vmem>>) target(%dma_start3A_194 : memref<20480xi32, #tpu.memory_space<vmem_shared>>) offsets(%arg13 : memref<1280xi32, #tpu.memory_space<vmem>>) semaphore(%arg23 : memref<!tpu.dma_semaphore, #tpu.memory_space<semaphore_mem>>)
    %dma_wait3A_195 = arith.constant 0 : i32
    %dma_wait3A_196 = tpu.memref_slice %arg8[%dma_wait3A_195] : memref<20480xi32, #tpu.memory_space<vmem_shared>> -> memref<20480xi32, #tpu.memory_space<vmem_shared>>
    tpu.wait_indirect_dma semaphore(%arg23 : memref<!tpu.dma_semaphore, #tpu.memory_space<semaphore_mem>>) src(%arg12 : memref<1280xi32, #tpu.memory_space<vmem>>) dst(%dma_wait3A_196 : memref<20480xi32, #tpu.memory_space<vmem_shared>>)
    %barrier3A_197 = arith.constant 0 : index
    tpu.barrier barrier_id(%barrier3A_197)
    "tpu.region"() ({
      %run_scoped3A = tpu.sem_alloc : memref<!tpu.dma_semaphore, #tpu.memory_space<semaphore_mem>>
      %dma_start3A_1688 = tpu.memref_slice %arg8[%mul3A_0] : memref<20480xi32, #tpu.memory_space<vmem_shared>> -> memref<1280xi32, #tpu.memory_space<vmem_shared>>
      %dma_start3A_1689 = tpu.memref_slice %arg8[%mul3A_0] : memref<20480xi32, #tpu.memory_space<vmem_shared>> -> memref<1280xi32, #tpu.memory_space<vmem_shared>>
      tpu.enqueue_dma source(%dma_start3A_1689 : memref<1280xi32, #tpu.memory_space<vmem_shared>>) target(%arg11 : memref<1280xi32, #tpu.memory_space<vmem>>) target_semaphore(%run_scoped3A : memref<!tpu.dma_semaphore, #tpu.memory_space<semaphore_mem>>)
      %dma_wait3A_1690 = tpu.memref_slice %arg8[%mul3A_0] : memref<20480xi32, #tpu.memory_space<vmem_shared>> -> memref<1280xi32, #tpu.memory_space<vmem_shared>>
      %dma_wait3A_1691 = tpu.memref_slice %arg8[%mul3A_0] : memref<20480xi32, #tpu.memory_space<vmem_shared>> -> memref<1280xi32, #tpu.memory_space<vmem_shared>>
      tpu.wait_dma2 semaphore(%run_scoped3A : memref<!tpu.dma_semaphore, #tpu.memory_space<semaphore_mem>>) src(%dma_wait3A_1691 : memref<1280xi32, #tpu.memory_space<vmem_shared>>) dst(%arg11 : memref<1280xi32, #tpu.memory_space<vmem>>)
      tpu.yield
    }) : () -> ()
    %dma_start3A_198 = arith.constant 0 : i32
    %dma_start3A_199 = tpu.memref_slice %arg6[%dma_start3A_198] : memref<20480xi32, #tpu.memory_space<vmem_shared>> -> memref<20480xi32, #tpu.memory_space<vmem_shared>>
    tpu.enqueue_indirect_dma source(%dma_start3A_199 : memref<20480xi32, #tpu.memory_space<vmem_shared>>) target(%arg10 : memref<1280xi32, #tpu.memory_space<vmem>>) offsets(%arg11 : memref<1280xi32, #tpu.memory_space<vmem>>) semaphore(%arg23 : memref<!tpu.dma_semaphore, #tpu.memory_space<semaphore_mem>>)
    %dma_wait3A_200 = arith.constant 0 : i32
    %dma_wait3A_201 = tpu.memref_slice %arg6[%dma_wait3A_200] : memref<20480xi32, #tpu.memory_space<vmem_shared>> -> memref<20480xi32, #tpu.memory_space<vmem_shared>>
    tpu.wait_indirect_dma semaphore(%arg23 : memref<!tpu.dma_semaphore, #tpu.memory_space<semaphore_mem>>) src(%dma_wait3A_201 : memref<20480xi32, #tpu.memory_space<vmem_shared>>) dst(%arg10 : memref<1280xi32, #tpu.memory_space<vmem>>)
    %broadcast_in_dim3A_202 = arith.constant 0 : i32
    %broadcast_in_dim3A_203 = vector.broadcast %broadcast_in_dim3A_202 : i32 to vector<16xi32>
    %scan3A_204 = arith.constant 0 : i32
    %scan3A_205 = arith.constant 80 : i32
    %scan3A_206 = arith.addi %scan3A_204, %scan3A_205 : i32
    %scan3A_207 = arith.constant 1 : i32
    %scan3A_208 = scf.for %scan3A_1688 = %scan3A_204 to %scan3A_206 step %scan3A_207 iter_args(%scan3A_1689 = %broadcast_in_dim3A_203) -> (vector<16xi32>)  : i32 {
      %mul3A_1690 = arith.constant 16 : i32
      %mul3A_1691 = arith.muli %scan3A_1688, %mul3A_1690 : i32
      %get3A_1692 = arith.index_cast %mul3A_1691 : i32 to index
      %get3A_1693 = tpu.vector_load %arg10[%get3A_1692] {strides = array<i32>} : memref<1280xi32, #tpu.memory_space<vmem>>, vector<16xi32>,
      %shift_right_logical3A = arith.constant 4 : i32
      %shift_right_logical3A_1694 = vector.broadcast %shift_right_logical3A : i32 to vector<16xi32>
      %shift_right_logical3A_1695 = arith.shrui %get3A_1693, %shift_right_logical3A_1694 : vector<16xi32>
      %and3A = arith.constant 15 : i32
      %and3A_1696 = vector.broadcast %and3A : i32 to vector<16xi32>
      %and3A_1697 = arith.andi %shift_right_logical3A_1695, %and3A_1696 : vector<16xi32>
      %mul3A_1698 = arith.constant 16 : i32
      %mul3A_1699 = vector.broadcast %mul3A_1698 : i32 to vector<16xi32>
      %mul3A_1700 = arith.muli %and3A_1697, %mul3A_1699 : vector<16xi32>
      %add3A_1701 = arith.addi %mul3A_1700, %iota3A : vector<16xi32>
      %sort3A = arith.constant dense<true> : vector<16xi1>
      %sort3A_1702, %sort3A_1703, %sort3A_1704 = tpu.sort %add3A_1701, %add3A_1701 masked %sort3A : (vector<16xi32>, vector<16xi32>, vector<16xi1>) -> (vector<16xi1>, vector<16xi32>, vector<16xi32>)
      %shift_right_logical3A_1705 = arith.constant 4 : i32
      %shift_right_logical3A_1706 = vector.broadcast %shift_right_logical3A_1705 : i32 to vector<16xi32>
      %shift_right_logical3A_1707 = arith.shrui %sort3A_1703, %shift_right_logical3A_1706 : vector<16xi32>
      %and3A_1708 = arith.constant 15 : i32
      %and3A_1709 = vector.broadcast %and3A_1708 : i32 to vector<16xi32>
      %and3A_1710 = arith.andi %sort3A_1703, %and3A_1709 : vector<16xi32>
      %sub3A_1711 = arith.constant 1 : i32
      %sub3A_1712 = vector.broadcast %sub3A_1711 : i32 to vector<16xi32>
      %sub3A_1713 = arith.subi %iota3A, %sub3A_1712 : vector<16xi32>
      %max3A = arith.constant 0 : i32
      %max3A_1714 = vector.broadcast %max3A : i32 to vector<16xi32>
      %max3A_1715 = arith.maxsi %sub3A_1713, %max3A_1714 : vector<16xi32>
      %broadcast_in_dim3A_1716 = vector.shape_cast %max3A_1715 : vector<16xi32> to vector<16x1xi32>
      %gather3A = vector.shape_cast %broadcast_in_dim3A_1716 : vector<16x1xi32> to vector<16xi32>
      %gather3A_1717 = tpu.dynamic_gather %shift_right_logical3A_1707[%gather3A] in [0] : vector<16xi32>, vector<16xi32> -> vector<16xi32>
      %eq3A = arith.constant 0 : i32
      %eq3A_1718 = vector.broadcast %eq3A : i32 to vector<16xi32>
      %eq3A_1719 = arith.cmpi eq, %iota3A, %eq3A_1718 : vector<16xi32>
      %ne3A = arith.cmpi ne, %shift_right_logical3A_1707, %gather3A_1717 : vector<16xi32>
      %or3A = arith.ori %eq3A_1719, %ne3A : vector<16xi1>
      %jit3A_1720 = arith.constant 0 : i32
      %broadcast_in_dim3A_1721 = vector.broadcast %jit3A_1720 : i32 to vector<16xi32>
      %select_n3A_1722 = arith.select %or3A, %iota3A, %broadcast_in_dim3A_1721 : vector<16xi1>, vector<16xi32>
      %broadcast_in_dim3A_1723 = arith.constant true
      %broadcast_in_dim3A_1724 = vector.broadcast %broadcast_in_dim3A_1723 : i1 to vector<16xi1>
      %masked_cummax3A = arith.constant -2147483648 : i32
      %masked_cummax3A_1725 = vector.broadcast %masked_cummax3A : i32 to vector<16xi32>
      %masked_cummax3A_1726 = arith.xori %select_n3A_1722, %masked_cummax3A_1725 : vector<16xi32>
      %masked_cummax3A_1727 = tpu.scan <max>, %masked_cummax3A_1726 masked %broadcast_in_dim3A_1724 : vector<16xi32>, vector<16xi1> -> vector<16xi32>
      %masked_cummax3A_1728 = arith.xori %masked_cummax3A_1727, %masked_cummax3A_1725 : vector<16xi32>
      %sub3A_1729 = arith.subi %iota3A, %masked_cummax3A_1728 : vector<16xi32>
      %add3A_1730 = arith.constant 1 : i32
      %add3A_1731 = vector.broadcast %add3A_1730 : i32 to vector<16xi32>
      %add3A_1732 = arith.addi %iota3A, %add3A_1731 : vector<16xi32>
      %min3A = arith.constant 15 : i32
      %min3A_1733 = vector.broadcast %min3A : i32 to vector<16xi32>
      %min3A_1734 = arith.minsi %add3A_1732, %min3A_1733 : vector<16xi32>
      %broadcast_in_dim3A_1735 = vector.shape_cast %min3A_1734 : vector<16xi32> to vector<16x1xi32>
      %gather3A_1736 = vector.shape_cast %broadcast_in_dim3A_1735 : vector<16x1xi32> to vector<16xi32>
      %gather3A_1737 = tpu.dynamic_gather %shift_right_logical3A_1707[%gather3A_1736] in [0] : vector<16xi32>, vector<16xi32> -> vector<16xi32>
      %eq3A_1738 = arith.constant 15 : i32
      %eq3A_1739 = vector.broadcast %eq3A_1738 : i32 to vector<16xi32>
      %eq3A_1740 = arith.cmpi eq, %iota3A, %eq3A_1739 : vector<16xi32>
      %ne3A_1741 = arith.cmpi ne, %gather3A_1737, %shift_right_logical3A_1707 : vector<16xi32>
      %or3A_1742 = arith.ori %eq3A_1740, %ne3A_1741 : vector<16xi1>
      %broadcast_in_dim3A_1743 = arith.constant 0 : i32
      %broadcast_in_dim3A_1744 = vector.broadcast %broadcast_in_dim3A_1743 : i32 to vector<16xi32>
      %swap3A_1745 = arith.constant 0 : index
      %swap3A_1746 = tpu.vector_load %arg17[%swap3A_1745] {strides = array<i32>} : memref<16xi32, #tpu.memory_space<vmem>>, vector<16xi32>,
      tpu.vector_store %arg17[%swap3A_1745], %broadcast_in_dim3A_1744 {strides = array<i32>} : memref<16xi32, #tpu.memory_space<vmem>>, vector<16xi32>,
      %add3A_1747 = arith.constant 1 : i32
      %add3A_1748 = vector.broadcast %add3A_1747 : i32 to vector<16xi32>
      %add3A_1749 = arith.addi %sub3A_1729, %add3A_1748 : vector<16xi32>
      tpu.vector_store_idx %arg17[%shift_right_logical3A_1707], %add3A_1749 masked %or3A_1742 : memref<16xi32, #tpu.memory_space<vmem>>[vector<16xi32>], vector<16xi32>, vector<16xi1>
      %mul3A_1750 = arith.constant 16 : i32
      %mul3A_1751 = arith.muli %scan3A_1688, %mul3A_1750 : i32
      %swap3A_1752 = arith.index_cast %mul3A_1751 : i32 to index
      %swap3A_1753 = tpu.vector_load %arg14[%swap3A_1752] {strides = array<i32>} : memref<1280xi32, #tpu.memory_space<vmem>>, vector<16xi32>,
      tpu.vector_store %arg14[%swap3A_1752], %shift_right_logical3A_1707 {strides = array<i32>} : memref<1280xi32, #tpu.memory_space<vmem>>, vector<16xi32>,
      %mul3A_1754 = arith.constant 16 : i32
      %mul3A_1755 = arith.muli %scan3A_1688, %mul3A_1754 : i32
      %swap3A_1756 = arith.index_cast %mul3A_1755 : i32 to index
      %swap3A_1757 = tpu.vector_load %arg15[%swap3A_1756] {strides = array<i32>} : memref<1280xi32, #tpu.memory_space<vmem>>, vector<16xi32>,
      tpu.vector_store %arg15[%swap3A_1756], %and3A_1710 {strides = array<i32>} : memref<1280xi32, #tpu.memory_space<vmem>>, vector<16xi32>,
      %mul3A_1758 = arith.constant 16 : i32
      %mul3A_1759 = arith.muli %scan3A_1688, %mul3A_1758 : i32
      %swap3A_1760 = arith.index_cast %mul3A_1759 : i32 to index
      %swap3A_1761 = tpu.vector_load %arg16[%swap3A_1760] {strides = array<i32>} : memref<1280xi32, #tpu.memory_space<vmem>>, vector<16xi32>,
      tpu.vector_store %arg16[%swap3A_1760], %sub3A_1729 {strides = array<i32>} : memref<1280xi32, #tpu.memory_space<vmem>>, vector<16xi32>,
      %mul3A_1762 = arith.constant 16 : i32
      %mul3A_1763 = arith.muli %scan3A_1688, %mul3A_1762 : i32
      %swap3A_1764 = arith.index_cast %mul3A_1763 : i32 to index
      %swap3A_1765 = tpu.vector_load %arg13[%swap3A_1764] {strides = array<i32>} : memref<1280xi32, #tpu.memory_space<vmem>>, vector<16xi32>,
      tpu.vector_store %arg13[%swap3A_1764], %scan3A_1689 {strides = array<i32>} : memref<1280xi32, #tpu.memory_space<vmem>>, vector<16xi32>,
      %get3A_1766 = arith.constant 0 : index
      %get3A_1767 = tpu.vector_load %arg17[%get3A_1766] {strides = array<i32>} : memref<16xi32, #tpu.memory_space<vmem>>, vector<16xi32>,
      %add3A_1768 = arith.addi %scan3A_1689, %get3A_1767 : vector<16xi32>
      scf.yield %add3A_1768 : vector<16xi32>
    }
    %scan3A_209 = arith.constant 80 : i32
    %swap3A_210 = arith.constant 0 : index
    %swap3A_211 = tpu.vector_load %arg18[%swap3A_210] {strides = array<i32>} : memref<16xi32, #tpu.memory_space<vmem>>, vector<16xi32>,
    tpu.vector_store %arg18[%swap3A_210], %scan3A_208 {strides = array<i32>} : memref<16xi32, #tpu.memory_space<vmem>>, vector<16xi32>,
    "tpu.region"() ({
      %run_scoped3A = tpu.sem_alloc : memref<!tpu.dma_semaphore, #tpu.memory_space<semaphore_mem>>
      %dma_start3A_1688 = arith.constant 0 : i32
      %dma_start3A_1689 = tpu.memref_slice %arg9[%arg1, %dma_start3A_1688] : memref<16x16xi32, #tpu.memory_space<vmem_shared>> -> memref<1x16xi32, #tpu.memory_space<vmem_shared>>
      %dma_start3A_1690 = tpu.memref_squeeze %dma_start3A_1689 : memref<1x16xi32, #tpu.memory_space<vmem_shared>> -> memref<16xi32, #tpu.memory_space<vmem_shared>>
      %dma_start3A_1691 = arith.constant 0 : i32
      %dma_start3A_1692 = tpu.memref_slice %arg9[%arg1, %dma_start3A_1691] : memref<16x16xi32, #tpu.memory_space<vmem_shared>> -> memref<1x16xi32, #tpu.memory_space<vmem_shared>>
      %dma_start3A_1693 = tpu.memref_squeeze %dma_start3A_1692 : memref<1x16xi32, #tpu.memory_space<vmem_shared>> -> memref<16xi32, #tpu.memory_space<vmem_shared>>
      tpu.enqueue_dma source(%arg18 : memref<16xi32, #tpu.memory_space<vmem>>) target(%dma_start3A_1693 : memref<16xi32, #tpu.memory_space<vmem_shared>>) target_semaphore(%run_scoped3A : memref<!tpu.dma_semaphore, #tpu.memory_space<semaphore_mem>>)
      %dma_wait3A_1694 = arith.constant 0 : i32
      %dma_wait3A_1695 = tpu.memref_slice %arg9[%arg1, %dma_wait3A_1694] : memref<16x16xi32, #tpu.memory_space<vmem_shared>> -> memref<1x16xi32, #tpu.memory_space<vmem_shared>>
      %dma_wait3A_1696 = tpu.memref_squeeze %dma_wait3A_1695 : memref<1x16xi32, #tpu.memory_space<vmem_shared>> -> memref<16xi32, #tpu.memory_space<vmem_shared>>
      %dma_wait3A_1697 = arith.constant 0 : i32
      %dma_wait3A_1698 = tpu.memref_slice %arg9[%arg1, %dma_wait3A_1697] : memref<16x16xi32, #tpu.memory_space<vmem_shared>> -> memref<1x16xi32, #tpu.memory_space<vmem_shared>>
      %dma_wait3A_1699 = tpu.memref_squeeze %dma_wait3A_1698 : memref<1x16xi32, #tpu.memory_space<vmem_shared>> -> memref<16xi32, #tpu.memory_space<vmem_shared>>
      tpu.wait_dma2 semaphore(%run_scoped3A : memref<!tpu.dma_semaphore, #tpu.memory_space<semaphore_mem>>) src(%arg18 : memref<16xi32, #tpu.memory_space<vmem>>) dst(%dma_wait3A_1699 : memref<16xi32, #tpu.memory_space<vmem_shared>>)
      tpu.yield
    }) : () -> ()
    %barrier3A_212 = arith.constant 0 : index
    tpu.barrier barrier_id(%barrier3A_212)
    "tpu.region"() ({
      %run_scoped3A = tpu.sem_alloc : memref<!tpu.dma_semaphore, #tpu.memory_space<semaphore_mem>>
      tpu.enqueue_dma source(%arg9 : memref<16x16xi32, #tpu.memory_space<vmem_shared>>) target(%arg19 : memref<16x16xi32, #tpu.memory_space<vmem>>) target_semaphore(%run_scoped3A : memref<!tpu.dma_semaphore, #tpu.memory_space<semaphore_mem>>)
      tpu.wait_dma2 semaphore(%run_scoped3A : memref<!tpu.dma_semaphore, #tpu.memory_space<semaphore_mem>>) src(%arg9 : memref<16x16xi32, #tpu.memory_space<vmem_shared>>) dst(%arg19 : memref<16x16xi32, #tpu.memory_space<vmem>>)
      tpu.yield
    }) : () -> ()
    %get3A_213 = arith.constant 0 : i32
    %get3A_214 = arith.index_cast %get3A_213 : i32 to index
    %get3A_215 = arith.constant 0 : index
    %get3A_216 = tpu.vector_load %arg19[%get3A_214, %get3A_215] {strides = array<i32>} : memref<16x16xi32, #tpu.memory_space<vmem>>, vector<16xi32>,
    %gt3A_217 = arith.constant 0 : i32
    %gt3A_218 = arith.cmpi sgt, %arg1, %gt3A_217 : i32
    %get3A_219 = arith.constant 0 : i32
    %get3A_220 = arith.index_cast %get3A_219 : i32 to index
    %get3A_221 = arith.constant 0 : index
    %get3A_222 = tpu.vector_load %arg19[%get3A_220, %get3A_221] {strides = array<i32>} : memref<16x16xi32, #tpu.memory_space<vmem>>, vector<16xi32>,
    %jit3A_223 = arith.constant 0 : i32
    %broadcast_in_dim3A_224 = vector.broadcast %jit3A_223 : i32 to vector<16xi32>
    %select_n3A_225 = arith.select %gt3A_218, %get3A_222, %broadcast_in_dim3A_224 : vector<16xi32>
    %get3A_226 = arith.constant 1 : i32
    %get3A_227 = arith.index_cast %get3A_226 : i32 to index
    %get3A_228 = arith.constant 0 : index
    %get3A_229 = tpu.vector_load %arg19[%get3A_227, %get3A_228] {strides = array<i32>} : memref<16x16xi32, #tpu.memory_space<vmem>>, vector<16xi32>,
    %add3A_230 = arith.addi %get3A_216, %get3A_229 : vector<16xi32>
    %gt3A_231 = arith.constant 1 : i32
    %gt3A_232 = arith.cmpi sgt, %arg1, %gt3A_231 : i32
    %jit3A_233 = arith.constant 0 : i32
    %broadcast_in_dim3A_234 = vector.broadcast %jit3A_233 : i32 to vector<16xi32>
    %select_n3A_235 = arith.select %gt3A_232, %get3A_229, %broadcast_in_dim3A_234 : vector<16xi32>
    %add3A_236 = arith.addi %select_n3A_225, %select_n3A_235 : vector<16xi32>
    %get3A_237 = arith.constant 2 : i32
    %get3A_238 = arith.index_cast %get3A_237 : i32 to index
    %get3A_239 = arith.constant 0 : index
    %get3A_240 = tpu.vector_load %arg19[%get3A_238, %get3A_239] {strides = array<i32>} : memref<16x16xi32, #tpu.memory_space<vmem>>, vector<16xi32>,
    %add3A_241 = arith.addi %add3A_230, %get3A_240 : vector<16xi32>
    %gt3A_242 = arith.constant 2 : i32
    %gt3A_243 = arith.cmpi sgt, %arg1, %gt3A_242 : i32
    %jit3A_244 = arith.constant 0 : i32
    %broadcast_in_dim3A_245 = vector.broadcast %jit3A_244 : i32 to vector<16xi32>
    %select_n3A_246 = arith.select %gt3A_243, %get3A_240, %broadcast_in_dim3A_245 : vector<16xi32>
    %add3A_247 = arith.addi %add3A_236, %select_n3A_246 : vector<16xi32>
    %get3A_248 = arith.constant 3 : i32
    %get3A_249 = arith.index_cast %get3A_248 : i32 to index
    %get3A_250 = arith.constant 0 : index
    %get3A_251 = tpu.vector_load %arg19[%get3A_249, %get3A_250] {strides = array<i32>} : memref<16x16xi32, #tpu.memory_space<vmem>>, vector<16xi32>,
    %add3A_252 = arith.addi %add3A_241, %get3A_251 : vector<16xi32>
    %gt3A_253 = arith.constant 3 : i32
    %gt3A_254 = arith.cmpi sgt, %arg1, %gt3A_253 : i32
    %jit3A_255 = arith.constant 0 : i32
    %broadcast_in_dim3A_256 = vector.broadcast %jit3A_255 : i32 to vector<16xi32>
    %select_n3A_257 = arith.select %gt3A_254, %get3A_251, %broadcast_in_dim3A_256 : vector<16xi32>
    %add3A_258 = arith.addi %add3A_247, %select_n3A_257 : vector<16xi32>
    %get3A_259 = arith.constant 4 : i32
    %get3A_260 = arith.index_cast %get3A_259 : i32 to index
    %get3A_261 = arith.constant 0 : index
    %get3A_262 = tpu.vector_load %arg19[%get3A_260, %get3A_261] {strides = array<i32>} : memref<16x16xi32, #tpu.memory_space<vmem>>, vector<16xi32>,
    %add3A_263 = arith.addi %add3A_252, %get3A_262 : vector<16xi32>
    %gt3A_264 = arith.constant 4 : i32
    %gt3A_265 = arith.cmpi sgt, %arg1, %gt3A_264 : i32
    %jit3A_266 = arith.constant 0 : i32
    %broadcast_in_dim3A_267 = vector.broadcast %jit3A_266 : i32 to vector<16xi32>
    %select_n3A_268 = arith.select %gt3A_265, %get3A_262, %broadcast_in_dim3A_267 : vector<16xi32>
    %add3A_269 = arith.addi %add3A_258, %select_n3A_268 : vector<16xi32>
    %get3A_270 = arith.constant 5 : i32
    %get3A_271 = arith.index_cast %get3A_270 : i32 to index
    %get3A_272 = arith.constant 0 : index
    %get3A_273 = tpu.vector_load %arg19[%get3A_271, %get3A_272] {strides = array<i32>} : memref<16x16xi32, #tpu.memory_space<vmem>>, vector<16xi32>,
    %add3A_274 = arith.addi %add3A_263, %get3A_273 : vector<16xi32>
    %gt3A_275 = arith.constant 5 : i32
    %gt3A_276 = arith.cmpi sgt, %arg1, %gt3A_275 : i32
    %jit3A_277 = arith.constant 0 : i32
    %broadcast_in_dim3A_278 = vector.broadcast %jit3A_277 : i32 to vector<16xi32>
    %select_n3A_279 = arith.select %gt3A_276, %get3A_273, %broadcast_in_dim3A_278 : vector<16xi32>
    %add3A_280 = arith.addi %add3A_269, %select_n3A_279 : vector<16xi32>
    %get3A_281 = arith.constant 6 : i32
    %get3A_282 = arith.index_cast %get3A_281 : i32 to index
    %get3A_283 = arith.constant 0 : index
    %get3A_284 = tpu.vector_load %arg19[%get3A_282, %get3A_283] {strides = array<i32>} : memref<16x16xi32, #tpu.memory_space<vmem>>, vector<16xi32>,
    %add3A_285 = arith.addi %add3A_274, %get3A_284 : vector<16xi32>
    %gt3A_286 = arith.constant 6 : i32
    %gt3A_287 = arith.cmpi sgt, %arg1, %gt3A_286 : i32
    %jit3A_288 = arith.constant 0 : i32
    %broadcast_in_dim3A_289 = vector.broadcast %jit3A_288 : i32 to vector<16xi32>
    %select_n3A_290 = arith.select %gt3A_287, %get3A_284, %broadcast_in_dim3A_289 : vector<16xi32>
    %add3A_291 = arith.addi %add3A_280, %select_n3A_290 : vector<16xi32>
    %get3A_292 = arith.constant 7 : i32
    %get3A_293 = arith.index_cast %get3A_292 : i32 to index
    %get3A_294 = arith.constant 0 : index
    %get3A_295 = tpu.vector_load %arg19[%get3A_293, %get3A_294] {strides = array<i32>} : memref<16x16xi32, #tpu.memory_space<vmem>>, vector<16xi32>,
    %add3A_296 = arith.addi %add3A_285, %get3A_295 : vector<16xi32>
    %gt3A_297 = arith.constant 7 : i32
    %gt3A_298 = arith.cmpi sgt, %arg1, %gt3A_297 : i32
    %jit3A_299 = arith.constant 0 : i32
    %broadcast_in_dim3A_300 = vector.broadcast %jit3A_299 : i32 to vector<16xi32>
    %select_n3A_301 = arith.select %gt3A_298, %get3A_295, %broadcast_in_dim3A_300 : vector<16xi32>
    %add3A_302 = arith.addi %add3A_291, %select_n3A_301 : vector<16xi32>
    %get3A_303 = arith.constant 8 : i32
    %get3A_304 = arith.index_cast %get3A_303 : i32 to index
    %get3A_305 = arith.constant 0 : index
    %get3A_306 = tpu.vector_load %arg19[%get3A_304, %get3A_305] {strides = array<i32>} : memref<16x16xi32, #tpu.memory_space<vmem>>, vector<16xi32>,
    %add3A_307 = arith.addi %add3A_296, %get3A_306 : vector<16xi32>
    %gt3A_308 = arith.constant 8 : i32
    %gt3A_309 = arith.cmpi sgt, %arg1, %gt3A_308 : i32
    %jit3A_310 = arith.constant 0 : i32
    %broadcast_in_dim3A_311 = vector.broadcast %jit3A_310 : i32 to vector<16xi32>
    %select_n3A_312 = arith.select %gt3A_309, %get3A_306, %broadcast_in_dim3A_311 : vector<16xi32>
    %add3A_313 = arith.addi %add3A_302, %select_n3A_312 : vector<16xi32>
    %get3A_314 = arith.constant 9 : i32
    %get3A_315 = arith.index_cast %get3A_314 : i32 to index
    %get3A_316 = arith.constant 0 : index
    %get3A_317 = tpu.vector_load %arg19[%get3A_315, %get3A_316] {strides = array<i32>} : memref<16x16xi32, #tpu.memory_space<vmem>>, vector<16xi32>,
    %add3A_318 = arith.addi %add3A_307, %get3A_317 : vector<16xi32>
    %gt3A_319 = arith.constant 9 : i32
    %gt3A_320 = arith.cmpi sgt, %arg1, %gt3A_319 : i32
    %jit3A_321 = arith.constant 0 : i32
    %broadcast_in_dim3A_322 = vector.broadcast %jit3A_321 : i32 to vector<16xi32>
    %select_n3A_323 = arith.select %gt3A_320, %get3A_317, %broadcast_in_dim3A_322 : vector<16xi32>
    %add3A_324 = arith.addi %add3A_313, %select_n3A_323 : vector<16xi32>
    %get3A_325 = arith.constant 10 : i32
    %get3A_326 = arith.index_cast %get3A_325 : i32 to index
    %get3A_327 = arith.constant 0 : index
    %get3A_328 = tpu.vector_load %arg19[%get3A_326, %get3A_327] {strides = array<i32>} : memref<16x16xi32, #tpu.memory_space<vmem>>, vector<16xi32>,
    %add3A_329 = arith.addi %add3A_318, %get3A_328 : vector<16xi32>
    %gt3A_330 = arith.constant 10 : i32
    %gt3A_331 = arith.cmpi sgt, %arg1, %gt3A_330 : i32
    %jit3A_332 = arith.constant 0 : i32
    %broadcast_in_dim3A_333 = vector.broadcast %jit3A_332 : i32 to vector<16xi32>
    %select_n3A_334 = arith.select %gt3A_331, %get3A_328, %broadcast_in_dim3A_333 : vector<16xi32>
    %add3A_335 = arith.addi %add3A_324, %select_n3A_334 : vector<16xi32>
    %get3A_336 = arith.constant 11 : i32
    %get3A_337 = arith.index_cast %get3A_336 : i32 to index
    %get3A_338 = arith.constant 0 : index
    %get3A_339 = tpu.vector_load %arg19[%get3A_337, %get3A_338] {strides = array<i32>} : memref<16x16xi32, #tpu.memory_space<vmem>>, vector<16xi32>,
    %add3A_340 = arith.addi %add3A_329, %get3A_339 : vector<16xi32>
    %gt3A_341 = arith.constant 11 : i32
    %gt3A_342 = arith.cmpi sgt, %arg1, %gt3A_341 : i32
    %jit3A_343 = arith.constant 0 : i32
    %broadcast_in_dim3A_344 = vector.broadcast %jit3A_343 : i32 to vector<16xi32>
    %select_n3A_345 = arith.select %gt3A_342, %get3A_339, %broadcast_in_dim3A_344 : vector<16xi32>
    %add3A_346 = arith.addi %add3A_335, %select_n3A_345 : vector<16xi32>
    %get3A_347 = arith.constant 12 : i32
    %get3A_348 = arith.index_cast %get3A_347 : i32 to index
    %get3A_349 = arith.constant 0 : index
    %get3A_350 = tpu.vector_load %arg19[%get3A_348, %get3A_349] {strides = array<i32>} : memref<16x16xi32, #tpu.memory_space<vmem>>, vector<16xi32>,
    %add3A_351 = arith.addi %add3A_340, %get3A_350 : vector<16xi32>
    %gt3A_352 = arith.constant 12 : i32
    %gt3A_353 = arith.cmpi sgt, %arg1, %gt3A_352 : i32
    %jit3A_354 = arith.constant 0 : i32
    %broadcast_in_dim3A_355 = vector.broadcast %jit3A_354 : i32 to vector<16xi32>
    %select_n3A_356 = arith.select %gt3A_353, %get3A_350, %broadcast_in_dim3A_355 : vector<16xi32>
    %add3A_357 = arith.addi %add3A_346, %select_n3A_356 : vector<16xi32>
    %get3A_358 = arith.constant 13 : i32
    %get3A_359 = arith.index_cast %get3A_358 : i32 to index
    %get3A_360 = arith.constant 0 : index
    %get3A_361 = tpu.vector_load %arg19[%get3A_359, %get3A_360] {strides = array<i32>} : memref<16x16xi32, #tpu.memory_space<vmem>>, vector<16xi32>,
    %add3A_362 = arith.addi %add3A_351, %get3A_361 : vector<16xi32>
    %gt3A_363 = arith.constant 13 : i32
    %gt3A_364 = arith.cmpi sgt, %arg1, %gt3A_363 : i32
    %jit3A_365 = arith.constant 0 : i32
    %broadcast_in_dim3A_366 = vector.broadcast %jit3A_365 : i32 to vector<16xi32>
    %select_n3A_367 = arith.select %gt3A_364, %get3A_361, %broadcast_in_dim3A_366 : vector<16xi32>
    %add3A_368 = arith.addi %add3A_357, %select_n3A_367 : vector<16xi32>
    %get3A_369 = arith.constant 14 : i32
    %get3A_370 = arith.index_cast %get3A_369 : i32 to index
    %get3A_371 = arith.constant 0 : index
    %get3A_372 = tpu.vector_load %arg19[%get3A_370, %get3A_371] {strides = array<i32>} : memref<16x16xi32, #tpu.memory_space<vmem>>, vector<16xi32>,
    %add3A_373 = arith.addi %add3A_362, %get3A_372 : vector<16xi32>
    %gt3A_374 = arith.constant 14 : i32
    %gt3A_375 = arith.cmpi sgt, %arg1, %gt3A_374 : i32
    %jit3A_376 = arith.constant 0 : i32
    %broadcast_in_dim3A_377 = vector.broadcast %jit3A_376 : i32 to vector<16xi32>
    %select_n3A_378 = arith.select %gt3A_375, %get3A_372, %broadcast_in_dim3A_377 : vector<16xi32>
    %add3A_379 = arith.addi %add3A_368, %select_n3A_378 : vector<16xi32>
    %get3A_380 = arith.constant 15 : i32
    %get3A_381 = arith.index_cast %get3A_380 : i32 to index
    %get3A_382 = arith.constant 0 : index
    %get3A_383 = tpu.vector_load %arg19[%get3A_381, %get3A_382] {strides = array<i32>} : memref<16x16xi32, #tpu.memory_space<vmem>>, vector<16xi32>,
    %add3A_384 = arith.addi %add3A_373, %get3A_383 : vector<16xi32>
    %gt3A_385 = arith.constant 15 : i32
    %gt3A_386 = arith.cmpi sgt, %arg1, %gt3A_385 : i32
    %jit3A_387 = arith.constant 0 : i32
    %broadcast_in_dim3A_388 = vector.broadcast %jit3A_387 : i32 to vector<16xi32>
    %select_n3A_389 = arith.select %gt3A_386, %get3A_383, %broadcast_in_dim3A_388 : vector<16xi32>
    %add3A_390 = arith.addi %add3A_379, %select_n3A_389 : vector<16xi32>
    %broadcast_in_dim3A_391 = arith.constant true
    %broadcast_in_dim3A_392 = vector.broadcast %broadcast_in_dim3A_391 : i1 to vector<16xi1>
    %masked_cumsum3A_393 = tpu.scan <sum>, %add3A_384 masked %broadcast_in_dim3A_392 : vector<16xi32>, vector<16xi1> -> vector<16xi32>
    %sub3A_394 = arith.subi %masked_cumsum3A_393, %add3A_384 : vector<16xi32>
    %add3A_395 = arith.addi %sub3A_394, %add3A_390 : vector<16xi32>
    %scan3A_396 = arith.constant 0 : i32
    %scan3A_397 = arith.constant 0 : i32
    %scan3A_398 = arith.constant 80 : i32
    %scan3A_399 = arith.addi %scan3A_397, %scan3A_398 : i32
    %scan3A_400 = arith.constant 1 : i32
    scf.for %scan3A_1688 = %scan3A_397 to %scan3A_399 step %scan3A_400  : i32 {
      %mul3A_1689 = arith.constant 16 : i32
      %mul3A_1690 = arith.muli %scan3A_1688, %mul3A_1689 : i32
      %get3A_1691 = arith.index_cast %mul3A_1690 : i32 to index
      %get3A_1692 = tpu.vector_load %arg11[%get3A_1691] {strides = array<i32>} : memref<1280xi32, #tpu.memory_space<vmem>>, vector<16xi32>,
      %mul3A_1693 = arith.constant 16 : i32
      %mul3A_1694 = arith.muli %scan3A_1688, %mul3A_1693 : i32
      %get3A_1695 = arith.index_cast %mul3A_1694 : i32 to index
      %get3A_1696 = tpu.vector_load %arg14[%get3A_1695] {strides = array<i32>} : memref<1280xi32, #tpu.memory_space<vmem>>, vector<16xi32>,
      %mul3A_1697 = arith.constant 16 : i32
      %mul3A_1698 = arith.muli %scan3A_1688, %mul3A_1697 : i32
      %get3A_1699 = arith.index_cast %mul3A_1698 : i32 to index
      %get3A_1700 = tpu.vector_load %arg15[%get3A_1699] {strides = array<i32>} : memref<1280xi32, #tpu.memory_space<vmem>>, vector<16xi32>,
      %mul3A_1701 = arith.constant 16 : i32
      %mul3A_1702 = arith.muli %scan3A_1688, %mul3A_1701 : i32
      %get3A_1703 = arith.index_cast %mul3A_1702 : i32 to index
      %get3A_1704 = tpu.vector_load %arg16[%get3A_1703] {strides = array<i32>} : memref<1280xi32, #tpu.memory_space<vmem>>, vector<16xi32>,
      %mul3A_1705 = arith.constant 16 : i32
      %mul3A_1706 = arith.muli %scan3A_1688, %mul3A_1705 : i32
      %get3A_1707 = arith.index_cast %mul3A_1706 : i32 to index
      %get3A_1708 = tpu.vector_load %arg13[%get3A_1707] {strides = array<i32>} : memref<1280xi32, #tpu.memory_space<vmem>>, vector<16xi32>,
      %add3A_1709 = arith.addi %add3A_395, %get3A_1708 : vector<16xi32>
      %broadcast_in_dim3A_1710 = vector.shape_cast %get3A_1696 : vector<16xi32> to vector<16x1xi32>
      %gather3A = vector.shape_cast %broadcast_in_dim3A_1710 : vector<16x1xi32> to vector<16xi32>
      %gather3A_1711 = tpu.dynamic_gather %add3A_1709[%gather3A] in [0] : vector<16xi32>, vector<16xi32> -> vector<16xi32>
      %add3A_1712 = arith.addi %gather3A_1711, %get3A_1704 : vector<16xi32>
      %broadcast_in_dim3A_1713 = vector.shape_cast %get3A_1700 : vector<16xi32> to vector<16x1xi32>
      %gather3A_1714 = vector.shape_cast %broadcast_in_dim3A_1713 : vector<16x1xi32> to vector<16xi32>
      %gather3A_1715 = tpu.dynamic_gather %get3A_1692[%gather3A_1714] in [0] : vector<16xi32>, vector<16xi32> -> vector<16xi32>
      %mul3A_1716 = arith.constant 16 : i32
      %mul3A_1717 = arith.muli %scan3A_1688, %mul3A_1716 : i32
      %swap3A_1718 = arith.index_cast %mul3A_1717 : i32 to index
      %swap3A_1719 = tpu.vector_load %arg12[%swap3A_1718] {strides = array<i32>} : memref<1280xi32, #tpu.memory_space<vmem>>, vector<16xi32>,
      tpu.vector_store %arg12[%swap3A_1718], %gather3A_1715 {strides = array<i32>} : memref<1280xi32, #tpu.memory_space<vmem>>, vector<16xi32>,
      %mul3A_1720 = arith.constant 16 : i32
      %mul3A_1721 = arith.muli %scan3A_1688, %mul3A_1720 : i32
      %swap3A_1722 = arith.index_cast %mul3A_1721 : i32 to index
      %swap3A_1723 = tpu.vector_load %arg13[%swap3A_1722] {strides = array<i32>} : memref<1280xi32, #tpu.memory_space<vmem>>, vector<16xi32>,
      tpu.vector_store %arg13[%swap3A_1722], %add3A_1712 {strides = array<i32>} : memref<1280xi32, #tpu.memory_space<vmem>>, vector<16xi32>,
    }
    %scan3A_401 = arith.constant 80 : i32
    %dma_start3A_402 = arith.constant 0 : i32
    %dma_start3A_403 = tpu.memref_slice %arg7[%dma_start3A_402] : memref<20480xi32, #tpu.memory_space<vmem_shared>> -> memref<20480xi32, #tpu.memory_space<vmem_shared>>
    tpu.enqueue_indirect_dma source(%arg12 : memref<1280xi32, #tpu.memory_space<vmem>>) target(%dma_start3A_403 : memref<20480xi32, #tpu.memory_space<vmem_shared>>) offsets(%arg13 : memref<1280xi32, #tpu.memory_space<vmem>>) semaphore(%arg23 : memref<!tpu.dma_semaphore, #tpu.memory_space<semaphore_mem>>)
    %dma_wait3A_404 = arith.constant 0 : i32
    %dma_wait3A_405 = tpu.memref_slice %arg7[%dma_wait3A_404] : memref<20480xi32, #tpu.memory_space<vmem_shared>> -> memref<20480xi32, #tpu.memory_space<vmem_shared>>
    tpu.wait_indirect_dma semaphore(%arg23 : memref<!tpu.dma_semaphore, #tpu.memory_space<semaphore_mem>>) src(%arg12 : memref<1280xi32, #tpu.memory_space<vmem>>) dst(%dma_wait3A_405 : memref<20480xi32, #tpu.memory_space<vmem_shared>>)
    %barrier3A_406 = arith.constant 0 : index
    tpu.barrier barrier_id(%barrier3A_406)
    "tpu.region"() ({
      %run_scoped3A = tpu.sem_alloc : memref<!tpu.dma_semaphore, #tpu.memory_space<semaphore_mem>>
      %dma_start3A_1688 = tpu.memref_slice %arg7[%mul3A_0] : memref<20480xi32, #tpu.memory_space<vmem_shared>> -> memref<1280xi32, #tpu.memory_space<vmem_shared>>
      %dma_start3A_1689 = tpu.memref_slice %arg7[%mul3A_0] : memref<20480xi32, #tpu.memory_space<vmem_shared>> -> memref<1280xi32, #tpu.memory_space<vmem_shared>>
      tpu.enqueue_dma source(%dma_start3A_1689 : memref<1280xi32, #tpu.memory_space<vmem_shared>>) target(%arg11 : memref<1280xi32, #tpu.memory_space<vmem>>) target_semaphore(%run_scoped3A : memref<!tpu.dma_semaphore, #tpu.memory_space<semaphore_mem>>)
      %dma_wait3A_1690 = tpu.memref_slice %arg7[%mul3A_0] : memref<20480xi32, #tpu.memory_space<vmem_shared>> -> memref<1280xi32, #tpu.memory_space<vmem_shared>>
      %dma_wait3A_1691 = tpu.memref_slice %arg7[%mul3A_0] : memref<20480xi32, #tpu.memory_space<vmem_shared>> -> memref<1280xi32, #tpu.memory_space<vmem_shared>>
      tpu.wait_dma2 semaphore(%run_scoped3A : memref<!tpu.dma_semaphore, #tpu.memory_space<semaphore_mem>>) src(%dma_wait3A_1691 : memref<1280xi32, #tpu.memory_space<vmem_shared>>) dst(%arg11 : memref<1280xi32, #tpu.memory_space<vmem>>)
      tpu.yield
    }) : () -> ()
    %dma_start3A_407 = arith.constant 0 : i32
    %dma_start3A_408 = tpu.memref_slice %arg6[%dma_start3A_407] : memref<20480xi32, #tpu.memory_space<vmem_shared>> -> memref<20480xi32, #tpu.memory_space<vmem_shared>>
    tpu.enqueue_indirect_dma source(%dma_start3A_408 : memref<20480xi32, #tpu.memory_space<vmem_shared>>) target(%arg10 : memref<1280xi32, #tpu.memory_space<vmem>>) offsets(%arg11 : memref<1280xi32, #tpu.memory_space<vmem>>) semaphore(%arg23 : memref<!tpu.dma_semaphore, #tpu.memory_space<semaphore_mem>>)
    %dma_wait3A_409 = arith.constant 0 : i32
    %dma_wait3A_410 = tpu.memref_slice %arg6[%dma_wait3A_409] : memref<20480xi32, #tpu.memory_space<vmem_shared>> -> memref<20480xi32, #tpu.memory_space<vmem_shared>>
    tpu.wait_indirect_dma semaphore(%arg23 : memref<!tpu.dma_semaphore, #tpu.memory_space<semaphore_mem>>) src(%dma_wait3A_410 : memref<20480xi32, #tpu.memory_space<vmem_shared>>) dst(%arg10 : memref<1280xi32, #tpu.memory_space<vmem>>)
    %broadcast_in_dim3A_411 = arith.constant 0 : i32
    %broadcast_in_dim3A_412 = vector.broadcast %broadcast_in_dim3A_411 : i32 to vector<16xi32>
    %scan3A_413 = arith.constant 0 : i32
    %scan3A_414 = arith.constant 80 : i32
    %scan3A_415 = arith.addi %scan3A_413, %scan3A_414 : i32
    %scan3A_416 = arith.constant 1 : i32
    %scan3A_417 = scf.for %scan3A_1688 = %scan3A_413 to %scan3A_415 step %scan3A_416 iter_args(%scan3A_1689 = %broadcast_in_dim3A_412) -> (vector<16xi32>)  : i32 {
      %mul3A_1690 = arith.constant 16 : i32
      %mul3A_1691 = arith.muli %scan3A_1688, %mul3A_1690 : i32
      %get3A_1692 = arith.index_cast %mul3A_1691 : i32 to index
      %get3A_1693 = tpu.vector_load %arg10[%get3A_1692] {strides = array<i32>} : memref<1280xi32, #tpu.memory_space<vmem>>, vector<16xi32>,
      %shift_right_logical3A = arith.constant 8 : i32
      %shift_right_logical3A_1694 = vector.broadcast %shift_right_logical3A : i32 to vector<16xi32>
      %shift_right_logical3A_1695 = arith.shrui %get3A_1693, %shift_right_logical3A_1694 : vector<16xi32>
      %and3A = arith.constant 15 : i32
      %and3A_1696 = vector.broadcast %and3A : i32 to vector<16xi32>
      %and3A_1697 = arith.andi %shift_right_logical3A_1695, %and3A_1696 : vector<16xi32>
      %mul3A_1698 = arith.constant 16 : i32
      %mul3A_1699 = vector.broadcast %mul3A_1698 : i32 to vector<16xi32>
      %mul3A_1700 = arith.muli %and3A_1697, %mul3A_1699 : vector<16xi32>
      %add3A_1701 = arith.addi %mul3A_1700, %iota3A : vector<16xi32>
      %sort3A = arith.constant dense<true> : vector<16xi1>
      %sort3A_1702, %sort3A_1703, %sort3A_1704 = tpu.sort %add3A_1701, %add3A_1701 masked %sort3A : (vector<16xi32>, vector<16xi32>, vector<16xi1>) -> (vector<16xi1>, vector<16xi32>, vector<16xi32>)
      %shift_right_logical3A_1705 = arith.constant 4 : i32
      %shift_right_logical3A_1706 = vector.broadcast %shift_right_logical3A_1705 : i32 to vector<16xi32>
      %shift_right_logical3A_1707 = arith.shrui %sort3A_1703, %shift_right_logical3A_1706 : vector<16xi32>
      %and3A_1708 = arith.constant 15 : i32
      %and3A_1709 = vector.broadcast %and3A_1708 : i32 to vector<16xi32>
      %and3A_1710 = arith.andi %sort3A_1703, %and3A_1709 : vector<16xi32>
      %sub3A_1711 = arith.constant 1 : i32
      %sub3A_1712 = vector.broadcast %sub3A_1711 : i32 to vector<16xi32>
      %sub3A_1713 = arith.subi %iota3A, %sub3A_1712 : vector<16xi32>
      %max3A = arith.constant 0 : i32
      %max3A_1714 = vector.broadcast %max3A : i32 to vector<16xi32>
      %max3A_1715 = arith.maxsi %sub3A_1713, %max3A_1714 : vector<16xi32>
      %broadcast_in_dim3A_1716 = vector.shape_cast %max3A_1715 : vector<16xi32> to vector<16x1xi32>
      %gather3A = vector.shape_cast %broadcast_in_dim3A_1716 : vector<16x1xi32> to vector<16xi32>
      %gather3A_1717 = tpu.dynamic_gather %shift_right_logical3A_1707[%gather3A] in [0] : vector<16xi32>, vector<16xi32> -> vector<16xi32>
      %eq3A = arith.constant 0 : i32
      %eq3A_1718 = vector.broadcast %eq3A : i32 to vector<16xi32>
      %eq3A_1719 = arith.cmpi eq, %iota3A, %eq3A_1718 : vector<16xi32>
      %ne3A = arith.cmpi ne, %shift_right_logical3A_1707, %gather3A_1717 : vector<16xi32>
      %or3A = arith.ori %eq3A_1719, %ne3A : vector<16xi1>
      %jit3A_1720 = arith.constant 0 : i32
      %broadcast_in_dim3A_1721 = vector.broadcast %jit3A_1720 : i32 to vector<16xi32>
      %select_n3A_1722 = arith.select %or3A, %iota3A, %broadcast_in_dim3A_1721 : vector<16xi1>, vector<16xi32>
      %broadcast_in_dim3A_1723 = arith.constant true
      %broadcast_in_dim3A_1724 = vector.broadcast %broadcast_in_dim3A_1723 : i1 to vector<16xi1>
      %masked_cummax3A = arith.constant -2147483648 : i32
      %masked_cummax3A_1725 = vector.broadcast %masked_cummax3A : i32 to vector<16xi32>
      %masked_cummax3A_1726 = arith.xori %select_n3A_1722, %masked_cummax3A_1725 : vector<16xi32>
      %masked_cummax3A_1727 = tpu.scan <max>, %masked_cummax3A_1726 masked %broadcast_in_dim3A_1724 : vector<16xi32>, vector<16xi1> -> vector<16xi32>
      %masked_cummax3A_1728 = arith.xori %masked_cummax3A_1727, %masked_cummax3A_1725 : vector<16xi32>
      %sub3A_1729 = arith.subi %iota3A, %masked_cummax3A_1728 : vector<16xi32>
      %add3A_1730 = arith.constant 1 : i32
      %add3A_1731 = vector.broadcast %add3A_1730 : i32 to vector<16xi32>
      %add3A_1732 = arith.addi %iota3A, %add3A_1731 : vector<16xi32>
      %min3A = arith.constant 15 : i32
      %min3A_1733 = vector.broadcast %min3A : i32 to vector<16xi32>
      %min3A_1734 = arith.minsi %add3A_1732, %min3A_1733 : vector<16xi32>
      %broadcast_in_dim3A_1735 = vector.shape_cast %min3A_1734 : vector<16xi32> to vector<16x1xi32>
      %gather3A_1736 = vector.shape_cast %broadcast_in_dim3A_1735 : vector<16x1xi32> to vector<16xi32>
      %gather3A_1737 = tpu.dynamic_gather %shift_right_logical3A_1707[%gather3A_1736] in [0] : vector<16xi32>, vector<16xi32> -> vector<16xi32>
      %eq3A_1738 = arith.constant 15 : i32
      %eq3A_1739 = vector.broadcast %eq3A_1738 : i32 to vector<16xi32>
      %eq3A_1740 = arith.cmpi eq, %iota3A, %eq3A_1739 : vector<16xi32>
      %ne3A_1741 = arith.cmpi ne, %gather3A_1737, %shift_right_logical3A_1707 : vector<16xi32>
      %or3A_1742 = arith.ori %eq3A_1740, %ne3A_1741 : vector<16xi1>
      %broadcast_in_dim3A_1743 = arith.constant 0 : i32
      %broadcast_in_dim3A_1744 = vector.broadcast %broadcast_in_dim3A_1743 : i32 to vector<16xi32>
      %swap3A_1745 = arith.constant 0 : index
      %swap3A_1746 = tpu.vector_load %arg17[%swap3A_1745] {strides = array<i32>} : memref<16xi32, #tpu.memory_space<vmem>>, vector<16xi32>,
      tpu.vector_store %arg17[%swap3A_1745], %broadcast_in_dim3A_1744 {strides = array<i32>} : memref<16xi32, #tpu.memory_space<vmem>>, vector<16xi32>,
      %add3A_1747 = arith.constant 1 : i32
      %add3A_1748 = vector.broadcast %add3A_1747 : i32 to vector<16xi32>
      %add3A_1749 = arith.addi %sub3A_1729, %add3A_1748 : vector<16xi32>
      tpu.vector_store_idx %arg17[%shift_right_logical3A_1707], %add3A_1749 masked %or3A_1742 : memref<16xi32, #tpu.memory_space<vmem>>[vector<16xi32>], vector<16xi32>, vector<16xi1>
      %mul3A_1750 = arith.constant 16 : i32
      %mul3A_1751 = arith.muli %scan3A_1688, %mul3A_1750 : i32
      %swap3A_1752 = arith.index_cast %mul3A_1751 : i32 to index
      %swap3A_1753 = tpu.vector_load %arg14[%swap3A_1752] {strides = array<i32>} : memref<1280xi32, #tpu.memory_space<vmem>>, vector<16xi32>,
      tpu.vector_store %arg14[%swap3A_1752], %shift_right_logical3A_1707 {strides = array<i32>} : memref<1280xi32, #tpu.memory_space<vmem>>, vector<16xi32>,
      %mul3A_1754 = arith.constant 16 : i32
      %mul3A_1755 = arith.muli %scan3A_1688, %mul3A_1754 : i32
      %swap3A_1756 = arith.index_cast %mul3A_1755 : i32 to index
      %swap3A_1757 = tpu.vector_load %arg15[%swap3A_1756] {strides = array<i32>} : memref<1280xi32, #tpu.memory_space<vmem>>, vector<16xi32>,
      tpu.vector_store %arg15[%swap3A_1756], %and3A_1710 {strides = array<i32>} : memref<1280xi32, #tpu.memory_space<vmem>>, vector<16xi32>,
      %mul3A_1758 = arith.constant 16 : i32
      %mul3A_1759 = arith.muli %scan3A_1688, %mul3A_1758 : i32
      %swap3A_1760 = arith.index_cast %mul3A_1759 : i32 to index
      %swap3A_1761 = tpu.vector_load %arg16[%swap3A_1760] {strides = array<i32>} : memref<1280xi32, #tpu.memory_space<vmem>>, vector<16xi32>,
      tpu.vector_store %arg16[%swap3A_1760], %sub3A_1729 {strides = array<i32>} : memref<1280xi32, #tpu.memory_space<vmem>>, vector<16xi32>,
      %mul3A_1762 = arith.constant 16 : i32
      %mul3A_1763 = arith.muli %scan3A_1688, %mul3A_1762 : i32
      %swap3A_1764 = arith.index_cast %mul3A_1763 : i32 to index
      %swap3A_1765 = tpu.vector_load %arg13[%swap3A_1764] {strides = array<i32>} : memref<1280xi32, #tpu.memory_space<vmem>>, vector<16xi32>,
      tpu.vector_store %arg13[%swap3A_1764], %scan3A_1689 {strides = array<i32>} : memref<1280xi32, #tpu.memory_space<vmem>>, vector<16xi32>,
      %get3A_1766 = arith.constant 0 : index
      %get3A_1767 = tpu.vector_load %arg17[%get3A_1766] {strides = array<i32>} : memref<16xi32, #tpu.memory_space<vmem>>, vector<16xi32>,
      %add3A_1768 = arith.addi %scan3A_1689, %get3A_1767 : vector<16xi32>
      scf.yield %add3A_1768 : vector<16xi32>
    }
    %scan3A_418 = arith.constant 80 : i32
    %swap3A_419 = arith.constant 0 : index
    %swap3A_420 = tpu.vector_load %arg18[%swap3A_419] {strides = array<i32>} : memref<16xi32, #tpu.memory_space<vmem>>, vector<16xi32>,
    tpu.vector_store %arg18[%swap3A_419], %scan3A_417 {strides = array<i32>} : memref<16xi32, #tpu.memory_space<vmem>>, vector<16xi32>,
    "tpu.region"() ({
      %run_scoped3A = tpu.sem_alloc : memref<!tpu.dma_semaphore, #tpu.memory_space<semaphore_mem>>
      %dma_start3A_1688 = arith.constant 0 : i32
      %dma_start3A_1689 = tpu.memref_slice %arg9[%arg1, %dma_start3A_1688] : memref<16x16xi32, #tpu.memory_space<vmem_shared>> -> memref<1x16xi32, #tpu.memory_space<vmem_shared>>
      %dma_start3A_1690 = tpu.memref_squeeze %dma_start3A_1689 : memref<1x16xi32, #tpu.memory_space<vmem_shared>> -> memref<16xi32, #tpu.memory_space<vmem_shared>>
      %dma_start3A_1691 = arith.constant 0 : i32
      %dma_start3A_1692 = tpu.memref_slice %arg9[%arg1, %dma_start3A_1691] : memref<16x16xi32, #tpu.memory_space<vmem_shared>> -> memref<1x16xi32, #tpu.memory_space<vmem_shared>>
      %dma_start3A_1693 = tpu.memref_squeeze %dma_start3A_1692 : memref<1x16xi32, #tpu.memory_space<vmem_shared>> -> memref<16xi32, #tpu.memory_space<vmem_shared>>
      tpu.enqueue_dma source(%arg18 : memref<16xi32, #tpu.memory_space<vmem>>) target(%dma_start3A_1693 : memref<16xi32, #tpu.memory_space<vmem_shared>>) target_semaphore(%run_scoped3A : memref<!tpu.dma_semaphore, #tpu.memory_space<semaphore_mem>>)
      %dma_wait3A_1694 = arith.constant 0 : i32
      %dma_wait3A_1695 = tpu.memref_slice %arg9[%arg1, %dma_wait3A_1694] : memref<16x16xi32, #tpu.memory_space<vmem_shared>> -> memref<1x16xi32, #tpu.memory_space<vmem_shared>>
      %dma_wait3A_1696 = tpu.memref_squeeze %dma_wait3A_1695 : memref<1x16xi32, #tpu.memory_space<vmem_shared>> -> memref<16xi32, #tpu.memory_space<vmem_shared>>
      %dma_wait3A_1697 = arith.constant 0 : i32
      %dma_wait3A_1698 = tpu.memref_slice %arg9[%arg1, %dma_wait3A_1697] : memref<16x16xi32, #tpu.memory_space<vmem_shared>> -> memref<1x16xi32, #tpu.memory_space<vmem_shared>>
      %dma_wait3A_1699 = tpu.memref_squeeze %dma_wait3A_1698 : memref<1x16xi32, #tpu.memory_space<vmem_shared>> -> memref<16xi32, #tpu.memory_space<vmem_shared>>
      tpu.wait_dma2 semaphore(%run_scoped3A : memref<!tpu.dma_semaphore, #tpu.memory_space<semaphore_mem>>) src(%arg18 : memref<16xi32, #tpu.memory_space<vmem>>) dst(%dma_wait3A_1699 : memref<16xi32, #tpu.memory_space<vmem_shared>>)
      tpu.yield
    }) : () -> ()
    %barrier3A_421 = arith.constant 0 : index
    tpu.barrier barrier_id(%barrier3A_421)
    "tpu.region"() ({
      %run_scoped3A = tpu.sem_alloc : memref<!tpu.dma_semaphore, #tpu.memory_space<semaphore_mem>>
      tpu.enqueue_dma source(%arg9 : memref<16x16xi32, #tpu.memory_space<vmem_shared>>) target(%arg19 : memref<16x16xi32, #tpu.memory_space<vmem>>) target_semaphore(%run_scoped3A : memref<!tpu.dma_semaphore, #tpu.memory_space<semaphore_mem>>)
      tpu.wait_dma2 semaphore(%run_scoped3A : memref<!tpu.dma_semaphore, #tpu.memory_space<semaphore_mem>>) src(%arg9 : memref<16x16xi32, #tpu.memory_space<vmem_shared>>) dst(%arg19 : memref<16x16xi32, #tpu.memory_space<vmem>>)
      tpu.yield
    }) : () -> ()
    %get3A_422 = arith.constant 0 : i32
    %get3A_423 = arith.index_cast %get3A_422 : i32 to index
    %get3A_424 = arith.constant 0 : index
    %get3A_425 = tpu.vector_load %arg19[%get3A_423, %get3A_424] {strides = array<i32>} : memref<16x16xi32, #tpu.memory_space<vmem>>, vector<16xi32>,
    %gt3A_426 = arith.constant 0 : i32
    %gt3A_427 = arith.cmpi sgt, %arg1, %gt3A_426 : i32
    %get3A_428 = arith.constant 0 : i32
    %get3A_429 = arith.index_cast %get3A_428 : i32 to index
    %get3A_430 = arith.constant 0 : index
    %get3A_431 = tpu.vector_load %arg19[%get3A_429, %get3A_430] {strides = array<i32>} : memref<16x16xi32, #tpu.memory_space<vmem>>, vector<16xi32>,
    %jit3A_432 = arith.constant 0 : i32
    %broadcast_in_dim3A_433 = vector.broadcast %jit3A_432 : i32 to vector<16xi32>
    %select_n3A_434 = arith.select %gt3A_427, %get3A_431, %broadcast_in_dim3A_433 : vector<16xi32>
    %get3A_435 = arith.constant 1 : i32
    %get3A_436 = arith.index_cast %get3A_435 : i32 to index
    %get3A_437 = arith.constant 0 : index
    %get3A_438 = tpu.vector_load %arg19[%get3A_436, %get3A_437] {strides = array<i32>} : memref<16x16xi32, #tpu.memory_space<vmem>>, vector<16xi32>,
    %add3A_439 = arith.addi %get3A_425, %get3A_438 : vector<16xi32>
    %gt3A_440 = arith.constant 1 : i32
    %gt3A_441 = arith.cmpi sgt, %arg1, %gt3A_440 : i32
    %jit3A_442 = arith.constant 0 : i32
    %broadcast_in_dim3A_443 = vector.broadcast %jit3A_442 : i32 to vector<16xi32>
    %select_n3A_444 = arith.select %gt3A_441, %get3A_438, %broadcast_in_dim3A_443 : vector<16xi32>
    %add3A_445 = arith.addi %select_n3A_434, %select_n3A_444 : vector<16xi32>
    %get3A_446 = arith.constant 2 : i32
    %get3A_447 = arith.index_cast %get3A_446 : i32 to index
    %get3A_448 = arith.constant 0 : index
    %get3A_449 = tpu.vector_load %arg19[%get3A_447, %get3A_448] {strides = array<i32>} : memref<16x16xi32, #tpu.memory_space<vmem>>, vector<16xi32>,
    %add3A_450 = arith.addi %add3A_439, %get3A_449 : vector<16xi32>
    %gt3A_451 = arith.constant 2 : i32
    %gt3A_452 = arith.cmpi sgt, %arg1, %gt3A_451 : i32
    %jit3A_453 = arith.constant 0 : i32
    %broadcast_in_dim3A_454 = vector.broadcast %jit3A_453 : i32 to vector<16xi32>
    %select_n3A_455 = arith.select %gt3A_452, %get3A_449, %broadcast_in_dim3A_454 : vector<16xi32>
    %add3A_456 = arith.addi %add3A_445, %select_n3A_455 : vector<16xi32>
    %get3A_457 = arith.constant 3 : i32
    %get3A_458 = arith.index_cast %get3A_457 : i32 to index
    %get3A_459 = arith.constant 0 : index
    %get3A_460 = tpu.vector_load %arg19[%get3A_458, %get3A_459] {strides = array<i32>} : memref<16x16xi32, #tpu.memory_space<vmem>>, vector<16xi32>,
    %add3A_461 = arith.addi %add3A_450, %get3A_460 : vector<16xi32>
    %gt3A_462 = arith.constant 3 : i32
    %gt3A_463 = arith.cmpi sgt, %arg1, %gt3A_462 : i32
    %jit3A_464 = arith.constant 0 : i32
    %broadcast_in_dim3A_465 = vector.broadcast %jit3A_464 : i32 to vector<16xi32>
    %select_n3A_466 = arith.select %gt3A_463, %get3A_460, %broadcast_in_dim3A_465 : vector<16xi32>
    %add3A_467 = arith.addi %add3A_456, %select_n3A_466 : vector<16xi32>
    %get3A_468 = arith.constant 4 : i32
    %get3A_469 = arith.index_cast %get3A_468 : i32 to index
    %get3A_470 = arith.constant 0 : index
    %get3A_471 = tpu.vector_load %arg19[%get3A_469, %get3A_470] {strides = array<i32>} : memref<16x16xi32, #tpu.memory_space<vmem>>, vector<16xi32>,
    %add3A_472 = arith.addi %add3A_461, %get3A_471 : vector<16xi32>
    %gt3A_473 = arith.constant 4 : i32
    %gt3A_474 = arith.cmpi sgt, %arg1, %gt3A_473 : i32
    %jit3A_475 = arith.constant 0 : i32
    %broadcast_in_dim3A_476 = vector.broadcast %jit3A_475 : i32 to vector<16xi32>
    %select_n3A_477 = arith.select %gt3A_474, %get3A_471, %broadcast_in_dim3A_476 : vector<16xi32>
    %add3A_478 = arith.addi %add3A_467, %select_n3A_477 : vector<16xi32>
    %get3A_479 = arith.constant 5 : i32
    %get3A_480 = arith.index_cast %get3A_479 : i32 to index
    %get3A_481 = arith.constant 0 : index
    %get3A_482 = tpu.vector_load %arg19[%get3A_480, %get3A_481] {strides = array<i32>} : memref<16x16xi32, #tpu.memory_space<vmem>>, vector<16xi32>,
    %add3A_483 = arith.addi %add3A_472, %get3A_482 : vector<16xi32>
    %gt3A_484 = arith.constant 5 : i32
    %gt3A_485 = arith.cmpi sgt, %arg1, %gt3A_484 : i32
    %jit3A_486 = arith.constant 0 : i32
    %broadcast_in_dim3A_487 = vector.broadcast %jit3A_486 : i32 to vector<16xi32>
    %select_n3A_488 = arith.select %gt3A_485, %get3A_482, %broadcast_in_dim3A_487 : vector<16xi32>
    %add3A_489 = arith.addi %add3A_478, %select_n3A_488 : vector<16xi32>
    %get3A_490 = arith.constant 6 : i32
    %get3A_491 = arith.index_cast %get3A_490 : i32 to index
    %get3A_492 = arith.constant 0 : index
    %get3A_493 = tpu.vector_load %arg19[%get3A_491, %get3A_492] {strides = array<i32>} : memref<16x16xi32, #tpu.memory_space<vmem>>, vector<16xi32>,
    %add3A_494 = arith.addi %add3A_483, %get3A_493 : vector<16xi32>
    %gt3A_495 = arith.constant 6 : i32
    %gt3A_496 = arith.cmpi sgt, %arg1, %gt3A_495 : i32
    %jit3A_497 = arith.constant 0 : i32
    %broadcast_in_dim3A_498 = vector.broadcast %jit3A_497 : i32 to vector<16xi32>
    %select_n3A_499 = arith.select %gt3A_496, %get3A_493, %broadcast_in_dim3A_498 : vector<16xi32>
    %add3A_500 = arith.addi %add3A_489, %select_n3A_499 : vector<16xi32>
    %get3A_501 = arith.constant 7 : i32
    %get3A_502 = arith.index_cast %get3A_501 : i32 to index
    %get3A_503 = arith.constant 0 : index
    %get3A_504 = tpu.vector_load %arg19[%get3A_502, %get3A_503] {strides = array<i32>} : memref<16x16xi32, #tpu.memory_space<vmem>>, vector<16xi32>,
    %add3A_505 = arith.addi %add3A_494, %get3A_504 : vector<16xi32>
    %gt3A_506 = arith.constant 7 : i32
    %gt3A_507 = arith.cmpi sgt, %arg1, %gt3A_506 : i32
    %jit3A_508 = arith.constant 0 : i32
    %broadcast_in_dim3A_509 = vector.broadcast %jit3A_508 : i32 to vector<16xi32>
    %select_n3A_510 = arith.select %gt3A_507, %get3A_504, %broadcast_in_dim3A_509 : vector<16xi32>
    %add3A_511 = arith.addi %add3A_500, %select_n3A_510 : vector<16xi32>
    %get3A_512 = arith.constant 8 : i32
    %get3A_513 = arith.index_cast %get3A_512 : i32 to index
    %get3A_514 = arith.constant 0 : index
    %get3A_515 = tpu.vector_load %arg19[%get3A_513, %get3A_514] {strides = array<i32>} : memref<16x16xi32, #tpu.memory_space<vmem>>, vector<16xi32>,
    %add3A_516 = arith.addi %add3A_505, %get3A_515 : vector<16xi32>
    %gt3A_517 = arith.constant 8 : i32
    %gt3A_518 = arith.cmpi sgt, %arg1, %gt3A_517 : i32
    %jit3A_519 = arith.constant 0 : i32
    %broadcast_in_dim3A_520 = vector.broadcast %jit3A_519 : i32 to vector<16xi32>
    %select_n3A_521 = arith.select %gt3A_518, %get3A_515, %broadcast_in_dim3A_520 : vector<16xi32>
    %add3A_522 = arith.addi %add3A_511, %select_n3A_521 : vector<16xi32>
    %get3A_523 = arith.constant 9 : i32
    %get3A_524 = arith.index_cast %get3A_523 : i32 to index
    %get3A_525 = arith.constant 0 : index
    %get3A_526 = tpu.vector_load %arg19[%get3A_524, %get3A_525] {strides = array<i32>} : memref<16x16xi32, #tpu.memory_space<vmem>>, vector<16xi32>,
    %add3A_527 = arith.addi %add3A_516, %get3A_526 : vector<16xi32>
    %gt3A_528 = arith.constant 9 : i32
    %gt3A_529 = arith.cmpi sgt, %arg1, %gt3A_528 : i32
    %jit3A_530 = arith.constant 0 : i32
    %broadcast_in_dim3A_531 = vector.broadcast %jit3A_530 : i32 to vector<16xi32>
    %select_n3A_532 = arith.select %gt3A_529, %get3A_526, %broadcast_in_dim3A_531 : vector<16xi32>
    %add3A_533 = arith.addi %add3A_522, %select_n3A_532 : vector<16xi32>
    %get3A_534 = arith.constant 10 : i32
    %get3A_535 = arith.index_cast %get3A_534 : i32 to index
    %get3A_536 = arith.constant 0 : index
    %get3A_537 = tpu.vector_load %arg19[%get3A_535, %get3A_536] {strides = array<i32>} : memref<16x16xi32, #tpu.memory_space<vmem>>, vector<16xi32>,
    %add3A_538 = arith.addi %add3A_527, %get3A_537 : vector<16xi32>
    %gt3A_539 = arith.constant 10 : i32
    %gt3A_540 = arith.cmpi sgt, %arg1, %gt3A_539 : i32
    %jit3A_541 = arith.constant 0 : i32
    %broadcast_in_dim3A_542 = vector.broadcast %jit3A_541 : i32 to vector<16xi32>
    %select_n3A_543 = arith.select %gt3A_540, %get3A_537, %broadcast_in_dim3A_542 : vector<16xi32>
    %add3A_544 = arith.addi %add3A_533, %select_n3A_543 : vector<16xi32>
    %get3A_545 = arith.constant 11 : i32
    %get3A_546 = arith.index_cast %get3A_545 : i32 to index
    %get3A_547 = arith.constant 0 : index
    %get3A_548 = tpu.vector_load %arg19[%get3A_546, %get3A_547] {strides = array<i32>} : memref<16x16xi32, #tpu.memory_space<vmem>>, vector<16xi32>,
    %add3A_549 = arith.addi %add3A_538, %get3A_548 : vector<16xi32>
    %gt3A_550 = arith.constant 11 : i32
    %gt3A_551 = arith.cmpi sgt, %arg1, %gt3A_550 : i32
    %jit3A_552 = arith.constant 0 : i32
    %broadcast_in_dim3A_553 = vector.broadcast %jit3A_552 : i32 to vector<16xi32>
    %select_n3A_554 = arith.select %gt3A_551, %get3A_548, %broadcast_in_dim3A_553 : vector<16xi32>
    %add3A_555 = arith.addi %add3A_544, %select_n3A_554 : vector<16xi32>
    %get3A_556 = arith.constant 12 : i32
    %get3A_557 = arith.index_cast %get3A_556 : i32 to index
    %get3A_558 = arith.constant 0 : index
    %get3A_559 = tpu.vector_load %arg19[%get3A_557, %get3A_558] {strides = array<i32>} : memref<16x16xi32, #tpu.memory_space<vmem>>, vector<16xi32>,
    %add3A_560 = arith.addi %add3A_549, %get3A_559 : vector<16xi32>
    %gt3A_561 = arith.constant 12 : i32
    %gt3A_562 = arith.cmpi sgt, %arg1, %gt3A_561 : i32
    %jit3A_563 = arith.constant 0 : i32
    %broadcast_in_dim3A_564 = vector.broadcast %jit3A_563 : i32 to vector<16xi32>
    %select_n3A_565 = arith.select %gt3A_562, %get3A_559, %broadcast_in_dim3A_564 : vector<16xi32>
    %add3A_566 = arith.addi %add3A_555, %select_n3A_565 : vector<16xi32>
    %get3A_567 = arith.constant 13 : i32
    %get3A_568 = arith.index_cast %get3A_567 : i32 to index
    %get3A_569 = arith.constant 0 : index
    %get3A_570 = tpu.vector_load %arg19[%get3A_568, %get3A_569] {strides = array<i32>} : memref<16x16xi32, #tpu.memory_space<vmem>>, vector<16xi32>,
    %add3A_571 = arith.addi %add3A_560, %get3A_570 : vector<16xi32>
    %gt3A_572 = arith.constant 13 : i32
    %gt3A_573 = arith.cmpi sgt, %arg1, %gt3A_572 : i32
    %jit3A_574 = arith.constant 0 : i32
    %broadcast_in_dim3A_575 = vector.broadcast %jit3A_574 : i32 to vector<16xi32>
    %select_n3A_576 = arith.select %gt3A_573, %get3A_570, %broadcast_in_dim3A_575 : vector<16xi32>
    %add3A_577 = arith.addi %add3A_566, %select_n3A_576 : vector<16xi32>
    %get3A_578 = arith.constant 14 : i32
    %get3A_579 = arith.index_cast %get3A_578 : i32 to index
    %get3A_580 = arith.constant 0 : index
    %get3A_581 = tpu.vector_load %arg19[%get3A_579, %get3A_580] {strides = array<i32>} : memref<16x16xi32, #tpu.memory_space<vmem>>, vector<16xi32>,
    %add3A_582 = arith.addi %add3A_571, %get3A_581 : vector<16xi32>
    %gt3A_583 = arith.constant 14 : i32
    %gt3A_584 = arith.cmpi sgt, %arg1, %gt3A_583 : i32
    %jit3A_585 = arith.constant 0 : i32
    %broadcast_in_dim3A_586 = vector.broadcast %jit3A_585 : i32 to vector<16xi32>
    %select_n3A_587 = arith.select %gt3A_584, %get3A_581, %broadcast_in_dim3A_586 : vector<16xi32>
    %add3A_588 = arith.addi %add3A_577, %select_n3A_587 : vector<16xi32>
    %get3A_589 = arith.constant 15 : i32
    %get3A_590 = arith.index_cast %get3A_589 : i32 to index
    %get3A_591 = arith.constant 0 : index
    %get3A_592 = tpu.vector_load %arg19[%get3A_590, %get3A_591] {strides = array<i32>} : memref<16x16xi32, #tpu.memory_space<vmem>>, vector<16xi32>,
    %add3A_593 = arith.addi %add3A_582, %get3A_592 : vector<16xi32>
    %gt3A_594 = arith.constant 15 : i32
    %gt3A_595 = arith.cmpi sgt, %arg1, %gt3A_594 : i32
    %jit3A_596 = arith.constant 0 : i32
    %broadcast_in_dim3A_597 = vector.broadcast %jit3A_596 : i32 to vector<16xi32>
    %select_n3A_598 = arith.select %gt3A_595, %get3A_592, %broadcast_in_dim3A_597 : vector<16xi32>
    %add3A_599 = arith.addi %add3A_588, %select_n3A_598 : vector<16xi32>
    %broadcast_in_dim3A_600 = arith.constant true
    %broadcast_in_dim3A_601 = vector.broadcast %broadcast_in_dim3A_600 : i1 to vector<16xi1>
    %masked_cumsum3A_602 = tpu.scan <sum>, %add3A_593 masked %broadcast_in_dim3A_601 : vector<16xi32>, vector<16xi1> -> vector<16xi32>
    %sub3A_603 = arith.subi %masked_cumsum3A_602, %add3A_593 : vector<16xi32>
    %add3A_604 = arith.addi %sub3A_603, %add3A_599 : vector<16xi32>
    %scan3A_605 = arith.constant 0 : i32
    %scan3A_606 = arith.constant 0 : i32
    %scan3A_607 = arith.constant 80 : i32
    %scan3A_608 = arith.addi %scan3A_606, %scan3A_607 : i32
    %scan3A_609 = arith.constant 1 : i32
    scf.for %scan3A_1688 = %scan3A_606 to %scan3A_608 step %scan3A_609  : i32 {
      %mul3A_1689 = arith.constant 16 : i32
      %mul3A_1690 = arith.muli %scan3A_1688, %mul3A_1689 : i32
      %get3A_1691 = arith.index_cast %mul3A_1690 : i32 to index
      %get3A_1692 = tpu.vector_load %arg11[%get3A_1691] {strides = array<i32>} : memref<1280xi32, #tpu.memory_space<vmem>>, vector<16xi32>,
      %mul3A_1693 = arith.constant 16 : i32
      %mul3A_1694 = arith.muli %scan3A_1688, %mul3A_1693 : i32
      %get3A_1695 = arith.index_cast %mul3A_1694 : i32 to index
      %get3A_1696 = tpu.vector_load %arg14[%get3A_1695] {strides = array<i32>} : memref<1280xi32, #tpu.memory_space<vmem>>, vector<16xi32>,
      %mul3A_1697 = arith.constant 16 : i32
      %mul3A_1698 = arith.muli %scan3A_1688, %mul3A_1697 : i32
      %get3A_1699 = arith.index_cast %mul3A_1698 : i32 to index
      %get3A_1700 = tpu.vector_load %arg15[%get3A_1699] {strides = array<i32>} : memref<1280xi32, #tpu.memory_space<vmem>>, vector<16xi32>,
      %mul3A_1701 = arith.constant 16 : i32
      %mul3A_1702 = arith.muli %scan3A_1688, %mul3A_1701 : i32
      %get3A_1703 = arith.index_cast %mul3A_1702 : i32 to index
      %get3A_1704 = tpu.vector_load %arg16[%get3A_1703] {strides = array<i32>} : memref<1280xi32, #tpu.memory_space<vmem>>, vector<16xi32>,
      %mul3A_1705 = arith.constant 16 : i32
      %mul3A_1706 = arith.muli %scan3A_1688, %mul3A_1705 : i32
      %get3A_1707 = arith.index_cast %mul3A_1706 : i32 to index
      %get3A_1708 = tpu.vector_load %arg13[%get3A_1707] {strides = array<i32>} : memref<1280xi32, #tpu.memory_space<vmem>>, vector<16xi32>,
      %add3A_1709 = arith.addi %add3A_604, %get3A_1708 : vector<16xi32>
      %broadcast_in_dim3A_1710 = vector.shape_cast %get3A_1696 : vector<16xi32> to vector<16x1xi32>
      %gather3A = vector.shape_cast %broadcast_in_dim3A_1710 : vector<16x1xi32> to vector<16xi32>
      %gather3A_1711 = tpu.dynamic_gather %add3A_1709[%gather3A] in [0] : vector<16xi32>, vector<16xi32> -> vector<16xi32>
      %add3A_1712 = arith.addi %gather3A_1711, %get3A_1704 : vector<16xi32>
      %broadcast_in_dim3A_1713 = vector.shape_cast %get3A_1700 : vector<16xi32> to vector<16x1xi32>
      %gather3A_1714 = vector.shape_cast %broadcast_in_dim3A_1713 : vector<16x1xi32> to vector<16xi32>
      %gather3A_1715 = tpu.dynamic_gather %get3A_1692[%gather3A_1714] in [0] : vector<16xi32>, vector<16xi32> -> vector<16xi32>
      %mul3A_1716 = arith.constant 16 : i32
      %mul3A_1717 = arith.muli %scan3A_1688, %mul3A_1716 : i32
      %swap3A_1718 = arith.index_cast %mul3A_1717 : i32 to index
      %swap3A_1719 = tpu.vector_load %arg12[%swap3A_1718] {strides = array<i32>} : memref<1280xi32, #tpu.memory_space<vmem>>, vector<16xi32>,
      tpu.vector_store %arg12[%swap3A_1718], %gather3A_1715 {strides = array<i32>} : memref<1280xi32, #tpu.memory_space<vmem>>, vector<16xi32>,
      %mul3A_1720 = arith.constant 16 : i32
      %mul3A_1721 = arith.muli %scan3A_1688, %mul3A_1720 : i32
      %swap3A_1722 = arith.index_cast %mul3A_1721 : i32 to index
      %swap3A_1723 = tpu.vector_load %arg13[%swap3A_1722] {strides = array<i32>} : memref<1280xi32, #tpu.memory_space<vmem>>, vector<16xi32>,
      tpu.vector_store %arg13[%swap3A_1722], %add3A_1712 {strides = array<i32>} : memref<1280xi32, #tpu.memory_space<vmem>>, vector<16xi32>,
    }
    %scan3A_610 = arith.constant 80 : i32
    %dma_start3A_611 = arith.constant 0 : i32
    %dma_start3A_612 = tpu.memref_slice %arg8[%dma_start3A_611] : memref<20480xi32, #tpu.memory_space<vmem_shared>> -> memref<20480xi32, #tpu.memory_space<vmem_shared>>
    tpu.enqueue_indirect_dma source(%arg12 : memref<1280xi32, #tpu.memory_space<vmem>>) target(%dma_start3A_612 : memref<20480xi32, #tpu.memory_space<vmem_shared>>) offsets(%arg13 : memref<1280xi32, #tpu.memory_space<vmem>>) semaphore(%arg23 : memref<!tpu.dma_semaphore, #tpu.memory_space<semaphore_mem>>)
    %dma_wait3A_613 = arith.constant 0 : i32
    %dma_wait3A_614 = tpu.memref_slice %arg8[%dma_wait3A_613] : memref<20480xi32, #tpu.memory_space<vmem_shared>> -> memref<20480xi32, #tpu.memory_space<vmem_shared>>
    tpu.wait_indirect_dma semaphore(%arg23 : memref<!tpu.dma_semaphore, #tpu.memory_space<semaphore_mem>>) src(%arg12 : memref<1280xi32, #tpu.memory_space<vmem>>) dst(%dma_wait3A_614 : memref<20480xi32, #tpu.memory_space<vmem_shared>>)
    %barrier3A_615 = arith.constant 0 : index
    tpu.barrier barrier_id(%barrier3A_615)
    "tpu.region"() ({
      %run_scoped3A = tpu.sem_alloc : memref<!tpu.dma_semaphore, #tpu.memory_space<semaphore_mem>>
      %dma_start3A_1688 = tpu.memref_slice %arg8[%mul3A_0] : memref<20480xi32, #tpu.memory_space<vmem_shared>> -> memref<1280xi32, #tpu.memory_space<vmem_shared>>
      %dma_start3A_1689 = tpu.memref_slice %arg8[%mul3A_0] : memref<20480xi32, #tpu.memory_space<vmem_shared>> -> memref<1280xi32, #tpu.memory_space<vmem_shared>>
      tpu.enqueue_dma source(%dma_start3A_1689 : memref<1280xi32, #tpu.memory_space<vmem_shared>>) target(%arg11 : memref<1280xi32, #tpu.memory_space<vmem>>) target_semaphore(%run_scoped3A : memref<!tpu.dma_semaphore, #tpu.memory_space<semaphore_mem>>)
      %dma_wait3A_1690 = tpu.memref_slice %arg8[%mul3A_0] : memref<20480xi32, #tpu.memory_space<vmem_shared>> -> memref<1280xi32, #tpu.memory_space<vmem_shared>>
      %dma_wait3A_1691 = tpu.memref_slice %arg8[%mul3A_0] : memref<20480xi32, #tpu.memory_space<vmem_shared>> -> memref<1280xi32, #tpu.memory_space<vmem_shared>>
      tpu.wait_dma2 semaphore(%run_scoped3A : memref<!tpu.dma_semaphore, #tpu.memory_space<semaphore_mem>>) src(%dma_wait3A_1691 : memref<1280xi32, #tpu.memory_space<vmem_shared>>) dst(%arg11 : memref<1280xi32, #tpu.memory_space<vmem>>)
      tpu.yield
    }) : () -> ()
    %dma_start3A_616 = arith.constant 0 : i32
    %dma_start3A_617 = tpu.memref_slice %arg6[%dma_start3A_616] : memref<20480xi32, #tpu.memory_space<vmem_shared>> -> memref<20480xi32, #tpu.memory_space<vmem_shared>>
    tpu.enqueue_indirect_dma source(%dma_start3A_617 : memref<20480xi32, #tpu.memory_space<vmem_shared>>) target(%arg10 : memref<1280xi32, #tpu.memory_space<vmem>>) offsets(%arg11 : memref<1280xi32, #tpu.memory_space<vmem>>) semaphore(%arg23 : memref<!tpu.dma_semaphore, #tpu.memory_space<semaphore_mem>>)
    %dma_wait3A_618 = arith.constant 0 : i32
    %dma_wait3A_619 = tpu.memref_slice %arg6[%dma_wait3A_618] : memref<20480xi32, #tpu.memory_space<vmem_shared>> -> memref<20480xi32, #tpu.memory_space<vmem_shared>>
    tpu.wait_indirect_dma semaphore(%arg23 : memref<!tpu.dma_semaphore, #tpu.memory_space<semaphore_mem>>) src(%dma_wait3A_619 : memref<20480xi32, #tpu.memory_space<vmem_shared>>) dst(%arg10 : memref<1280xi32, #tpu.memory_space<vmem>>)
    %broadcast_in_dim3A_620 = arith.constant 0 : i32
    %broadcast_in_dim3A_621 = vector.broadcast %broadcast_in_dim3A_620 : i32 to vector<16xi32>
    %scan3A_622 = arith.constant 0 : i32
    %scan3A_623 = arith.constant 80 : i32
    %scan3A_624 = arith.addi %scan3A_622, %scan3A_623 : i32
    %scan3A_625 = arith.constant 1 : i32
    %scan3A_626 = scf.for %scan3A_1688 = %scan3A_622 to %scan3A_624 step %scan3A_625 iter_args(%scan3A_1689 = %broadcast_in_dim3A_621) -> (vector<16xi32>)  : i32 {
      %mul3A_1690 = arith.constant 16 : i32
      %mul3A_1691 = arith.muli %scan3A_1688, %mul3A_1690 : i32
      %get3A_1692 = arith.index_cast %mul3A_1691 : i32 to index
      %get3A_1693 = tpu.vector_load %arg10[%get3A_1692] {strides = array<i32>} : memref<1280xi32, #tpu.memory_space<vmem>>, vector<16xi32>,
      %shift_right_logical3A = arith.constant 12 : i32
      %shift_right_logical3A_1694 = vector.broadcast %shift_right_logical3A : i32 to vector<16xi32>
      %shift_right_logical3A_1695 = arith.shrui %get3A_1693, %shift_right_logical3A_1694 : vector<16xi32>
      %and3A = arith.constant 15 : i32
      %and3A_1696 = vector.broadcast %and3A : i32 to vector<16xi32>
      %and3A_1697 = arith.andi %shift_right_logical3A_1695, %and3A_1696 : vector<16xi32>
      %mul3A_1698 = arith.constant 16 : i32
      %mul3A_1699 = vector.broadcast %mul3A_1698 : i32 to vector<16xi32>
      %mul3A_1700 = arith.muli %and3A_1697, %mul3A_1699 : vector<16xi32>
      %add3A_1701 = arith.addi %mul3A_1700, %iota3A : vector<16xi32>
      %sort3A = arith.constant dense<true> : vector<16xi1>
      %sort3A_1702, %sort3A_1703, %sort3A_1704 = tpu.sort %add3A_1701, %add3A_1701 masked %sort3A : (vector<16xi32>, vector<16xi32>, vector<16xi1>) -> (vector<16xi1>, vector<16xi32>, vector<16xi32>)
      %shift_right_logical3A_1705 = arith.constant 4 : i32
      %shift_right_logical3A_1706 = vector.broadcast %shift_right_logical3A_1705 : i32 to vector<16xi32>
      %shift_right_logical3A_1707 = arith.shrui %sort3A_1703, %shift_right_logical3A_1706 : vector<16xi32>
      %and3A_1708 = arith.constant 15 : i32
      %and3A_1709 = vector.broadcast %and3A_1708 : i32 to vector<16xi32>
      %and3A_1710 = arith.andi %sort3A_1703, %and3A_1709 : vector<16xi32>
      %sub3A_1711 = arith.constant 1 : i32
      %sub3A_1712 = vector.broadcast %sub3A_1711 : i32 to vector<16xi32>
      %sub3A_1713 = arith.subi %iota3A, %sub3A_1712 : vector<16xi32>
      %max3A = arith.constant 0 : i32
      %max3A_1714 = vector.broadcast %max3A : i32 to vector<16xi32>
      %max3A_1715 = arith.maxsi %sub3A_1713, %max3A_1714 : vector<16xi32>
      %broadcast_in_dim3A_1716 = vector.shape_cast %max3A_1715 : vector<16xi32> to vector<16x1xi32>
      %gather3A = vector.shape_cast %broadcast_in_dim3A_1716 : vector<16x1xi32> to vector<16xi32>
      %gather3A_1717 = tpu.dynamic_gather %shift_right_logical3A_1707[%gather3A] in [0] : vector<16xi32>, vector<16xi32> -> vector<16xi32>
      %eq3A = arith.constant 0 : i32
      %eq3A_1718 = vector.broadcast %eq3A : i32 to vector<16xi32>
      %eq3A_1719 = arith.cmpi eq, %iota3A, %eq3A_1718 : vector<16xi32>
      %ne3A = arith.cmpi ne, %shift_right_logical3A_1707, %gather3A_1717 : vector<16xi32>
      %or3A = arith.ori %eq3A_1719, %ne3A : vector<16xi1>
      %jit3A_1720 = arith.constant 0 : i32
      %broadcast_in_dim3A_1721 = vector.broadcast %jit3A_1720 : i32 to vector<16xi32>
      %select_n3A_1722 = arith.select %or3A, %iota3A, %broadcast_in_dim3A_1721 : vector<16xi1>, vector<16xi32>
      %broadcast_in_dim3A_1723 = arith.constant true
      %broadcast_in_dim3A_1724 = vector.broadcast %broadcast_in_dim3A_1723 : i1 to vector<16xi1>
      %masked_cummax3A = arith.constant -2147483648 : i32
      %masked_cummax3A_1725 = vector.broadcast %masked_cummax3A : i32 to vector<16xi32>
      %masked_cummax3A_1726 = arith.xori %select_n3A_1722, %masked_cummax3A_1725 : vector<16xi32>
      %masked_cummax3A_1727 = tpu.scan <max>, %masked_cummax3A_1726 masked %broadcast_in_dim3A_1724 : vector<16xi32>, vector<16xi1> -> vector<16xi32>
      %masked_cummax3A_1728 = arith.xori %masked_cummax3A_1727, %masked_cummax3A_1725 : vector<16xi32>
      %sub3A_1729 = arith.subi %iota3A, %masked_cummax3A_1728 : vector<16xi32>
      %add3A_1730 = arith.constant 1 : i32
      %add3A_1731 = vector.broadcast %add3A_1730 : i32 to vector<16xi32>
      %add3A_1732 = arith.addi %iota3A, %add3A_1731 : vector<16xi32>
      %min3A = arith.constant 15 : i32
      %min3A_1733 = vector.broadcast %min3A : i32 to vector<16xi32>
      %min3A_1734 = arith.minsi %add3A_1732, %min3A_1733 : vector<16xi32>
      %broadcast_in_dim3A_1735 = vector.shape_cast %min3A_1734 : vector<16xi32> to vector<16x1xi32>
      %gather3A_1736 = vector.shape_cast %broadcast_in_dim3A_1735 : vector<16x1xi32> to vector<16xi32>
      %gather3A_1737 = tpu.dynamic_gather %shift_right_logical3A_1707[%gather3A_1736] in [0] : vector<16xi32>, vector<16xi32> -> vector<16xi32>
      %eq3A_1738 = arith.constant 15 : i32
      %eq3A_1739 = vector.broadcast %eq3A_1738 : i32 to vector<16xi32>
      %eq3A_1740 = arith.cmpi eq, %iota3A, %eq3A_1739 : vector<16xi32>
      %ne3A_1741 = arith.cmpi ne, %gather3A_1737, %shift_right_logical3A_1707 : vector<16xi32>
      %or3A_1742 = arith.ori %eq3A_1740, %ne3A_1741 : vector<16xi1>
      %broadcast_in_dim3A_1743 = arith.constant 0 : i32
      %broadcast_in_dim3A_1744 = vector.broadcast %broadcast_in_dim3A_1743 : i32 to vector<16xi32>
      %swap3A_1745 = arith.constant 0 : index
      %swap3A_1746 = tpu.vector_load %arg17[%swap3A_1745] {strides = array<i32>} : memref<16xi32, #tpu.memory_space<vmem>>, vector<16xi32>,
      tpu.vector_store %arg17[%swap3A_1745], %broadcast_in_dim3A_1744 {strides = array<i32>} : memref<16xi32, #tpu.memory_space<vmem>>, vector<16xi32>,
      %add3A_1747 = arith.constant 1 : i32
      %add3A_1748 = vector.broadcast %add3A_1747 : i32 to vector<16xi32>
      %add3A_1749 = arith.addi %sub3A_1729, %add3A_1748 : vector<16xi32>
      tpu.vector_store_idx %arg17[%shift_right_logical3A_1707], %add3A_1749 masked %or3A_1742 : memref<16xi32, #tpu.memory_space<vmem>>[vector<16xi32>], vector<16xi32>, vector<16xi1>
      %mul3A_1750 = arith.constant 16 : i32
      %mul3A_1751 = arith.muli %scan3A_1688, %mul3A_1750 : i32
      %swap3A_1752 = arith.index_cast %mul3A_1751 : i32 to index
      %swap3A_1753 = tpu.vector_load %arg14[%swap3A_1752] {strides = array<i32>} : memref<1280xi32, #tpu.memory_space<vmem>>, vector<16xi32>,
      tpu.vector_store %arg14[%swap3A_1752], %shift_right_logical3A_1707 {strides = array<i32>} : memref<1280xi32, #tpu.memory_space<vmem>>, vector<16xi32>,
      %mul3A_1754 = arith.constant 16 : i32
      %mul3A_1755 = arith.muli %scan3A_1688, %mul3A_1754 : i32
      %swap3A_1756 = arith.index_cast %mul3A_1755 : i32 to index
      %swap3A_1757 = tpu.vector_load %arg15[%swap3A_1756] {strides = array<i32>} : memref<1280xi32, #tpu.memory_space<vmem>>, vector<16xi32>,
      tpu.vector_store %arg15[%swap3A_1756], %and3A_1710 {strides = array<i32>} : memref<1280xi32, #tpu.memory_space<vmem>>, vector<16xi32>,
      %mul3A_1758 = arith.constant 16 : i32
      %mul3A_1759 = arith.muli %scan3A_1688, %mul3A_1758 : i32
      %swap3A_1760 = arith.index_cast %mul3A_1759 : i32 to index
      %swap3A_1761 = tpu.vector_load %arg16[%swap3A_1760] {strides = array<i32>} : memref<1280xi32, #tpu.memory_space<vmem>>, vector<16xi32>,
      tpu.vector_store %arg16[%swap3A_1760], %sub3A_1729 {strides = array<i32>} : memref<1280xi32, #tpu.memory_space<vmem>>, vector<16xi32>,
      %mul3A_1762 = arith.constant 16 : i32
      %mul3A_1763 = arith.muli %scan3A_1688, %mul3A_1762 : i32
      %swap3A_1764 = arith.index_cast %mul3A_1763 : i32 to index
      %swap3A_1765 = tpu.vector_load %arg13[%swap3A_1764] {strides = array<i32>} : memref<1280xi32, #tpu.memory_space<vmem>>, vector<16xi32>,
      tpu.vector_store %arg13[%swap3A_1764], %scan3A_1689 {strides = array<i32>} : memref<1280xi32, #tpu.memory_space<vmem>>, vector<16xi32>,
      %get3A_1766 = arith.constant 0 : index
      %get3A_1767 = tpu.vector_load %arg17[%get3A_1766] {strides = array<i32>} : memref<16xi32, #tpu.memory_space<vmem>>, vector<16xi32>,
      %add3A_1768 = arith.addi %scan3A_1689, %get3A_1767 : vector<16xi32>
      scf.yield %add3A_1768 : vector<16xi32>
    }
    %scan3A_627 = arith.constant 80 : i32
    %swap3A_628 = arith.constant 0 : index
    %swap3A_629 = tpu.vector_load %arg18[%swap3A_628] {strides = array<i32>} : memref<16xi32, #tpu.memory_space<vmem>>, vector<16xi32>,
    tpu.vector_store %arg18[%swap3A_628], %scan3A_626 {strides = array<i32>} : memref<16xi32, #tpu.memory_space<vmem>>, vector<16xi32>,
    "tpu.region"() ({
      %run_scoped3A = tpu.sem_alloc : memref<!tpu.dma_semaphore, #tpu.memory_space<semaphore_mem>>
      %dma_start3A_1688 = arith.constant 0 : i32
      %dma_start3A_1689 = tpu.memref_slice %arg9[%arg1, %dma_start3A_1688] : memref<16x16xi32, #tpu.memory_space<vmem_shared>> -> memref<1x16xi32, #tpu.memory_space<vmem_shared>>
      %dma_start3A_1690 = tpu.memref_squeeze %dma_start3A_1689 : memref<1x16xi32, #tpu.memory_space<vmem_shared>> -> memref<16xi32, #tpu.memory_space<vmem_shared>>
      %dma_start3A_1691 = arith.constant 0 : i32
      %dma_start3A_1692 = tpu.memref_slice %arg9[%arg1, %dma_start3A_1691] : memref<16x16xi32, #tpu.memory_space<vmem_shared>> -> memref<1x16xi32, #tpu.memory_space<vmem_shared>>
      %dma_start3A_1693 = tpu.memref_squeeze %dma_start3A_1692 : memref<1x16xi32, #tpu.memory_space<vmem_shared>> -> memref<16xi32, #tpu.memory_space<vmem_shared>>
      tpu.enqueue_dma source(%arg18 : memref<16xi32, #tpu.memory_space<vmem>>) target(%dma_start3A_1693 : memref<16xi32, #tpu.memory_space<vmem_shared>>) target_semaphore(%run_scoped3A : memref<!tpu.dma_semaphore, #tpu.memory_space<semaphore_mem>>)
      %dma_wait3A_1694 = arith.constant 0 : i32
      %dma_wait3A_1695 = tpu.memref_slice %arg9[%arg1, %dma_wait3A_1694] : memref<16x16xi32, #tpu.memory_space<vmem_shared>> -> memref<1x16xi32, #tpu.memory_space<vmem_shared>>
      %dma_wait3A_1696 = tpu.memref_squeeze %dma_wait3A_1695 : memref<1x16xi32, #tpu.memory_space<vmem_shared>> -> memref<16xi32, #tpu.memory_space<vmem_shared>>
      %dma_wait3A_1697 = arith.constant 0 : i32
      %dma_wait3A_1698 = tpu.memref_slice %arg9[%arg1, %dma_wait3A_1697] : memref<16x16xi32, #tpu.memory_space<vmem_shared>> -> memref<1x16xi32, #tpu.memory_space<vmem_shared>>
      %dma_wait3A_1699 = tpu.memref_squeeze %dma_wait3A_1698 : memref<1x16xi32, #tpu.memory_space<vmem_shared>> -> memref<16xi32, #tpu.memory_space<vmem_shared>>
      tpu.wait_dma2 semaphore(%run_scoped3A : memref<!tpu.dma_semaphore, #tpu.memory_space<semaphore_mem>>) src(%arg18 : memref<16xi32, #tpu.memory_space<vmem>>) dst(%dma_wait3A_1699 : memref<16xi32, #tpu.memory_space<vmem_shared>>)
      tpu.yield
    }) : () -> ()
    %barrier3A_630 = arith.constant 0 : index
    tpu.barrier barrier_id(%barrier3A_630)
    "tpu.region"() ({
      %run_scoped3A = tpu.sem_alloc : memref<!tpu.dma_semaphore, #tpu.memory_space<semaphore_mem>>
      tpu.enqueue_dma source(%arg9 : memref<16x16xi32, #tpu.memory_space<vmem_shared>>) target(%arg19 : memref<16x16xi32, #tpu.memory_space<vmem>>) target_semaphore(%run_scoped3A : memref<!tpu.dma_semaphore, #tpu.memory_space<semaphore_mem>>)
      tpu.wait_dma2 semaphore(%run_scoped3A : memref<!tpu.dma_semaphore, #tpu.memory_space<semaphore_mem>>) src(%arg9 : memref<16x16xi32, #tpu.memory_space<vmem_shared>>) dst(%arg19 : memref<16x16xi32, #tpu.memory_space<vmem>>)
      tpu.yield
    }) : () -> ()
    %get3A_631 = arith.constant 0 : i32
    %get3A_632 = arith.index_cast %get3A_631 : i32 to index
    %get3A_633 = arith.constant 0 : index
    %get3A_634 = tpu.vector_load %arg19[%get3A_632, %get3A_633] {strides = array<i32>} : memref<16x16xi32, #tpu.memory_space<vmem>>, vector<16xi32>,
    %gt3A_635 = arith.constant 0 : i32
    %gt3A_636 = arith.cmpi sgt, %arg1, %gt3A_635 : i32
    %get3A_637 = arith.constant 0 : i32
    %get3A_638 = arith.index_cast %get3A_637 : i32 to index
    %get3A_639 = arith.constant 0 : index
    %get3A_640 = tpu.vector_load %arg19[%get3A_638, %get3A_639] {strides = array<i32>} : memref<16x16xi32, #tpu.memory_space<vmem>>, vector<16xi32>,
    %jit3A_641 = arith.constant 0 : i32
    %broadcast_in_dim3A_642 = vector.broadcast %jit3A_641 : i32 to vector<16xi32>
    %select_n3A_643 = arith.select %gt3A_636, %get3A_640, %broadcast_in_dim3A_642 : vector<16xi32>
    %get3A_644 = arith.constant 1 : i32
    %get3A_645 = arith.index_cast %get3A_644 : i32 to index
    %get3A_646 = arith.constant 0 : index
    %get3A_647 = tpu.vector_load %arg19[%get3A_645, %get3A_646] {strides = array<i32>} : memref<16x16xi32, #tpu.memory_space<vmem>>, vector<16xi32>,
    %add3A_648 = arith.addi %get3A_634, %get3A_647 : vector<16xi32>
    %gt3A_649 = arith.constant 1 : i32
    %gt3A_650 = arith.cmpi sgt, %arg1, %gt3A_649 : i32
    %jit3A_651 = arith.constant 0 : i32
    %broadcast_in_dim3A_652 = vector.broadcast %jit3A_651 : i32 to vector<16xi32>
    %select_n3A_653 = arith.select %gt3A_650, %get3A_647, %broadcast_in_dim3A_652 : vector<16xi32>
    %add3A_654 = arith.addi %select_n3A_643, %select_n3A_653 : vector<16xi32>
    %get3A_655 = arith.constant 2 : i32
    %get3A_656 = arith.index_cast %get3A_655 : i32 to index
    %get3A_657 = arith.constant 0 : index
    %get3A_658 = tpu.vector_load %arg19[%get3A_656, %get3A_657] {strides = array<i32>} : memref<16x16xi32, #tpu.memory_space<vmem>>, vector<16xi32>,
    %add3A_659 = arith.addi %add3A_648, %get3A_658 : vector<16xi32>
    %gt3A_660 = arith.constant 2 : i32
    %gt3A_661 = arith.cmpi sgt, %arg1, %gt3A_660 : i32
    %jit3A_662 = arith.constant 0 : i32
    %broadcast_in_dim3A_663 = vector.broadcast %jit3A_662 : i32 to vector<16xi32>
    %select_n3A_664 = arith.select %gt3A_661, %get3A_658, %broadcast_in_dim3A_663 : vector<16xi32>
    %add3A_665 = arith.addi %add3A_654, %select_n3A_664 : vector<16xi32>
    %get3A_666 = arith.constant 3 : i32
    %get3A_667 = arith.index_cast %get3A_666 : i32 to index
    %get3A_668 = arith.constant 0 : index
    %get3A_669 = tpu.vector_load %arg19[%get3A_667, %get3A_668] {strides = array<i32>} : memref<16x16xi32, #tpu.memory_space<vmem>>, vector<16xi32>,
    %add3A_670 = arith.addi %add3A_659, %get3A_669 : vector<16xi32>
    %gt3A_671 = arith.constant 3 : i32
    %gt3A_672 = arith.cmpi sgt, %arg1, %gt3A_671 : i32
    %jit3A_673 = arith.constant 0 : i32
    %broadcast_in_dim3A_674 = vector.broadcast %jit3A_673 : i32 to vector<16xi32>
    %select_n3A_675 = arith.select %gt3A_672, %get3A_669, %broadcast_in_dim3A_674 : vector<16xi32>
    %add3A_676 = arith.addi %add3A_665, %select_n3A_675 : vector<16xi32>
    %get3A_677 = arith.constant 4 : i32
    %get3A_678 = arith.index_cast %get3A_677 : i32 to index
    %get3A_679 = arith.constant 0 : index
    %get3A_680 = tpu.vector_load %arg19[%get3A_678, %get3A_679] {strides = array<i32>} : memref<16x16xi32, #tpu.memory_space<vmem>>, vector<16xi32>,
    %add3A_681 = arith.addi %add3A_670, %get3A_680 : vector<16xi32>
    %gt3A_682 = arith.constant 4 : i32
    %gt3A_683 = arith.cmpi sgt, %arg1, %gt3A_682 : i32
    %jit3A_684 = arith.constant 0 : i32
    %broadcast_in_dim3A_685 = vector.broadcast %jit3A_684 : i32 to vector<16xi32>
    %select_n3A_686 = arith.select %gt3A_683, %get3A_680, %broadcast_in_dim3A_685 : vector<16xi32>
    %add3A_687 = arith.addi %add3A_676, %select_n3A_686 : vector<16xi32>
    %get3A_688 = arith.constant 5 : i32
    %get3A_689 = arith.index_cast %get3A_688 : i32 to index
    %get3A_690 = arith.constant 0 : index
    %get3A_691 = tpu.vector_load %arg19[%get3A_689, %get3A_690] {strides = array<i32>} : memref<16x16xi32, #tpu.memory_space<vmem>>, vector<16xi32>,
    %add3A_692 = arith.addi %add3A_681, %get3A_691 : vector<16xi32>
    %gt3A_693 = arith.constant 5 : i32
    %gt3A_694 = arith.cmpi sgt, %arg1, %gt3A_693 : i32
    %jit3A_695 = arith.constant 0 : i32
    %broadcast_in_dim3A_696 = vector.broadcast %jit3A_695 : i32 to vector<16xi32>
    %select_n3A_697 = arith.select %gt3A_694, %get3A_691, %broadcast_in_dim3A_696 : vector<16xi32>
    %add3A_698 = arith.addi %add3A_687, %select_n3A_697 : vector<16xi32>
    %get3A_699 = arith.constant 6 : i32
    %get3A_700 = arith.index_cast %get3A_699 : i32 to index
    %get3A_701 = arith.constant 0 : index
    %get3A_702 = tpu.vector_load %arg19[%get3A_700, %get3A_701] {strides = array<i32>} : memref<16x16xi32, #tpu.memory_space<vmem>>, vector<16xi32>,
    %add3A_703 = arith.addi %add3A_692, %get3A_702 : vector<16xi32>
    %gt3A_704 = arith.constant 6 : i32
    %gt3A_705 = arith.cmpi sgt, %arg1, %gt3A_704 : i32
    %jit3A_706 = arith.constant 0 : i32
    %broadcast_in_dim3A_707 = vector.broadcast %jit3A_706 : i32 to vector<16xi32>
    %select_n3A_708 = arith.select %gt3A_705, %get3A_702, %broadcast_in_dim3A_707 : vector<16xi32>
    %add3A_709 = arith.addi %add3A_698, %select_n3A_708 : vector<16xi32>
    %get3A_710 = arith.constant 7 : i32
    %get3A_711 = arith.index_cast %get3A_710 : i32 to index
    %get3A_712 = arith.constant 0 : index
    %get3A_713 = tpu.vector_load %arg19[%get3A_711, %get3A_712] {strides = array<i32>} : memref<16x16xi32, #tpu.memory_space<vmem>>, vector<16xi32>,
    %add3A_714 = arith.addi %add3A_703, %get3A_713 : vector<16xi32>
    %gt3A_715 = arith.constant 7 : i32
    %gt3A_716 = arith.cmpi sgt, %arg1, %gt3A_715 : i32
    %jit3A_717 = arith.constant 0 : i32
    %broadcast_in_dim3A_718 = vector.broadcast %jit3A_717 : i32 to vector<16xi32>
    %select_n3A_719 = arith.select %gt3A_716, %get3A_713, %broadcast_in_dim3A_718 : vector<16xi32>
    %add3A_720 = arith.addi %add3A_709, %select_n3A_719 : vector<16xi32>
    %get3A_721 = arith.constant 8 : i32
    %get3A_722 = arith.index_cast %get3A_721 : i32 to index
    %get3A_723 = arith.constant 0 : index
    %get3A_724 = tpu.vector_load %arg19[%get3A_722, %get3A_723] {strides = array<i32>} : memref<16x16xi32, #tpu.memory_space<vmem>>, vector<16xi32>,
    %add3A_725 = arith.addi %add3A_714, %get3A_724 : vector<16xi32>
    %gt3A_726 = arith.constant 8 : i32
    %gt3A_727 = arith.cmpi sgt, %arg1, %gt3A_726 : i32
    %jit3A_728 = arith.constant 0 : i32
    %broadcast_in_dim3A_729 = vector.broadcast %jit3A_728 : i32 to vector<16xi32>
    %select_n3A_730 = arith.select %gt3A_727, %get3A_724, %broadcast_in_dim3A_729 : vector<16xi32>
    %add3A_731 = arith.addi %add3A_720, %select_n3A_730 : vector<16xi32>
    %get3A_732 = arith.constant 9 : i32
    %get3A_733 = arith.index_cast %get3A_732 : i32 to index
    %get3A_734 = arith.constant 0 : index
    %get3A_735 = tpu.vector_load %arg19[%get3A_733, %get3A_734] {strides = array<i32>} : memref<16x16xi32, #tpu.memory_space<vmem>>, vector<16xi32>,
    %add3A_736 = arith.addi %add3A_725, %get3A_735 : vector<16xi32>
    %gt3A_737 = arith.constant 9 : i32
    %gt3A_738 = arith.cmpi sgt, %arg1, %gt3A_737 : i32
    %jit3A_739 = arith.constant 0 : i32
    %broadcast_in_dim3A_740 = vector.broadcast %jit3A_739 : i32 to vector<16xi32>
    %select_n3A_741 = arith.select %gt3A_738, %get3A_735, %broadcast_in_dim3A_740 : vector<16xi32>
    %add3A_742 = arith.addi %add3A_731, %select_n3A_741 : vector<16xi32>
    %get3A_743 = arith.constant 10 : i32
    %get3A_744 = arith.index_cast %get3A_743 : i32 to index
    %get3A_745 = arith.constant 0 : index
    %get3A_746 = tpu.vector_load %arg19[%get3A_744, %get3A_745] {strides = array<i32>} : memref<16x16xi32, #tpu.memory_space<vmem>>, vector<16xi32>,
    %add3A_747 = arith.addi %add3A_736, %get3A_746 : vector<16xi32>
    %gt3A_748 = arith.constant 10 : i32
    %gt3A_749 = arith.cmpi sgt, %arg1, %gt3A_748 : i32
    %jit3A_750 = arith.constant 0 : i32
    %broadcast_in_dim3A_751 = vector.broadcast %jit3A_750 : i32 to vector<16xi32>
    %select_n3A_752 = arith.select %gt3A_749, %get3A_746, %broadcast_in_dim3A_751 : vector<16xi32>
    %add3A_753 = arith.addi %add3A_742, %select_n3A_752 : vector<16xi32>
    %get3A_754 = arith.constant 11 : i32
    %get3A_755 = arith.index_cast %get3A_754 : i32 to index
    %get3A_756 = arith.constant 0 : index
    %get3A_757 = tpu.vector_load %arg19[%get3A_755, %get3A_756] {strides = array<i32>} : memref<16x16xi32, #tpu.memory_space<vmem>>, vector<16xi32>,
    %add3A_758 = arith.addi %add3A_747, %get3A_757 : vector<16xi32>
    %gt3A_759 = arith.constant 11 : i32
    %gt3A_760 = arith.cmpi sgt, %arg1, %gt3A_759 : i32
    %jit3A_761 = arith.constant 0 : i32
    %broadcast_in_dim3A_762 = vector.broadcast %jit3A_761 : i32 to vector<16xi32>
    %select_n3A_763 = arith.select %gt3A_760, %get3A_757, %broadcast_in_dim3A_762 : vector<16xi32>
    %add3A_764 = arith.addi %add3A_753, %select_n3A_763 : vector<16xi32>
    %get3A_765 = arith.constant 12 : i32
    %get3A_766 = arith.index_cast %get3A_765 : i32 to index
    %get3A_767 = arith.constant 0 : index
    %get3A_768 = tpu.vector_load %arg19[%get3A_766, %get3A_767] {strides = array<i32>} : memref<16x16xi32, #tpu.memory_space<vmem>>, vector<16xi32>,
    %add3A_769 = arith.addi %add3A_758, %get3A_768 : vector<16xi32>
    %gt3A_770 = arith.constant 12 : i32
    %gt3A_771 = arith.cmpi sgt, %arg1, %gt3A_770 : i32
    %jit3A_772 = arith.constant 0 : i32
    %broadcast_in_dim3A_773 = vector.broadcast %jit3A_772 : i32 to vector<16xi32>
    %select_n3A_774 = arith.select %gt3A_771, %get3A_768, %broadcast_in_dim3A_773 : vector<16xi32>
    %add3A_775 = arith.addi %add3A_764, %select_n3A_774 : vector<16xi32>
    %get3A_776 = arith.constant 13 : i32
    %get3A_777 = arith.index_cast %get3A_776 : i32 to index
    %get3A_778 = arith.constant 0 : index
    %get3A_779 = tpu.vector_load %arg19[%get3A_777, %get3A_778] {strides = array<i32>} : memref<16x16xi32, #tpu.memory_space<vmem>>, vector<16xi32>,
    %add3A_780 = arith.addi %add3A_769, %get3A_779 : vector<16xi32>
    %gt3A_781 = arith.constant 13 : i32
    %gt3A_782 = arith.cmpi sgt, %arg1, %gt3A_781 : i32
    %jit3A_783 = arith.constant 0 : i32
    %broadcast_in_dim3A_784 = vector.broadcast %jit3A_783 : i32 to vector<16xi32>
    %select_n3A_785 = arith.select %gt3A_782, %get3A_779, %broadcast_in_dim3A_784 : vector<16xi32>
    %add3A_786 = arith.addi %add3A_775, %select_n3A_785 : vector<16xi32>
    %get3A_787 = arith.constant 14 : i32
    %get3A_788 = arith.index_cast %get3A_787 : i32 to index
    %get3A_789 = arith.constant 0 : index
    %get3A_790 = tpu.vector_load %arg19[%get3A_788, %get3A_789] {strides = array<i32>} : memref<16x16xi32, #tpu.memory_space<vmem>>, vector<16xi32>,
    %add3A_791 = arith.addi %add3A_780, %get3A_790 : vector<16xi32>
    %gt3A_792 = arith.constant 14 : i32
    %gt3A_793 = arith.cmpi sgt, %arg1, %gt3A_792 : i32
    %jit3A_794 = arith.constant 0 : i32
    %broadcast_in_dim3A_795 = vector.broadcast %jit3A_794 : i32 to vector<16xi32>
    %select_n3A_796 = arith.select %gt3A_793, %get3A_790, %broadcast_in_dim3A_795 : vector<16xi32>
    %add3A_797 = arith.addi %add3A_786, %select_n3A_796 : vector<16xi32>
    %get3A_798 = arith.constant 15 : i32
    %get3A_799 = arith.index_cast %get3A_798 : i32 to index
    %get3A_800 = arith.constant 0 : index
    %get3A_801 = tpu.vector_load %arg19[%get3A_799, %get3A_800] {strides = array<i32>} : memref<16x16xi32, #tpu.memory_space<vmem>>, vector<16xi32>,
    %add3A_802 = arith.addi %add3A_791, %get3A_801 : vector<16xi32>
    %gt3A_803 = arith.constant 15 : i32
    %gt3A_804 = arith.cmpi sgt, %arg1, %gt3A_803 : i32
    %jit3A_805 = arith.constant 0 : i32
    %broadcast_in_dim3A_806 = vector.broadcast %jit3A_805 : i32 to vector<16xi32>
    %select_n3A_807 = arith.select %gt3A_804, %get3A_801, %broadcast_in_dim3A_806 : vector<16xi32>
    %add3A_808 = arith.addi %add3A_797, %select_n3A_807 : vector<16xi32>
    %broadcast_in_dim3A_809 = arith.constant true
    %broadcast_in_dim3A_810 = vector.broadcast %broadcast_in_dim3A_809 : i1 to vector<16xi1>
    %masked_cumsum3A_811 = tpu.scan <sum>, %add3A_802 masked %broadcast_in_dim3A_810 : vector<16xi32>, vector<16xi1> -> vector<16xi32>
    %sub3A_812 = arith.subi %masked_cumsum3A_811, %add3A_802 : vector<16xi32>
    %add3A_813 = arith.addi %sub3A_812, %add3A_808 : vector<16xi32>
    %scan3A_814 = arith.constant 0 : i32
    %scan3A_815 = arith.constant 0 : i32
    %scan3A_816 = arith.constant 80 : i32
    %scan3A_817 = arith.addi %scan3A_815, %scan3A_816 : i32
    %scan3A_818 = arith.constant 1 : i32
    scf.for %scan3A_1688 = %scan3A_815 to %scan3A_817 step %scan3A_818  : i32 {
      %mul3A_1689 = arith.constant 16 : i32
      %mul3A_1690 = arith.muli %scan3A_1688, %mul3A_1689 : i32
      %get3A_1691 = arith.index_cast %mul3A_1690 : i32 to index
      %get3A_1692 = tpu.vector_load %arg11[%get3A_1691] {strides = array<i32>} : memref<1280xi32, #tpu.memory_space<vmem>>, vector<16xi32>,
      %mul3A_1693 = arith.constant 16 : i32
      %mul3A_1694 = arith.muli %scan3A_1688, %mul3A_1693 : i32
      %get3A_1695 = arith.index_cast %mul3A_1694 : i32 to index
      %get3A_1696 = tpu.vector_load %arg14[%get3A_1695] {strides = array<i32>} : memref<1280xi32, #tpu.memory_space<vmem>>, vector<16xi32>,
      %mul3A_1697 = arith.constant 16 : i32
      %mul3A_1698 = arith.muli %scan3A_1688, %mul3A_1697 : i32
      %get3A_1699 = arith.index_cast %mul3A_1698 : i32 to index
      %get3A_1700 = tpu.vector_load %arg15[%get3A_1699] {strides = array<i32>} : memref<1280xi32, #tpu.memory_space<vmem>>, vector<16xi32>,
      %mul3A_1701 = arith.constant 16 : i32
      %mul3A_1702 = arith.muli %scan3A_1688, %mul3A_1701 : i32
      %get3A_1703 = arith.index_cast %mul3A_1702 : i32 to index
      %get3A_1704 = tpu.vector_load %arg16[%get3A_1703] {strides = array<i32>} : memref<1280xi32, #tpu.memory_space<vmem>>, vector<16xi32>,
      %mul3A_1705 = arith.constant 16 : i32
      %mul3A_1706 = arith.muli %scan3A_1688, %mul3A_1705 : i32
      %get3A_1707 = arith.index_cast %mul3A_1706 : i32 to index
      %get3A_1708 = tpu.vector_load %arg13[%get3A_1707] {strides = array<i32>} : memref<1280xi32, #tpu.memory_space<vmem>>, vector<16xi32>,
      %add3A_1709 = arith.addi %add3A_813, %get3A_1708 : vector<16xi32>
      %broadcast_in_dim3A_1710 = vector.shape_cast %get3A_1696 : vector<16xi32> to vector<16x1xi32>
      %gather3A = vector.shape_cast %broadcast_in_dim3A_1710 : vector<16x1xi32> to vector<16xi32>
      %gather3A_1711 = tpu.dynamic_gather %add3A_1709[%gather3A] in [0] : vector<16xi32>, vector<16xi32> -> vector<16xi32>
      %add3A_1712 = arith.addi %gather3A_1711, %get3A_1704 : vector<16xi32>
      %broadcast_in_dim3A_1713 = vector.shape_cast %get3A_1700 : vector<16xi32> to vector<16x1xi32>
      %gather3A_1714 = vector.shape_cast %broadcast_in_dim3A_1713 : vector<16x1xi32> to vector<16xi32>
      %gather3A_1715 = tpu.dynamic_gather %get3A_1692[%gather3A_1714] in [0] : vector<16xi32>, vector<16xi32> -> vector<16xi32>
      %mul3A_1716 = arith.constant 16 : i32
      %mul3A_1717 = arith.muli %scan3A_1688, %mul3A_1716 : i32
      %swap3A_1718 = arith.index_cast %mul3A_1717 : i32 to index
      %swap3A_1719 = tpu.vector_load %arg12[%swap3A_1718] {strides = array<i32>} : memref<1280xi32, #tpu.memory_space<vmem>>, vector<16xi32>,
      tpu.vector_store %arg12[%swap3A_1718], %gather3A_1715 {strides = array<i32>} : memref<1280xi32, #tpu.memory_space<vmem>>, vector<16xi32>,
      %mul3A_1720 = arith.constant 16 : i32
      %mul3A_1721 = arith.muli %scan3A_1688, %mul3A_1720 : i32
      %swap3A_1722 = arith.index_cast %mul3A_1721 : i32 to index
      %swap3A_1723 = tpu.vector_load %arg13[%swap3A_1722] {strides = array<i32>} : memref<1280xi32, #tpu.memory_space<vmem>>, vector<16xi32>,
      tpu.vector_store %arg13[%swap3A_1722], %add3A_1712 {strides = array<i32>} : memref<1280xi32, #tpu.memory_space<vmem>>, vector<16xi32>,
    }
    %scan3A_819 = arith.constant 80 : i32
    %dma_start3A_820 = arith.constant 0 : i32
    %dma_start3A_821 = tpu.memref_slice %arg7[%dma_start3A_820] : memref<20480xi32, #tpu.memory_space<vmem_shared>> -> memref<20480xi32, #tpu.memory_space<vmem_shared>>
    tpu.enqueue_indirect_dma source(%arg12 : memref<1280xi32, #tpu.memory_space<vmem>>) target(%dma_start3A_821 : memref<20480xi32, #tpu.memory_space<vmem_shared>>) offsets(%arg13 : memref<1280xi32, #tpu.memory_space<vmem>>) semaphore(%arg23 : memref<!tpu.dma_semaphore, #tpu.memory_space<semaphore_mem>>)
    %dma_wait3A_822 = arith.constant 0 : i32
    %dma_wait3A_823 = tpu.memref_slice %arg7[%dma_wait3A_822] : memref<20480xi32, #tpu.memory_space<vmem_shared>> -> memref<20480xi32, #tpu.memory_space<vmem_shared>>
    tpu.wait_indirect_dma semaphore(%arg23 : memref<!tpu.dma_semaphore, #tpu.memory_space<semaphore_mem>>) src(%arg12 : memref<1280xi32, #tpu.memory_space<vmem>>) dst(%dma_wait3A_823 : memref<20480xi32, #tpu.memory_space<vmem_shared>>)
    %barrier3A_824 = arith.constant 0 : index
    tpu.barrier barrier_id(%barrier3A_824)
    "tpu.region"() ({
      %run_scoped3A = tpu.sem_alloc : memref<!tpu.dma_semaphore, #tpu.memory_space<semaphore_mem>>
      %dma_start3A_1688 = tpu.memref_slice %arg7[%mul3A_0] : memref<20480xi32, #tpu.memory_space<vmem_shared>> -> memref<1280xi32, #tpu.memory_space<vmem_shared>>
      %dma_start3A_1689 = tpu.memref_slice %arg7[%mul3A_0] : memref<20480xi32, #tpu.memory_space<vmem_shared>> -> memref<1280xi32, #tpu.memory_space<vmem_shared>>
      tpu.enqueue_dma source(%dma_start3A_1689 : memref<1280xi32, #tpu.memory_space<vmem_shared>>) target(%arg11 : memref<1280xi32, #tpu.memory_space<vmem>>) target_semaphore(%run_scoped3A : memref<!tpu.dma_semaphore, #tpu.memory_space<semaphore_mem>>)
      %dma_wait3A_1690 = tpu.memref_slice %arg7[%mul3A_0] : memref<20480xi32, #tpu.memory_space<vmem_shared>> -> memref<1280xi32, #tpu.memory_space<vmem_shared>>
      %dma_wait3A_1691 = tpu.memref_slice %arg7[%mul3A_0] : memref<20480xi32, #tpu.memory_space<vmem_shared>> -> memref<1280xi32, #tpu.memory_space<vmem_shared>>
      tpu.wait_dma2 semaphore(%run_scoped3A : memref<!tpu.dma_semaphore, #tpu.memory_space<semaphore_mem>>) src(%dma_wait3A_1691 : memref<1280xi32, #tpu.memory_space<vmem_shared>>) dst(%arg11 : memref<1280xi32, #tpu.memory_space<vmem>>)
      tpu.yield
    }) : () -> ()
    %dma_start3A_825 = arith.constant 0 : i32
    %dma_start3A_826 = tpu.memref_slice %arg6[%dma_start3A_825] : memref<20480xi32, #tpu.memory_space<vmem_shared>> -> memref<20480xi32, #tpu.memory_space<vmem_shared>>
    tpu.enqueue_indirect_dma source(%dma_start3A_826 : memref<20480xi32, #tpu.memory_space<vmem_shared>>) target(%arg10 : memref<1280xi32, #tpu.memory_space<vmem>>) offsets(%arg11 : memref<1280xi32, #tpu.memory_space<vmem>>) semaphore(%arg23 : memref<!tpu.dma_semaphore, #tpu.memory_space<semaphore_mem>>)
    %dma_wait3A_827 = arith.constant 0 : i32
    %dma_wait3A_828 = tpu.memref_slice %arg6[%dma_wait3A_827] : memref<20480xi32, #tpu.memory_space<vmem_shared>> -> memref<20480xi32, #tpu.memory_space<vmem_shared>>
    tpu.wait_indirect_dma semaphore(%arg23 : memref<!tpu.dma_semaphore, #tpu.memory_space<semaphore_mem>>) src(%dma_wait3A_828 : memref<20480xi32, #tpu.memory_space<vmem_shared>>) dst(%arg10 : memref<1280xi32, #tpu.memory_space<vmem>>)
    %broadcast_in_dim3A_829 = arith.constant 0 : i32
    %broadcast_in_dim3A_830 = vector.broadcast %broadcast_in_dim3A_829 : i32 to vector<16xi32>
    %scan3A_831 = arith.constant 0 : i32
    %scan3A_832 = arith.constant 80 : i32
    %scan3A_833 = arith.addi %scan3A_831, %scan3A_832 : i32
    %scan3A_834 = arith.constant 1 : i32
    %scan3A_835 = scf.for %scan3A_1688 = %scan3A_831 to %scan3A_833 step %scan3A_834 iter_args(%scan3A_1689 = %broadcast_in_dim3A_830) -> (vector<16xi32>)  : i32 {
      %mul3A_1690 = arith.constant 16 : i32
      %mul3A_1691 = arith.muli %scan3A_1688, %mul3A_1690 : i32
      %get3A_1692 = arith.index_cast %mul3A_1691 : i32 to index
      %get3A_1693 = tpu.vector_load %arg10[%get3A_1692] {strides = array<i32>} : memref<1280xi32, #tpu.memory_space<vmem>>, vector<16xi32>,
      %shift_right_logical3A = arith.constant 16 : i32
      %shift_right_logical3A_1694 = vector.broadcast %shift_right_logical3A : i32 to vector<16xi32>
      %shift_right_logical3A_1695 = arith.shrui %get3A_1693, %shift_right_logical3A_1694 : vector<16xi32>
      %and3A = arith.constant 15 : i32
      %and3A_1696 = vector.broadcast %and3A : i32 to vector<16xi32>
      %and3A_1697 = arith.andi %shift_right_logical3A_1695, %and3A_1696 : vector<16xi32>
      %mul3A_1698 = arith.constant 16 : i32
      %mul3A_1699 = vector.broadcast %mul3A_1698 : i32 to vector<16xi32>
      %mul3A_1700 = arith.muli %and3A_1697, %mul3A_1699 : vector<16xi32>
      %add3A_1701 = arith.addi %mul3A_1700, %iota3A : vector<16xi32>
      %sort3A = arith.constant dense<true> : vector<16xi1>
      %sort3A_1702, %sort3A_1703, %sort3A_1704 = tpu.sort %add3A_1701, %add3A_1701 masked %sort3A : (vector<16xi32>, vector<16xi32>, vector<16xi1>) -> (vector<16xi1>, vector<16xi32>, vector<16xi32>)
      %shift_right_logical3A_1705 = arith.constant 4 : i32
      %shift_right_logical3A_1706 = vector.broadcast %shift_right_logical3A_1705 : i32 to vector<16xi32>
      %shift_right_logical3A_1707 = arith.shrui %sort3A_1703, %shift_right_logical3A_1706 : vector<16xi32>
      %and3A_1708 = arith.constant 15 : i32
      %and3A_1709 = vector.broadcast %and3A_1708 : i32 to vector<16xi32>
      %and3A_1710 = arith.andi %sort3A_1703, %and3A_1709 : vector<16xi32>
      %sub3A_1711 = arith.constant 1 : i32
      %sub3A_1712 = vector.broadcast %sub3A_1711 : i32 to vector<16xi32>
      %sub3A_1713 = arith.subi %iota3A, %sub3A_1712 : vector<16xi32>
      %max3A = arith.constant 0 : i32
      %max3A_1714 = vector.broadcast %max3A : i32 to vector<16xi32>
      %max3A_1715 = arith.maxsi %sub3A_1713, %max3A_1714 : vector<16xi32>
      %broadcast_in_dim3A_1716 = vector.shape_cast %max3A_1715 : vector<16xi32> to vector<16x1xi32>
      %gather3A = vector.shape_cast %broadcast_in_dim3A_1716 : vector<16x1xi32> to vector<16xi32>
      %gather3A_1717 = tpu.dynamic_gather %shift_right_logical3A_1707[%gather3A] in [0] : vector<16xi32>, vector<16xi32> -> vector<16xi32>
      %eq3A = arith.constant 0 : i32
      %eq3A_1718 = vector.broadcast %eq3A : i32 to vector<16xi32>
      %eq3A_1719 = arith.cmpi eq, %iota3A, %eq3A_1718 : vector<16xi32>
      %ne3A = arith.cmpi ne, %shift_right_logical3A_1707, %gather3A_1717 : vector<16xi32>
      %or3A = arith.ori %eq3A_1719, %ne3A : vector<16xi1>
      %jit3A_1720 = arith.constant 0 : i32
      %broadcast_in_dim3A_1721 = vector.broadcast %jit3A_1720 : i32 to vector<16xi32>
      %select_n3A_1722 = arith.select %or3A, %iota3A, %broadcast_in_dim3A_1721 : vector<16xi1>, vector<16xi32>
      %broadcast_in_dim3A_1723 = arith.constant true
      %broadcast_in_dim3A_1724 = vector.broadcast %broadcast_in_dim3A_1723 : i1 to vector<16xi1>
      %masked_cummax3A = arith.constant -2147483648 : i32
      %masked_cummax3A_1725 = vector.broadcast %masked_cummax3A : i32 to vector<16xi32>
      %masked_cummax3A_1726 = arith.xori %select_n3A_1722, %masked_cummax3A_1725 : vector<16xi32>
      %masked_cummax3A_1727 = tpu.scan <max>, %masked_cummax3A_1726 masked %broadcast_in_dim3A_1724 : vector<16xi32>, vector<16xi1> -> vector<16xi32>
      %masked_cummax3A_1728 = arith.xori %masked_cummax3A_1727, %masked_cummax3A_1725 : vector<16xi32>
      %sub3A_1729 = arith.subi %iota3A, %masked_cummax3A_1728 : vector<16xi32>
      %add3A_1730 = arith.constant 1 : i32
      %add3A_1731 = vector.broadcast %add3A_1730 : i32 to vector<16xi32>
      %add3A_1732 = arith.addi %iota3A, %add3A_1731 : vector<16xi32>
      %min3A = arith.constant 15 : i32
      %min3A_1733 = vector.broadcast %min3A : i32 to vector<16xi32>
      %min3A_1734 = arith.minsi %add3A_1732, %min3A_1733 : vector<16xi32>
      %broadcast_in_dim3A_1735 = vector.shape_cast %min3A_1734 : vector<16xi32> to vector<16x1xi32>
      %gather3A_1736 = vector.shape_cast %broadcast_in_dim3A_1735 : vector<16x1xi32> to vector<16xi32>
      %gather3A_1737 = tpu.dynamic_gather %shift_right_logical3A_1707[%gather3A_1736] in [0] : vector<16xi32>, vector<16xi32> -> vector<16xi32>
      %eq3A_1738 = arith.constant 15 : i32
      %eq3A_1739 = vector.broadcast %eq3A_1738 : i32 to vector<16xi32>
      %eq3A_1740 = arith.cmpi eq, %iota3A, %eq3A_1739 : vector<16xi32>
      %ne3A_1741 = arith.cmpi ne, %gather3A_1737, %shift_right_logical3A_1707 : vector<16xi32>
      %or3A_1742 = arith.ori %eq3A_1740, %ne3A_1741 : vector<16xi1>
      %broadcast_in_dim3A_1743 = arith.constant 0 : i32
      %broadcast_in_dim3A_1744 = vector.broadcast %broadcast_in_dim3A_1743 : i32 to vector<16xi32>
      %swap3A_1745 = arith.constant 0 : index
      %swap3A_1746 = tpu.vector_load %arg17[%swap3A_1745] {strides = array<i32>} : memref<16xi32, #tpu.memory_space<vmem>>, vector<16xi32>,
      tpu.vector_store %arg17[%swap3A_1745], %broadcast_in_dim3A_1744 {strides = array<i32>} : memref<16xi32, #tpu.memory_space<vmem>>, vector<16xi32>,
      %add3A_1747 = arith.constant 1 : i32
      %add3A_1748 = vector.broadcast %add3A_1747 : i32 to vector<16xi32>
      %add3A_1749 = arith.addi %sub3A_1729, %add3A_1748 : vector<16xi32>
      tpu.vector_store_idx %arg17[%shift_right_logical3A_1707], %add3A_1749 masked %or3A_1742 : memref<16xi32, #tpu.memory_space<vmem>>[vector<16xi32>], vector<16xi32>, vector<16xi1>
      %mul3A_1750 = arith.constant 16 : i32
      %mul3A_1751 = arith.muli %scan3A_1688, %mul3A_1750 : i32
      %swap3A_1752 = arith.index_cast %mul3A_1751 : i32 to index
      %swap3A_1753 = tpu.vector_load %arg14[%swap3A_1752] {strides = array<i32>} : memref<1280xi32, #tpu.memory_space<vmem>>, vector<16xi32>,
      tpu.vector_store %arg14[%swap3A_1752], %shift_right_logical3A_1707 {strides = array<i32>} : memref<1280xi32, #tpu.memory_space<vmem>>, vector<16xi32>,
      %mul3A_1754 = arith.constant 16 : i32
      %mul3A_1755 = arith.muli %scan3A_1688, %mul3A_1754 : i32
      %swap3A_1756 = arith.index_cast %mul3A_1755 : i32 to index
      %swap3A_1757 = tpu.vector_load %arg15[%swap3A_1756] {strides = array<i32>} : memref<1280xi32, #tpu.memory_space<vmem>>, vector<16xi32>,
      tpu.vector_store %arg15[%swap3A_1756], %and3A_1710 {strides = array<i32>} : memref<1280xi32, #tpu.memory_space<vmem>>, vector<16xi32>,
      %mul3A_1758 = arith.constant 16 : i32
      %mul3A_1759 = arith.muli %scan3A_1688, %mul3A_1758 : i32
      %swap3A_1760 = arith.index_cast %mul3A_1759 : i32 to index
      %swap3A_1761 = tpu.vector_load %arg16[%swap3A_1760] {strides = array<i32>} : memref<1280xi32, #tpu.memory_space<vmem>>, vector<16xi32>,
      tpu.vector_store %arg16[%swap3A_1760], %sub3A_1729 {strides = array<i32>} : memref<1280xi32, #tpu.memory_space<vmem>>, vector<16xi32>,
      %mul3A_1762 = arith.constant 16 : i32
      %mul3A_1763 = arith.muli %scan3A_1688, %mul3A_1762 : i32
      %swap3A_1764 = arith.index_cast %mul3A_1763 : i32 to index
      %swap3A_1765 = tpu.vector_load %arg13[%swap3A_1764] {strides = array<i32>} : memref<1280xi32, #tpu.memory_space<vmem>>, vector<16xi32>,
      tpu.vector_store %arg13[%swap3A_1764], %scan3A_1689 {strides = array<i32>} : memref<1280xi32, #tpu.memory_space<vmem>>, vector<16xi32>,
      %get3A_1766 = arith.constant 0 : index
      %get3A_1767 = tpu.vector_load %arg17[%get3A_1766] {strides = array<i32>} : memref<16xi32, #tpu.memory_space<vmem>>, vector<16xi32>,
      %add3A_1768 = arith.addi %scan3A_1689, %get3A_1767 : vector<16xi32>
      scf.yield %add3A_1768 : vector<16xi32>
    }
    %scan3A_836 = arith.constant 80 : i32
    %swap3A_837 = arith.constant 0 : index
    %swap3A_838 = tpu.vector_load %arg18[%swap3A_837] {strides = array<i32>} : memref<16xi32, #tpu.memory_space<vmem>>, vector<16xi32>,
    tpu.vector_store %arg18[%swap3A_837], %scan3A_835 {strides = array<i32>} : memref<16xi32, #tpu.memory_space<vmem>>, vector<16xi32>,
    "tpu.region"() ({
      %run_scoped3A = tpu.sem_alloc : memref<!tpu.dma_semaphore, #tpu.memory_space<semaphore_mem>>
      %dma_start3A_1688 = arith.constant 0 : i32
      %dma_start3A_1689 = tpu.memref_slice %arg9[%arg1, %dma_start3A_1688] : memref<16x16xi32, #tpu.memory_space<vmem_shared>> -> memref<1x16xi32, #tpu.memory_space<vmem_shared>>
      %dma_start3A_1690 = tpu.memref_squeeze %dma_start3A_1689 : memref<1x16xi32, #tpu.memory_space<vmem_shared>> -> memref<16xi32, #tpu.memory_space<vmem_shared>>
      %dma_start3A_1691 = arith.constant 0 : i32
      %dma_start3A_1692 = tpu.memref_slice %arg9[%arg1, %dma_start3A_1691] : memref<16x16xi32, #tpu.memory_space<vmem_shared>> -> memref<1x16xi32, #tpu.memory_space<vmem_shared>>
      %dma_start3A_1693 = tpu.memref_squeeze %dma_start3A_1692 : memref<1x16xi32, #tpu.memory_space<vmem_shared>> -> memref<16xi32, #tpu.memory_space<vmem_shared>>
      tpu.enqueue_dma source(%arg18 : memref<16xi32, #tpu.memory_space<vmem>>) target(%dma_start3A_1693 : memref<16xi32, #tpu.memory_space<vmem_shared>>) target_semaphore(%run_scoped3A : memref<!tpu.dma_semaphore, #tpu.memory_space<semaphore_mem>>)
      %dma_wait3A_1694 = arith.constant 0 : i32
      %dma_wait3A_1695 = tpu.memref_slice %arg9[%arg1, %dma_wait3A_1694] : memref<16x16xi32, #tpu.memory_space<vmem_shared>> -> memref<1x16xi32, #tpu.memory_space<vmem_shared>>
      %dma_wait3A_1696 = tpu.memref_squeeze %dma_wait3A_1695 : memref<1x16xi32, #tpu.memory_space<vmem_shared>> -> memref<16xi32, #tpu.memory_space<vmem_shared>>
      %dma_wait3A_1697 = arith.constant 0 : i32
      %dma_wait3A_1698 = tpu.memref_slice %arg9[%arg1, %dma_wait3A_1697] : memref<16x16xi32, #tpu.memory_space<vmem_shared>> -> memref<1x16xi32, #tpu.memory_space<vmem_shared>>
      %dma_wait3A_1699 = tpu.memref_squeeze %dma_wait3A_1698 : memref<1x16xi32, #tpu.memory_space<vmem_shared>> -> memref<16xi32, #tpu.memory_space<vmem_shared>>
      tpu.wait_dma2 semaphore(%run_scoped3A : memref<!tpu.dma_semaphore, #tpu.memory_space<semaphore_mem>>) src(%arg18 : memref<16xi32, #tpu.memory_space<vmem>>) dst(%dma_wait3A_1699 : memref<16xi32, #tpu.memory_space<vmem_shared>>)
      tpu.yield
    }) : () -> ()
    %barrier3A_839 = arith.constant 0 : index
    tpu.barrier barrier_id(%barrier3A_839)
    "tpu.region"() ({
      %run_scoped3A = tpu.sem_alloc : memref<!tpu.dma_semaphore, #tpu.memory_space<semaphore_mem>>
      tpu.enqueue_dma source(%arg9 : memref<16x16xi32, #tpu.memory_space<vmem_shared>>) target(%arg19 : memref<16x16xi32, #tpu.memory_space<vmem>>) target_semaphore(%run_scoped3A : memref<!tpu.dma_semaphore, #tpu.memory_space<semaphore_mem>>)
      tpu.wait_dma2 semaphore(%run_scoped3A : memref<!tpu.dma_semaphore, #tpu.memory_space<semaphore_mem>>) src(%arg9 : memref<16x16xi32, #tpu.memory_space<vmem_shared>>) dst(%arg19 : memref<16x16xi32, #tpu.memory_space<vmem>>)
      tpu.yield
    }) : () -> ()
    %get3A_840 = arith.constant 0 : i32
    %get3A_841 = arith.index_cast %get3A_840 : i32 to index
    %get3A_842 = arith.constant 0 : index
    %get3A_843 = tpu.vector_load %arg19[%get3A_841, %get3A_842] {strides = array<i32>} : memref<16x16xi32, #tpu.memory_space<vmem>>, vector<16xi32>,
    %gt3A_844 = arith.constant 0 : i32
    %gt3A_845 = arith.cmpi sgt, %arg1, %gt3A_844 : i32
    %get3A_846 = arith.constant 0 : i32
    %get3A_847 = arith.index_cast %get3A_846 : i32 to index
    %get3A_848 = arith.constant 0 : index
    %get3A_849 = tpu.vector_load %arg19[%get3A_847, %get3A_848] {strides = array<i32>} : memref<16x16xi32, #tpu.memory_space<vmem>>, vector<16xi32>,
    %jit3A_850 = arith.constant 0 : i32
    %broadcast_in_dim3A_851 = vector.broadcast %jit3A_850 : i32 to vector<16xi32>
    %select_n3A_852 = arith.select %gt3A_845, %get3A_849, %broadcast_in_dim3A_851 : vector<16xi32>
    %get3A_853 = arith.constant 1 : i32
    %get3A_854 = arith.index_cast %get3A_853 : i32 to index
    %get3A_855 = arith.constant 0 : index
    %get3A_856 = tpu.vector_load %arg19[%get3A_854, %get3A_855] {strides = array<i32>} : memref<16x16xi32, #tpu.memory_space<vmem>>, vector<16xi32>,
    %add3A_857 = arith.addi %get3A_843, %get3A_856 : vector<16xi32>
    %gt3A_858 = arith.constant 1 : i32
    %gt3A_859 = arith.cmpi sgt, %arg1, %gt3A_858 : i32
    %jit3A_860 = arith.constant 0 : i32
    %broadcast_in_dim3A_861 = vector.broadcast %jit3A_860 : i32 to vector<16xi32>
    %select_n3A_862 = arith.select %gt3A_859, %get3A_856, %broadcast_in_dim3A_861 : vector<16xi32>
    %add3A_863 = arith.addi %select_n3A_852, %select_n3A_862 : vector<16xi32>
    %get3A_864 = arith.constant 2 : i32
    %get3A_865 = arith.index_cast %get3A_864 : i32 to index
    %get3A_866 = arith.constant 0 : index
    %get3A_867 = tpu.vector_load %arg19[%get3A_865, %get3A_866] {strides = array<i32>} : memref<16x16xi32, #tpu.memory_space<vmem>>, vector<16xi32>,
    %add3A_868 = arith.addi %add3A_857, %get3A_867 : vector<16xi32>
    %gt3A_869 = arith.constant 2 : i32
    %gt3A_870 = arith.cmpi sgt, %arg1, %gt3A_869 : i32
    %jit3A_871 = arith.constant 0 : i32
    %broadcast_in_dim3A_872 = vector.broadcast %jit3A_871 : i32 to vector<16xi32>
    %select_n3A_873 = arith.select %gt3A_870, %get3A_867, %broadcast_in_dim3A_872 : vector<16xi32>
    %add3A_874 = arith.addi %add3A_863, %select_n3A_873 : vector<16xi32>
    %get3A_875 = arith.constant 3 : i32
    %get3A_876 = arith.index_cast %get3A_875 : i32 to index
    %get3A_877 = arith.constant 0 : index
    %get3A_878 = tpu.vector_load %arg19[%get3A_876, %get3A_877] {strides = array<i32>} : memref<16x16xi32, #tpu.memory_space<vmem>>, vector<16xi32>,
    %add3A_879 = arith.addi %add3A_868, %get3A_878 : vector<16xi32>
    %gt3A_880 = arith.constant 3 : i32
    %gt3A_881 = arith.cmpi sgt, %arg1, %gt3A_880 : i32
    %jit3A_882 = arith.constant 0 : i32
    %broadcast_in_dim3A_883 = vector.broadcast %jit3A_882 : i32 to vector<16xi32>
    %select_n3A_884 = arith.select %gt3A_881, %get3A_878, %broadcast_in_dim3A_883 : vector<16xi32>
    %add3A_885 = arith.addi %add3A_874, %select_n3A_884 : vector<16xi32>
    %get3A_886 = arith.constant 4 : i32
    %get3A_887 = arith.index_cast %get3A_886 : i32 to index
    %get3A_888 = arith.constant 0 : index
    %get3A_889 = tpu.vector_load %arg19[%get3A_887, %get3A_888] {strides = array<i32>} : memref<16x16xi32, #tpu.memory_space<vmem>>, vector<16xi32>,
    %add3A_890 = arith.addi %add3A_879, %get3A_889 : vector<16xi32>
    %gt3A_891 = arith.constant 4 : i32
    %gt3A_892 = arith.cmpi sgt, %arg1, %gt3A_891 : i32
    %jit3A_893 = arith.constant 0 : i32
    %broadcast_in_dim3A_894 = vector.broadcast %jit3A_893 : i32 to vector<16xi32>
    %select_n3A_895 = arith.select %gt3A_892, %get3A_889, %broadcast_in_dim3A_894 : vector<16xi32>
    %add3A_896 = arith.addi %add3A_885, %select_n3A_895 : vector<16xi32>
    %get3A_897 = arith.constant 5 : i32
    %get3A_898 = arith.index_cast %get3A_897 : i32 to index
    %get3A_899 = arith.constant 0 : index
    %get3A_900 = tpu.vector_load %arg19[%get3A_898, %get3A_899] {strides = array<i32>} : memref<16x16xi32, #tpu.memory_space<vmem>>, vector<16xi32>,
    %add3A_901 = arith.addi %add3A_890, %get3A_900 : vector<16xi32>
    %gt3A_902 = arith.constant 5 : i32
    %gt3A_903 = arith.cmpi sgt, %arg1, %gt3A_902 : i32
    %jit3A_904 = arith.constant 0 : i32
    %broadcast_in_dim3A_905 = vector.broadcast %jit3A_904 : i32 to vector<16xi32>
    %select_n3A_906 = arith.select %gt3A_903, %get3A_900, %broadcast_in_dim3A_905 : vector<16xi32>
    %add3A_907 = arith.addi %add3A_896, %select_n3A_906 : vector<16xi32>
    %get3A_908 = arith.constant 6 : i32
    %get3A_909 = arith.index_cast %get3A_908 : i32 to index
    %get3A_910 = arith.constant 0 : index
    %get3A_911 = tpu.vector_load %arg19[%get3A_909, %get3A_910] {strides = array<i32>} : memref<16x16xi32, #tpu.memory_space<vmem>>, vector<16xi32>,
    %add3A_912 = arith.addi %add3A_901, %get3A_911 : vector<16xi32>
    %gt3A_913 = arith.constant 6 : i32
    %gt3A_914 = arith.cmpi sgt, %arg1, %gt3A_913 : i32
    %jit3A_915 = arith.constant 0 : i32
    %broadcast_in_dim3A_916 = vector.broadcast %jit3A_915 : i32 to vector<16xi32>
    %select_n3A_917 = arith.select %gt3A_914, %get3A_911, %broadcast_in_dim3A_916 : vector<16xi32>
    %add3A_918 = arith.addi %add3A_907, %select_n3A_917 : vector<16xi32>
    %get3A_919 = arith.constant 7 : i32
    %get3A_920 = arith.index_cast %get3A_919 : i32 to index
    %get3A_921 = arith.constant 0 : index
    %get3A_922 = tpu.vector_load %arg19[%get3A_920, %get3A_921] {strides = array<i32>} : memref<16x16xi32, #tpu.memory_space<vmem>>, vector<16xi32>,
    %add3A_923 = arith.addi %add3A_912, %get3A_922 : vector<16xi32>
    %gt3A_924 = arith.constant 7 : i32
    %gt3A_925 = arith.cmpi sgt, %arg1, %gt3A_924 : i32
    %jit3A_926 = arith.constant 0 : i32
    %broadcast_in_dim3A_927 = vector.broadcast %jit3A_926 : i32 to vector<16xi32>
    %select_n3A_928 = arith.select %gt3A_925, %get3A_922, %broadcast_in_dim3A_927 : vector<16xi32>
    %add3A_929 = arith.addi %add3A_918, %select_n3A_928 : vector<16xi32>
    %get3A_930 = arith.constant 8 : i32
    %get3A_931 = arith.index_cast %get3A_930 : i32 to index
    %get3A_932 = arith.constant 0 : index
    %get3A_933 = tpu.vector_load %arg19[%get3A_931, %get3A_932] {strides = array<i32>} : memref<16x16xi32, #tpu.memory_space<vmem>>, vector<16xi32>,
    %add3A_934 = arith.addi %add3A_923, %get3A_933 : vector<16xi32>
    %gt3A_935 = arith.constant 8 : i32
    %gt3A_936 = arith.cmpi sgt, %arg1, %gt3A_935 : i32
    %jit3A_937 = arith.constant 0 : i32
    %broadcast_in_dim3A_938 = vector.broadcast %jit3A_937 : i32 to vector<16xi32>
    %select_n3A_939 = arith.select %gt3A_936, %get3A_933, %broadcast_in_dim3A_938 : vector<16xi32>
    %add3A_940 = arith.addi %add3A_929, %select_n3A_939 : vector<16xi32>
    %get3A_941 = arith.constant 9 : i32
    %get3A_942 = arith.index_cast %get3A_941 : i32 to index
    %get3A_943 = arith.constant 0 : index
    %get3A_944 = tpu.vector_load %arg19[%get3A_942, %get3A_943] {strides = array<i32>} : memref<16x16xi32, #tpu.memory_space<vmem>>, vector<16xi32>,
    %add3A_945 = arith.addi %add3A_934, %get3A_944 : vector<16xi32>
    %gt3A_946 = arith.constant 9 : i32
    %gt3A_947 = arith.cmpi sgt, %arg1, %gt3A_946 : i32
    %jit3A_948 = arith.constant 0 : i32
    %broadcast_in_dim3A_949 = vector.broadcast %jit3A_948 : i32 to vector<16xi32>
    %select_n3A_950 = arith.select %gt3A_947, %get3A_944, %broadcast_in_dim3A_949 : vector<16xi32>
    %add3A_951 = arith.addi %add3A_940, %select_n3A_950 : vector<16xi32>
    %get3A_952 = arith.constant 10 : i32
    %get3A_953 = arith.index_cast %get3A_952 : i32 to index
    %get3A_954 = arith.constant 0 : index
    %get3A_955 = tpu.vector_load %arg19[%get3A_953, %get3A_954] {strides = array<i32>} : memref<16x16xi32, #tpu.memory_space<vmem>>, vector<16xi32>,
    %add3A_956 = arith.addi %add3A_945, %get3A_955 : vector<16xi32>
    %gt3A_957 = arith.constant 10 : i32
    %gt3A_958 = arith.cmpi sgt, %arg1, %gt3A_957 : i32
    %jit3A_959 = arith.constant 0 : i32
    %broadcast_in_dim3A_960 = vector.broadcast %jit3A_959 : i32 to vector<16xi32>
    %select_n3A_961 = arith.select %gt3A_958, %get3A_955, %broadcast_in_dim3A_960 : vector<16xi32>
    %add3A_962 = arith.addi %add3A_951, %select_n3A_961 : vector<16xi32>
    %get3A_963 = arith.constant 11 : i32
    %get3A_964 = arith.index_cast %get3A_963 : i32 to index
    %get3A_965 = arith.constant 0 : index
    %get3A_966 = tpu.vector_load %arg19[%get3A_964, %get3A_965] {strides = array<i32>} : memref<16x16xi32, #tpu.memory_space<vmem>>, vector<16xi32>,
    %add3A_967 = arith.addi %add3A_956, %get3A_966 : vector<16xi32>
    %gt3A_968 = arith.constant 11 : i32
    %gt3A_969 = arith.cmpi sgt, %arg1, %gt3A_968 : i32
    %jit3A_970 = arith.constant 0 : i32
    %broadcast_in_dim3A_971 = vector.broadcast %jit3A_970 : i32 to vector<16xi32>
    %select_n3A_972 = arith.select %gt3A_969, %get3A_966, %broadcast_in_dim3A_971 : vector<16xi32>
    %add3A_973 = arith.addi %add3A_962, %select_n3A_972 : vector<16xi32>
    %get3A_974 = arith.constant 12 : i32
    %get3A_975 = arith.index_cast %get3A_974 : i32 to index
    %get3A_976 = arith.constant 0 : index
    %get3A_977 = tpu.vector_load %arg19[%get3A_975, %get3A_976] {strides = array<i32>} : memref<16x16xi32, #tpu.memory_space<vmem>>, vector<16xi32>,
    %add3A_978 = arith.addi %add3A_967, %get3A_977 : vector<16xi32>
    %gt3A_979 = arith.constant 12 : i32
    %gt3A_980 = arith.cmpi sgt, %arg1, %gt3A_979 : i32
    %jit3A_981 = arith.constant 0 : i32
    %broadcast_in_dim3A_982 = vector.broadcast %jit3A_981 : i32 to vector<16xi32>
    %select_n3A_983 = arith.select %gt3A_980, %get3A_977, %broadcast_in_dim3A_982 : vector<16xi32>
    %add3A_984 = arith.addi %add3A_973, %select_n3A_983 : vector<16xi32>
    %get3A_985 = arith.constant 13 : i32
    %get3A_986 = arith.index_cast %get3A_985 : i32 to index
    %get3A_987 = arith.constant 0 : index
    %get3A_988 = tpu.vector_load %arg19[%get3A_986, %get3A_987] {strides = array<i32>} : memref<16x16xi32, #tpu.memory_space<vmem>>, vector<16xi32>,
    %add3A_989 = arith.addi %add3A_978, %get3A_988 : vector<16xi32>
    %gt3A_990 = arith.constant 13 : i32
    %gt3A_991 = arith.cmpi sgt, %arg1, %gt3A_990 : i32
    %jit3A_992 = arith.constant 0 : i32
    %broadcast_in_dim3A_993 = vector.broadcast %jit3A_992 : i32 to vector<16xi32>
    %select_n3A_994 = arith.select %gt3A_991, %get3A_988, %broadcast_in_dim3A_993 : vector<16xi32>
    %add3A_995 = arith.addi %add3A_984, %select_n3A_994 : vector<16xi32>
    %get3A_996 = arith.constant 14 : i32
    %get3A_997 = arith.index_cast %get3A_996 : i32 to index
    %get3A_998 = arith.constant 0 : index
    %get3A_999 = tpu.vector_load %arg19[%get3A_997, %get3A_998] {strides = array<i32>} : memref<16x16xi32, #tpu.memory_space<vmem>>, vector<16xi32>,
    %add3A_1000 = arith.addi %add3A_989, %get3A_999 : vector<16xi32>
    %gt3A_1001 = arith.constant 14 : i32
    %gt3A_1002 = arith.cmpi sgt, %arg1, %gt3A_1001 : i32
    %jit3A_1003 = arith.constant 0 : i32
    %broadcast_in_dim3A_1004 = vector.broadcast %jit3A_1003 : i32 to vector<16xi32>
    %select_n3A_1005 = arith.select %gt3A_1002, %get3A_999, %broadcast_in_dim3A_1004 : vector<16xi32>
    %add3A_1006 = arith.addi %add3A_995, %select_n3A_1005 : vector<16xi32>
    %get3A_1007 = arith.constant 15 : i32
    %get3A_1008 = arith.index_cast %get3A_1007 : i32 to index
    %get3A_1009 = arith.constant 0 : index
    %get3A_1010 = tpu.vector_load %arg19[%get3A_1008, %get3A_1009] {strides = array<i32>} : memref<16x16xi32, #tpu.memory_space<vmem>>, vector<16xi32>,
    %add3A_1011 = arith.addi %add3A_1000, %get3A_1010 : vector<16xi32>
    %gt3A_1012 = arith.constant 15 : i32
    %gt3A_1013 = arith.cmpi sgt, %arg1, %gt3A_1012 : i32
    %jit3A_1014 = arith.constant 0 : i32
    %broadcast_in_dim3A_1015 = vector.broadcast %jit3A_1014 : i32 to vector<16xi32>
    %select_n3A_1016 = arith.select %gt3A_1013, %get3A_1010, %broadcast_in_dim3A_1015 : vector<16xi32>
    %add3A_1017 = arith.addi %add3A_1006, %select_n3A_1016 : vector<16xi32>
    %broadcast_in_dim3A_1018 = arith.constant true
    %broadcast_in_dim3A_1019 = vector.broadcast %broadcast_in_dim3A_1018 : i1 to vector<16xi1>
    %masked_cumsum3A_1020 = tpu.scan <sum>, %add3A_1011 masked %broadcast_in_dim3A_1019 : vector<16xi32>, vector<16xi1> -> vector<16xi32>
    %sub3A_1021 = arith.subi %masked_cumsum3A_1020, %add3A_1011 : vector<16xi32>
    %add3A_1022 = arith.addi %sub3A_1021, %add3A_1017 : vector<16xi32>
    %scan3A_1023 = arith.constant 0 : i32
    %scan3A_1024 = arith.constant 0 : i32
    %scan3A_1025 = arith.constant 80 : i32
    %scan3A_1026 = arith.addi %scan3A_1024, %scan3A_1025 : i32
    %scan3A_1027 = arith.constant 1 : i32
    scf.for %scan3A_1688 = %scan3A_1024 to %scan3A_1026 step %scan3A_1027  : i32 {
      %mul3A_1689 = arith.constant 16 : i32
      %mul3A_1690 = arith.muli %scan3A_1688, %mul3A_1689 : i32
      %get3A_1691 = arith.index_cast %mul3A_1690 : i32 to index
      %get3A_1692 = tpu.vector_load %arg11[%get3A_1691] {strides = array<i32>} : memref<1280xi32, #tpu.memory_space<vmem>>, vector<16xi32>,
      %mul3A_1693 = arith.constant 16 : i32
      %mul3A_1694 = arith.muli %scan3A_1688, %mul3A_1693 : i32
      %get3A_1695 = arith.index_cast %mul3A_1694 : i32 to index
      %get3A_1696 = tpu.vector_load %arg14[%get3A_1695] {strides = array<i32>} : memref<1280xi32, #tpu.memory_space<vmem>>, vector<16xi32>,
      %mul3A_1697 = arith.constant 16 : i32
      %mul3A_1698 = arith.muli %scan3A_1688, %mul3A_1697 : i32
      %get3A_1699 = arith.index_cast %mul3A_1698 : i32 to index
      %get3A_1700 = tpu.vector_load %arg15[%get3A_1699] {strides = array<i32>} : memref<1280xi32, #tpu.memory_space<vmem>>, vector<16xi32>,
      %mul3A_1701 = arith.constant 16 : i32
      %mul3A_1702 = arith.muli %scan3A_1688, %mul3A_1701 : i32
      %get3A_1703 = arith.index_cast %mul3A_1702 : i32 to index
      %get3A_1704 = tpu.vector_load %arg16[%get3A_1703] {strides = array<i32>} : memref<1280xi32, #tpu.memory_space<vmem>>, vector<16xi32>,
      %mul3A_1705 = arith.constant 16 : i32
      %mul3A_1706 = arith.muli %scan3A_1688, %mul3A_1705 : i32
      %get3A_1707 = arith.index_cast %mul3A_1706 : i32 to index
      %get3A_1708 = tpu.vector_load %arg13[%get3A_1707] {strides = array<i32>} : memref<1280xi32, #tpu.memory_space<vmem>>, vector<16xi32>,
      %add3A_1709 = arith.addi %add3A_1022, %get3A_1708 : vector<16xi32>
      %broadcast_in_dim3A_1710 = vector.shape_cast %get3A_1696 : vector<16xi32> to vector<16x1xi32>
      %gather3A = vector.shape_cast %broadcast_in_dim3A_1710 : vector<16x1xi32> to vector<16xi32>
      %gather3A_1711 = tpu.dynamic_gather %add3A_1709[%gather3A] in [0] : vector<16xi32>, vector<16xi32> -> vector<16xi32>
      %add3A_1712 = arith.addi %gather3A_1711, %get3A_1704 : vector<16xi32>
      %broadcast_in_dim3A_1713 = vector.shape_cast %get3A_1700 : vector<16xi32> to vector<16x1xi32>
      %gather3A_1714 = vector.shape_cast %broadcast_in_dim3A_1713 : vector<16x1xi32> to vector<16xi32>
      %gather3A_1715 = tpu.dynamic_gather %get3A_1692[%gather3A_1714] in [0] : vector<16xi32>, vector<16xi32> -> vector<16xi32>
      %mul3A_1716 = arith.constant 16 : i32
      %mul3A_1717 = arith.muli %scan3A_1688, %mul3A_1716 : i32
      %swap3A_1718 = arith.index_cast %mul3A_1717 : i32 to index
      %swap3A_1719 = tpu.vector_load %arg12[%swap3A_1718] {strides = array<i32>} : memref<1280xi32, #tpu.memory_space<vmem>>, vector<16xi32>,
      tpu.vector_store %arg12[%swap3A_1718], %gather3A_1715 {strides = array<i32>} : memref<1280xi32, #tpu.memory_space<vmem>>, vector<16xi32>,
      %mul3A_1720 = arith.constant 16 : i32
      %mul3A_1721 = arith.muli %scan3A_1688, %mul3A_1720 : i32
      %swap3A_1722 = arith.index_cast %mul3A_1721 : i32 to index
      %swap3A_1723 = tpu.vector_load %arg13[%swap3A_1722] {strides = array<i32>} : memref<1280xi32, #tpu.memory_space<vmem>>, vector<16xi32>,
      tpu.vector_store %arg13[%swap3A_1722], %add3A_1712 {strides = array<i32>} : memref<1280xi32, #tpu.memory_space<vmem>>, vector<16xi32>,
    }
    %scan3A_1028 = arith.constant 80 : i32
    %dma_start3A_1029 = arith.constant 0 : i32
    %dma_start3A_1030 = tpu.memref_slice %arg8[%dma_start3A_1029] : memref<20480xi32, #tpu.memory_space<vmem_shared>> -> memref<20480xi32, #tpu.memory_space<vmem_shared>>
    tpu.enqueue_indirect_dma source(%arg12 : memref<1280xi32, #tpu.memory_space<vmem>>) target(%dma_start3A_1030 : memref<20480xi32, #tpu.memory_space<vmem_shared>>) offsets(%arg13 : memref<1280xi32, #tpu.memory_space<vmem>>) semaphore(%arg23 : memref<!tpu.dma_semaphore, #tpu.memory_space<semaphore_mem>>)
    %dma_wait3A_1031 = arith.constant 0 : i32
    %dma_wait3A_1032 = tpu.memref_slice %arg8[%dma_wait3A_1031] : memref<20480xi32, #tpu.memory_space<vmem_shared>> -> memref<20480xi32, #tpu.memory_space<vmem_shared>>
    tpu.wait_indirect_dma semaphore(%arg23 : memref<!tpu.dma_semaphore, #tpu.memory_space<semaphore_mem>>) src(%arg12 : memref<1280xi32, #tpu.memory_space<vmem>>) dst(%dma_wait3A_1032 : memref<20480xi32, #tpu.memory_space<vmem_shared>>)
    %barrier3A_1033 = arith.constant 0 : index
    tpu.barrier barrier_id(%barrier3A_1033)
    "tpu.region"() ({
      %run_scoped3A = tpu.sem_alloc : memref<!tpu.dma_semaphore, #tpu.memory_space<semaphore_mem>>
      %dma_start3A_1688 = tpu.memref_slice %arg8[%mul3A_0] : memref<20480xi32, #tpu.memory_space<vmem_shared>> -> memref<1280xi32, #tpu.memory_space<vmem_shared>>
      %dma_start3A_1689 = tpu.memref_slice %arg8[%mul3A_0] : memref<20480xi32, #tpu.memory_space<vmem_shared>> -> memref<1280xi32, #tpu.memory_space<vmem_shared>>
      tpu.enqueue_dma source(%dma_start3A_1689 : memref<1280xi32, #tpu.memory_space<vmem_shared>>) target(%arg11 : memref<1280xi32, #tpu.memory_space<vmem>>) target_semaphore(%run_scoped3A : memref<!tpu.dma_semaphore, #tpu.memory_space<semaphore_mem>>)
      %dma_wait3A_1690 = tpu.memref_slice %arg8[%mul3A_0] : memref<20480xi32, #tpu.memory_space<vmem_shared>> -> memref<1280xi32, #tpu.memory_space<vmem_shared>>
      %dma_wait3A_1691 = tpu.memref_slice %arg8[%mul3A_0] : memref<20480xi32, #tpu.memory_space<vmem_shared>> -> memref<1280xi32, #tpu.memory_space<vmem_shared>>
      tpu.wait_dma2 semaphore(%run_scoped3A : memref<!tpu.dma_semaphore, #tpu.memory_space<semaphore_mem>>) src(%dma_wait3A_1691 : memref<1280xi32, #tpu.memory_space<vmem_shared>>) dst(%arg11 : memref<1280xi32, #tpu.memory_space<vmem>>)
      tpu.yield
    }) : () -> ()
    %dma_start3A_1034 = arith.constant 0 : i32
    %dma_start3A_1035 = tpu.memref_slice %arg6[%dma_start3A_1034] : memref<20480xi32, #tpu.memory_space<vmem_shared>> -> memref<20480xi32, #tpu.memory_space<vmem_shared>>
    tpu.enqueue_indirect_dma source(%dma_start3A_1035 : memref<20480xi32, #tpu.memory_space<vmem_shared>>) target(%arg10 : memref<1280xi32, #tpu.memory_space<vmem>>) offsets(%arg11 : memref<1280xi32, #tpu.memory_space<vmem>>) semaphore(%arg23 : memref<!tpu.dma_semaphore, #tpu.memory_space<semaphore_mem>>)
    %dma_wait3A_1036 = arith.constant 0 : i32
    %dma_wait3A_1037 = tpu.memref_slice %arg6[%dma_wait3A_1036] : memref<20480xi32, #tpu.memory_space<vmem_shared>> -> memref<20480xi32, #tpu.memory_space<vmem_shared>>
    tpu.wait_indirect_dma semaphore(%arg23 : memref<!tpu.dma_semaphore, #tpu.memory_space<semaphore_mem>>) src(%dma_wait3A_1037 : memref<20480xi32, #tpu.memory_space<vmem_shared>>) dst(%arg10 : memref<1280xi32, #tpu.memory_space<vmem>>)
    %broadcast_in_dim3A_1038 = arith.constant 0 : i32
    %broadcast_in_dim3A_1039 = vector.broadcast %broadcast_in_dim3A_1038 : i32 to vector<16xi32>
    %scan3A_1040 = arith.constant 0 : i32
    %scan3A_1041 = arith.constant 80 : i32
    %scan3A_1042 = arith.addi %scan3A_1040, %scan3A_1041 : i32
    %scan3A_1043 = arith.constant 1 : i32
    %scan3A_1044 = scf.for %scan3A_1688 = %scan3A_1040 to %scan3A_1042 step %scan3A_1043 iter_args(%scan3A_1689 = %broadcast_in_dim3A_1039) -> (vector<16xi32>)  : i32 {
      %mul3A_1690 = arith.constant 16 : i32
      %mul3A_1691 = arith.muli %scan3A_1688, %mul3A_1690 : i32
      %get3A_1692 = arith.index_cast %mul3A_1691 : i32 to index
      %get3A_1693 = tpu.vector_load %arg10[%get3A_1692] {strides = array<i32>} : memref<1280xi32, #tpu.memory_space<vmem>>, vector<16xi32>,
      %shift_right_logical3A = arith.constant 20 : i32
      %shift_right_logical3A_1694 = vector.broadcast %shift_right_logical3A : i32 to vector<16xi32>
      %shift_right_logical3A_1695 = arith.shrui %get3A_1693, %shift_right_logical3A_1694 : vector<16xi32>
      %and3A = arith.constant 15 : i32
      %and3A_1696 = vector.broadcast %and3A : i32 to vector<16xi32>
      %and3A_1697 = arith.andi %shift_right_logical3A_1695, %and3A_1696 : vector<16xi32>
      %mul3A_1698 = arith.constant 16 : i32
      %mul3A_1699 = vector.broadcast %mul3A_1698 : i32 to vector<16xi32>
      %mul3A_1700 = arith.muli %and3A_1697, %mul3A_1699 : vector<16xi32>
      %add3A_1701 = arith.addi %mul3A_1700, %iota3A : vector<16xi32>
      %sort3A = arith.constant dense<true> : vector<16xi1>
      %sort3A_1702, %sort3A_1703, %sort3A_1704 = tpu.sort %add3A_1701, %add3A_1701 masked %sort3A : (vector<16xi32>, vector<16xi32>, vector<16xi1>) -> (vector<16xi1>, vector<16xi32>, vector<16xi32>)
      %shift_right_logical3A_1705 = arith.constant 4 : i32
      %shift_right_logical3A_1706 = vector.broadcast %shift_right_logical3A_1705 : i32 to vector<16xi32>
      %shift_right_logical3A_1707 = arith.shrui %sort3A_1703, %shift_right_logical3A_1706 : vector<16xi32>
      %and3A_1708 = arith.constant 15 : i32
      %and3A_1709 = vector.broadcast %and3A_1708 : i32 to vector<16xi32>
      %and3A_1710 = arith.andi %sort3A_1703, %and3A_1709 : vector<16xi32>
      %sub3A_1711 = arith.constant 1 : i32
      %sub3A_1712 = vector.broadcast %sub3A_1711 : i32 to vector<16xi32>
      %sub3A_1713 = arith.subi %iota3A, %sub3A_1712 : vector<16xi32>
      %max3A = arith.constant 0 : i32
      %max3A_1714 = vector.broadcast %max3A : i32 to vector<16xi32>
      %max3A_1715 = arith.maxsi %sub3A_1713, %max3A_1714 : vector<16xi32>
      %broadcast_in_dim3A_1716 = vector.shape_cast %max3A_1715 : vector<16xi32> to vector<16x1xi32>
      %gather3A = vector.shape_cast %broadcast_in_dim3A_1716 : vector<16x1xi32> to vector<16xi32>
      %gather3A_1717 = tpu.dynamic_gather %shift_right_logical3A_1707[%gather3A] in [0] : vector<16xi32>, vector<16xi32> -> vector<16xi32>
      %eq3A = arith.constant 0 : i32
      %eq3A_1718 = vector.broadcast %eq3A : i32 to vector<16xi32>
      %eq3A_1719 = arith.cmpi eq, %iota3A, %eq3A_1718 : vector<16xi32>
      %ne3A = arith.cmpi ne, %shift_right_logical3A_1707, %gather3A_1717 : vector<16xi32>
      %or3A = arith.ori %eq3A_1719, %ne3A : vector<16xi1>
      %jit3A_1720 = arith.constant 0 : i32
      %broadcast_in_dim3A_1721 = vector.broadcast %jit3A_1720 : i32 to vector<16xi32>
      %select_n3A_1722 = arith.select %or3A, %iota3A, %broadcast_in_dim3A_1721 : vector<16xi1>, vector<16xi32>
      %broadcast_in_dim3A_1723 = arith.constant true
      %broadcast_in_dim3A_1724 = vector.broadcast %broadcast_in_dim3A_1723 : i1 to vector<16xi1>
      %masked_cummax3A = arith.constant -2147483648 : i32
      %masked_cummax3A_1725 = vector.broadcast %masked_cummax3A : i32 to vector<16xi32>
      %masked_cummax3A_1726 = arith.xori %select_n3A_1722, %masked_cummax3A_1725 : vector<16xi32>
      %masked_cummax3A_1727 = tpu.scan <max>, %masked_cummax3A_1726 masked %broadcast_in_dim3A_1724 : vector<16xi32>, vector<16xi1> -> vector<16xi32>
      %masked_cummax3A_1728 = arith.xori %masked_cummax3A_1727, %masked_cummax3A_1725 : vector<16xi32>
      %sub3A_1729 = arith.subi %iota3A, %masked_cummax3A_1728 : vector<16xi32>
      %add3A_1730 = arith.constant 1 : i32
      %add3A_1731 = vector.broadcast %add3A_1730 : i32 to vector<16xi32>
      %add3A_1732 = arith.addi %iota3A, %add3A_1731 : vector<16xi32>
      %min3A = arith.constant 15 : i32
      %min3A_1733 = vector.broadcast %min3A : i32 to vector<16xi32>
      %min3A_1734 = arith.minsi %add3A_1732, %min3A_1733 : vector<16xi32>
      %broadcast_in_dim3A_1735 = vector.shape_cast %min3A_1734 : vector<16xi32> to vector<16x1xi32>
      %gather3A_1736 = vector.shape_cast %broadcast_in_dim3A_1735 : vector<16x1xi32> to vector<16xi32>
      %gather3A_1737 = tpu.dynamic_gather %shift_right_logical3A_1707[%gather3A_1736] in [0] : vector<16xi32>, vector<16xi32> -> vector<16xi32>
      %eq3A_1738 = arith.constant 15 : i32
      %eq3A_1739 = vector.broadcast %eq3A_1738 : i32 to vector<16xi32>
      %eq3A_1740 = arith.cmpi eq, %iota3A, %eq3A_1739 : vector<16xi32>
      %ne3A_1741 = arith.cmpi ne, %gather3A_1737, %shift_right_logical3A_1707 : vector<16xi32>
      %or3A_1742 = arith.ori %eq3A_1740, %ne3A_1741 : vector<16xi1>
      %broadcast_in_dim3A_1743 = arith.constant 0 : i32
      %broadcast_in_dim3A_1744 = vector.broadcast %broadcast_in_dim3A_1743 : i32 to vector<16xi32>
      %swap3A_1745 = arith.constant 0 : index
      %swap3A_1746 = tpu.vector_load %arg17[%swap3A_1745] {strides = array<i32>} : memref<16xi32, #tpu.memory_space<vmem>>, vector<16xi32>,
      tpu.vector_store %arg17[%swap3A_1745], %broadcast_in_dim3A_1744 {strides = array<i32>} : memref<16xi32, #tpu.memory_space<vmem>>, vector<16xi32>,
      %add3A_1747 = arith.constant 1 : i32
      %add3A_1748 = vector.broadcast %add3A_1747 : i32 to vector<16xi32>
      %add3A_1749 = arith.addi %sub3A_1729, %add3A_1748 : vector<16xi32>
      tpu.vector_store_idx %arg17[%shift_right_logical3A_1707], %add3A_1749 masked %or3A_1742 : memref<16xi32, #tpu.memory_space<vmem>>[vector<16xi32>], vector<16xi32>, vector<16xi1>
      %mul3A_1750 = arith.constant 16 : i32
      %mul3A_1751 = arith.muli %scan3A_1688, %mul3A_1750 : i32
      %swap3A_1752 = arith.index_cast %mul3A_1751 : i32 to index
      %swap3A_1753 = tpu.vector_load %arg14[%swap3A_1752] {strides = array<i32>} : memref<1280xi32, #tpu.memory_space<vmem>>, vector<16xi32>,
      tpu.vector_store %arg14[%swap3A_1752], %shift_right_logical3A_1707 {strides = array<i32>} : memref<1280xi32, #tpu.memory_space<vmem>>, vector<16xi32>,
      %mul3A_1754 = arith.constant 16 : i32
      %mul3A_1755 = arith.muli %scan3A_1688, %mul3A_1754 : i32
      %swap3A_1756 = arith.index_cast %mul3A_1755 : i32 to index
      %swap3A_1757 = tpu.vector_load %arg15[%swap3A_1756] {strides = array<i32>} : memref<1280xi32, #tpu.memory_space<vmem>>, vector<16xi32>,
      tpu.vector_store %arg15[%swap3A_1756], %and3A_1710 {strides = array<i32>} : memref<1280xi32, #tpu.memory_space<vmem>>, vector<16xi32>,
      %mul3A_1758 = arith.constant 16 : i32
      %mul3A_1759 = arith.muli %scan3A_1688, %mul3A_1758 : i32
      %swap3A_1760 = arith.index_cast %mul3A_1759 : i32 to index
      %swap3A_1761 = tpu.vector_load %arg16[%swap3A_1760] {strides = array<i32>} : memref<1280xi32, #tpu.memory_space<vmem>>, vector<16xi32>,
      tpu.vector_store %arg16[%swap3A_1760], %sub3A_1729 {strides = array<i32>} : memref<1280xi32, #tpu.memory_space<vmem>>, vector<16xi32>,
      %mul3A_1762 = arith.constant 16 : i32
      %mul3A_1763 = arith.muli %scan3A_1688, %mul3A_1762 : i32
      %swap3A_1764 = arith.index_cast %mul3A_1763 : i32 to index
      %swap3A_1765 = tpu.vector_load %arg13[%swap3A_1764] {strides = array<i32>} : memref<1280xi32, #tpu.memory_space<vmem>>, vector<16xi32>,
      tpu.vector_store %arg13[%swap3A_1764], %scan3A_1689 {strides = array<i32>} : memref<1280xi32, #tpu.memory_space<vmem>>, vector<16xi32>,
      %get3A_1766 = arith.constant 0 : index
      %get3A_1767 = tpu.vector_load %arg17[%get3A_1766] {strides = array<i32>} : memref<16xi32, #tpu.memory_space<vmem>>, vector<16xi32>,
      %add3A_1768 = arith.addi %scan3A_1689, %get3A_1767 : vector<16xi32>
      scf.yield %add3A_1768 : vector<16xi32>
    }
    %scan3A_1045 = arith.constant 80 : i32
    %swap3A_1046 = arith.constant 0 : index
    %swap3A_1047 = tpu.vector_load %arg18[%swap3A_1046] {strides = array<i32>} : memref<16xi32, #tpu.memory_space<vmem>>, vector<16xi32>,
    tpu.vector_store %arg18[%swap3A_1046], %scan3A_1044 {strides = array<i32>} : memref<16xi32, #tpu.memory_space<vmem>>, vector<16xi32>,
    "tpu.region"() ({
      %run_scoped3A = tpu.sem_alloc : memref<!tpu.dma_semaphore, #tpu.memory_space<semaphore_mem>>
      %dma_start3A_1688 = arith.constant 0 : i32
      %dma_start3A_1689 = tpu.memref_slice %arg9[%arg1, %dma_start3A_1688] : memref<16x16xi32, #tpu.memory_space<vmem_shared>> -> memref<1x16xi32, #tpu.memory_space<vmem_shared>>
      %dma_start3A_1690 = tpu.memref_squeeze %dma_start3A_1689 : memref<1x16xi32, #tpu.memory_space<vmem_shared>> -> memref<16xi32, #tpu.memory_space<vmem_shared>>
      %dma_start3A_1691 = arith.constant 0 : i32
      %dma_start3A_1692 = tpu.memref_slice %arg9[%arg1, %dma_start3A_1691] : memref<16x16xi32, #tpu.memory_space<vmem_shared>> -> memref<1x16xi32, #tpu.memory_space<vmem_shared>>
      %dma_start3A_1693 = tpu.memref_squeeze %dma_start3A_1692 : memref<1x16xi32, #tpu.memory_space<vmem_shared>> -> memref<16xi32, #tpu.memory_space<vmem_shared>>
      tpu.enqueue_dma source(%arg18 : memref<16xi32, #tpu.memory_space<vmem>>) target(%dma_start3A_1693 : memref<16xi32, #tpu.memory_space<vmem_shared>>) target_semaphore(%run_scoped3A : memref<!tpu.dma_semaphore, #tpu.memory_space<semaphore_mem>>)
      %dma_wait3A_1694 = arith.constant 0 : i32
      %dma_wait3A_1695 = tpu.memref_slice %arg9[%arg1, %dma_wait3A_1694] : memref<16x16xi32, #tpu.memory_space<vmem_shared>> -> memref<1x16xi32, #tpu.memory_space<vmem_shared>>
      %dma_wait3A_1696 = tpu.memref_squeeze %dma_wait3A_1695 : memref<1x16xi32, #tpu.memory_space<vmem_shared>> -> memref<16xi32, #tpu.memory_space<vmem_shared>>
      %dma_wait3A_1697 = arith.constant 0 : i32
      %dma_wait3A_1698 = tpu.memref_slice %arg9[%arg1, %dma_wait3A_1697] : memref<16x16xi32, #tpu.memory_space<vmem_shared>> -> memref<1x16xi32, #tpu.memory_space<vmem_shared>>
      %dma_wait3A_1699 = tpu.memref_squeeze %dma_wait3A_1698 : memref<1x16xi32, #tpu.memory_space<vmem_shared>> -> memref<16xi32, #tpu.memory_space<vmem_shared>>
      tpu.wait_dma2 semaphore(%run_scoped3A : memref<!tpu.dma_semaphore, #tpu.memory_space<semaphore_mem>>) src(%arg18 : memref<16xi32, #tpu.memory_space<vmem>>) dst(%dma_wait3A_1699 : memref<16xi32, #tpu.memory_space<vmem_shared>>)
      tpu.yield
    }) : () -> ()
    %barrier3A_1048 = arith.constant 0 : index
    tpu.barrier barrier_id(%barrier3A_1048)
    "tpu.region"() ({
      %run_scoped3A = tpu.sem_alloc : memref<!tpu.dma_semaphore, #tpu.memory_space<semaphore_mem>>
      tpu.enqueue_dma source(%arg9 : memref<16x16xi32, #tpu.memory_space<vmem_shared>>) target(%arg19 : memref<16x16xi32, #tpu.memory_space<vmem>>) target_semaphore(%run_scoped3A : memref<!tpu.dma_semaphore, #tpu.memory_space<semaphore_mem>>)
      tpu.wait_dma2 semaphore(%run_scoped3A : memref<!tpu.dma_semaphore, #tpu.memory_space<semaphore_mem>>) src(%arg9 : memref<16x16xi32, #tpu.memory_space<vmem_shared>>) dst(%arg19 : memref<16x16xi32, #tpu.memory_space<vmem>>)
      tpu.yield
    }) : () -> ()
    %get3A_1049 = arith.constant 0 : i32
    %get3A_1050 = arith.index_cast %get3A_1049 : i32 to index
    %get3A_1051 = arith.constant 0 : index
    %get3A_1052 = tpu.vector_load %arg19[%get3A_1050, %get3A_1051] {strides = array<i32>} : memref<16x16xi32, #tpu.memory_space<vmem>>, vector<16xi32>,
    %gt3A_1053 = arith.constant 0 : i32
    %gt3A_1054 = arith.cmpi sgt, %arg1, %gt3A_1053 : i32
    %get3A_1055 = arith.constant 0 : i32
    %get3A_1056 = arith.index_cast %get3A_1055 : i32 to index
    %get3A_1057 = arith.constant 0 : index
    %get3A_1058 = tpu.vector_load %arg19[%get3A_1056, %get3A_1057] {strides = array<i32>} : memref<16x16xi32, #tpu.memory_space<vmem>>, vector<16xi32>,
    %jit3A_1059 = arith.constant 0 : i32
    %broadcast_in_dim3A_1060 = vector.broadcast %jit3A_1059 : i32 to vector<16xi32>
    %select_n3A_1061 = arith.select %gt3A_1054, %get3A_1058, %broadcast_in_dim3A_1060 : vector<16xi32>
    %get3A_1062 = arith.constant 1 : i32
    %get3A_1063 = arith.index_cast %get3A_1062 : i32 to index
    %get3A_1064 = arith.constant 0 : index
    %get3A_1065 = tpu.vector_load %arg19[%get3A_1063, %get3A_1064] {strides = array<i32>} : memref<16x16xi32, #tpu.memory_space<vmem>>, vector<16xi32>,
    %add3A_1066 = arith.addi %get3A_1052, %get3A_1065 : vector<16xi32>
    %gt3A_1067 = arith.constant 1 : i32
    %gt3A_1068 = arith.cmpi sgt, %arg1, %gt3A_1067 : i32
    %jit3A_1069 = arith.constant 0 : i32
    %broadcast_in_dim3A_1070 = vector.broadcast %jit3A_1069 : i32 to vector<16xi32>
    %select_n3A_1071 = arith.select %gt3A_1068, %get3A_1065, %broadcast_in_dim3A_1070 : vector<16xi32>
    %add3A_1072 = arith.addi %select_n3A_1061, %select_n3A_1071 : vector<16xi32>
    %get3A_1073 = arith.constant 2 : i32
    %get3A_1074 = arith.index_cast %get3A_1073 : i32 to index
    %get3A_1075 = arith.constant 0 : index
    %get3A_1076 = tpu.vector_load %arg19[%get3A_1074, %get3A_1075] {strides = array<i32>} : memref<16x16xi32, #tpu.memory_space<vmem>>, vector<16xi32>,
    %add3A_1077 = arith.addi %add3A_1066, %get3A_1076 : vector<16xi32>
    %gt3A_1078 = arith.constant 2 : i32
    %gt3A_1079 = arith.cmpi sgt, %arg1, %gt3A_1078 : i32
    %jit3A_1080 = arith.constant 0 : i32
    %broadcast_in_dim3A_1081 = vector.broadcast %jit3A_1080 : i32 to vector<16xi32>
    %select_n3A_1082 = arith.select %gt3A_1079, %get3A_1076, %broadcast_in_dim3A_1081 : vector<16xi32>
    %add3A_1083 = arith.addi %add3A_1072, %select_n3A_1082 : vector<16xi32>
    %get3A_1084 = arith.constant 3 : i32
    %get3A_1085 = arith.index_cast %get3A_1084 : i32 to index
    %get3A_1086 = arith.constant 0 : index
    %get3A_1087 = tpu.vector_load %arg19[%get3A_1085, %get3A_1086] {strides = array<i32>} : memref<16x16xi32, #tpu.memory_space<vmem>>, vector<16xi32>,
    %add3A_1088 = arith.addi %add3A_1077, %get3A_1087 : vector<16xi32>
    %gt3A_1089 = arith.constant 3 : i32
    %gt3A_1090 = arith.cmpi sgt, %arg1, %gt3A_1089 : i32
    %jit3A_1091 = arith.constant 0 : i32
    %broadcast_in_dim3A_1092 = vector.broadcast %jit3A_1091 : i32 to vector<16xi32>
    %select_n3A_1093 = arith.select %gt3A_1090, %get3A_1087, %broadcast_in_dim3A_1092 : vector<16xi32>
    %add3A_1094 = arith.addi %add3A_1083, %select_n3A_1093 : vector<16xi32>
    %get3A_1095 = arith.constant 4 : i32
    %get3A_1096 = arith.index_cast %get3A_1095 : i32 to index
    %get3A_1097 = arith.constant 0 : index
    %get3A_1098 = tpu.vector_load %arg19[%get3A_1096, %get3A_1097] {strides = array<i32>} : memref<16x16xi32, #tpu.memory_space<vmem>>, vector<16xi32>,
    %add3A_1099 = arith.addi %add3A_1088, %get3A_1098 : vector<16xi32>
    %gt3A_1100 = arith.constant 4 : i32
    %gt3A_1101 = arith.cmpi sgt, %arg1, %gt3A_1100 : i32
    %jit3A_1102 = arith.constant 0 : i32
    %broadcast_in_dim3A_1103 = vector.broadcast %jit3A_1102 : i32 to vector<16xi32>
    %select_n3A_1104 = arith.select %gt3A_1101, %get3A_1098, %broadcast_in_dim3A_1103 : vector<16xi32>
    %add3A_1105 = arith.addi %add3A_1094, %select_n3A_1104 : vector<16xi32>
    %get3A_1106 = arith.constant 5 : i32
    %get3A_1107 = arith.index_cast %get3A_1106 : i32 to index
    %get3A_1108 = arith.constant 0 : index
    %get3A_1109 = tpu.vector_load %arg19[%get3A_1107, %get3A_1108] {strides = array<i32>} : memref<16x16xi32, #tpu.memory_space<vmem>>, vector<16xi32>,
    %add3A_1110 = arith.addi %add3A_1099, %get3A_1109 : vector<16xi32>
    %gt3A_1111 = arith.constant 5 : i32
    %gt3A_1112 = arith.cmpi sgt, %arg1, %gt3A_1111 : i32
    %jit3A_1113 = arith.constant 0 : i32
    %broadcast_in_dim3A_1114 = vector.broadcast %jit3A_1113 : i32 to vector<16xi32>
    %select_n3A_1115 = arith.select %gt3A_1112, %get3A_1109, %broadcast_in_dim3A_1114 : vector<16xi32>
    %add3A_1116 = arith.addi %add3A_1105, %select_n3A_1115 : vector<16xi32>
    %get3A_1117 = arith.constant 6 : i32
    %get3A_1118 = arith.index_cast %get3A_1117 : i32 to index
    %get3A_1119 = arith.constant 0 : index
    %get3A_1120 = tpu.vector_load %arg19[%get3A_1118, %get3A_1119] {strides = array<i32>} : memref<16x16xi32, #tpu.memory_space<vmem>>, vector<16xi32>,
    %add3A_1121 = arith.addi %add3A_1110, %get3A_1120 : vector<16xi32>
    %gt3A_1122 = arith.constant 6 : i32
    %gt3A_1123 = arith.cmpi sgt, %arg1, %gt3A_1122 : i32
    %jit3A_1124 = arith.constant 0 : i32
    %broadcast_in_dim3A_1125 = vector.broadcast %jit3A_1124 : i32 to vector<16xi32>
    %select_n3A_1126 = arith.select %gt3A_1123, %get3A_1120, %broadcast_in_dim3A_1125 : vector<16xi32>
    %add3A_1127 = arith.addi %add3A_1116, %select_n3A_1126 : vector<16xi32>
    %get3A_1128 = arith.constant 7 : i32
    %get3A_1129 = arith.index_cast %get3A_1128 : i32 to index
    %get3A_1130 = arith.constant 0 : index
    %get3A_1131 = tpu.vector_load %arg19[%get3A_1129, %get3A_1130] {strides = array<i32>} : memref<16x16xi32, #tpu.memory_space<vmem>>, vector<16xi32>,
    %add3A_1132 = arith.addi %add3A_1121, %get3A_1131 : vector<16xi32>
    %gt3A_1133 = arith.constant 7 : i32
    %gt3A_1134 = arith.cmpi sgt, %arg1, %gt3A_1133 : i32
    %jit3A_1135 = arith.constant 0 : i32
    %broadcast_in_dim3A_1136 = vector.broadcast %jit3A_1135 : i32 to vector<16xi32>
    %select_n3A_1137 = arith.select %gt3A_1134, %get3A_1131, %broadcast_in_dim3A_1136 : vector<16xi32>
    %add3A_1138 = arith.addi %add3A_1127, %select_n3A_1137 : vector<16xi32>
    %get3A_1139 = arith.constant 8 : i32
    %get3A_1140 = arith.index_cast %get3A_1139 : i32 to index
    %get3A_1141 = arith.constant 0 : index
    %get3A_1142 = tpu.vector_load %arg19[%get3A_1140, %get3A_1141] {strides = array<i32>} : memref<16x16xi32, #tpu.memory_space<vmem>>, vector<16xi32>,
    %add3A_1143 = arith.addi %add3A_1132, %get3A_1142 : vector<16xi32>
    %gt3A_1144 = arith.constant 8 : i32
    %gt3A_1145 = arith.cmpi sgt, %arg1, %gt3A_1144 : i32
    %jit3A_1146 = arith.constant 0 : i32
    %broadcast_in_dim3A_1147 = vector.broadcast %jit3A_1146 : i32 to vector<16xi32>
    %select_n3A_1148 = arith.select %gt3A_1145, %get3A_1142, %broadcast_in_dim3A_1147 : vector<16xi32>
    %add3A_1149 = arith.addi %add3A_1138, %select_n3A_1148 : vector<16xi32>
    %get3A_1150 = arith.constant 9 : i32
    %get3A_1151 = arith.index_cast %get3A_1150 : i32 to index
    %get3A_1152 = arith.constant 0 : index
    %get3A_1153 = tpu.vector_load %arg19[%get3A_1151, %get3A_1152] {strides = array<i32>} : memref<16x16xi32, #tpu.memory_space<vmem>>, vector<16xi32>,
    %add3A_1154 = arith.addi %add3A_1143, %get3A_1153 : vector<16xi32>
    %gt3A_1155 = arith.constant 9 : i32
    %gt3A_1156 = arith.cmpi sgt, %arg1, %gt3A_1155 : i32
    %jit3A_1157 = arith.constant 0 : i32
    %broadcast_in_dim3A_1158 = vector.broadcast %jit3A_1157 : i32 to vector<16xi32>
    %select_n3A_1159 = arith.select %gt3A_1156, %get3A_1153, %broadcast_in_dim3A_1158 : vector<16xi32>
    %add3A_1160 = arith.addi %add3A_1149, %select_n3A_1159 : vector<16xi32>
    %get3A_1161 = arith.constant 10 : i32
    %get3A_1162 = arith.index_cast %get3A_1161 : i32 to index
    %get3A_1163 = arith.constant 0 : index
    %get3A_1164 = tpu.vector_load %arg19[%get3A_1162, %get3A_1163] {strides = array<i32>} : memref<16x16xi32, #tpu.memory_space<vmem>>, vector<16xi32>,
    %add3A_1165 = arith.addi %add3A_1154, %get3A_1164 : vector<16xi32>
    %gt3A_1166 = arith.constant 10 : i32
    %gt3A_1167 = arith.cmpi sgt, %arg1, %gt3A_1166 : i32
    %jit3A_1168 = arith.constant 0 : i32
    %broadcast_in_dim3A_1169 = vector.broadcast %jit3A_1168 : i32 to vector<16xi32>
    %select_n3A_1170 = arith.select %gt3A_1167, %get3A_1164, %broadcast_in_dim3A_1169 : vector<16xi32>
    %add3A_1171 = arith.addi %add3A_1160, %select_n3A_1170 : vector<16xi32>
    %get3A_1172 = arith.constant 11 : i32
    %get3A_1173 = arith.index_cast %get3A_1172 : i32 to index
    %get3A_1174 = arith.constant 0 : index
    %get3A_1175 = tpu.vector_load %arg19[%get3A_1173, %get3A_1174] {strides = array<i32>} : memref<16x16xi32, #tpu.memory_space<vmem>>, vector<16xi32>,
    %add3A_1176 = arith.addi %add3A_1165, %get3A_1175 : vector<16xi32>
    %gt3A_1177 = arith.constant 11 : i32
    %gt3A_1178 = arith.cmpi sgt, %arg1, %gt3A_1177 : i32
    %jit3A_1179 = arith.constant 0 : i32
    %broadcast_in_dim3A_1180 = vector.broadcast %jit3A_1179 : i32 to vector<16xi32>
    %select_n3A_1181 = arith.select %gt3A_1178, %get3A_1175, %broadcast_in_dim3A_1180 : vector<16xi32>
    %add3A_1182 = arith.addi %add3A_1171, %select_n3A_1181 : vector<16xi32>
    %get3A_1183 = arith.constant 12 : i32
    %get3A_1184 = arith.index_cast %get3A_1183 : i32 to index
    %get3A_1185 = arith.constant 0 : index
    %get3A_1186 = tpu.vector_load %arg19[%get3A_1184, %get3A_1185] {strides = array<i32>} : memref<16x16xi32, #tpu.memory_space<vmem>>, vector<16xi32>,
    %add3A_1187 = arith.addi %add3A_1176, %get3A_1186 : vector<16xi32>
    %gt3A_1188 = arith.constant 12 : i32
    %gt3A_1189 = arith.cmpi sgt, %arg1, %gt3A_1188 : i32
    %jit3A_1190 = arith.constant 0 : i32
    %broadcast_in_dim3A_1191 = vector.broadcast %jit3A_1190 : i32 to vector<16xi32>
    %select_n3A_1192 = arith.select %gt3A_1189, %get3A_1186, %broadcast_in_dim3A_1191 : vector<16xi32>
    %add3A_1193 = arith.addi %add3A_1182, %select_n3A_1192 : vector<16xi32>
    %get3A_1194 = arith.constant 13 : i32
    %get3A_1195 = arith.index_cast %get3A_1194 : i32 to index
    %get3A_1196 = arith.constant 0 : index
    %get3A_1197 = tpu.vector_load %arg19[%get3A_1195, %get3A_1196] {strides = array<i32>} : memref<16x16xi32, #tpu.memory_space<vmem>>, vector<16xi32>,
    %add3A_1198 = arith.addi %add3A_1187, %get3A_1197 : vector<16xi32>
    %gt3A_1199 = arith.constant 13 : i32
    %gt3A_1200 = arith.cmpi sgt, %arg1, %gt3A_1199 : i32
    %jit3A_1201 = arith.constant 0 : i32
    %broadcast_in_dim3A_1202 = vector.broadcast %jit3A_1201 : i32 to vector<16xi32>
    %select_n3A_1203 = arith.select %gt3A_1200, %get3A_1197, %broadcast_in_dim3A_1202 : vector<16xi32>
    %add3A_1204 = arith.addi %add3A_1193, %select_n3A_1203 : vector<16xi32>
    %get3A_1205 = arith.constant 14 : i32
    %get3A_1206 = arith.index_cast %get3A_1205 : i32 to index
    %get3A_1207 = arith.constant 0 : index
    %get3A_1208 = tpu.vector_load %arg19[%get3A_1206, %get3A_1207] {strides = array<i32>} : memref<16x16xi32, #tpu.memory_space<vmem>>, vector<16xi32>,
    %add3A_1209 = arith.addi %add3A_1198, %get3A_1208 : vector<16xi32>
    %gt3A_1210 = arith.constant 14 : i32
    %gt3A_1211 = arith.cmpi sgt, %arg1, %gt3A_1210 : i32
    %jit3A_1212 = arith.constant 0 : i32
    %broadcast_in_dim3A_1213 = vector.broadcast %jit3A_1212 : i32 to vector<16xi32>
    %select_n3A_1214 = arith.select %gt3A_1211, %get3A_1208, %broadcast_in_dim3A_1213 : vector<16xi32>
    %add3A_1215 = arith.addi %add3A_1204, %select_n3A_1214 : vector<16xi32>
    %get3A_1216 = arith.constant 15 : i32
    %get3A_1217 = arith.index_cast %get3A_1216 : i32 to index
    %get3A_1218 = arith.constant 0 : index
    %get3A_1219 = tpu.vector_load %arg19[%get3A_1217, %get3A_1218] {strides = array<i32>} : memref<16x16xi32, #tpu.memory_space<vmem>>, vector<16xi32>,
    %add3A_1220 = arith.addi %add3A_1209, %get3A_1219 : vector<16xi32>
    %gt3A_1221 = arith.constant 15 : i32
    %gt3A_1222 = arith.cmpi sgt, %arg1, %gt3A_1221 : i32
    %jit3A_1223 = arith.constant 0 : i32
    %broadcast_in_dim3A_1224 = vector.broadcast %jit3A_1223 : i32 to vector<16xi32>
    %select_n3A_1225 = arith.select %gt3A_1222, %get3A_1219, %broadcast_in_dim3A_1224 : vector<16xi32>
    %add3A_1226 = arith.addi %add3A_1215, %select_n3A_1225 : vector<16xi32>
    %broadcast_in_dim3A_1227 = arith.constant true
    %broadcast_in_dim3A_1228 = vector.broadcast %broadcast_in_dim3A_1227 : i1 to vector<16xi1>
    %masked_cumsum3A_1229 = tpu.scan <sum>, %add3A_1220 masked %broadcast_in_dim3A_1228 : vector<16xi32>, vector<16xi1> -> vector<16xi32>
    %sub3A_1230 = arith.subi %masked_cumsum3A_1229, %add3A_1220 : vector<16xi32>
    %add3A_1231 = arith.addi %sub3A_1230, %add3A_1226 : vector<16xi32>
    %scan3A_1232 = arith.constant 0 : i32
    %scan3A_1233 = arith.constant 0 : i32
    %scan3A_1234 = arith.constant 80 : i32
    %scan3A_1235 = arith.addi %scan3A_1233, %scan3A_1234 : i32
    %scan3A_1236 = arith.constant 1 : i32
    scf.for %scan3A_1688 = %scan3A_1233 to %scan3A_1235 step %scan3A_1236  : i32 {
      %mul3A_1689 = arith.constant 16 : i32
      %mul3A_1690 = arith.muli %scan3A_1688, %mul3A_1689 : i32
      %get3A_1691 = arith.index_cast %mul3A_1690 : i32 to index
      %get3A_1692 = tpu.vector_load %arg11[%get3A_1691] {strides = array<i32>} : memref<1280xi32, #tpu.memory_space<vmem>>, vector<16xi32>,
      %mul3A_1693 = arith.constant 16 : i32
      %mul3A_1694 = arith.muli %scan3A_1688, %mul3A_1693 : i32
      %get3A_1695 = arith.index_cast %mul3A_1694 : i32 to index
      %get3A_1696 = tpu.vector_load %arg14[%get3A_1695] {strides = array<i32>} : memref<1280xi32, #tpu.memory_space<vmem>>, vector<16xi32>,
      %mul3A_1697 = arith.constant 16 : i32
      %mul3A_1698 = arith.muli %scan3A_1688, %mul3A_1697 : i32
      %get3A_1699 = arith.index_cast %mul3A_1698 : i32 to index
      %get3A_1700 = tpu.vector_load %arg15[%get3A_1699] {strides = array<i32>} : memref<1280xi32, #tpu.memory_space<vmem>>, vector<16xi32>,
      %mul3A_1701 = arith.constant 16 : i32
      %mul3A_1702 = arith.muli %scan3A_1688, %mul3A_1701 : i32
      %get3A_1703 = arith.index_cast %mul3A_1702 : i32 to index
      %get3A_1704 = tpu.vector_load %arg16[%get3A_1703] {strides = array<i32>} : memref<1280xi32, #tpu.memory_space<vmem>>, vector<16xi32>,
      %mul3A_1705 = arith.constant 16 : i32
      %mul3A_1706 = arith.muli %scan3A_1688, %mul3A_1705 : i32
      %get3A_1707 = arith.index_cast %mul3A_1706 : i32 to index
      %get3A_1708 = tpu.vector_load %arg13[%get3A_1707] {strides = array<i32>} : memref<1280xi32, #tpu.memory_space<vmem>>, vector<16xi32>,
      %add3A_1709 = arith.addi %add3A_1231, %get3A_1708 : vector<16xi32>
      %broadcast_in_dim3A_1710 = vector.shape_cast %get3A_1696 : vector<16xi32> to vector<16x1xi32>
      %gather3A = vector.shape_cast %broadcast_in_dim3A_1710 : vector<16x1xi32> to vector<16xi32>
      %gather3A_1711 = tpu.dynamic_gather %add3A_1709[%gather3A] in [0] : vector<16xi32>, vector<16xi32> -> vector<16xi32>
      %add3A_1712 = arith.addi %gather3A_1711, %get3A_1704 : vector<16xi32>
      %broadcast_in_dim3A_1713 = vector.shape_cast %get3A_1700 : vector<16xi32> to vector<16x1xi32>
      %gather3A_1714 = vector.shape_cast %broadcast_in_dim3A_1713 : vector<16x1xi32> to vector<16xi32>
      %gather3A_1715 = tpu.dynamic_gather %get3A_1692[%gather3A_1714] in [0] : vector<16xi32>, vector<16xi32> -> vector<16xi32>
      %mul3A_1716 = arith.constant 16 : i32
      %mul3A_1717 = arith.muli %scan3A_1688, %mul3A_1716 : i32
      %swap3A_1718 = arith.index_cast %mul3A_1717 : i32 to index
      %swap3A_1719 = tpu.vector_load %arg12[%swap3A_1718] {strides = array<i32>} : memref<1280xi32, #tpu.memory_space<vmem>>, vector<16xi32>,
      tpu.vector_store %arg12[%swap3A_1718], %gather3A_1715 {strides = array<i32>} : memref<1280xi32, #tpu.memory_space<vmem>>, vector<16xi32>,
      %mul3A_1720 = arith.constant 16 : i32
      %mul3A_1721 = arith.muli %scan3A_1688, %mul3A_1720 : i32
      %swap3A_1722 = arith.index_cast %mul3A_1721 : i32 to index
      %swap3A_1723 = tpu.vector_load %arg13[%swap3A_1722] {strides = array<i32>} : memref<1280xi32, #tpu.memory_space<vmem>>, vector<16xi32>,
      tpu.vector_store %arg13[%swap3A_1722], %add3A_1712 {strides = array<i32>} : memref<1280xi32, #tpu.memory_space<vmem>>, vector<16xi32>,
    }
    %scan3A_1237 = arith.constant 80 : i32
    %dma_start3A_1238 = arith.constant 0 : i32
    %dma_start3A_1239 = tpu.memref_slice %arg7[%dma_start3A_1238] : memref<20480xi32, #tpu.memory_space<vmem_shared>> -> memref<20480xi32, #tpu.memory_space<vmem_shared>>
    tpu.enqueue_indirect_dma source(%arg12 : memref<1280xi32, #tpu.memory_space<vmem>>) target(%dma_start3A_1239 : memref<20480xi32, #tpu.memory_space<vmem_shared>>) offsets(%arg13 : memref<1280xi32, #tpu.memory_space<vmem>>) semaphore(%arg23 : memref<!tpu.dma_semaphore, #tpu.memory_space<semaphore_mem>>)
    %dma_wait3A_1240 = arith.constant 0 : i32
    %dma_wait3A_1241 = tpu.memref_slice %arg7[%dma_wait3A_1240] : memref<20480xi32, #tpu.memory_space<vmem_shared>> -> memref<20480xi32, #tpu.memory_space<vmem_shared>>
    tpu.wait_indirect_dma semaphore(%arg23 : memref<!tpu.dma_semaphore, #tpu.memory_space<semaphore_mem>>) src(%arg12 : memref<1280xi32, #tpu.memory_space<vmem>>) dst(%dma_wait3A_1241 : memref<20480xi32, #tpu.memory_space<vmem_shared>>)
    %barrier3A_1242 = arith.constant 0 : index
    tpu.barrier barrier_id(%barrier3A_1242)
    "tpu.region"() ({
      %run_scoped3A = tpu.sem_alloc : memref<!tpu.dma_semaphore, #tpu.memory_space<semaphore_mem>>
      %dma_start3A_1688 = tpu.memref_slice %arg7[%mul3A_0] : memref<20480xi32, #tpu.memory_space<vmem_shared>> -> memref<1280xi32, #tpu.memory_space<vmem_shared>>
      %dma_start3A_1689 = tpu.memref_slice %arg7[%mul3A_0] : memref<20480xi32, #tpu.memory_space<vmem_shared>> -> memref<1280xi32, #tpu.memory_space<vmem_shared>>
      tpu.enqueue_dma source(%dma_start3A_1689 : memref<1280xi32, #tpu.memory_space<vmem_shared>>) target(%arg11 : memref<1280xi32, #tpu.memory_space<vmem>>) target_semaphore(%run_scoped3A : memref<!tpu.dma_semaphore, #tpu.memory_space<semaphore_mem>>)
      %dma_wait3A_1690 = tpu.memref_slice %arg7[%mul3A_0] : memref<20480xi32, #tpu.memory_space<vmem_shared>> -> memref<1280xi32, #tpu.memory_space<vmem_shared>>
      %dma_wait3A_1691 = tpu.memref_slice %arg7[%mul3A_0] : memref<20480xi32, #tpu.memory_space<vmem_shared>> -> memref<1280xi32, #tpu.memory_space<vmem_shared>>
      tpu.wait_dma2 semaphore(%run_scoped3A : memref<!tpu.dma_semaphore, #tpu.memory_space<semaphore_mem>>) src(%dma_wait3A_1691 : memref<1280xi32, #tpu.memory_space<vmem_shared>>) dst(%arg11 : memref<1280xi32, #tpu.memory_space<vmem>>)
      tpu.yield
    }) : () -> ()
    %dma_start3A_1243 = arith.constant 0 : i32
    %dma_start3A_1244 = tpu.memref_slice %arg6[%dma_start3A_1243] : memref<20480xi32, #tpu.memory_space<vmem_shared>> -> memref<20480xi32, #tpu.memory_space<vmem_shared>>
    tpu.enqueue_indirect_dma source(%dma_start3A_1244 : memref<20480xi32, #tpu.memory_space<vmem_shared>>) target(%arg10 : memref<1280xi32, #tpu.memory_space<vmem>>) offsets(%arg11 : memref<1280xi32, #tpu.memory_space<vmem>>) semaphore(%arg23 : memref<!tpu.dma_semaphore, #tpu.memory_space<semaphore_mem>>)
    %dma_wait3A_1245 = arith.constant 0 : i32
    %dma_wait3A_1246 = tpu.memref_slice %arg6[%dma_wait3A_1245] : memref<20480xi32, #tpu.memory_space<vmem_shared>> -> memref<20480xi32, #tpu.memory_space<vmem_shared>>
    tpu.wait_indirect_dma semaphore(%arg23 : memref<!tpu.dma_semaphore, #tpu.memory_space<semaphore_mem>>) src(%dma_wait3A_1246 : memref<20480xi32, #tpu.memory_space<vmem_shared>>) dst(%arg10 : memref<1280xi32, #tpu.memory_space<vmem>>)
    %broadcast_in_dim3A_1247 = arith.constant 0 : i32
    %broadcast_in_dim3A_1248 = vector.broadcast %broadcast_in_dim3A_1247 : i32 to vector<16xi32>
    %scan3A_1249 = arith.constant 0 : i32
    %scan3A_1250 = arith.constant 80 : i32
    %scan3A_1251 = arith.addi %scan3A_1249, %scan3A_1250 : i32
    %scan3A_1252 = arith.constant 1 : i32
    %scan3A_1253 = scf.for %scan3A_1688 = %scan3A_1249 to %scan3A_1251 step %scan3A_1252 iter_args(%scan3A_1689 = %broadcast_in_dim3A_1248) -> (vector<16xi32>)  : i32 {
      %mul3A_1690 = arith.constant 16 : i32
      %mul3A_1691 = arith.muli %scan3A_1688, %mul3A_1690 : i32
      %get3A_1692 = arith.index_cast %mul3A_1691 : i32 to index
      %get3A_1693 = tpu.vector_load %arg10[%get3A_1692] {strides = array<i32>} : memref<1280xi32, #tpu.memory_space<vmem>>, vector<16xi32>,
      %shift_right_logical3A = arith.constant 24 : i32
      %shift_right_logical3A_1694 = vector.broadcast %shift_right_logical3A : i32 to vector<16xi32>
      %shift_right_logical3A_1695 = arith.shrui %get3A_1693, %shift_right_logical3A_1694 : vector<16xi32>
      %and3A = arith.constant 15 : i32
      %and3A_1696 = vector.broadcast %and3A : i32 to vector<16xi32>
      %and3A_1697 = arith.andi %shift_right_logical3A_1695, %and3A_1696 : vector<16xi32>
      %mul3A_1698 = arith.constant 16 : i32
      %mul3A_1699 = vector.broadcast %mul3A_1698 : i32 to vector<16xi32>
      %mul3A_1700 = arith.muli %and3A_1697, %mul3A_1699 : vector<16xi32>
      %add3A_1701 = arith.addi %mul3A_1700, %iota3A : vector<16xi32>
      %sort3A = arith.constant dense<true> : vector<16xi1>
      %sort3A_1702, %sort3A_1703, %sort3A_1704 = tpu.sort %add3A_1701, %add3A_1701 masked %sort3A : (vector<16xi32>, vector<16xi32>, vector<16xi1>) -> (vector<16xi1>, vector<16xi32>, vector<16xi32>)
      %shift_right_logical3A_1705 = arith.constant 4 : i32
      %shift_right_logical3A_1706 = vector.broadcast %shift_right_logical3A_1705 : i32 to vector<16xi32>
      %shift_right_logical3A_1707 = arith.shrui %sort3A_1703, %shift_right_logical3A_1706 : vector<16xi32>
      %and3A_1708 = arith.constant 15 : i32
      %and3A_1709 = vector.broadcast %and3A_1708 : i32 to vector<16xi32>
      %and3A_1710 = arith.andi %sort3A_1703, %and3A_1709 : vector<16xi32>
      %sub3A_1711 = arith.constant 1 : i32
      %sub3A_1712 = vector.broadcast %sub3A_1711 : i32 to vector<16xi32>
      %sub3A_1713 = arith.subi %iota3A, %sub3A_1712 : vector<16xi32>
      %max3A = arith.constant 0 : i32
      %max3A_1714 = vector.broadcast %max3A : i32 to vector<16xi32>
      %max3A_1715 = arith.maxsi %sub3A_1713, %max3A_1714 : vector<16xi32>
      %broadcast_in_dim3A_1716 = vector.shape_cast %max3A_1715 : vector<16xi32> to vector<16x1xi32>
      %gather3A = vector.shape_cast %broadcast_in_dim3A_1716 : vector<16x1xi32> to vector<16xi32>
      %gather3A_1717 = tpu.dynamic_gather %shift_right_logical3A_1707[%gather3A] in [0] : vector<16xi32>, vector<16xi32> -> vector<16xi32>
      %eq3A = arith.constant 0 : i32
      %eq3A_1718 = vector.broadcast %eq3A : i32 to vector<16xi32>
      %eq3A_1719 = arith.cmpi eq, %iota3A, %eq3A_1718 : vector<16xi32>
      %ne3A = arith.cmpi ne, %shift_right_logical3A_1707, %gather3A_1717 : vector<16xi32>
      %or3A = arith.ori %eq3A_1719, %ne3A : vector<16xi1>
      %jit3A_1720 = arith.constant 0 : i32
      %broadcast_in_dim3A_1721 = vector.broadcast %jit3A_1720 : i32 to vector<16xi32>
      %select_n3A_1722 = arith.select %or3A, %iota3A, %broadcast_in_dim3A_1721 : vector<16xi1>, vector<16xi32>
      %broadcast_in_dim3A_1723 = arith.constant true
      %broadcast_in_dim3A_1724 = vector.broadcast %broadcast_in_dim3A_1723 : i1 to vector<16xi1>
      %masked_cummax3A = arith.constant -2147483648 : i32
      %masked_cummax3A_1725 = vector.broadcast %masked_cummax3A : i32 to vector<16xi32>
      %masked_cummax3A_1726 = arith.xori %select_n3A_1722, %masked_cummax3A_1725 : vector<16xi32>
      %masked_cummax3A_1727 = tpu.scan <max>, %masked_cummax3A_1726 masked %broadcast_in_dim3A_1724 : vector<16xi32>, vector<16xi1> -> vector<16xi32>
      %masked_cummax3A_1728 = arith.xori %masked_cummax3A_1727, %masked_cummax3A_1725 : vector<16xi32>
      %sub3A_1729 = arith.subi %iota3A, %masked_cummax3A_1728 : vector<16xi32>
      %add3A_1730 = arith.constant 1 : i32
      %add3A_1731 = vector.broadcast %add3A_1730 : i32 to vector<16xi32>
      %add3A_1732 = arith.addi %iota3A, %add3A_1731 : vector<16xi32>
      %min3A = arith.constant 15 : i32
      %min3A_1733 = vector.broadcast %min3A : i32 to vector<16xi32>
      %min3A_1734 = arith.minsi %add3A_1732, %min3A_1733 : vector<16xi32>
      %broadcast_in_dim3A_1735 = vector.shape_cast %min3A_1734 : vector<16xi32> to vector<16x1xi32>
      %gather3A_1736 = vector.shape_cast %broadcast_in_dim3A_1735 : vector<16x1xi32> to vector<16xi32>
      %gather3A_1737 = tpu.dynamic_gather %shift_right_logical3A_1707[%gather3A_1736] in [0] : vector<16xi32>, vector<16xi32> -> vector<16xi32>
      %eq3A_1738 = arith.constant 15 : i32
      %eq3A_1739 = vector.broadcast %eq3A_1738 : i32 to vector<16xi32>
      %eq3A_1740 = arith.cmpi eq, %iota3A, %eq3A_1739 : vector<16xi32>
      %ne3A_1741 = arith.cmpi ne, %gather3A_1737, %shift_right_logical3A_1707 : vector<16xi32>
      %or3A_1742 = arith.ori %eq3A_1740, %ne3A_1741 : vector<16xi1>
      %broadcast_in_dim3A_1743 = arith.constant 0 : i32
      %broadcast_in_dim3A_1744 = vector.broadcast %broadcast_in_dim3A_1743 : i32 to vector<16xi32>
      %swap3A_1745 = arith.constant 0 : index
      %swap3A_1746 = tpu.vector_load %arg17[%swap3A_1745] {strides = array<i32>} : memref<16xi32, #tpu.memory_space<vmem>>, vector<16xi32>,
      tpu.vector_store %arg17[%swap3A_1745], %broadcast_in_dim3A_1744 {strides = array<i32>} : memref<16xi32, #tpu.memory_space<vmem>>, vector<16xi32>,
      %add3A_1747 = arith.constant 1 : i32
      %add3A_1748 = vector.broadcast %add3A_1747 : i32 to vector<16xi32>
      %add3A_1749 = arith.addi %sub3A_1729, %add3A_1748 : vector<16xi32>
      tpu.vector_store_idx %arg17[%shift_right_logical3A_1707], %add3A_1749 masked %or3A_1742 : memref<16xi32, #tpu.memory_space<vmem>>[vector<16xi32>], vector<16xi32>, vector<16xi1>
      %mul3A_1750 = arith.constant 16 : i32
      %mul3A_1751 = arith.muli %scan3A_1688, %mul3A_1750 : i32
      %swap3A_1752 = arith.index_cast %mul3A_1751 : i32 to index
      %swap3A_1753 = tpu.vector_load %arg14[%swap3A_1752] {strides = array<i32>} : memref<1280xi32, #tpu.memory_space<vmem>>, vector<16xi32>,
      tpu.vector_store %arg14[%swap3A_1752], %shift_right_logical3A_1707 {strides = array<i32>} : memref<1280xi32, #tpu.memory_space<vmem>>, vector<16xi32>,
      %mul3A_1754 = arith.constant 16 : i32
      %mul3A_1755 = arith.muli %scan3A_1688, %mul3A_1754 : i32
      %swap3A_1756 = arith.index_cast %mul3A_1755 : i32 to index
      %swap3A_1757 = tpu.vector_load %arg15[%swap3A_1756] {strides = array<i32>} : memref<1280xi32, #tpu.memory_space<vmem>>, vector<16xi32>,
      tpu.vector_store %arg15[%swap3A_1756], %and3A_1710 {strides = array<i32>} : memref<1280xi32, #tpu.memory_space<vmem>>, vector<16xi32>,
      %mul3A_1758 = arith.constant 16 : i32
      %mul3A_1759 = arith.muli %scan3A_1688, %mul3A_1758 : i32
      %swap3A_1760 = arith.index_cast %mul3A_1759 : i32 to index
      %swap3A_1761 = tpu.vector_load %arg16[%swap3A_1760] {strides = array<i32>} : memref<1280xi32, #tpu.memory_space<vmem>>, vector<16xi32>,
      tpu.vector_store %arg16[%swap3A_1760], %sub3A_1729 {strides = array<i32>} : memref<1280xi32, #tpu.memory_space<vmem>>, vector<16xi32>,
      %mul3A_1762 = arith.constant 16 : i32
      %mul3A_1763 = arith.muli %scan3A_1688, %mul3A_1762 : i32
      %swap3A_1764 = arith.index_cast %mul3A_1763 : i32 to index
      %swap3A_1765 = tpu.vector_load %arg13[%swap3A_1764] {strides = array<i32>} : memref<1280xi32, #tpu.memory_space<vmem>>, vector<16xi32>,
      tpu.vector_store %arg13[%swap3A_1764], %scan3A_1689 {strides = array<i32>} : memref<1280xi32, #tpu.memory_space<vmem>>, vector<16xi32>,
      %get3A_1766 = arith.constant 0 : index
      %get3A_1767 = tpu.vector_load %arg17[%get3A_1766] {strides = array<i32>} : memref<16xi32, #tpu.memory_space<vmem>>, vector<16xi32>,
      %add3A_1768 = arith.addi %scan3A_1689, %get3A_1767 : vector<16xi32>
      scf.yield %add3A_1768 : vector<16xi32>
    }
    %scan3A_1254 = arith.constant 80 : i32
    %swap3A_1255 = arith.constant 0 : index
    %swap3A_1256 = tpu.vector_load %arg18[%swap3A_1255] {strides = array<i32>} : memref<16xi32, #tpu.memory_space<vmem>>, vector<16xi32>,
    tpu.vector_store %arg18[%swap3A_1255], %scan3A_1253 {strides = array<i32>} : memref<16xi32, #tpu.memory_space<vmem>>, vector<16xi32>,
    "tpu.region"() ({
      %run_scoped3A = tpu.sem_alloc : memref<!tpu.dma_semaphore, #tpu.memory_space<semaphore_mem>>
      %dma_start3A_1688 = arith.constant 0 : i32
      %dma_start3A_1689 = tpu.memref_slice %arg9[%arg1, %dma_start3A_1688] : memref<16x16xi32, #tpu.memory_space<vmem_shared>> -> memref<1x16xi32, #tpu.memory_space<vmem_shared>>
      %dma_start3A_1690 = tpu.memref_squeeze %dma_start3A_1689 : memref<1x16xi32, #tpu.memory_space<vmem_shared>> -> memref<16xi32, #tpu.memory_space<vmem_shared>>
      %dma_start3A_1691 = arith.constant 0 : i32
      %dma_start3A_1692 = tpu.memref_slice %arg9[%arg1, %dma_start3A_1691] : memref<16x16xi32, #tpu.memory_space<vmem_shared>> -> memref<1x16xi32, #tpu.memory_space<vmem_shared>>
      %dma_start3A_1693 = tpu.memref_squeeze %dma_start3A_1692 : memref<1x16xi32, #tpu.memory_space<vmem_shared>> -> memref<16xi32, #tpu.memory_space<vmem_shared>>
      tpu.enqueue_dma source(%arg18 : memref<16xi32, #tpu.memory_space<vmem>>) target(%dma_start3A_1693 : memref<16xi32, #tpu.memory_space<vmem_shared>>) target_semaphore(%run_scoped3A : memref<!tpu.dma_semaphore, #tpu.memory_space<semaphore_mem>>)
      %dma_wait3A_1694 = arith.constant 0 : i32
      %dma_wait3A_1695 = tpu.memref_slice %arg9[%arg1, %dma_wait3A_1694] : memref<16x16xi32, #tpu.memory_space<vmem_shared>> -> memref<1x16xi32, #tpu.memory_space<vmem_shared>>
      %dma_wait3A_1696 = tpu.memref_squeeze %dma_wait3A_1695 : memref<1x16xi32, #tpu.memory_space<vmem_shared>> -> memref<16xi32, #tpu.memory_space<vmem_shared>>
      %dma_wait3A_1697 = arith.constant 0 : i32
      %dma_wait3A_1698 = tpu.memref_slice %arg9[%arg1, %dma_wait3A_1697] : memref<16x16xi32, #tpu.memory_space<vmem_shared>> -> memref<1x16xi32, #tpu.memory_space<vmem_shared>>
      %dma_wait3A_1699 = tpu.memref_squeeze %dma_wait3A_1698 : memref<1x16xi32, #tpu.memory_space<vmem_shared>> -> memref<16xi32, #tpu.memory_space<vmem_shared>>
      tpu.wait_dma2 semaphore(%run_scoped3A : memref<!tpu.dma_semaphore, #tpu.memory_space<semaphore_mem>>) src(%arg18 : memref<16xi32, #tpu.memory_space<vmem>>) dst(%dma_wait3A_1699 : memref<16xi32, #tpu.memory_space<vmem_shared>>)
      tpu.yield
    }) : () -> ()
    %barrier3A_1257 = arith.constant 0 : index
    tpu.barrier barrier_id(%barrier3A_1257)
    "tpu.region"() ({
      %run_scoped3A = tpu.sem_alloc : memref<!tpu.dma_semaphore, #tpu.memory_space<semaphore_mem>>
      tpu.enqueue_dma source(%arg9 : memref<16x16xi32, #tpu.memory_space<vmem_shared>>) target(%arg19 : memref<16x16xi32, #tpu.memory_space<vmem>>) target_semaphore(%run_scoped3A : memref<!tpu.dma_semaphore, #tpu.memory_space<semaphore_mem>>)
      tpu.wait_dma2 semaphore(%run_scoped3A : memref<!tpu.dma_semaphore, #tpu.memory_space<semaphore_mem>>) src(%arg9 : memref<16x16xi32, #tpu.memory_space<vmem_shared>>) dst(%arg19 : memref<16x16xi32, #tpu.memory_space<vmem>>)
      tpu.yield
    }) : () -> ()
    %get3A_1258 = arith.constant 0 : i32
    %get3A_1259 = arith.index_cast %get3A_1258 : i32 to index
    %get3A_1260 = arith.constant 0 : index
    %get3A_1261 = tpu.vector_load %arg19[%get3A_1259, %get3A_1260] {strides = array<i32>} : memref<16x16xi32, #tpu.memory_space<vmem>>, vector<16xi32>,
    %gt3A_1262 = arith.constant 0 : i32
    %gt3A_1263 = arith.cmpi sgt, %arg1, %gt3A_1262 : i32
    %get3A_1264 = arith.constant 0 : i32
    %get3A_1265 = arith.index_cast %get3A_1264 : i32 to index
    %get3A_1266 = arith.constant 0 : index
    %get3A_1267 = tpu.vector_load %arg19[%get3A_1265, %get3A_1266] {strides = array<i32>} : memref<16x16xi32, #tpu.memory_space<vmem>>, vector<16xi32>,
    %jit3A_1268 = arith.constant 0 : i32
    %broadcast_in_dim3A_1269 = vector.broadcast %jit3A_1268 : i32 to vector<16xi32>
    %select_n3A_1270 = arith.select %gt3A_1263, %get3A_1267, %broadcast_in_dim3A_1269 : vector<16xi32>
    %get3A_1271 = arith.constant 1 : i32
    %get3A_1272 = arith.index_cast %get3A_1271 : i32 to index
    %get3A_1273 = arith.constant 0 : index
    %get3A_1274 = tpu.vector_load %arg19[%get3A_1272, %get3A_1273] {strides = array<i32>} : memref<16x16xi32, #tpu.memory_space<vmem>>, vector<16xi32>,
    %add3A_1275 = arith.addi %get3A_1261, %get3A_1274 : vector<16xi32>
    %gt3A_1276 = arith.constant 1 : i32
    %gt3A_1277 = arith.cmpi sgt, %arg1, %gt3A_1276 : i32
    %jit3A_1278 = arith.constant 0 : i32
    %broadcast_in_dim3A_1279 = vector.broadcast %jit3A_1278 : i32 to vector<16xi32>
    %select_n3A_1280 = arith.select %gt3A_1277, %get3A_1274, %broadcast_in_dim3A_1279 : vector<16xi32>
    %add3A_1281 = arith.addi %select_n3A_1270, %select_n3A_1280 : vector<16xi32>
    %get3A_1282 = arith.constant 2 : i32
    %get3A_1283 = arith.index_cast %get3A_1282 : i32 to index
    %get3A_1284 = arith.constant 0 : index
    %get3A_1285 = tpu.vector_load %arg19[%get3A_1283, %get3A_1284] {strides = array<i32>} : memref<16x16xi32, #tpu.memory_space<vmem>>, vector<16xi32>,
    %add3A_1286 = arith.addi %add3A_1275, %get3A_1285 : vector<16xi32>
    %gt3A_1287 = arith.constant 2 : i32
    %gt3A_1288 = arith.cmpi sgt, %arg1, %gt3A_1287 : i32
    %jit3A_1289 = arith.constant 0 : i32
    %broadcast_in_dim3A_1290 = vector.broadcast %jit3A_1289 : i32 to vector<16xi32>
    %select_n3A_1291 = arith.select %gt3A_1288, %get3A_1285, %broadcast_in_dim3A_1290 : vector<16xi32>
    %add3A_1292 = arith.addi %add3A_1281, %select_n3A_1291 : vector<16xi32>
    %get3A_1293 = arith.constant 3 : i32
    %get3A_1294 = arith.index_cast %get3A_1293 : i32 to index
    %get3A_1295 = arith.constant 0 : index
    %get3A_1296 = tpu.vector_load %arg19[%get3A_1294, %get3A_1295] {strides = array<i32>} : memref<16x16xi32, #tpu.memory_space<vmem>>, vector<16xi32>,
    %add3A_1297 = arith.addi %add3A_1286, %get3A_1296 : vector<16xi32>
    %gt3A_1298 = arith.constant 3 : i32
    %gt3A_1299 = arith.cmpi sgt, %arg1, %gt3A_1298 : i32
    %jit3A_1300 = arith.constant 0 : i32
    %broadcast_in_dim3A_1301 = vector.broadcast %jit3A_1300 : i32 to vector<16xi32>
    %select_n3A_1302 = arith.select %gt3A_1299, %get3A_1296, %broadcast_in_dim3A_1301 : vector<16xi32>
    %add3A_1303 = arith.addi %add3A_1292, %select_n3A_1302 : vector<16xi32>
    %get3A_1304 = arith.constant 4 : i32
    %get3A_1305 = arith.index_cast %get3A_1304 : i32 to index
    %get3A_1306 = arith.constant 0 : index
    %get3A_1307 = tpu.vector_load %arg19[%get3A_1305, %get3A_1306] {strides = array<i32>} : memref<16x16xi32, #tpu.memory_space<vmem>>, vector<16xi32>,
    %add3A_1308 = arith.addi %add3A_1297, %get3A_1307 : vector<16xi32>
    %gt3A_1309 = arith.constant 4 : i32
    %gt3A_1310 = arith.cmpi sgt, %arg1, %gt3A_1309 : i32
    %jit3A_1311 = arith.constant 0 : i32
    %broadcast_in_dim3A_1312 = vector.broadcast %jit3A_1311 : i32 to vector<16xi32>
    %select_n3A_1313 = arith.select %gt3A_1310, %get3A_1307, %broadcast_in_dim3A_1312 : vector<16xi32>
    %add3A_1314 = arith.addi %add3A_1303, %select_n3A_1313 : vector<16xi32>
    %get3A_1315 = arith.constant 5 : i32
    %get3A_1316 = arith.index_cast %get3A_1315 : i32 to index
    %get3A_1317 = arith.constant 0 : index
    %get3A_1318 = tpu.vector_load %arg19[%get3A_1316, %get3A_1317] {strides = array<i32>} : memref<16x16xi32, #tpu.memory_space<vmem>>, vector<16xi32>,
    %add3A_1319 = arith.addi %add3A_1308, %get3A_1318 : vector<16xi32>
    %gt3A_1320 = arith.constant 5 : i32
    %gt3A_1321 = arith.cmpi sgt, %arg1, %gt3A_1320 : i32
    %jit3A_1322 = arith.constant 0 : i32
    %broadcast_in_dim3A_1323 = vector.broadcast %jit3A_1322 : i32 to vector<16xi32>
    %select_n3A_1324 = arith.select %gt3A_1321, %get3A_1318, %broadcast_in_dim3A_1323 : vector<16xi32>
    %add3A_1325 = arith.addi %add3A_1314, %select_n3A_1324 : vector<16xi32>
    %get3A_1326 = arith.constant 6 : i32
    %get3A_1327 = arith.index_cast %get3A_1326 : i32 to index
    %get3A_1328 = arith.constant 0 : index
    %get3A_1329 = tpu.vector_load %arg19[%get3A_1327, %get3A_1328] {strides = array<i32>} : memref<16x16xi32, #tpu.memory_space<vmem>>, vector<16xi32>,
    %add3A_1330 = arith.addi %add3A_1319, %get3A_1329 : vector<16xi32>
    %gt3A_1331 = arith.constant 6 : i32
    %gt3A_1332 = arith.cmpi sgt, %arg1, %gt3A_1331 : i32
    %jit3A_1333 = arith.constant 0 : i32
    %broadcast_in_dim3A_1334 = vector.broadcast %jit3A_1333 : i32 to vector<16xi32>
    %select_n3A_1335 = arith.select %gt3A_1332, %get3A_1329, %broadcast_in_dim3A_1334 : vector<16xi32>
    %add3A_1336 = arith.addi %add3A_1325, %select_n3A_1335 : vector<16xi32>
    %get3A_1337 = arith.constant 7 : i32
    %get3A_1338 = arith.index_cast %get3A_1337 : i32 to index
    %get3A_1339 = arith.constant 0 : index
    %get3A_1340 = tpu.vector_load %arg19[%get3A_1338, %get3A_1339] {strides = array<i32>} : memref<16x16xi32, #tpu.memory_space<vmem>>, vector<16xi32>,
    %add3A_1341 = arith.addi %add3A_1330, %get3A_1340 : vector<16xi32>
    %gt3A_1342 = arith.constant 7 : i32
    %gt3A_1343 = arith.cmpi sgt, %arg1, %gt3A_1342 : i32
    %jit3A_1344 = arith.constant 0 : i32
    %broadcast_in_dim3A_1345 = vector.broadcast %jit3A_1344 : i32 to vector<16xi32>
    %select_n3A_1346 = arith.select %gt3A_1343, %get3A_1340, %broadcast_in_dim3A_1345 : vector<16xi32>
    %add3A_1347 = arith.addi %add3A_1336, %select_n3A_1346 : vector<16xi32>
    %get3A_1348 = arith.constant 8 : i32
    %get3A_1349 = arith.index_cast %get3A_1348 : i32 to index
    %get3A_1350 = arith.constant 0 : index
    %get3A_1351 = tpu.vector_load %arg19[%get3A_1349, %get3A_1350] {strides = array<i32>} : memref<16x16xi32, #tpu.memory_space<vmem>>, vector<16xi32>,
    %add3A_1352 = arith.addi %add3A_1341, %get3A_1351 : vector<16xi32>
    %gt3A_1353 = arith.constant 8 : i32
    %gt3A_1354 = arith.cmpi sgt, %arg1, %gt3A_1353 : i32
    %jit3A_1355 = arith.constant 0 : i32
    %broadcast_in_dim3A_1356 = vector.broadcast %jit3A_1355 : i32 to vector<16xi32>
    %select_n3A_1357 = arith.select %gt3A_1354, %get3A_1351, %broadcast_in_dim3A_1356 : vector<16xi32>
    %add3A_1358 = arith.addi %add3A_1347, %select_n3A_1357 : vector<16xi32>
    %get3A_1359 = arith.constant 9 : i32
    %get3A_1360 = arith.index_cast %get3A_1359 : i32 to index
    %get3A_1361 = arith.constant 0 : index
    %get3A_1362 = tpu.vector_load %arg19[%get3A_1360, %get3A_1361] {strides = array<i32>} : memref<16x16xi32, #tpu.memory_space<vmem>>, vector<16xi32>,
    %add3A_1363 = arith.addi %add3A_1352, %get3A_1362 : vector<16xi32>
    %gt3A_1364 = arith.constant 9 : i32
    %gt3A_1365 = arith.cmpi sgt, %arg1, %gt3A_1364 : i32
    %jit3A_1366 = arith.constant 0 : i32
    %broadcast_in_dim3A_1367 = vector.broadcast %jit3A_1366 : i32 to vector<16xi32>
    %select_n3A_1368 = arith.select %gt3A_1365, %get3A_1362, %broadcast_in_dim3A_1367 : vector<16xi32>
    %add3A_1369 = arith.addi %add3A_1358, %select_n3A_1368 : vector<16xi32>
    %get3A_1370 = arith.constant 10 : i32
    %get3A_1371 = arith.index_cast %get3A_1370 : i32 to index
    %get3A_1372 = arith.constant 0 : index
    %get3A_1373 = tpu.vector_load %arg19[%get3A_1371, %get3A_1372] {strides = array<i32>} : memref<16x16xi32, #tpu.memory_space<vmem>>, vector<16xi32>,
    %add3A_1374 = arith.addi %add3A_1363, %get3A_1373 : vector<16xi32>
    %gt3A_1375 = arith.constant 10 : i32
    %gt3A_1376 = arith.cmpi sgt, %arg1, %gt3A_1375 : i32
    %jit3A_1377 = arith.constant 0 : i32
    %broadcast_in_dim3A_1378 = vector.broadcast %jit3A_1377 : i32 to vector<16xi32>
    %select_n3A_1379 = arith.select %gt3A_1376, %get3A_1373, %broadcast_in_dim3A_1378 : vector<16xi32>
    %add3A_1380 = arith.addi %add3A_1369, %select_n3A_1379 : vector<16xi32>
    %get3A_1381 = arith.constant 11 : i32
    %get3A_1382 = arith.index_cast %get3A_1381 : i32 to index
    %get3A_1383 = arith.constant 0 : index
    %get3A_1384 = tpu.vector_load %arg19[%get3A_1382, %get3A_1383] {strides = array<i32>} : memref<16x16xi32, #tpu.memory_space<vmem>>, vector<16xi32>,
    %add3A_1385 = arith.addi %add3A_1374, %get3A_1384 : vector<16xi32>
    %gt3A_1386 = arith.constant 11 : i32
    %gt3A_1387 = arith.cmpi sgt, %arg1, %gt3A_1386 : i32
    %jit3A_1388 = arith.constant 0 : i32
    %broadcast_in_dim3A_1389 = vector.broadcast %jit3A_1388 : i32 to vector<16xi32>
    %select_n3A_1390 = arith.select %gt3A_1387, %get3A_1384, %broadcast_in_dim3A_1389 : vector<16xi32>
    %add3A_1391 = arith.addi %add3A_1380, %select_n3A_1390 : vector<16xi32>
    %get3A_1392 = arith.constant 12 : i32
    %get3A_1393 = arith.index_cast %get3A_1392 : i32 to index
    %get3A_1394 = arith.constant 0 : index
    %get3A_1395 = tpu.vector_load %arg19[%get3A_1393, %get3A_1394] {strides = array<i32>} : memref<16x16xi32, #tpu.memory_space<vmem>>, vector<16xi32>,
    %add3A_1396 = arith.addi %add3A_1385, %get3A_1395 : vector<16xi32>
    %gt3A_1397 = arith.constant 12 : i32
    %gt3A_1398 = arith.cmpi sgt, %arg1, %gt3A_1397 : i32
    %jit3A_1399 = arith.constant 0 : i32
    %broadcast_in_dim3A_1400 = vector.broadcast %jit3A_1399 : i32 to vector<16xi32>
    %select_n3A_1401 = arith.select %gt3A_1398, %get3A_1395, %broadcast_in_dim3A_1400 : vector<16xi32>
    %add3A_1402 = arith.addi %add3A_1391, %select_n3A_1401 : vector<16xi32>
    %get3A_1403 = arith.constant 13 : i32
    %get3A_1404 = arith.index_cast %get3A_1403 : i32 to index
    %get3A_1405 = arith.constant 0 : index
    %get3A_1406 = tpu.vector_load %arg19[%get3A_1404, %get3A_1405] {strides = array<i32>} : memref<16x16xi32, #tpu.memory_space<vmem>>, vector<16xi32>,
    %add3A_1407 = arith.addi %add3A_1396, %get3A_1406 : vector<16xi32>
    %gt3A_1408 = arith.constant 13 : i32
    %gt3A_1409 = arith.cmpi sgt, %arg1, %gt3A_1408 : i32
    %jit3A_1410 = arith.constant 0 : i32
    %broadcast_in_dim3A_1411 = vector.broadcast %jit3A_1410 : i32 to vector<16xi32>
    %select_n3A_1412 = arith.select %gt3A_1409, %get3A_1406, %broadcast_in_dim3A_1411 : vector<16xi32>
    %add3A_1413 = arith.addi %add3A_1402, %select_n3A_1412 : vector<16xi32>
    %get3A_1414 = arith.constant 14 : i32
    %get3A_1415 = arith.index_cast %get3A_1414 : i32 to index
    %get3A_1416 = arith.constant 0 : index
    %get3A_1417 = tpu.vector_load %arg19[%get3A_1415, %get3A_1416] {strides = array<i32>} : memref<16x16xi32, #tpu.memory_space<vmem>>, vector<16xi32>,
    %add3A_1418 = arith.addi %add3A_1407, %get3A_1417 : vector<16xi32>
    %gt3A_1419 = arith.constant 14 : i32
    %gt3A_1420 = arith.cmpi sgt, %arg1, %gt3A_1419 : i32
    %jit3A_1421 = arith.constant 0 : i32
    %broadcast_in_dim3A_1422 = vector.broadcast %jit3A_1421 : i32 to vector<16xi32>
    %select_n3A_1423 = arith.select %gt3A_1420, %get3A_1417, %broadcast_in_dim3A_1422 : vector<16xi32>
    %add3A_1424 = arith.addi %add3A_1413, %select_n3A_1423 : vector<16xi32>
    %get3A_1425 = arith.constant 15 : i32
    %get3A_1426 = arith.index_cast %get3A_1425 : i32 to index
    %get3A_1427 = arith.constant 0 : index
    %get3A_1428 = tpu.vector_load %arg19[%get3A_1426, %get3A_1427] {strides = array<i32>} : memref<16x16xi32, #tpu.memory_space<vmem>>, vector<16xi32>,
    %add3A_1429 = arith.addi %add3A_1418, %get3A_1428 : vector<16xi32>
    %gt3A_1430 = arith.constant 15 : i32
    %gt3A_1431 = arith.cmpi sgt, %arg1, %gt3A_1430 : i32
    %jit3A_1432 = arith.constant 0 : i32
    %broadcast_in_dim3A_1433 = vector.broadcast %jit3A_1432 : i32 to vector<16xi32>
    %select_n3A_1434 = arith.select %gt3A_1431, %get3A_1428, %broadcast_in_dim3A_1433 : vector<16xi32>
    %add3A_1435 = arith.addi %add3A_1424, %select_n3A_1434 : vector<16xi32>
    %broadcast_in_dim3A_1436 = arith.constant true
    %broadcast_in_dim3A_1437 = vector.broadcast %broadcast_in_dim3A_1436 : i1 to vector<16xi1>
    %masked_cumsum3A_1438 = tpu.scan <sum>, %add3A_1429 masked %broadcast_in_dim3A_1437 : vector<16xi32>, vector<16xi1> -> vector<16xi32>
    %sub3A_1439 = arith.subi %masked_cumsum3A_1438, %add3A_1429 : vector<16xi32>
    %add3A_1440 = arith.addi %sub3A_1439, %add3A_1435 : vector<16xi32>
    %scan3A_1441 = arith.constant 0 : i32
    %scan3A_1442 = arith.constant 0 : i32
    %scan3A_1443 = arith.constant 80 : i32
    %scan3A_1444 = arith.addi %scan3A_1442, %scan3A_1443 : i32
    %scan3A_1445 = arith.constant 1 : i32
    scf.for %scan3A_1688 = %scan3A_1442 to %scan3A_1444 step %scan3A_1445  : i32 {
      %mul3A_1689 = arith.constant 16 : i32
      %mul3A_1690 = arith.muli %scan3A_1688, %mul3A_1689 : i32
      %get3A_1691 = arith.index_cast %mul3A_1690 : i32 to index
      %get3A_1692 = tpu.vector_load %arg11[%get3A_1691] {strides = array<i32>} : memref<1280xi32, #tpu.memory_space<vmem>>, vector<16xi32>,
      %mul3A_1693 = arith.constant 16 : i32
      %mul3A_1694 = arith.muli %scan3A_1688, %mul3A_1693 : i32
      %get3A_1695 = arith.index_cast %mul3A_1694 : i32 to index
      %get3A_1696 = tpu.vector_load %arg14[%get3A_1695] {strides = array<i32>} : memref<1280xi32, #tpu.memory_space<vmem>>, vector<16xi32>,
      %mul3A_1697 = arith.constant 16 : i32
      %mul3A_1698 = arith.muli %scan3A_1688, %mul3A_1697 : i32
      %get3A_1699 = arith.index_cast %mul3A_1698 : i32 to index
      %get3A_1700 = tpu.vector_load %arg15[%get3A_1699] {strides = array<i32>} : memref<1280xi32, #tpu.memory_space<vmem>>, vector<16xi32>,
      %mul3A_1701 = arith.constant 16 : i32
      %mul3A_1702 = arith.muli %scan3A_1688, %mul3A_1701 : i32
      %get3A_1703 = arith.index_cast %mul3A_1702 : i32 to index
      %get3A_1704 = tpu.vector_load %arg16[%get3A_1703] {strides = array<i32>} : memref<1280xi32, #tpu.memory_space<vmem>>, vector<16xi32>,
      %mul3A_1705 = arith.constant 16 : i32
      %mul3A_1706 = arith.muli %scan3A_1688, %mul3A_1705 : i32
      %get3A_1707 = arith.index_cast %mul3A_1706 : i32 to index
      %get3A_1708 = tpu.vector_load %arg13[%get3A_1707] {strides = array<i32>} : memref<1280xi32, #tpu.memory_space<vmem>>, vector<16xi32>,
      %add3A_1709 = arith.addi %add3A_1440, %get3A_1708 : vector<16xi32>
      %broadcast_in_dim3A_1710 = vector.shape_cast %get3A_1696 : vector<16xi32> to vector<16x1xi32>
      %gather3A = vector.shape_cast %broadcast_in_dim3A_1710 : vector<16x1xi32> to vector<16xi32>
      %gather3A_1711 = tpu.dynamic_gather %add3A_1709[%gather3A] in [0] : vector<16xi32>, vector<16xi32> -> vector<16xi32>
      %add3A_1712 = arith.addi %gather3A_1711, %get3A_1704 : vector<16xi32>
      %broadcast_in_dim3A_1713 = vector.shape_cast %get3A_1700 : vector<16xi32> to vector<16x1xi32>
      %gather3A_1714 = vector.shape_cast %broadcast_in_dim3A_1713 : vector<16x1xi32> to vector<16xi32>
      %gather3A_1715 = tpu.dynamic_gather %get3A_1692[%gather3A_1714] in [0] : vector<16xi32>, vector<16xi32> -> vector<16xi32>
      %mul3A_1716 = arith.constant 16 : i32
      %mul3A_1717 = arith.muli %scan3A_1688, %mul3A_1716 : i32
      %swap3A_1718 = arith.index_cast %mul3A_1717 : i32 to index
      %swap3A_1719 = tpu.vector_load %arg12[%swap3A_1718] {strides = array<i32>} : memref<1280xi32, #tpu.memory_space<vmem>>, vector<16xi32>,
      tpu.vector_store %arg12[%swap3A_1718], %gather3A_1715 {strides = array<i32>} : memref<1280xi32, #tpu.memory_space<vmem>>, vector<16xi32>,
      %mul3A_1720 = arith.constant 16 : i32
      %mul3A_1721 = arith.muli %scan3A_1688, %mul3A_1720 : i32
      %swap3A_1722 = arith.index_cast %mul3A_1721 : i32 to index
      %swap3A_1723 = tpu.vector_load %arg13[%swap3A_1722] {strides = array<i32>} : memref<1280xi32, #tpu.memory_space<vmem>>, vector<16xi32>,
      tpu.vector_store %arg13[%swap3A_1722], %add3A_1712 {strides = array<i32>} : memref<1280xi32, #tpu.memory_space<vmem>>, vector<16xi32>,
    }
    %scan3A_1446 = arith.constant 80 : i32
    %dma_start3A_1447 = arith.constant 0 : i32
    %dma_start3A_1448 = tpu.memref_slice %arg8[%dma_start3A_1447] : memref<20480xi32, #tpu.memory_space<vmem_shared>> -> memref<20480xi32, #tpu.memory_space<vmem_shared>>
    tpu.enqueue_indirect_dma source(%arg12 : memref<1280xi32, #tpu.memory_space<vmem>>) target(%dma_start3A_1448 : memref<20480xi32, #tpu.memory_space<vmem_shared>>) offsets(%arg13 : memref<1280xi32, #tpu.memory_space<vmem>>) semaphore(%arg23 : memref<!tpu.dma_semaphore, #tpu.memory_space<semaphore_mem>>)
    %dma_wait3A_1449 = arith.constant 0 : i32
    %dma_wait3A_1450 = tpu.memref_slice %arg8[%dma_wait3A_1449] : memref<20480xi32, #tpu.memory_space<vmem_shared>> -> memref<20480xi32, #tpu.memory_space<vmem_shared>>
    tpu.wait_indirect_dma semaphore(%arg23 : memref<!tpu.dma_semaphore, #tpu.memory_space<semaphore_mem>>) src(%arg12 : memref<1280xi32, #tpu.memory_space<vmem>>) dst(%dma_wait3A_1450 : memref<20480xi32, #tpu.memory_space<vmem_shared>>)
    %barrier3A_1451 = arith.constant 0 : index
    tpu.barrier barrier_id(%barrier3A_1451)
    "tpu.region"() ({
      %run_scoped3A = tpu.sem_alloc : memref<!tpu.dma_semaphore, #tpu.memory_space<semaphore_mem>>
      %dma_start3A_1688 = tpu.memref_slice %arg8[%mul3A_0] : memref<20480xi32, #tpu.memory_space<vmem_shared>> -> memref<1280xi32, #tpu.memory_space<vmem_shared>>
      %dma_start3A_1689 = tpu.memref_slice %arg8[%mul3A_0] : memref<20480xi32, #tpu.memory_space<vmem_shared>> -> memref<1280xi32, #tpu.memory_space<vmem_shared>>
      tpu.enqueue_dma source(%dma_start3A_1689 : memref<1280xi32, #tpu.memory_space<vmem_shared>>) target(%arg11 : memref<1280xi32, #tpu.memory_space<vmem>>) target_semaphore(%run_scoped3A : memref<!tpu.dma_semaphore, #tpu.memory_space<semaphore_mem>>)
      %dma_wait3A_1690 = tpu.memref_slice %arg8[%mul3A_0] : memref<20480xi32, #tpu.memory_space<vmem_shared>> -> memref<1280xi32, #tpu.memory_space<vmem_shared>>
      %dma_wait3A_1691 = tpu.memref_slice %arg8[%mul3A_0] : memref<20480xi32, #tpu.memory_space<vmem_shared>> -> memref<1280xi32, #tpu.memory_space<vmem_shared>>
      tpu.wait_dma2 semaphore(%run_scoped3A : memref<!tpu.dma_semaphore, #tpu.memory_space<semaphore_mem>>) src(%dma_wait3A_1691 : memref<1280xi32, #tpu.memory_space<vmem_shared>>) dst(%arg11 : memref<1280xi32, #tpu.memory_space<vmem>>)
      tpu.yield
    }) : () -> ()
    %dma_start3A_1452 = arith.constant 0 : i32
    %dma_start3A_1453 = tpu.memref_slice %arg6[%dma_start3A_1452] : memref<20480xi32, #tpu.memory_space<vmem_shared>> -> memref<20480xi32, #tpu.memory_space<vmem_shared>>
    tpu.enqueue_indirect_dma source(%dma_start3A_1453 : memref<20480xi32, #tpu.memory_space<vmem_shared>>) target(%arg10 : memref<1280xi32, #tpu.memory_space<vmem>>) offsets(%arg11 : memref<1280xi32, #tpu.memory_space<vmem>>) semaphore(%arg23 : memref<!tpu.dma_semaphore, #tpu.memory_space<semaphore_mem>>)
    %dma_wait3A_1454 = arith.constant 0 : i32
    %dma_wait3A_1455 = tpu.memref_slice %arg6[%dma_wait3A_1454] : memref<20480xi32, #tpu.memory_space<vmem_shared>> -> memref<20480xi32, #tpu.memory_space<vmem_shared>>
    tpu.wait_indirect_dma semaphore(%arg23 : memref<!tpu.dma_semaphore, #tpu.memory_space<semaphore_mem>>) src(%dma_wait3A_1455 : memref<20480xi32, #tpu.memory_space<vmem_shared>>) dst(%arg10 : memref<1280xi32, #tpu.memory_space<vmem>>)
    %broadcast_in_dim3A_1456 = arith.constant 0 : i32
    %broadcast_in_dim3A_1457 = vector.broadcast %broadcast_in_dim3A_1456 : i32 to vector<16xi32>
    %scan3A_1458 = arith.constant 0 : i32
    %scan3A_1459 = arith.constant 80 : i32
    %scan3A_1460 = arith.addi %scan3A_1458, %scan3A_1459 : i32
    %scan3A_1461 = arith.constant 1 : i32
    %scan3A_1462 = scf.for %scan3A_1688 = %scan3A_1458 to %scan3A_1460 step %scan3A_1461 iter_args(%scan3A_1689 = %broadcast_in_dim3A_1457) -> (vector<16xi32>)  : i32 {
      %mul3A_1690 = arith.constant 16 : i32
      %mul3A_1691 = arith.muli %scan3A_1688, %mul3A_1690 : i32
      %get3A_1692 = arith.index_cast %mul3A_1691 : i32 to index
      %get3A_1693 = tpu.vector_load %arg10[%get3A_1692] {strides = array<i32>} : memref<1280xi32, #tpu.memory_space<vmem>>, vector<16xi32>,
      %shift_right_logical3A = arith.constant 28 : i32
      %shift_right_logical3A_1694 = vector.broadcast %shift_right_logical3A : i32 to vector<16xi32>
      %shift_right_logical3A_1695 = arith.shrui %get3A_1693, %shift_right_logical3A_1694 : vector<16xi32>
      %and3A = arith.constant 15 : i32
      %and3A_1696 = vector.broadcast %and3A : i32 to vector<16xi32>
      %and3A_1697 = arith.andi %shift_right_logical3A_1695, %and3A_1696 : vector<16xi32>
      %mul3A_1698 = arith.constant 16 : i32
      %mul3A_1699 = vector.broadcast %mul3A_1698 : i32 to vector<16xi32>
      %mul3A_1700 = arith.muli %and3A_1697, %mul3A_1699 : vector<16xi32>
      %add3A_1701 = arith.addi %mul3A_1700, %iota3A : vector<16xi32>
      %sort3A = arith.constant dense<true> : vector<16xi1>
      %sort3A_1702, %sort3A_1703, %sort3A_1704 = tpu.sort %add3A_1701, %add3A_1701 masked %sort3A : (vector<16xi32>, vector<16xi32>, vector<16xi1>) -> (vector<16xi1>, vector<16xi32>, vector<16xi32>)
      %shift_right_logical3A_1705 = arith.constant 4 : i32
      %shift_right_logical3A_1706 = vector.broadcast %shift_right_logical3A_1705 : i32 to vector<16xi32>
      %shift_right_logical3A_1707 = arith.shrui %sort3A_1703, %shift_right_logical3A_1706 : vector<16xi32>
      %and3A_1708 = arith.constant 15 : i32
      %and3A_1709 = vector.broadcast %and3A_1708 : i32 to vector<16xi32>
      %and3A_1710 = arith.andi %sort3A_1703, %and3A_1709 : vector<16xi32>
      %sub3A_1711 = arith.constant 1 : i32
      %sub3A_1712 = vector.broadcast %sub3A_1711 : i32 to vector<16xi32>
      %sub3A_1713 = arith.subi %iota3A, %sub3A_1712 : vector<16xi32>
      %max3A = arith.constant 0 : i32
      %max3A_1714 = vector.broadcast %max3A : i32 to vector<16xi32>
      %max3A_1715 = arith.maxsi %sub3A_1713, %max3A_1714 : vector<16xi32>
      %broadcast_in_dim3A_1716 = vector.shape_cast %max3A_1715 : vector<16xi32> to vector<16x1xi32>
      %gather3A = vector.shape_cast %broadcast_in_dim3A_1716 : vector<16x1xi32> to vector<16xi32>
      %gather3A_1717 = tpu.dynamic_gather %shift_right_logical3A_1707[%gather3A] in [0] : vector<16xi32>, vector<16xi32> -> vector<16xi32>
      %eq3A = arith.constant 0 : i32
      %eq3A_1718 = vector.broadcast %eq3A : i32 to vector<16xi32>
      %eq3A_1719 = arith.cmpi eq, %iota3A, %eq3A_1718 : vector<16xi32>
      %ne3A = arith.cmpi ne, %shift_right_logical3A_1707, %gather3A_1717 : vector<16xi32>
      %or3A = arith.ori %eq3A_1719, %ne3A : vector<16xi1>
      %jit3A_1720 = arith.constant 0 : i32
      %broadcast_in_dim3A_1721 = vector.broadcast %jit3A_1720 : i32 to vector<16xi32>
      %select_n3A_1722 = arith.select %or3A, %iota3A, %broadcast_in_dim3A_1721 : vector<16xi1>, vector<16xi32>
      %broadcast_in_dim3A_1723 = arith.constant true
      %broadcast_in_dim3A_1724 = vector.broadcast %broadcast_in_dim3A_1723 : i1 to vector<16xi1>
      %masked_cummax3A = arith.constant -2147483648 : i32
      %masked_cummax3A_1725 = vector.broadcast %masked_cummax3A : i32 to vector<16xi32>
      %masked_cummax3A_1726 = arith.xori %select_n3A_1722, %masked_cummax3A_1725 : vector<16xi32>
      %masked_cummax3A_1727 = tpu.scan <max>, %masked_cummax3A_1726 masked %broadcast_in_dim3A_1724 : vector<16xi32>, vector<16xi1> -> vector<16xi32>
      %masked_cummax3A_1728 = arith.xori %masked_cummax3A_1727, %masked_cummax3A_1725 : vector<16xi32>
      %sub3A_1729 = arith.subi %iota3A, %masked_cummax3A_1728 : vector<16xi32>
      %add3A_1730 = arith.constant 1 : i32
      %add3A_1731 = vector.broadcast %add3A_1730 : i32 to vector<16xi32>
      %add3A_1732 = arith.addi %iota3A, %add3A_1731 : vector<16xi32>
      %min3A = arith.constant 15 : i32
      %min3A_1733 = vector.broadcast %min3A : i32 to vector<16xi32>
      %min3A_1734 = arith.minsi %add3A_1732, %min3A_1733 : vector<16xi32>
      %broadcast_in_dim3A_1735 = vector.shape_cast %min3A_1734 : vector<16xi32> to vector<16x1xi32>
      %gather3A_1736 = vector.shape_cast %broadcast_in_dim3A_1735 : vector<16x1xi32> to vector<16xi32>
      %gather3A_1737 = tpu.dynamic_gather %shift_right_logical3A_1707[%gather3A_1736] in [0] : vector<16xi32>, vector<16xi32> -> vector<16xi32>
      %eq3A_1738 = arith.constant 15 : i32
      %eq3A_1739 = vector.broadcast %eq3A_1738 : i32 to vector<16xi32>
      %eq3A_1740 = arith.cmpi eq, %iota3A, %eq3A_1739 : vector<16xi32>
      %ne3A_1741 = arith.cmpi ne, %gather3A_1737, %shift_right_logical3A_1707 : vector<16xi32>
      %or3A_1742 = arith.ori %eq3A_1740, %ne3A_1741 : vector<16xi1>
      %broadcast_in_dim3A_1743 = arith.constant 0 : i32
      %broadcast_in_dim3A_1744 = vector.broadcast %broadcast_in_dim3A_1743 : i32 to vector<16xi32>
      %swap3A_1745 = arith.constant 0 : index
      %swap3A_1746 = tpu.vector_load %arg17[%swap3A_1745] {strides = array<i32>} : memref<16xi32, #tpu.memory_space<vmem>>, vector<16xi32>,
      tpu.vector_store %arg17[%swap3A_1745], %broadcast_in_dim3A_1744 {strides = array<i32>} : memref<16xi32, #tpu.memory_space<vmem>>, vector<16xi32>,
      %add3A_1747 = arith.constant 1 : i32
      %add3A_1748 = vector.broadcast %add3A_1747 : i32 to vector<16xi32>
      %add3A_1749 = arith.addi %sub3A_1729, %add3A_1748 : vector<16xi32>
      tpu.vector_store_idx %arg17[%shift_right_logical3A_1707], %add3A_1749 masked %or3A_1742 : memref<16xi32, #tpu.memory_space<vmem>>[vector<16xi32>], vector<16xi32>, vector<16xi1>
      %mul3A_1750 = arith.constant 16 : i32
      %mul3A_1751 = arith.muli %scan3A_1688, %mul3A_1750 : i32
      %swap3A_1752 = arith.index_cast %mul3A_1751 : i32 to index
      %swap3A_1753 = tpu.vector_load %arg14[%swap3A_1752] {strides = array<i32>} : memref<1280xi32, #tpu.memory_space<vmem>>, vector<16xi32>,
      tpu.vector_store %arg14[%swap3A_1752], %shift_right_logical3A_1707 {strides = array<i32>} : memref<1280xi32, #tpu.memory_space<vmem>>, vector<16xi32>,
      %mul3A_1754 = arith.constant 16 : i32
      %mul3A_1755 = arith.muli %scan3A_1688, %mul3A_1754 : i32
      %swap3A_1756 = arith.index_cast %mul3A_1755 : i32 to index
      %swap3A_1757 = tpu.vector_load %arg15[%swap3A_1756] {strides = array<i32>} : memref<1280xi32, #tpu.memory_space<vmem>>, vector<16xi32>,
      tpu.vector_store %arg15[%swap3A_1756], %and3A_1710 {strides = array<i32>} : memref<1280xi32, #tpu.memory_space<vmem>>, vector<16xi32>,
      %mul3A_1758 = arith.constant 16 : i32
      %mul3A_1759 = arith.muli %scan3A_1688, %mul3A_1758 : i32
      %swap3A_1760 = arith.index_cast %mul3A_1759 : i32 to index
      %swap3A_1761 = tpu.vector_load %arg16[%swap3A_1760] {strides = array<i32>} : memref<1280xi32, #tpu.memory_space<vmem>>, vector<16xi32>,
      tpu.vector_store %arg16[%swap3A_1760], %sub3A_1729 {strides = array<i32>} : memref<1280xi32, #tpu.memory_space<vmem>>, vector<16xi32>,
      %mul3A_1762 = arith.constant 16 : i32
      %mul3A_1763 = arith.muli %scan3A_1688, %mul3A_1762 : i32
      %swap3A_1764 = arith.index_cast %mul3A_1763 : i32 to index
      %swap3A_1765 = tpu.vector_load %arg13[%swap3A_1764] {strides = array<i32>} : memref<1280xi32, #tpu.memory_space<vmem>>, vector<16xi32>,
      tpu.vector_store %arg13[%swap3A_1764], %scan3A_1689 {strides = array<i32>} : memref<1280xi32, #tpu.memory_space<vmem>>, vector<16xi32>,
      %get3A_1766 = arith.constant 0 : index
      %get3A_1767 = tpu.vector_load %arg17[%get3A_1766] {strides = array<i32>} : memref<16xi32, #tpu.memory_space<vmem>>, vector<16xi32>,
      %add3A_1768 = arith.addi %scan3A_1689, %get3A_1767 : vector<16xi32>
      scf.yield %add3A_1768 : vector<16xi32>
    }
    %scan3A_1463 = arith.constant 80 : i32
    %swap3A_1464 = arith.constant 0 : index
    %swap3A_1465 = tpu.vector_load %arg18[%swap3A_1464] {strides = array<i32>} : memref<16xi32, #tpu.memory_space<vmem>>, vector<16xi32>,
    tpu.vector_store %arg18[%swap3A_1464], %scan3A_1462 {strides = array<i32>} : memref<16xi32, #tpu.memory_space<vmem>>, vector<16xi32>,
    "tpu.region"() ({
      %run_scoped3A = tpu.sem_alloc : memref<!tpu.dma_semaphore, #tpu.memory_space<semaphore_mem>>
      %dma_start3A_1688 = arith.constant 0 : i32
      %dma_start3A_1689 = tpu.memref_slice %arg9[%arg1, %dma_start3A_1688] : memref<16x16xi32, #tpu.memory_space<vmem_shared>> -> memref<1x16xi32, #tpu.memory_space<vmem_shared>>
      %dma_start3A_1690 = tpu.memref_squeeze %dma_start3A_1689 : memref<1x16xi32, #tpu.memory_space<vmem_shared>> -> memref<16xi32, #tpu.memory_space<vmem_shared>>
      %dma_start3A_1691 = arith.constant 0 : i32
      %dma_start3A_1692 = tpu.memref_slice %arg9[%arg1, %dma_start3A_1691] : memref<16x16xi32, #tpu.memory_space<vmem_shared>> -> memref<1x16xi32, #tpu.memory_space<vmem_shared>>
      %dma_start3A_1693 = tpu.memref_squeeze %dma_start3A_1692 : memref<1x16xi32, #tpu.memory_space<vmem_shared>> -> memref<16xi32, #tpu.memory_space<vmem_shared>>
      tpu.enqueue_dma source(%arg18 : memref<16xi32, #tpu.memory_space<vmem>>) target(%dma_start3A_1693 : memref<16xi32, #tpu.memory_space<vmem_shared>>) target_semaphore(%run_scoped3A : memref<!tpu.dma_semaphore, #tpu.memory_space<semaphore_mem>>)
      %dma_wait3A_1694 = arith.constant 0 : i32
      %dma_wait3A_1695 = tpu.memref_slice %arg9[%arg1, %dma_wait3A_1694] : memref<16x16xi32, #tpu.memory_space<vmem_shared>> -> memref<1x16xi32, #tpu.memory_space<vmem_shared>>
      %dma_wait3A_1696 = tpu.memref_squeeze %dma_wait3A_1695 : memref<1x16xi32, #tpu.memory_space<vmem_shared>> -> memref<16xi32, #tpu.memory_space<vmem_shared>>
      %dma_wait3A_1697 = arith.constant 0 : i32
      %dma_wait3A_1698 = tpu.memref_slice %arg9[%arg1, %dma_wait3A_1697] : memref<16x16xi32, #tpu.memory_space<vmem_shared>> -> memref<1x16xi32, #tpu.memory_space<vmem_shared>>
      %dma_wait3A_1699 = tpu.memref_squeeze %dma_wait3A_1698 : memref<1x16xi32, #tpu.memory_space<vmem_shared>> -> memref<16xi32, #tpu.memory_space<vmem_shared>>
      tpu.wait_dma2 semaphore(%run_scoped3A : memref<!tpu.dma_semaphore, #tpu.memory_space<semaphore_mem>>) src(%arg18 : memref<16xi32, #tpu.memory_space<vmem>>) dst(%dma_wait3A_1699 : memref<16xi32, #tpu.memory_space<vmem_shared>>)
      tpu.yield
    }) : () -> ()
    %barrier3A_1466 = arith.constant 0 : index
    tpu.barrier barrier_id(%barrier3A_1466)
    "tpu.region"() ({
      %run_scoped3A = tpu.sem_alloc : memref<!tpu.dma_semaphore, #tpu.memory_space<semaphore_mem>>
      tpu.enqueue_dma source(%arg9 : memref<16x16xi32, #tpu.memory_space<vmem_shared>>) target(%arg19 : memref<16x16xi32, #tpu.memory_space<vmem>>) target_semaphore(%run_scoped3A : memref<!tpu.dma_semaphore, #tpu.memory_space<semaphore_mem>>)
      tpu.wait_dma2 semaphore(%run_scoped3A : memref<!tpu.dma_semaphore, #tpu.memory_space<semaphore_mem>>) src(%arg9 : memref<16x16xi32, #tpu.memory_space<vmem_shared>>) dst(%arg19 : memref<16x16xi32, #tpu.memory_space<vmem>>)
      tpu.yield
    }) : () -> ()
    %get3A_1467 = arith.constant 0 : i32
    %get3A_1468 = arith.index_cast %get3A_1467 : i32 to index
    %get3A_1469 = arith.constant 0 : index
    %get3A_1470 = tpu.vector_load %arg19[%get3A_1468, %get3A_1469] {strides = array<i32>} : memref<16x16xi32, #tpu.memory_space<vmem>>, vector<16xi32>,
    %gt3A_1471 = arith.constant 0 : i32
    %gt3A_1472 = arith.cmpi sgt, %arg1, %gt3A_1471 : i32
    %get3A_1473 = arith.constant 0 : i32
    %get3A_1474 = arith.index_cast %get3A_1473 : i32 to index
    %get3A_1475 = arith.constant 0 : index
    %get3A_1476 = tpu.vector_load %arg19[%get3A_1474, %get3A_1475] {strides = array<i32>} : memref<16x16xi32, #tpu.memory_space<vmem>>, vector<16xi32>,
    %jit3A_1477 = arith.constant 0 : i32
    %broadcast_in_dim3A_1478 = vector.broadcast %jit3A_1477 : i32 to vector<16xi32>
    %select_n3A_1479 = arith.select %gt3A_1472, %get3A_1476, %broadcast_in_dim3A_1478 : vector<16xi32>
    %get3A_1480 = arith.constant 1 : i32
    %get3A_1481 = arith.index_cast %get3A_1480 : i32 to index
    %get3A_1482 = arith.constant 0 : index
    %get3A_1483 = tpu.vector_load %arg19[%get3A_1481, %get3A_1482] {strides = array<i32>} : memref<16x16xi32, #tpu.memory_space<vmem>>, vector<16xi32>,
    %add3A_1484 = arith.addi %get3A_1470, %get3A_1483 : vector<16xi32>
    %gt3A_1485 = arith.constant 1 : i32
    %gt3A_1486 = arith.cmpi sgt, %arg1, %gt3A_1485 : i32
    %jit3A_1487 = arith.constant 0 : i32
    %broadcast_in_dim3A_1488 = vector.broadcast %jit3A_1487 : i32 to vector<16xi32>
    %select_n3A_1489 = arith.select %gt3A_1486, %get3A_1483, %broadcast_in_dim3A_1488 : vector<16xi32>
    %add3A_1490 = arith.addi %select_n3A_1479, %select_n3A_1489 : vector<16xi32>
    %get3A_1491 = arith.constant 2 : i32
    %get3A_1492 = arith.index_cast %get3A_1491 : i32 to index
    %get3A_1493 = arith.constant 0 : index
    %get3A_1494 = tpu.vector_load %arg19[%get3A_1492, %get3A_1493] {strides = array<i32>} : memref<16x16xi32, #tpu.memory_space<vmem>>, vector<16xi32>,
    %add3A_1495 = arith.addi %add3A_1484, %get3A_1494 : vector<16xi32>
    %gt3A_1496 = arith.constant 2 : i32
    %gt3A_1497 = arith.cmpi sgt, %arg1, %gt3A_1496 : i32
    %jit3A_1498 = arith.constant 0 : i32
    %broadcast_in_dim3A_1499 = vector.broadcast %jit3A_1498 : i32 to vector<16xi32>
    %select_n3A_1500 = arith.select %gt3A_1497, %get3A_1494, %broadcast_in_dim3A_1499 : vector<16xi32>
    %add3A_1501 = arith.addi %add3A_1490, %select_n3A_1500 : vector<16xi32>
    %get3A_1502 = arith.constant 3 : i32
    %get3A_1503 = arith.index_cast %get3A_1502 : i32 to index
    %get3A_1504 = arith.constant 0 : index
    %get3A_1505 = tpu.vector_load %arg19[%get3A_1503, %get3A_1504] {strides = array<i32>} : memref<16x16xi32, #tpu.memory_space<vmem>>, vector<16xi32>,
    %add3A_1506 = arith.addi %add3A_1495, %get3A_1505 : vector<16xi32>
    %gt3A_1507 = arith.constant 3 : i32
    %gt3A_1508 = arith.cmpi sgt, %arg1, %gt3A_1507 : i32
    %jit3A_1509 = arith.constant 0 : i32
    %broadcast_in_dim3A_1510 = vector.broadcast %jit3A_1509 : i32 to vector<16xi32>
    %select_n3A_1511 = arith.select %gt3A_1508, %get3A_1505, %broadcast_in_dim3A_1510 : vector<16xi32>
    %add3A_1512 = arith.addi %add3A_1501, %select_n3A_1511 : vector<16xi32>
    %get3A_1513 = arith.constant 4 : i32
    %get3A_1514 = arith.index_cast %get3A_1513 : i32 to index
    %get3A_1515 = arith.constant 0 : index
    %get3A_1516 = tpu.vector_load %arg19[%get3A_1514, %get3A_1515] {strides = array<i32>} : memref<16x16xi32, #tpu.memory_space<vmem>>, vector<16xi32>,
    %add3A_1517 = arith.addi %add3A_1506, %get3A_1516 : vector<16xi32>
    %gt3A_1518 = arith.constant 4 : i32
    %gt3A_1519 = arith.cmpi sgt, %arg1, %gt3A_1518 : i32
    %jit3A_1520 = arith.constant 0 : i32
    %broadcast_in_dim3A_1521 = vector.broadcast %jit3A_1520 : i32 to vector<16xi32>
    %select_n3A_1522 = arith.select %gt3A_1519, %get3A_1516, %broadcast_in_dim3A_1521 : vector<16xi32>
    %add3A_1523 = arith.addi %add3A_1512, %select_n3A_1522 : vector<16xi32>
    %get3A_1524 = arith.constant 5 : i32
    %get3A_1525 = arith.index_cast %get3A_1524 : i32 to index
    %get3A_1526 = arith.constant 0 : index
    %get3A_1527 = tpu.vector_load %arg19[%get3A_1525, %get3A_1526] {strides = array<i32>} : memref<16x16xi32, #tpu.memory_space<vmem>>, vector<16xi32>,
    %add3A_1528 = arith.addi %add3A_1517, %get3A_1527 : vector<16xi32>
    %gt3A_1529 = arith.constant 5 : i32
    %gt3A_1530 = arith.cmpi sgt, %arg1, %gt3A_1529 : i32
    %jit3A_1531 = arith.constant 0 : i32
    %broadcast_in_dim3A_1532 = vector.broadcast %jit3A_1531 : i32 to vector<16xi32>
    %select_n3A_1533 = arith.select %gt3A_1530, %get3A_1527, %broadcast_in_dim3A_1532 : vector<16xi32>
    %add3A_1534 = arith.addi %add3A_1523, %select_n3A_1533 : vector<16xi32>
    %get3A_1535 = arith.constant 6 : i32
    %get3A_1536 = arith.index_cast %get3A_1535 : i32 to index
    %get3A_1537 = arith.constant 0 : index
    %get3A_1538 = tpu.vector_load %arg19[%get3A_1536, %get3A_1537] {strides = array<i32>} : memref<16x16xi32, #tpu.memory_space<vmem>>, vector<16xi32>,
    %add3A_1539 = arith.addi %add3A_1528, %get3A_1538 : vector<16xi32>
    %gt3A_1540 = arith.constant 6 : i32
    %gt3A_1541 = arith.cmpi sgt, %arg1, %gt3A_1540 : i32
    %jit3A_1542 = arith.constant 0 : i32
    %broadcast_in_dim3A_1543 = vector.broadcast %jit3A_1542 : i32 to vector<16xi32>
    %select_n3A_1544 = arith.select %gt3A_1541, %get3A_1538, %broadcast_in_dim3A_1543 : vector<16xi32>
    %add3A_1545 = arith.addi %add3A_1534, %select_n3A_1544 : vector<16xi32>
    %get3A_1546 = arith.constant 7 : i32
    %get3A_1547 = arith.index_cast %get3A_1546 : i32 to index
    %get3A_1548 = arith.constant 0 : index
    %get3A_1549 = tpu.vector_load %arg19[%get3A_1547, %get3A_1548] {strides = array<i32>} : memref<16x16xi32, #tpu.memory_space<vmem>>, vector<16xi32>,
    %add3A_1550 = arith.addi %add3A_1539, %get3A_1549 : vector<16xi32>
    %gt3A_1551 = arith.constant 7 : i32
    %gt3A_1552 = arith.cmpi sgt, %arg1, %gt3A_1551 : i32
    %jit3A_1553 = arith.constant 0 : i32
    %broadcast_in_dim3A_1554 = vector.broadcast %jit3A_1553 : i32 to vector<16xi32>
    %select_n3A_1555 = arith.select %gt3A_1552, %get3A_1549, %broadcast_in_dim3A_1554 : vector<16xi32>
    %add3A_1556 = arith.addi %add3A_1545, %select_n3A_1555 : vector<16xi32>
    %get3A_1557 = arith.constant 8 : i32
    %get3A_1558 = arith.index_cast %get3A_1557 : i32 to index
    %get3A_1559 = arith.constant 0 : index
    %get3A_1560 = tpu.vector_load %arg19[%get3A_1558, %get3A_1559] {strides = array<i32>} : memref<16x16xi32, #tpu.memory_space<vmem>>, vector<16xi32>,
    %add3A_1561 = arith.addi %add3A_1550, %get3A_1560 : vector<16xi32>
    %gt3A_1562 = arith.constant 8 : i32
    %gt3A_1563 = arith.cmpi sgt, %arg1, %gt3A_1562 : i32
    %jit3A_1564 = arith.constant 0 : i32
    %broadcast_in_dim3A_1565 = vector.broadcast %jit3A_1564 : i32 to vector<16xi32>
    %select_n3A_1566 = arith.select %gt3A_1563, %get3A_1560, %broadcast_in_dim3A_1565 : vector<16xi32>
    %add3A_1567 = arith.addi %add3A_1556, %select_n3A_1566 : vector<16xi32>
    %get3A_1568 = arith.constant 9 : i32
    %get3A_1569 = arith.index_cast %get3A_1568 : i32 to index
    %get3A_1570 = arith.constant 0 : index
    %get3A_1571 = tpu.vector_load %arg19[%get3A_1569, %get3A_1570] {strides = array<i32>} : memref<16x16xi32, #tpu.memory_space<vmem>>, vector<16xi32>,
    %add3A_1572 = arith.addi %add3A_1561, %get3A_1571 : vector<16xi32>
    %gt3A_1573 = arith.constant 9 : i32
    %gt3A_1574 = arith.cmpi sgt, %arg1, %gt3A_1573 : i32
    %jit3A_1575 = arith.constant 0 : i32
    %broadcast_in_dim3A_1576 = vector.broadcast %jit3A_1575 : i32 to vector<16xi32>
    %select_n3A_1577 = arith.select %gt3A_1574, %get3A_1571, %broadcast_in_dim3A_1576 : vector<16xi32>
    %add3A_1578 = arith.addi %add3A_1567, %select_n3A_1577 : vector<16xi32>
    %get3A_1579 = arith.constant 10 : i32
    %get3A_1580 = arith.index_cast %get3A_1579 : i32 to index
    %get3A_1581 = arith.constant 0 : index
    %get3A_1582 = tpu.vector_load %arg19[%get3A_1580, %get3A_1581] {strides = array<i32>} : memref<16x16xi32, #tpu.memory_space<vmem>>, vector<16xi32>,
    %add3A_1583 = arith.addi %add3A_1572, %get3A_1582 : vector<16xi32>
    %gt3A_1584 = arith.constant 10 : i32
    %gt3A_1585 = arith.cmpi sgt, %arg1, %gt3A_1584 : i32
    %jit3A_1586 = arith.constant 0 : i32
    %broadcast_in_dim3A_1587 = vector.broadcast %jit3A_1586 : i32 to vector<16xi32>
    %select_n3A_1588 = arith.select %gt3A_1585, %get3A_1582, %broadcast_in_dim3A_1587 : vector<16xi32>
    %add3A_1589 = arith.addi %add3A_1578, %select_n3A_1588 : vector<16xi32>
    %get3A_1590 = arith.constant 11 : i32
    %get3A_1591 = arith.index_cast %get3A_1590 : i32 to index
    %get3A_1592 = arith.constant 0 : index
    %get3A_1593 = tpu.vector_load %arg19[%get3A_1591, %get3A_1592] {strides = array<i32>} : memref<16x16xi32, #tpu.memory_space<vmem>>, vector<16xi32>,
    %add3A_1594 = arith.addi %add3A_1583, %get3A_1593 : vector<16xi32>
    %gt3A_1595 = arith.constant 11 : i32
    %gt3A_1596 = arith.cmpi sgt, %arg1, %gt3A_1595 : i32
    %jit3A_1597 = arith.constant 0 : i32
    %broadcast_in_dim3A_1598 = vector.broadcast %jit3A_1597 : i32 to vector<16xi32>
    %select_n3A_1599 = arith.select %gt3A_1596, %get3A_1593, %broadcast_in_dim3A_1598 : vector<16xi32>
    %add3A_1600 = arith.addi %add3A_1589, %select_n3A_1599 : vector<16xi32>
    %get3A_1601 = arith.constant 12 : i32
    %get3A_1602 = arith.index_cast %get3A_1601 : i32 to index
    %get3A_1603 = arith.constant 0 : index
    %get3A_1604 = tpu.vector_load %arg19[%get3A_1602, %get3A_1603] {strides = array<i32>} : memref<16x16xi32, #tpu.memory_space<vmem>>, vector<16xi32>,
    %add3A_1605 = arith.addi %add3A_1594, %get3A_1604 : vector<16xi32>
    %gt3A_1606 = arith.constant 12 : i32
    %gt3A_1607 = arith.cmpi sgt, %arg1, %gt3A_1606 : i32
    %jit3A_1608 = arith.constant 0 : i32
    %broadcast_in_dim3A_1609 = vector.broadcast %jit3A_1608 : i32 to vector<16xi32>
    %select_n3A_1610 = arith.select %gt3A_1607, %get3A_1604, %broadcast_in_dim3A_1609 : vector<16xi32>
    %add3A_1611 = arith.addi %add3A_1600, %select_n3A_1610 : vector<16xi32>
    %get3A_1612 = arith.constant 13 : i32
    %get3A_1613 = arith.index_cast %get3A_1612 : i32 to index
    %get3A_1614 = arith.constant 0 : index
    %get3A_1615 = tpu.vector_load %arg19[%get3A_1613, %get3A_1614] {strides = array<i32>} : memref<16x16xi32, #tpu.memory_space<vmem>>, vector<16xi32>,
    %add3A_1616 = arith.addi %add3A_1605, %get3A_1615 : vector<16xi32>
    %gt3A_1617 = arith.constant 13 : i32
    %gt3A_1618 = arith.cmpi sgt, %arg1, %gt3A_1617 : i32
    %jit3A_1619 = arith.constant 0 : i32
    %broadcast_in_dim3A_1620 = vector.broadcast %jit3A_1619 : i32 to vector<16xi32>
    %select_n3A_1621 = arith.select %gt3A_1618, %get3A_1615, %broadcast_in_dim3A_1620 : vector<16xi32>
    %add3A_1622 = arith.addi %add3A_1611, %select_n3A_1621 : vector<16xi32>
    %get3A_1623 = arith.constant 14 : i32
    %get3A_1624 = arith.index_cast %get3A_1623 : i32 to index
    %get3A_1625 = arith.constant 0 : index
    %get3A_1626 = tpu.vector_load %arg19[%get3A_1624, %get3A_1625] {strides = array<i32>} : memref<16x16xi32, #tpu.memory_space<vmem>>, vector<16xi32>,
    %add3A_1627 = arith.addi %add3A_1616, %get3A_1626 : vector<16xi32>
    %gt3A_1628 = arith.constant 14 : i32
    %gt3A_1629 = arith.cmpi sgt, %arg1, %gt3A_1628 : i32
    %jit3A_1630 = arith.constant 0 : i32
    %broadcast_in_dim3A_1631 = vector.broadcast %jit3A_1630 : i32 to vector<16xi32>
    %select_n3A_1632 = arith.select %gt3A_1629, %get3A_1626, %broadcast_in_dim3A_1631 : vector<16xi32>
    %add3A_1633 = arith.addi %add3A_1622, %select_n3A_1632 : vector<16xi32>
    %get3A_1634 = arith.constant 15 : i32
    %get3A_1635 = arith.index_cast %get3A_1634 : i32 to index
    %get3A_1636 = arith.constant 0 : index
    %get3A_1637 = tpu.vector_load %arg19[%get3A_1635, %get3A_1636] {strides = array<i32>} : memref<16x16xi32, #tpu.memory_space<vmem>>, vector<16xi32>,
    %add3A_1638 = arith.addi %add3A_1627, %get3A_1637 : vector<16xi32>
    %gt3A_1639 = arith.constant 15 : i32
    %gt3A_1640 = arith.cmpi sgt, %arg1, %gt3A_1639 : i32
    %jit3A_1641 = arith.constant 0 : i32
    %broadcast_in_dim3A_1642 = vector.broadcast %jit3A_1641 : i32 to vector<16xi32>
    %select_n3A_1643 = arith.select %gt3A_1640, %get3A_1637, %broadcast_in_dim3A_1642 : vector<16xi32>
    %add3A_1644 = arith.addi %add3A_1633, %select_n3A_1643 : vector<16xi32>
    %broadcast_in_dim3A_1645 = arith.constant true
    %broadcast_in_dim3A_1646 = vector.broadcast %broadcast_in_dim3A_1645 : i1 to vector<16xi1>
    %masked_cumsum3A_1647 = tpu.scan <sum>, %add3A_1638 masked %broadcast_in_dim3A_1646 : vector<16xi32>, vector<16xi1> -> vector<16xi32>
    %sub3A_1648 = arith.subi %masked_cumsum3A_1647, %add3A_1638 : vector<16xi32>
    %add3A_1649 = arith.addi %sub3A_1648, %add3A_1644 : vector<16xi32>
    %scan3A_1650 = arith.constant 0 : i32
    %scan3A_1651 = arith.constant 0 : i32
    %scan3A_1652 = arith.constant 80 : i32
    %scan3A_1653 = arith.addi %scan3A_1651, %scan3A_1652 : i32
    %scan3A_1654 = arith.constant 1 : i32
    scf.for %scan3A_1688 = %scan3A_1651 to %scan3A_1653 step %scan3A_1654  : i32 {
      %mul3A_1689 = arith.constant 16 : i32
      %mul3A_1690 = arith.muli %scan3A_1688, %mul3A_1689 : i32
      %get3A_1691 = arith.index_cast %mul3A_1690 : i32 to index
      %get3A_1692 = tpu.vector_load %arg11[%get3A_1691] {strides = array<i32>} : memref<1280xi32, #tpu.memory_space<vmem>>, vector<16xi32>,
      %mul3A_1693 = arith.constant 16 : i32
      %mul3A_1694 = arith.muli %scan3A_1688, %mul3A_1693 : i32
      %get3A_1695 = arith.index_cast %mul3A_1694 : i32 to index
      %get3A_1696 = tpu.vector_load %arg14[%get3A_1695] {strides = array<i32>} : memref<1280xi32, #tpu.memory_space<vmem>>, vector<16xi32>,
      %mul3A_1697 = arith.constant 16 : i32
      %mul3A_1698 = arith.muli %scan3A_1688, %mul3A_1697 : i32
      %get3A_1699 = arith.index_cast %mul3A_1698 : i32 to index
      %get3A_1700 = tpu.vector_load %arg15[%get3A_1699] {strides = array<i32>} : memref<1280xi32, #tpu.memory_space<vmem>>, vector<16xi32>,
      %mul3A_1701 = arith.constant 16 : i32
      %mul3A_1702 = arith.muli %scan3A_1688, %mul3A_1701 : i32
      %get3A_1703 = arith.index_cast %mul3A_1702 : i32 to index
      %get3A_1704 = tpu.vector_load %arg16[%get3A_1703] {strides = array<i32>} : memref<1280xi32, #tpu.memory_space<vmem>>, vector<16xi32>,
      %mul3A_1705 = arith.constant 16 : i32
      %mul3A_1706 = arith.muli %scan3A_1688, %mul3A_1705 : i32
      %get3A_1707 = arith.index_cast %mul3A_1706 : i32 to index
      %get3A_1708 = tpu.vector_load %arg13[%get3A_1707] {strides = array<i32>} : memref<1280xi32, #tpu.memory_space<vmem>>, vector<16xi32>,
      %add3A_1709 = arith.addi %add3A_1649, %get3A_1708 : vector<16xi32>
      %broadcast_in_dim3A_1710 = vector.shape_cast %get3A_1696 : vector<16xi32> to vector<16x1xi32>
      %gather3A = vector.shape_cast %broadcast_in_dim3A_1710 : vector<16x1xi32> to vector<16xi32>
      %gather3A_1711 = tpu.dynamic_gather %add3A_1709[%gather3A] in [0] : vector<16xi32>, vector<16xi32> -> vector<16xi32>
      %add3A_1712 = arith.addi %gather3A_1711, %get3A_1704 : vector<16xi32>
      %broadcast_in_dim3A_1713 = vector.shape_cast %get3A_1700 : vector<16xi32> to vector<16x1xi32>
      %gather3A_1714 = vector.shape_cast %broadcast_in_dim3A_1713 : vector<16x1xi32> to vector<16xi32>
      %gather3A_1715 = tpu.dynamic_gather %get3A_1692[%gather3A_1714] in [0] : vector<16xi32>, vector<16xi32> -> vector<16xi32>
      %mul3A_1716 = arith.constant 16 : i32
      %mul3A_1717 = arith.muli %scan3A_1688, %mul3A_1716 : i32
      %swap3A_1718 = arith.index_cast %mul3A_1717 : i32 to index
      %swap3A_1719 = tpu.vector_load %arg12[%swap3A_1718] {strides = array<i32>} : memref<1280xi32, #tpu.memory_space<vmem>>, vector<16xi32>,
      tpu.vector_store %arg12[%swap3A_1718], %gather3A_1715 {strides = array<i32>} : memref<1280xi32, #tpu.memory_space<vmem>>, vector<16xi32>,
      %mul3A_1720 = arith.constant 16 : i32
      %mul3A_1721 = arith.muli %scan3A_1688, %mul3A_1720 : i32
      %swap3A_1722 = arith.index_cast %mul3A_1721 : i32 to index
      %swap3A_1723 = tpu.vector_load %arg13[%swap3A_1722] {strides = array<i32>} : memref<1280xi32, #tpu.memory_space<vmem>>, vector<16xi32>,
      tpu.vector_store %arg13[%swap3A_1722], %add3A_1712 {strides = array<i32>} : memref<1280xi32, #tpu.memory_space<vmem>>, vector<16xi32>,
    }
    %scan3A_1655 = arith.constant 80 : i32
    %dma_start3A_1656 = arith.constant 0 : i32
    %dma_start3A_1657 = tpu.memref_slice %arg7[%dma_start3A_1656] : memref<20480xi32, #tpu.memory_space<vmem_shared>> -> memref<20480xi32, #tpu.memory_space<vmem_shared>>
    tpu.enqueue_indirect_dma source(%arg12 : memref<1280xi32, #tpu.memory_space<vmem>>) target(%dma_start3A_1657 : memref<20480xi32, #tpu.memory_space<vmem_shared>>) offsets(%arg13 : memref<1280xi32, #tpu.memory_space<vmem>>) semaphore(%arg23 : memref<!tpu.dma_semaphore, #tpu.memory_space<semaphore_mem>>)
    %dma_wait3A_1658 = arith.constant 0 : i32
    %dma_wait3A_1659 = tpu.memref_slice %arg7[%dma_wait3A_1658] : memref<20480xi32, #tpu.memory_space<vmem_shared>> -> memref<20480xi32, #tpu.memory_space<vmem_shared>>
    tpu.wait_indirect_dma semaphore(%arg23 : memref<!tpu.dma_semaphore, #tpu.memory_space<semaphore_mem>>) src(%arg12 : memref<1280xi32, #tpu.memory_space<vmem>>) dst(%dma_wait3A_1659 : memref<20480xi32, #tpu.memory_space<vmem_shared>>)
    %barrier3A_1660 = arith.constant 0 : index
    tpu.barrier barrier_id(%barrier3A_1660)
    %mul3A_1661 = arith.constant 16 : i32
    %mul3A_1662 = arith.muli %arg0, %mul3A_1661 : i32
    %add3A_1663 = arith.addi %mul3A_1662, %arg1 : i32
    %mul3A_1664 = arith.constant 640 : i32
    %mul3A_1665 = arith.muli %add3A_1663, %mul3A_1664 : i32
    "tpu.region"() ({
      %run_scoped3A = tpu.sem_alloc : memref<!tpu.dma_semaphore, #tpu.memory_space<semaphore_mem>>
      %dma_start3A_1688 = tpu.memref_slice %arg7[%mul3A_1665] : memref<20480xi32, #tpu.memory_space<vmem_shared>> -> memref<320xi32, #tpu.memory_space<vmem_shared>>
      %dma_start3A_1689 = tpu.memref_slice %arg7[%mul3A_1665] : memref<20480xi32, #tpu.memory_space<vmem_shared>> -> memref<320xi32, #tpu.memory_space<vmem_shared>>
      tpu.enqueue_dma source(%dma_start3A_1689 : memref<320xi32, #tpu.memory_space<vmem_shared>>) target(%arg20 : memref<320xi32, #tpu.memory_space<vmem>>) target_semaphore(%run_scoped3A : memref<!tpu.dma_semaphore, #tpu.memory_space<semaphore_mem>>)
      %dma_wait3A_1690 = tpu.memref_slice %arg7[%mul3A_1665] : memref<20480xi32, #tpu.memory_space<vmem_shared>> -> memref<320xi32, #tpu.memory_space<vmem_shared>>
      %dma_wait3A_1691 = tpu.memref_slice %arg7[%mul3A_1665] : memref<20480xi32, #tpu.memory_space<vmem_shared>> -> memref<320xi32, #tpu.memory_space<vmem_shared>>
      tpu.wait_dma2 semaphore(%run_scoped3A : memref<!tpu.dma_semaphore, #tpu.memory_space<semaphore_mem>>) src(%dma_wait3A_1691 : memref<320xi32, #tpu.memory_space<vmem_shared>>) dst(%arg20 : memref<320xi32, #tpu.memory_space<vmem>>)
      tpu.yield
    }) : () -> ()
    %add3A_1666 = arith.constant 320 : i32
    %add3A_1667 = arith.addi %mul3A_1665, %add3A_1666 : i32
    "tpu.region"() ({
      %run_scoped3A = tpu.sem_alloc : memref<!tpu.dma_semaphore, #tpu.memory_space<semaphore_mem>>
      %dma_start3A_1688 = tpu.memref_slice %arg7[%add3A_1667] : memref<20480xi32, #tpu.memory_space<vmem_shared>> -> memref<320xi32, #tpu.memory_space<vmem_shared>>
      %dma_start3A_1689 = tpu.memref_slice %arg7[%add3A_1667] : memref<20480xi32, #tpu.memory_space<vmem_shared>> -> memref<320xi32, #tpu.memory_space<vmem_shared>>
      tpu.enqueue_dma source(%dma_start3A_1689 : memref<320xi32, #tpu.memory_space<vmem_shared>>) target(%arg21 : memref<320xi32, #tpu.memory_space<vmem>>) target_semaphore(%run_scoped3A : memref<!tpu.dma_semaphore, #tpu.memory_space<semaphore_mem>>)
      %dma_wait3A_1690 = tpu.memref_slice %arg7[%add3A_1667] : memref<20480xi32, #tpu.memory_space<vmem_shared>> -> memref<320xi32, #tpu.memory_space<vmem_shared>>
      %dma_wait3A_1691 = tpu.memref_slice %arg7[%add3A_1667] : memref<20480xi32, #tpu.memory_space<vmem_shared>> -> memref<320xi32, #tpu.memory_space<vmem_shared>>
      tpu.wait_dma2 semaphore(%run_scoped3A : memref<!tpu.dma_semaphore, #tpu.memory_space<semaphore_mem>>) src(%dma_wait3A_1691 : memref<320xi32, #tpu.memory_space<vmem_shared>>) dst(%arg21 : memref<320xi32, #tpu.memory_space<vmem>>)
      tpu.yield
    }) : () -> ()
    %scan3A_1668 = arith.constant 0 : i32
    %scan3A_1669 = arith.constant 0 : i32
    %scan3A_1670 = arith.constant 20 : i32
    %scan3A_1671 = arith.addi %scan3A_1669, %scan3A_1670 : i32
    %scan3A_1672 = arith.constant 1 : i32
    scf.for %scan3A_1688 = %scan3A_1669 to %scan3A_1671 step %scan3A_1672  : i32 {
      %mul3A_1689 = arith.constant 16 : i32
      %mul3A_1690 = arith.muli %scan3A_1688, %mul3A_1689 : i32
      %get3A_1691 = arith.index_cast %mul3A_1690 : i32 to index
      %get3A_1692 = tpu.vector_load %arg20[%get3A_1691] {strides = array<i32>} : memref<320xi32, #tpu.memory_space<vmem>>, vector<16xi32>,
      %min3A = arith.constant 19999 : i32
      %min3A_1693 = vector.broadcast %min3A : i32 to vector<16xi32>
      %min3A_1694 = arith.minsi %get3A_1692, %min3A_1693 : vector<16xi32>
      %mul3A_1695 = arith.constant 16 : i32
      %mul3A_1696 = arith.muli %scan3A_1688, %mul3A_1695 : i32
      %swap3A_1697 = arith.index_cast %mul3A_1696 : i32 to index
      %swap3A_1698 = tpu.vector_load %arg20[%swap3A_1697] {strides = array<i32>} : memref<320xi32, #tpu.memory_space<vmem>>, vector<16xi32>,
      tpu.vector_store %arg20[%swap3A_1697], %min3A_1694 {strides = array<i32>} : memref<320xi32, #tpu.memory_space<vmem>>, vector<16xi32>,
      %mul3A_1699 = arith.constant 16 : i32
      %mul3A_1700 = arith.muli %scan3A_1688, %mul3A_1699 : i32
      %get3A_1701 = arith.index_cast %mul3A_1700 : i32 to index
      %get3A_1702 = tpu.vector_load %arg21[%get3A_1701] {strides = array<i32>} : memref<320xi32, #tpu.memory_space<vmem>>, vector<16xi32>,
      %min3A_1703 = arith.constant 19999 : i32
      %min3A_1704 = vector.broadcast %min3A_1703 : i32 to vector<16xi32>
      %min3A_1705 = arith.minsi %get3A_1702, %min3A_1704 : vector<16xi32>
      %mul3A_1706 = arith.constant 16 : i32
      %mul3A_1707 = arith.muli %scan3A_1688, %mul3A_1706 : i32
      %swap3A_1708 = arith.index_cast %mul3A_1707 : i32 to index
      %swap3A_1709 = tpu.vector_load %arg21[%swap3A_1708] {strides = array<i32>} : memref<320xi32, #tpu.memory_space<vmem>>, vector<16xi32>,
      tpu.vector_store %arg21[%swap3A_1708], %min3A_1705 {strides = array<i32>} : memref<320xi32, #tpu.memory_space<vmem>>, vector<16xi32>,
    }
    %scan3A_1673 = arith.constant 20 : i32
    %dma_start3A_1674 = arith.constant 0 : i32
    %dma_start3A_1675 = arith.constant 0 : i32
    %dma_start3A_1676 = tpu.memref_slice %arg4[%dma_start3A_1674, %dma_start3A_1675] : memref<20000x128xf32, #tpu.memory_space<hbm>> -> memref<20000x128xf32, #tpu.memory_space<hbm>>
    tpu.enqueue_indirect_dma source(%dma_start3A_1676 : memref<20000x128xf32, #tpu.memory_space<hbm>>) target(%arg22 : memref<320x128xf32, #tpu.memory_space<vmem>>) offsets(%arg20 : memref<320xi32, #tpu.memory_space<vmem>>) semaphore(%arg23 : memref<!tpu.dma_semaphore, #tpu.memory_space<semaphore_mem>>)
    %dma_wait3A_1677 = arith.constant 0 : i32
    %dma_wait3A_1678 = arith.constant 0 : i32
    %dma_wait3A_1679 = tpu.memref_slice %arg4[%dma_wait3A_1677, %dma_wait3A_1678] : memref<20000x128xf32, #tpu.memory_space<hbm>> -> memref<20000x128xf32, #tpu.memory_space<hbm>>
    tpu.wait_indirect_dma semaphore(%arg23 : memref<!tpu.dma_semaphore, #tpu.memory_space<semaphore_mem>>) src(%dma_wait3A_1679 : memref<20000x128xf32, #tpu.memory_space<hbm>>) dst(%arg22 : memref<320x128xf32, #tpu.memory_space<vmem>>)
    "tpu.region"() ({
      %run_scoped3A = tpu.sem_alloc : memref<!tpu.dma_semaphore, #tpu.memory_space<semaphore_mem>>
      %dma_start3A_1688 = arith.constant 0 : i32
      %dma_start3A_1689 = tpu.memref_slice %arg5[%mul3A_1665, %dma_start3A_1688] : memref<20480x128xf32, #tpu.memory_space<hbm>> -> memref<320x128xf32, #tpu.memory_space<hbm>>
      %dma_start3A_1690 = arith.constant 0 : i32
      %dma_start3A_1691 = tpu.memref_slice %arg5[%mul3A_1665, %dma_start3A_1690] : memref<20480x128xf32, #tpu.memory_space<hbm>> -> memref<320x128xf32, #tpu.memory_space<hbm>>
      tpu.enqueue_dma source(%arg22 : memref<320x128xf32, #tpu.memory_space<vmem>>) target(%dma_start3A_1691 : memref<320x128xf32, #tpu.memory_space<hbm>>) target_semaphore(%run_scoped3A : memref<!tpu.dma_semaphore, #tpu.memory_space<semaphore_mem>>)
      %dma_wait3A_1692 = arith.constant 0 : i32
      %dma_wait3A_1693 = tpu.memref_slice %arg5[%mul3A_1665, %dma_wait3A_1692] : memref<20480x128xf32, #tpu.memory_space<hbm>> -> memref<320x128xf32, #tpu.memory_space<hbm>>
      %dma_wait3A_1694 = arith.constant 0 : i32
      %dma_wait3A_1695 = tpu.memref_slice %arg5[%mul3A_1665, %dma_wait3A_1694] : memref<20480x128xf32, #tpu.memory_space<hbm>> -> memref<320x128xf32, #tpu.memory_space<hbm>>
      tpu.wait_dma2 semaphore(%run_scoped3A : memref<!tpu.dma_semaphore, #tpu.memory_space<semaphore_mem>>) src(%arg22 : memref<320x128xf32, #tpu.memory_space<vmem>>) dst(%dma_wait3A_1695 : memref<320x128xf32, #tpu.memory_space<hbm>>)
      tpu.yield
    }) : () -> ()
    %dma_start3A_1680 = arith.constant 0 : i32
    %dma_start3A_1681 = arith.constant 0 : i32
    %dma_start3A_1682 = tpu.memref_slice %arg4[%dma_start3A_1680, %dma_start3A_1681] : memref<20000x128xf32, #tpu.memory_space<hbm>> -> memref<20000x128xf32, #tpu.memory_space<hbm>>
    tpu.enqueue_indirect_dma source(%dma_start3A_1682 : memref<20000x128xf32, #tpu.memory_space<hbm>>) target(%arg22 : memref<320x128xf32, #tpu.memory_space<vmem>>) offsets(%arg21 : memref<320xi32, #tpu.memory_space<vmem>>) semaphore(%arg23 : memref<!tpu.dma_semaphore, #tpu.memory_space<semaphore_mem>>)
    %dma_wait3A_1683 = arith.constant 0 : i32
    %dma_wait3A_1684 = arith.constant 0 : i32
    %dma_wait3A_1685 = tpu.memref_slice %arg4[%dma_wait3A_1683, %dma_wait3A_1684] : memref<20000x128xf32, #tpu.memory_space<hbm>> -> memref<20000x128xf32, #tpu.memory_space<hbm>>
    tpu.wait_indirect_dma semaphore(%arg23 : memref<!tpu.dma_semaphore, #tpu.memory_space<semaphore_mem>>) src(%dma_wait3A_1685 : memref<20000x128xf32, #tpu.memory_space<hbm>>) dst(%arg22 : memref<320x128xf32, #tpu.memory_space<vmem>>)
    %add3A_1686 = arith.constant 320 : i32
    %add3A_1687 = arith.addi %mul3A_1665, %add3A_1686 : i32
    "tpu.region"() ({
      %run_scoped3A = tpu.sem_alloc : memref<!tpu.dma_semaphore, #tpu.memory_space<semaphore_mem>>
      %dma_start3A_1688 = arith.constant 0 : i32
      %dma_start3A_1689 = tpu.memref_slice %arg5[%add3A_1687, %dma_start3A_1688] : memref<20480x128xf32, #tpu.memory_space<hbm>> -> memref<320x128xf32, #tpu.memory_space<hbm>>
      %dma_start3A_1690 = arith.constant 0 : i32
      %dma_start3A_1691 = tpu.memref_slice %arg5[%add3A_1687, %dma_start3A_1690] : memref<20480x128xf32, #tpu.memory_space<hbm>> -> memref<320x128xf32, #tpu.memory_space<hbm>>
      tpu.enqueue_dma source(%arg22 : memref<320x128xf32, #tpu.memory_space<vmem>>) target(%dma_start3A_1691 : memref<320x128xf32, #tpu.memory_space<hbm>>) target_semaphore(%run_scoped3A : memref<!tpu.dma_semaphore, #tpu.memory_space<semaphore_mem>>)
      %dma_wait3A_1692 = arith.constant 0 : i32
      %dma_wait3A_1693 = tpu.memref_slice %arg5[%add3A_1687, %dma_wait3A_1692] : memref<20480x128xf32, #tpu.memory_space<hbm>> -> memref<320x128xf32, #tpu.memory_space<hbm>>
      %dma_wait3A_1694 = arith.constant 0 : i32
      %dma_wait3A_1695 = tpu.memref_slice %arg5[%add3A_1687, %dma_wait3A_1694] : memref<20480x128xf32, #tpu.memory_space<hbm>> -> memref<320x128xf32, #tpu.memory_space<hbm>>
      tpu.wait_dma2 semaphore(%run_scoped3A : memref<!tpu.dma_semaphore, #tpu.memory_space<semaphore_mem>>) src(%arg22 : memref<320x128xf32, #tpu.memory_space<vmem>>) dst(%dma_wait3A_1695 : memref<320x128xf32, #tpu.memory_space<hbm>>)
      tpu.yield
    }) : () -> ()
    return
  }
}

module attributes {stable_mosaic.version = 14 : i64} {
  func.func @_softmax_body(%arg0: i32, %arg1: memref<2000x51xf32, #tpu.memory_space<vmem>>, %arg2: memref<2000x2xi32, #tpu.memory_space<vmem>>, %arg3: memref<2000x128xf32, #tpu.memory_space<vmem>>, %arg4: memref<1x1x2000xi32, #tpu.memory_space<vmem>>) attributes {dimension_semantics = [#tpu.dimension_semantics<arbitrary>], iteration_bounds = array<i64: 10>, scalar_prefetch = 0 : i64, scratch_operands = 0 : i64, tpu.core_type = #tpu.core_type<tc>, window_params = [{transform_indices = @transform_0, window_bounds = array<i64: 2000, 51>}, {transform_indices = @transform_1, window_bounds = array<i64: 2000, 2>}, {transform_indices = @transform_2, window_bounds = array<i64: 2000, 128>}, {transform_indices = @transform_3, window_bounds = array<i64: 1, 1, 2000>}]} {
    %get3A = arith.constant 0 : index
    %get3A_0 = arith.constant 0 : index
    %get3A_1 = vector.load %arg1[%get3A, %get3A_0] : memref<2000x51xf32, #tpu.memory_space<vmem>>, vector<2000x51xf32>
    %reduce_max3A = arith.constant dense<0xFF800000> : vector<2000xf32>
    %reduce_max3A_2 = vector.multi_reduction <maximumf>, %get3A_1, %reduce_max3A [1] : vector<2000x51xf32> to vector<2000xf32>
    %broadcast_in_dim3A = vector.shape_cast %reduce_max3A_2 : vector<2000xf32> to vector<2000x1xf32>
    %sub3A = vector.broadcast %broadcast_in_dim3A : vector<2000x1xf32> to vector<2000x51xf32>
    %sub3A_3 = arith.subf %get3A_1, %sub3A : vector<2000x51xf32>
    %exp3A = math.exp %sub3A_3 : vector<2000x51xf32>
    %jit3A = arith.constant 0 : i32
    %convert_element_type3A = arith.sitofp %jit3A : i32 to f32
    %pad3A = vector.broadcast %convert_element_type3A : f32 to vector<2000x5xf32>
    %pad3A_4 = tpu.concatenate %exp3A, %pad3A in 1 : vector<2000x51xf32>, vector<2000x5xf32> -> vector<2000x56xf32>
    %slice3A = vector.extract_strided_slice %pad3A_4 {offsets = [0, 0], sizes = [2000, 8], strides = [1, 1]} : vector<2000x56xf32> to vector<2000x8xf32>
    %slice3A_5 = vector.extract_strided_slice %pad3A_4 {offsets = [0, 8], sizes = [2000, 8], strides = [1, 1]} : vector<2000x56xf32> to vector<2000x8xf32>
    %add3A = arith.addf %slice3A, %slice3A_5 : vector<2000x8xf32>
    %slice3A_6 = vector.extract_strided_slice %pad3A_4 {offsets = [0, 16], sizes = [2000, 8], strides = [1, 1]} : vector<2000x56xf32> to vector<2000x8xf32>
    %add3A_7 = arith.addf %add3A, %slice3A_6 : vector<2000x8xf32>
    %slice3A_8 = vector.extract_strided_slice %pad3A_4 {offsets = [0, 24], sizes = [2000, 8], strides = [1, 1]} : vector<2000x56xf32> to vector<2000x8xf32>
    %add3A_9 = arith.addf %add3A_7, %slice3A_8 : vector<2000x8xf32>
    %slice3A_10 = vector.extract_strided_slice %pad3A_4 {offsets = [0, 32], sizes = [2000, 8], strides = [1, 1]} : vector<2000x56xf32> to vector<2000x8xf32>
    %add3A_11 = arith.addf %add3A_9, %slice3A_10 : vector<2000x8xf32>
    %slice3A_12 = vector.extract_strided_slice %pad3A_4 {offsets = [0, 40], sizes = [2000, 8], strides = [1, 1]} : vector<2000x56xf32> to vector<2000x8xf32>
    %add3A_13 = arith.addf %add3A_11, %slice3A_12 : vector<2000x8xf32>
    %slice3A_14 = vector.extract_strided_slice %pad3A_4 {offsets = [0, 48], sizes = [2000, 8], strides = [1, 1]} : vector<2000x56xf32> to vector<2000x8xf32>
    %add3A_15 = arith.addf %add3A_13, %slice3A_14 : vector<2000x8xf32>
    %slice3A_16 = vector.extract_strided_slice %add3A_15 {offsets = [0, 0], sizes = [2000, 4], strides = [1, 1]} : vector<2000x8xf32> to vector<2000x4xf32>
    %slice3A_17 = vector.extract_strided_slice %add3A_15 {offsets = [0, 4], sizes = [2000, 4], strides = [1, 1]} : vector<2000x8xf32> to vector<2000x4xf32>
    %add3A_18 = arith.addf %slice3A_16, %slice3A_17 : vector<2000x4xf32>
    %slice3A_19 = vector.extract_strided_slice %add3A_18 {offsets = [0, 0], sizes = [2000, 2], strides = [1, 1]} : vector<2000x4xf32> to vector<2000x2xf32>
    %slice3A_20 = vector.extract_strided_slice %add3A_18 {offsets = [0, 2], sizes = [2000, 2], strides = [1, 1]} : vector<2000x4xf32> to vector<2000x2xf32>
    %add3A_21 = arith.addf %slice3A_19, %slice3A_20 : vector<2000x2xf32>
    %slice3A_22 = vector.extract_strided_slice %add3A_21 {offsets = [0, 0], sizes = [2000, 1], strides = [1, 1]} : vector<2000x2xf32> to vector<2000x1xf32>
    %slice3A_23 = vector.extract_strided_slice %add3A_21 {offsets = [0, 1], sizes = [2000, 1], strides = [1, 1]} : vector<2000x2xf32> to vector<2000x1xf32>
    %add3A_24 = arith.addf %slice3A_22, %slice3A_23 : vector<2000x1xf32>
    %div3A = vector.broadcast %add3A_24 : vector<2000x1xf32> to vector<2000x51xf32>
    %div3A_25 = arith.divf %exp3A, %div3A : vector<2000x51xf32>
    %slice3A_26 = vector.extract_strided_slice %div3A_25 {offsets = [0, 1], sizes = [2000, 50], strides = [1, 1]} : vector<2000x51xf32> to vector<2000x50xf32>
    %reduce_max3A_27 = arith.constant dense<0xFF800000> : vector<2000xf32>
    %reduce_max3A_28 = vector.multi_reduction <maximumf>, %slice3A_26, %reduce_max3A_27 [1] : vector<2000x50xf32> to vector<2000xf32>
    %bitcast_convert_type3A = tpu.bitcast %reduce_max3A_28 : vector<2000xf32> -> vector<2000xi32>
    %not3A = arith.constant dense<-1> : vector<2000xi32>
    %not3A_29 = arith.xori %bitcast_convert_type3A, %not3A : vector<2000xi32>
    %bitcast_convert_type3A_30 = tpu.bitcast %not3A_29 : vector<2000xi32> -> vector<2000xi32>
    %swap3A = arith.constant 0 : index
    %swap3A_31 = arith.constant 0 : index
    %swap3A_32 = arith.constant 0 : index
    %swap3A_33 = vector.load %arg4[%swap3A, %swap3A_31, %swap3A_32] : memref<1x1x2000xi32, #tpu.memory_space<vmem>>, vector<1x1x2000xi32>
    %swap3A_34 = vector.shape_cast %swap3A_33 : vector<1x1x2000xi32> to vector<2000xi32>
    %swap3A_35 = vector.shape_cast %bitcast_convert_type3A_30 : vector<2000xi32> to vector<1x1x2000xi32>
    tpu.vector_store %arg4[%swap3A, %swap3A_31, %swap3A_32], %swap3A_35 {strides = array<i32>} : memref<1x1x2000xi32, #tpu.memory_space<vmem>>, vector<1x1x2000xi32>,
    %argmax3A = tpu.reduce_index %slice3A_26 {axis = 1 : i32, kind = #tpu.reduction_kind<arg_max>} : vector<2000x50xf32> -> vector<2000xi32>
    %add3A_36 = arith.constant 1 : i32
    %add3A_37 = vector.broadcast %add3A_36 : i32 to vector<2000xi32>
    %add3A_38 = arith.addi %argmax3A, %add3A_37 : vector<2000xi32>
    %get3A_39 = arith.constant 0 : index
    %get3A_40 = arith.constant 0 : index
    %get3A_41 = vector.load %arg2[%get3A_39, %get3A_40] : memref<2000x2xi32, #tpu.memory_space<vmem>>, vector<2000x2xi32>
    %bitcast_convert_type3A_42 = tpu.bitcast %get3A_41 : vector<2000x2xi32> -> vector<2000x2xf32>
    %broadcast_in_dim3A_43 = vector.shape_cast %add3A_38 : vector<2000xi32> to vector<2000x1xi32>
    %bitcast_convert_type3A_44 = tpu.bitcast %broadcast_in_dim3A_43 : vector<2000x1xi32> -> vector<2000x1xf32>
    %broadcast_in_dim3A_45 = arith.constant 0.000000e+00 : f32
    %broadcast_in_dim3A_46 = vector.broadcast %broadcast_in_dim3A_45 : f32 to vector<2000x74xf32>
    %concatenate3A = tpu.concatenate %div3A_25, %bitcast_convert_type3A_42, %bitcast_convert_type3A_44, %broadcast_in_dim3A_46 in 1 : vector<2000x51xf32>, vector<2000x2xf32>, vector<2000x1xf32>, vector<2000x74xf32> -> vector<2000x128xf32>
    %swap3A_47 = arith.constant 0 : index
    %swap3A_48 = arith.constant 0 : index
    %swap3A_49 = vector.load %arg3[%swap3A_47, %swap3A_48] : memref<2000x128xf32, #tpu.memory_space<vmem>>, vector<2000x128xf32>
    tpu.vector_store %arg3[%swap3A_47, %swap3A_48], %concatenate3A {strides = array<i32>} : memref<2000x128xf32, #tpu.memory_space<vmem>>, vector<2000x128xf32>,
    return
  }
  func.func @transform_0(%arg0: i32) -> (i32, i32) {
    %c0_i32 = arith.constant 0 : i32
    %c0_i32_0 = arith.constant 0 : i32
    return %arg0, %c0_i32 : i32, i32
  }
  func.func @transform_1(%arg0: i32) -> (i32, i32) {
    %c0_i32 = arith.constant 0 : i32
    %c0_i32_0 = arith.constant 0 : i32
    return %arg0, %c0_i32 : i32, i32
  }
  func.func @transform_2(%arg0: i32) -> (i32, i32) {
    %c0_i32 = arith.constant 0 : i32
    %c0_i32_0 = arith.constant 0 : i32
    return %arg0, %c0_i32 : i32, i32
  }
  func.func @transform_3(%arg0: i32) -> (i32, i32, i32) {
    %c0_i32 = arith.constant 0 : i32
    %c0_i32_0 = arith.constant 0 : i32
    %c0_i32_1 = arith.constant 0 : i32
    return %arg0, %c0_i32, %c0_i32_0 : i32, i32, i32
  }
}

</mosaic_0001>

<sc_bundles>
// kernel: kernel.4.cloned.1.call-start
scs
__scs_entry_jumppad:
0x0: {  	(pc) =	sbr.rel $0x88, $3  }
0x1: {  	(tag) =	ssettag $0x0;
	lr =	simm.s32 $0x1  }
0x2: {  	[smem:$0x3F9F] =	sst lr;
	_ =	strace $0xD0000000  }
0x3: {  	_ = 	snop  }
0x4: {  	_ = 	snop  }
0x5: {  	_ = 	snop  }
0x6: {  	_ = 	snop  }
0x7: {  	_ = 	snop  }
__scs_overlays_trampoline_lowered:
0x8: {  	[smem:$0x3FAE] =	sst s0  }
0x9: {  	[smem:$0x3FAF] =	sst s1  }
0xa: {  	[smem:$0x3FB0] =	sst s2  }
0xb: {  	[smem:$0x3FB1] =	sst s3  }
0xc: {  	[smem:$0x3FB2] =	sst s4  }
0xd: {  	[smem:$0x3FB3] =	sst s5  }
0xe: {  	[smem:$0x3FB4] =	sst s6  }
0xf: {  	[smem:$0x3FB5] =	sst s7  }
0x10: {  	[smem:$0x3FB6] =	sst s8  }
0x11: {  	[smem:$0x3FB7] =	sst s9;
	s0 =	simm.s32 @!p0 $0x0  }
0x12: {  	s1 =	sld [smem:$0x3F9D];
	s0 =	simm.s32 @p0 $0x1  }
0x13: {  	[smem:$0x3FB8] =	sst s0;
	s0 =	simm.s32 @!p1 $0x0  }
0x14: {  	s2 =	sld [smem:$0x3F9C];
	s0 =	simm.s32 @p1 $0x1  }
0x15: {  	[smem:$0x3FB9] =	sst s0;
	s0 =	simm.s32 @!p2 $0x0  }
0x16: {  	s3 =	sld [smem:$0x3FDB];
	s0 =	simm.s32 @p2 $0x1  }
0x17: {  	s4 =	simm.s32 $0x1BF5;
	[smem:$0x3FBB] =	sst s0  }
0x18: {  	s0 =	sld [smem:$0x3F9E];
	_ =	swait.ge [sflag:s4], $0x0  }
0x19: {  	s7 =	sld [smem:$0x3F9F]  }
0x1a: {  	s8 =	sadd.s32 $0xFFFFE003, lr  }
0x1b: {  	s9 =	sadd.s32 $0xFFFFFEF7, lr;
	s5 =	simm.s32 $0xFFFFFFFF;
	p2 =	slt.u32 s8, $0xFFFFF086  }
0x1c: {  	p1 =	slt.u32 s9, $0xF7A;
	s5 =	simm.s32 @!p2 $0x0  }
0x1d: {  	s5 =	simm.s32 @p1 $0x1;
	p0 =	seq.s32 s7, s2  }
0x1e: {  	s7 =	smul.u32 @!p0 $0xF7A, s2;
	p2 =	seq.s32 @!p0 s5, $0x0  }
0x1f: {  	s9 =	smul.u32 $0xF7A, s1;
	s8 =	simm.s32 @!p0 $0x1BF5;
	p2 =	por !p2, p0  }
0x20: {  	[sflag:s8] =	ssyncset.s32 @!p0 $0xFFFFF086;
	s6 =	sadd.s32 @!p0 s3, s7;
	s7 =	simm.s32 @!p0 $0x108  }
0x21: {  	s3 =	sadd.s32 s3, s9;
	s6 =	sadd.s32 @!p0 $0x88, s6;
	s7 =	simm.s32 @p2 $0x1082  }
0x22: {  	[simem:s7], [sflag:s8] =	dma.local @!p0 [hbm:s6], $0xF7A  }
0x23: {  	s9 =	sor.u32 $0xD0000000, s2;
	s6 =	simm.s32 $0x108;
	_ =	swait.ge @!p0 [sflag:s8], $0x0  }
0x24: {  	s3 =	sadd.s32 $0x88, s3;
	s6 =	simm.s32 @!p1 $0x1082;
	[sflag:s4] =	ssyncset.s32 $0xFFFFF086  }
0x25: {  	[simem:s6], [sflag:s4] =	dma.local [hbm:s3], $0xF7A  }
0x26: {  	[smem:$0x3F9F] =	sst s1;
	(tag) =	ssettag s2;
	_ =	strace s9  }
0x27: {  	s1 =	sld [smem:$0x3FAF]  }
0x28: {  	s2 =	sld [smem:$0x3FB0]  }
0x29: {  	s4 =	sld [smem:$0x3FB2]  }
0x2a: {  	p0 =	seq.s32 s5, $0x0;
	s5 =	sld [smem:$0x3FB3]  }
0x2b: {  	s6 =	sld [smem:$0x3FB4]  }
0x2c: {  	s7 =	sld [smem:$0x3FB5]  }
0x2d: {  	s3 =	simm.s32 $0x108;
	s8 =	sld [smem:$0x3FB6]  }
0x2e: {  	s3 =	simm.s32 @!p0 $0x1082;
	s9 =	sld [smem:$0x3FB7]  }
0x2f: {  	lr =	sadd.s32 s0, s3;
	s0 =	sld [smem:$0x3FAE]  }
0x30: {  	s3 =	sld [smem:$0x3FB1]  }
0x31: {  	[smem:$0x3FBA] =	sst s10  }
0x32: {  	s10 =	sld [smem:$0x3FB8];
	_ =	sdelay $0x3  }
0x33: {  	p0 =	seq.s32 s10, $0x1;
	s10 =	sld [smem:$0x3FBA];
	_ =	sdelay $0x3  }
0x34: {  	[smem:$0x3FBA] =	sst s10  }
0x35: {  	s10 =	sld [smem:$0x3FB9];
	_ =	sdelay $0x3  }
0x36: {  	p1 =	seq.s32 s10, $0x1;
	s10 =	sld [smem:$0x3FBA];
	_ =	sdelay $0x3  }
0x37: {  	[smem:$0x3FBA] =	sst s10  }
0x38: {  	s10 =	sld [smem:$0x3FBB]  }
0x39: {  	_ = 	snop;
	(pc) =	sbr.ind lr, $3  }
0x3a: {  	_ = 	snop  }
0x3b: {  	_ = 	snop  }
0x3c: {  	p2 =	seq.s32 s10, $0x1;
	s10 =	sld [smem:$0x3FBA]  }
0x3d: {  	_ =	shalt  }
0x3e: {  	_ =	shalt  }
0x3f: {  	_ =	shalt  }
0x40: {  	_ =	shalt  }
0x41: {  	_ =	shalt  }
0x42: {  	_ =	shalt  }
0x43: {  	_ =	shalt  }
0x44: {  	_ =	shalt  }
0x45: {  	_ =	shalt  }
0x46: {  	_ =	shalt  }
0x47: {  	_ =	shalt  }
0x48: {  	_ =	shalt  }
0x49: {  	_ =	shalt  }
0x4a: {  	_ =	shalt  }
0x4b: {  	_ =	shalt  }
0x4c: {  	_ =	shalt  }
0x4d: {  	_ =	shalt  }
0x4e: {  	_ =	shalt  }
0x4f: {  	_ =	shalt  }
0x50: {  	_ =	shalt  }
0x51: {  	_ =	shalt  }
0x52: {  	_ =	shalt  }
0x53: {  	_ =	shalt  }
0x54: {  	_ =	shalt  }
0x55: {  	_ =	shalt  }
0x56: {  	_ =	shalt  }
0x57: {  	_ =	shalt  }
0x58: {  	_ =	shalt  }
0x59: {  	_ =	shalt  }
0x5a: {  	_ =	shalt  }
0x5b: {  	_ =	shalt  }
0x5c: {  	_ =	shalt  }
0x5d: {  	_ =	shalt  }
0x5e: {  	_ =	shalt  }
0x5f: {  	_ =	shalt  }
0x60: {  	_ =	shalt  }
0x61: {  	_ =	shalt  }
0x62: {  	_ =	shalt  }
0x63: {  	_ =	shalt  }
0x64: {  	_ =	shalt  }
0x65: {  	_ =	shalt  }
0x66: {  	_ =	shalt  }
0x67: {  	_ =	shalt  }
0x68: {  	_ =	shalt  }
0x69: {  	_ =	shalt  }
0x6a: {  	_ =	shalt  }
0x6b: {  	_ =	shalt  }
0x6c: {  	_ =	shalt  }
0x6d: {  	_ =	shalt  }
0x6e: {  	_ =	shalt  }
0x6f: {  	_ =	shalt  }
0x70: {  	_ =	shalt  }
0x71: {  	_ =	shalt  }
0x72: {  	_ =	shalt  }
0x73: {  	_ =	shalt  }
0x74: {  	_ =	shalt  }
0x75: {  	_ =	shalt  }
0x76: {  	_ =	shalt  }
0x77: {  	_ =	shalt  }
0x78: {  	_ =	shalt  }
0x79: {  	_ =	shalt  }
0x7a: {  	_ =	shalt  }
0x7b: {  	_ =	shalt  }
0x7c: {  	_ =	shalt  }
0x7d: {  	_ =	shalt  }
0x7e: {  	_ =	shalt  }
0x7f: {  	_ =	shalt  }
0x80: {  	_ =	shalt  }
0x81: {  	_ =	shalt  }
0x82: {  	_ =	shalt  }
0x83: {  	_ =	shalt  }
0x84: {  	_ =	shalt  }
0x85: {  	_ =	shalt  }
0x86: {  	_ =	shalt  }
0x87: {  	_ =	shalt  }
.Lfunc_end0:
.L_simem_size_0:
called_computation_lowered:
.L_overlay_start_0:
0x88: {  	s2 =	sld [smem:$0x3FD9]  }
0x89: {  	s3 =	sld [smem:$0x3FFE];
	_ =	sdelay $0x1  }
0x8a: {  	s1 =	srdreg.scid  }
0x8b: {  	s0 =	sand.u32 $0x1, s1  }
0x8c: {  	s14 =	sshll.u32 s0, $0xA;
	s2 =	sadd.s32 s3, s2  }
0x8d: {  	s2 =	sadd.s32 s2, s14  }
0x8e: {  	[smem:$0x3FC6] =	sst s2  }
0x8f: {  	_ = 	snop  }
0x90: {  	s2 =	sld [smem:$0x3FD0];
	_ =	sdelay $0x2  }
0x91: {  	s15 =	simm.s32 $0xA;
	s4 =	simm.s32 $0x10  }
0x92: {  	[smem:s4], [sflag:s15] =	dma.local [hbm:s2], $0x1  }
0x93: {  	_ =	swait.eq [sflag:s15], $0x1  }
0x94: {  	[sflag:s15] =	ssyncset.done $0x0  }
0x95: {  	s16 =	sld [smem:$0x10];
	[sflag:s15] =	ssyncadd.s32 $0xFFFFFFFF  }
0x96: {  	s17 =	sld [smem:$0x12];
	(tm) =	ssettm $0x1  }
0x97: {  	s18 =	sld [smem:$0x3FFB];
	_ =	sdelay $0x3  }
0x98: {  	_ =	strace s18  }
0x99: {  	s4 =	sld [smem:$0x3FFC];
	_ =	sdelay $0x3  }
0x9a: {  	_ =	strace s4  }
0x9b: {  	s4 =	sld [smem:$0x3FFD];
	_ =	sdelay $0x3  }
0x9c: {  	_ =	strace s4  }
0x9d: {  	_ =	strace $0x8FFFFFFF  }
0x9e: {  	s19 =	sld [smem:$0x3FDB];
	_ =	sdelay $0x1  }
0x9f: {  	s5 =	simm.s32 $_scs_section_size  }
0xa0: {  	s6 =	simm.s32 $_size__tile_overlayer_lowered;
	s7 =	simm.s32 $_tile_overlayer_lowered  }
0xa1: {  	s22 =	simm.s32 $0x1BFF;
	s21 =	sshll.u32 s7, $0x1;
	s4 =	sadd.s32 s5, s19  }
0xa2: {  	s8 =	simm.s32 $0x0;
	s20 =	sshll.u32 s6, $0x1;
	s6 =	sadd.s32 s21, s4  }
0xa3: {  	[timem:s8], [sflag:s22] =	dma.local [hbm:s6], s20  }
0xa4: {  	_ =	swait.ge [sflag:s22], s20  }
0xa5: {  	s5 =	ssub.s32 $0x0, s20;
	[sflag:s22] =	ssyncset.done $0x0  }
0xa6: {  	[sflag:s22] =	ssyncadd.s32 s5;
	_ =	sdelay $0x1  }
0xa7: {  	s23 =	simm.s32 $0x1B8B  }
0xa8: {  	_ =	swait.ge [sflag:s23], $0x1  }
0xa9: {  	[sflag:s23] =	ssyncset.done $0x0  }
0xaa: {  	s25 =	simm.s32 $0x1B8E;
	s24 =	sld [smem:$0x3FFE];
	[sflag:s23] =	ssyncadd.s32 $0xFFFFFFFF  }
0xab: {  	s26 =	simm.s32 $execute0_lowered;
	[smem:$0x3FD2] =	sst s25  }
0xac: {  	s6 =	sshll.u32 s26, $0x1;
	_ =	strace $0x80000046;
	[dreg:$0x1] =	wrdreg $0xFFFFFFFF  }
0xad: {  	s28 =	simm.s32 $_size_execute0_lowered;
	s4 =	sadd.s32 s4, s6;
	[dreg:$0x0] =	wrdreg $0x0  }
0xae: {  	s6 =	sshll.u32 s28, $0x1;
	[dreg:$0x2] =	wrdreg s4  }
0xaf: {  	[dreg:$0x3] =	wrdreg s6  }
0xb0: {  	[dreg:$0x4] =	wrdreg $0xC0  }
0xb1: {  	_ =	task [dreg:s8], $0x5FFFF  }
0xb2: {  	[dreg:$0x1] =	wrdreg $0xFFFFFFFF  }
0xb3: {  	[dreg:$0x0] =	wrdreg $0x60  }
0xb4: {  	[dreg:$0x2] =	wrdreg s17  }
0xb5: {  	[dreg:$0x3] =	wrdreg s16  }
0xb6: {  	[dreg:$0x4] =	wrdreg s24  }
0xb7: {  	[dreg:$0x5] =	wrdreg $0xF000  }
0xb8: {  	[dreg:$0x6] =	wrdreg $0x0  }
0xb9: {  	[dreg:$0x7] =	wrdreg $0xA000  }
0xba: {  	[dreg:$0x8] =	wrdreg $0x5000  }
0xbb: {  	[dreg:$0x9] =	wrdreg $0x9  }
0xbc: {  	_ =	task.clear_ibuf [dreg:s8], $0xAFFFF;
	_ =	strace $0x90000046  }
0xbd: {  	s29 =	simm.s32 $0x9;
	_ =	strace $0x80000048  }
0xbe: {  	_ =	swait.ge [sflag:s29], $0x1  }
0xbf: {  	[sflag:s29] =	ssyncadd.s32 $0xFFFFFFFF  }
0xc0: {  	_ =	strace $0x90000048  }
0xc1: {  	_ =	sfence  }
0xc2: {  	s30 =	sld [smem:$0x0];
	_ =	sdelay $0x2  }
0xc3: {  	s31 =	sshll.u32 s1, $0xD;
	s1 =	sshrl.u32 s1, $0x2  }
0xc4: {  	s3 =	sand.u32 $0x4000, s31;
	s1 =	sadd.s32 s1, s30  }
0xc5: {  	s0 =	sor.u32 s3, s0;
	s1 =	sshll.u32 s1, $0x11  }
0xc6: {  	s0 =	sor.u32 s1, s0  }
0xc7: {  	s0 =	sadd.s32 $0x8F2B, s0  }
0xc8: {  	[sflag:s0] =	ssyncadd.remote.s32 $0x1  }
0xc9: {  	_ =	sfence.sel $0xFFFF  }
0xca: {  	[dreg:$0x0] =	wrdreg $0xFFFFFFFF;
	(pc) =	sbr.abs _section_cstart, $3  }
0xcb: {  	[dreg:$0x1] =	wrdreg $0xFFFFFFFF  }
0xcc: {  	_ =	task.clear_ibuf [dreg:s8], $0x2FFFF;
	_ =	strace $0x9FFFFFFF  }
0xcd: {  	(tm) =	ssettm $0x7FFFFFFF  }
tec
execute0_lowered:
.L_overlay_start_1:
0x0: {  	(tag) =	ssettag $0x1  }
0x1: {  	s0 =	rddreg [dreg:$0x0]  }
0x2: {  	s5 =	rddreg [dreg:$0x1]  }
0x3: {  	s8 =	rddreg [dreg:$0x2]  }
0x4: {  	s1 =	rddreg [dreg:$0x3]  }
0x5: {  	s2 =	rddreg [dreg:$0x4]  }
0x6: {  	s3 =	rddreg [dreg:$0x5]  }
0x7: {  	s4 =	rddreg [dreg:$0x6]  }
0x8: {  	s7 =	srdreg.scid;
	s6 =	simm.s32 $0x0;
	s15 =	stileid.u32  }
0x9: {  	s28 =	simm.s32 $0x3310;
	s29 =	simm.s32 $0x1E10;
	s30 =	simm.s32 $0x1910  }
0xa: {  	s31 =	simm.s32 $0x3B10;
	s9 =	sand.u32 $0x1, s7;
	[smem:$0x7FF] =	sst s6  }
0xb: {  	s13 =	smul.u32 $0x500, s15;
	s7 =	sadd.s32 $0xC00, s8;
	s8 =	sadd.s32 $0x4EE00, s8  }
0xc: {  	s12 =	sshll.u32 s15, $0x6;
	s23 =	sshll.u32 s15, $0x7;
	p0 =	seq.s32 s15, $0xF  }
0xd: {  	p2 =	sgt.u32 s15, $0x5;
	p3 =	sgt.u32 s15, $0x4;
	p4 =	sgt.u32 s15, $0x3  }
0xe: {  	p5 =	sgt.u32 s15, $0x2;
	p6 =	sgt.u32 s15, $0x1;
	s10 =	ssub.s32 $0x2, s9  }
0xf: {  	_ =	strace $0x80000047;
	s9 =	sshll.u32 s9, $0x4;
	s21 =	sor.u32 $0x1C02, s12  }
0x10: {  	s11 =	sshrl.u32 s10, $0x1;
	s14 =	sadd.s32 s13, s2;
	s20 =	sshrl.u32 s13, $0x3  }
0x11: {  	[dreg:$0x9] =	wrdreg s21;
	s22 =	sor.u32 s15, s9;
	s12 =	sadd.s32 s13, s3  }
0x12: {  	s13 =	sadd.s32 s13, s4;
	s21 =	simm.s32 $0x1410;
	s0 =	sadd.s32 s0, s20  }
0x13: {  	s10 =	ssub.s32 s10, s11;
	[dreg:$0x8] =	wrdreg s0;
	s0 =	smul.u32 $0x2800, s22  }
0x14: {  	s5 =	sadd.s32 s5, s20;
	s9 =	smul.u32 $0x280, s22;
	s11 =	sadd.s32 s23, s1  }
0x15: {  	s19 =	sshrl.u32 s14, $0x3;
	s16 =	sadd.s32 s8, s0;
	s0 =	simm.s32 @!p0 $0x0  }
0x16: {  	s20 =	simm.s32 $0x2;
	s0 =	simm.s32 @p0 $0x1;
	p0 =	sgt.u32 s15, $0xD  }
0x17: {  	s23 =	simm.s32 $0xF10;
	[smem:$0x7F5] =	sst s0;
	s0 =	simm.s32 @!p0 $0x0  }
0x18: {  	[dreg:$0xa] =	wrdreg s5;
	s0 =	simm.s32 @p0 $0x1;
	p0 =	sgt.u32 s15, $0xC  }
0x19: {  	s18 =	smax.u32 s10, $0x1;
	[smem:$0x7F6] =	sst s0;
	s0 =	simm.s32 @!p0 $0x0  }
0x1a: {  	s22 =	simm.s32 $0x500;
	s0 =	simm.s32 @p0 $0x1;
	p0 =	sgt.u32 s15, $0xB  }
0x1b: {  	s5 =	simm.s32 $0x140;
	[smem:$0x7F7] =	sst s0;
	s0 =	simm.s32 @!p0 $0x0  }
0x1c: {  	s24 =	sadd.s32 s9, s4;
	s0 =	simm.s32 @p0 $0x1;
	p0 =	sgt.u32 s15, $0xA  }
0x1d: {  	s25 =	sadd.s32 $0x140, s9;
	[smem:$0x7F8] =	sst s0;
	s0 =	simm.s32 @!p0 $0x0  }
0x1e: {  	[dreg:$0xb] =	wrdreg s24;
	s0 =	simm.s32 @p0 $0x1;
	p0 =	sgt.u32 s15, $0x9  }
0x1f: {  	s9 =	sadd.s32 s25, s4;
	[smem:$0x7F9] =	sst s0;
	s0 =	simm.s32 @!p0 $0x0  }
0x20: {  	v0 =	vimm.s32 $0x65432100;
	v1 =	vimm.s32 $0xEDCBA987;
	s26 =	sshll.u32 s25, $0x4;
	s0 =	simm.s32 @p0 $0x1;
	p0 =	sgt.u32 s15, $0x8  }
0x21: {  	v2 =	vimm.s32 $0xFFEDCBA9;
	v3 =	vimm.s32 $0x87654321;
	s24 =	simm.s32 $0x1;
	[smem:$0x7FA] =	sst s0;
	s0 =	simm.s32 @!p0 $0x0  }
0x22: {  	v1 =	vunpack.c.l.s4.s8 v1;
	v2 =	vunpack.c.l.s4.s8 v2;
	v3 =	vunpack.c.l.s4.s8 v3;
	[dreg:$0xc] =	wrdreg s9;
	s0 =	simm.s32 @p0 $0x1;
	p0 =	sgt.u32 s15, $0x7  }
0x23: {  	v0 =	vunpack.c.l.s4.s8 v0;
	s25 =	simm.s32 $0x3210;
	[smem:$0x7FB] =	sst s0;
	s0 =	simm.s32 @!p0 $0x0  }
0x24: {  	v1 =	vunpack.c.0.s8.s32 v1;
	v5 =	vunpack.c.0.s8.s32 v2;
	v3 =	vunpack.c.0.s8.s32 v3;
	s17 =	sadd.s32 s8, s26;
	s0 =	simm.s32 @p0 $0x1;
	p0 =	sgt.u32 s15, $0x6  }
0x25: {  	vm0 =	vcmask $0x3F3C;
	v4 =	vunpack.c.0.s8.s32 v0;
	v0 =	vlaneseq.u32;
	s26 =	simm.s32 $0x3290;
	[smem:$0x7FC] =	sst s0;
	s0 =	simm.s32 @!p0 $0x0  }
0x26: {  	v2 =	vor.u32 $0x80000000, v0;
	v1 =	vand.u32 $0xF, v1;
	v3 =	vcombine.low v3, v5;
	s8 =	simm.s32 $0x3E10;
	s9 =	simm.s32 $0x0;
	s0 =	simm.s32 @p0 $0x1  }
0x27: {  	v5 =	vadd.s32 $0x1, v0;
	v1 =	vcombine.low v4, v1;
	v4 =	vimm.s32 $0x0;
	p0 =	seq.s32 s15, $0x0;
	[smem:$0x7FD] =	sst s0;
	s0 =	simm.s32 $0x3C90  }
.LBB2_1:
0x28: {  	s10 =	rddreg [dreg:$0x8]  }
0x29: {  	s14 =	rddreg [dreg:$0x9]  }
0x2a: {  	[spmem:s19], [sflag:s14] =	dma.local [hbm:s10], $0xA0  }
0x2b: {  	_ =	swait.ge [sflag:s20], $0xA0  }
0x2c: {  	[sflag:s20] =	ssyncset.done $0x0  }
0x2d: {  	[sflag:s20] =	ssyncadd.s32 $0xFFFFFF60  }
0x2e: {  	[bflag:$0x0] =	sbarrier.arrive $0xFFFF  }
0x2f: {  	s15 =	rddreg [dreg:$0xa]  }
0x30: {  	[tilespmem:s21], [sflag:$0x2] =	stream.linear.gather [hbm4b:s15+s6], $0x500, $0x38;
	[tilespmem:$0xDE10] =	vst v63  }
0x31: {  	_ =	swait.ge [sflag:s20], $0x500  }
0x32: {  	[sflag:s20] =	ssyncset.done $0x0  }
0x33: {  	[sflag:s20] =	ssyncadd.s32 $0xFFFFFB00  }
0x34: {  	[tilespmem:s23], [sflag:$0x1] =	stream.indirect.gather [spmem:s2], $0x1, s21, s22, $0xb8;
	[tilespmem:$0xDE10] =	vst v63  }
0x35: {  	_ =	swait.ge [sflag:s24], $0x500  }
0x36: {  	[sflag:s24] =	ssyncset.done $0x0  }
0x37: {  	s10 =	simm.s32 $0x0;
	[sflag:s24] =	ssyncadd.s32 $0xFFFFFB00  }
0x38: {  	v6 =	vld [tilespmem:s10+$0xF10];
	_ =	sdelay $0x4  }
0x39: {  	v6 =	vshll.u32 v6, $0x4  }
0x3a: {  	v6 =	vand.u32 $0xF0, v6  }
0x3b: {  	v6 =	vor.u32 v0, v6  }
0x3c: {  	(xrf1) =	vsort.ascd.msk.u32 $0xffff, v6, v6;
	_ =	sdelay $0xd  }
0x3d: {  	v6, _, _ =	vpop (xrf1)  }
0x3e: {  	v7 =	vshrl.u32 v6, $0x4  }
0x3f: {  	v8 =	vperm.xlane v7, v1;
	_ =	sdelay $0x1  }
0x40: {  	vm1 =	veq.s32 v7, v8  }
0x41: {  	v8 =	vsel vm1, $0x80000000, v2  }
0x42: {  	v9 =	vperm.xlane v7, v3;
	(xrf0) =	vmax.scan.msk.u32 $0xffff, v8;
	_ =	sdelay $0x1  }
0x43: {  	vm1 =	vne.s32 v9, v7  }
0x44: {  	vm1 =	vmor vm1, vm0;
	_ =	sdelay $0x2  }
0x45: {  	v8, _, _ =	vpop (xrf0)  }
0x46: {  	v9 =	vxor.u32 $0x80000000, v8  }
0x47: {  	[tilespmem:$0x3210] =	vst v4;
	v10 =	vsub.s32 v5, v9  }
0x48: {  	s14 =	simm.s32 $0x80;
	s15 =	simm.s32 $0x10;
	v8 =	vand.u32 $0xF, v6;
	v6 =	vimm.s32 $0x0;
	v9 =	vsub.s32 v0, v9;
	[tilespmem:v7+s25+$0x0] =	vst.idx.msk vm1, v10  }
.LBB2_2:
0x49: {  	p1 =	sne.s32 s14, $0x13C0;
	v10 =	vld [tilespmem:s15+$0xF10];
	[tilespmem:s10+$0x2310] =	vst v7  }
0x4a: {  	[tilespmem:s10+$0x2810] =	vst v8  }
0x4b: {  	[tilespmem:s10+$0x2D10] =	vst v9  }
0x4c: {  	[tilespmem:s10+$0x1E10] =	vst v6;
	s10 =	smov.u32 s15  }
0x4d: {  	v7 =	vld [tilespmem:$0x3210]  }
0x4e: {  	v8 =	vshll.u32 v10, $0x4  }
0x4f: {  	v8 =	vand.u32 $0xF0, v8  }
0x50: {  	v8 =	vor.u32 v0, v8  }
0x51: {  	(xrf1) =	vsort.ascd.msk.u32 $0xffff, v8, v8  }
0x52: {  	v6 =	vadd.s32 v6, v7;
	_ =	sdelay $0xc  }
0x53: {  	v8, _, _ =	vpop (xrf1)  }
0x54: {  	v7 =	vshrl.u32 v8, $0x4;
	v8 =	vand.u32 $0xF, v8  }
0x55: {  	v9 =	vperm.xlane v7, v1;
	_ =	sdelay $0x1  }
0x56: {  	vm1 =	veq.s32 v7, v9  }
0x57: {  	v9 =	vsel vm1, $0x80000000, v2  }
0x58: {  	v10 =	vperm.xlane v7, v3;
	(xrf0) =	vmax.scan.msk.u32 $0xffff, v9;
	_ =	sdelay $0x1  }
0x59: {  	vm1 =	vne.s32 v10, v7  }
0x5a: {  	vm1 =	vmor vm1, vm0;
	_ =	sdelay $0x1  }
.Ltmp0:
0x5b: {  	(pc) =	sbr.rel @p1 .LBB2_2-.Ltmp0, $4  }
0x5c: {  	v9, _, _ =	vpop (xrf0)  }
0x5d: {  	v10 =	vxor.u32 $0x80000000, v9  }
0x5e: {  	v9 =	vsub.s32 v0, v10;
	[tilespmem:$0x3210] =	vst v4;
	v10 =	vsub.s32 v5, v10  }
0x5f: {  	s15 =	sshra.s32 s14, $0x2;
	s14 =	sadd.s32 $0x40, s14;
	[tilespmem:v7+s25+$0x0] =	vst.idx.msk vm1, v10  }
0x60: {  	v10 =	vld [tilespmem:s15+$0xF10];
	_ =	sdelay $0x4  }
0x61: {  	v10 =	vshll.u32 v10, $0x4  }
0x62: {  	v10 =	vand.u32 $0xF0, v10  }
0x63: {  	v10 =	vor.u32 v0, v10  }
0x64: {  	(xrf1) =	vsort.ascd.msk.u32 $0xffff, v10, v10;
	_ =	sdelay $0xd  }
0x65: {  	v10, _, _ =	vpop (xrf1)  }
0x66: {  	v11 =	vshrl.u32 v10, $0x4  }
0x67: {  	v12 =	vperm.xlane v11, v1;
	_ =	sdelay $0x1  }
0x68: {  	vm1 =	veq.s32 v11, v12  }
0x69: {  	v12 =	vsel vm1, $0x80000000, v2  }
0x6a: {  	v13 =	vperm.xlane v11, v3;
	(xrf0) =	vmax.scan.msk.u32 $0xffff, v12;
	_ =	sdelay $0x1  }
0x6b: {  	vm1 =	vne.s32 v13, v11  }
0x6c: {  	[tilespmem:s10+$0x2310] =	vst v7;
	vm1 =	vmor vm1, vm0  }
0x6d: {  	[tilespmem:s10+$0x2810] =	vst v8  }
0x6e: {  	[tilespmem:s10+$0x2D10] =	vst v9  }
0x6f: {  	[tilespmem:s10+$0x1E10] =	vst v6;
	v7, _, _ =	vpop (xrf0)  }
0x70: {  	v8 =	vld [tilespmem:$0x3210];
	v7 =	vxor.u32 $0x80000000, v7  }
0x71: {  	[tilespmem:$0x3210] =	vst v4;
	v49 =	vsub.s32 v5, v7  }
0x72: {  	[tilespmem:v11+s25+$0x0] =	vst.idx.msk vm1, v49  }
0x73: {  	v50 =	vand.u32 $0xF, v10;
	[tilespmem:s15+$0x2310] =	vst v11  }
0x74: {  	v7 =	vsub.s32 v0, v7;
	[tilespmem:s15+$0x2810] =	vst v50  }
0x75: {  	v6 =	vadd.s32 v6, v8;
	[tilespmem:s15+$0x2D10] =	vst v7  }
0x76: {  	[tilespmem:s15+$0x1E10] =	vst v6  }
0x77: {  	v7 =	vld [tilespmem:$0x3210];
	_ =	sdelay $0x4  }
0x78: {  	v6 =	vadd.s32 v6, v7  }
0x79: {  	[tilespmem:$0x3290] =	vst v6  }
0x7a: {  	[spmem:s11] =	stream.linear.scatter [tilespmem:s26], [sflag:$0x2], $0x80, $0x38;
	[tilespmem:$0xDE10] =	vst v63  }
0x7b: {  	_ =	swait.ge [sflag:s20], $0x80  }
0x7c: {  	[sflag:s20] =	ssyncset.done $0x0  }
0x7d: {  	[sflag:s20] =	ssyncadd.s32 $0xFFFFFF80  }
0x7e: {  	[bflag:$0x0] =	sbarrier.arrive $0xFFFF  }
0x7f: {  	[tilespmem:s28], [sflag:$0x2] =	stream.linear.gather [spmem:s1], $0x800, $0x38;
	[tilespmem:$0xDE10] =	vst v63  }
0x80: {  	_ =	swait.ge [sflag:s20], $0x800  }
0x81: {  	[sflag:s20] =	ssyncset.done $0x0  }
0x82: {  	[sflag:s20] =	ssyncadd.s32 $0xFFFFF800  }
0x83: {  	v6 =	vld [tilespmem:$0x3310]  }
0x84: {  	v7 =	vld [tilespmem:$0x3390]  }
0x85: {  	v8 =	vld [tilespmem:$0x3410]  }
0x86: {  	v51 =	vld [tilespmem:$0x3490]  }
0x87: {  	v52 =	vld [tilespmem:$0x3510]  }
0x88: {  	v53 =	vld [tilespmem:$0x3590]  }
0x89: {  	v55 =	vld [tilespmem:$0x3610];
	v54 =	vadd.s32 v6, v7  }
0x8a: {  	v14 =	vld [tilespmem:$0x3690];
	v12 =	vadd.s32 v8, v54  }
0x8b: {  	s14 =	sld [smem:$0x7FD];
	v15 =	vld [tilespmem:$0x3710];
	v6 =	vpsel p0, $0x0, v6;
	v12 =	vadd.s32 v51, v12  }
0x8c: {  	v16 =	vld [tilespmem:$0x3790];
	v7 =	vpsel !p6, $0x0, v7;
	v8 =	vpsel !p5, $0x0, v8;
	v12 =	vadd.s32 v52, v12  }
0x8d: {  	s15 =	sld [smem:$0x7FC];
	v17 =	vld [tilespmem:$0x3810];
	v6 =	vadd.s32 v6, v7;
	v7 =	vpsel !p4, $0x0, v51;
	v12 =	vadd.s32 v53, v12  }
0x8e: {  	v18 =	vld [tilespmem:$0x3890];
	p1 =	seq.s32 s14, $0x1;
	s14 =	sld [smem:$0x7FB];
	v6 =	vadd.s32 v8, v6;
	v8 =	vpsel !p3, $0x0, v52;
	v12 =	vadd.s32 v55, v12  }
0x8f: {  	v19 =	vld [tilespmem:$0x3910];
	v6 =	vadd.s32 v7, v6;
	v7 =	vpsel !p2, $0x0, v53;
	v12 =	vadd.s32 v14, v12  }
0x90: {  	v20 =	vld [tilespmem:$0x3990];
	v6 =	vadd.s32 v8, v6;
	v8 =	vpsel !p1, $0x0, v55;
	p1 =	seq.s32 s15, $0x1;
	s15 =	sld [smem:$0x7FA];
	v12 =	vadd.s32 v15, v12  }
0x91: {  	v57 =	vld [tilespmem:$0x3A10];
	v6 =	vadd.s32 v7, v6;
	v7 =	vpsel !p1, $0x0, v14;
	p1 =	seq.s32 s14, $0x1;
	s14 =	sld [smem:$0x7F9];
	v56 =	vadd.s32 v16, v12  }
0x92: {  	v58 =	vld [tilespmem:$0x3A90];
	v9 =	vadd.s32 v17, v56  }
0x93: {  	v6 =	vadd.s32 v8, v6;
	v8 =	vpsel !p1, $0x0, v15;
	p1 =	seq.s32 s15, $0x1;
	s15 =	sld [smem:$0x7F8];
	v9 =	vadd.s32 v18, v9  }
0x94: {  	v6 =	vadd.s32 v7, v6;
	v7 =	vpsel !p1, $0x0, v16;
	p1 =	seq.s32 s14, $0x1;
	s14 =	sld [smem:$0x7F7];
	v9 =	vadd.s32 v19, v9  }
0x95: {  	v9 =	vadd.s32 v20, v9  }
0x96: {  	v6 =	vadd.s32 v8, v6;
	v8 =	vpsel !p1, $0x0, v17;
	p1 =	seq.s32 s15, $0x1;
	v9 =	vadd.s32 v57, v9  }
0x97: {  	v6 =	vadd.s32 v7, v6;
	v7 =	vpsel !p1, $0x0, v18;
	p1 =	seq.s32 s14, $0x1;
	s14 =	sld [smem:$0x7F6];
	v9 =	vadd.s32 v58, v9  }
0x98: {  	s15 =	sld [smem:$0x7F5];
	(xrf0) =	vadd.scan.msk.s32 $0xffff, v9  }
0x99: {  	v6 =	vadd.s32 v8, v6  }
0x9a: {  	s10 =	simm.s32 $0x0;
	v8 =	vpsel !p1, $0x0, v19;
	v6 =	vadd.s32 v7, v6;
	p1 =	seq.s32 s14, $0x1  }
0x9b: {  	v6 =	vadd.s32 v8, v6;
	v8 =	vld [tilespmem:s10+$0x1E10];
	v7 =	vpsel !p1, $0x0, v20;
	p1 =	seq.s32 s15, $0x1  }
0x9c: {  	v59 =	vpsel !p1, $0x0, v57;
	v6 =	vadd.s32 v7, v6;
	v7 =	vld [tilespmem:s10+$0x2310]  }
0x9d: {  	v60 =	vld [tilespmem:s10+$0x1410];
	v6 =	vadd.s32 v59, v6  }
0x9e: {  	v62 =	vld [tilespmem:s10+$0x2D10];
	v6 =	vsub.s32 v6, v9;
	v61, _, _ =	vpop (xrf0)  }
0x9f: {  	v63 =	vld [tilespmem:s10+$0x2810];
	v6 =	vadd.s32 v61, v6  }
0xa0: {  	v8 =	vadd.s32 v8, v6  }
0xa1: {  	v7 =	vperm.xlane v8, v7;
	_ =	sdelay $0x1  }
0xa2: {  	v8 =	vadd.s32 v62, v7  }
0xa3: {  	s14 =	simm.s32 $0x80;
	s15 =	simm.s32 $0x10;
	v7 =	vperm.xlane v60, v63;
	[tilespmem:s10+$0x1E10] =	vst v8  }
.LBB2_4:
0xa4: {  	p1 =	sne.s32 s14, $0x13C0;
	v8 =	vld [tilespmem:s15+$0x1E10]  }
0xa5: {  	v9 =	vld [tilespmem:s15+$0x2310];
	[tilespmem:s10+$0x1910] =	vst v7;
	s10 =	smov.u32 s15  }
0xa6: {  	v7 =	vld [tilespmem:s10+$0x1410]  }
0xa7: {  	v10 =	vld [tilespmem:s10+$0x2D10]  }
0xa8: {  	v11 =	vld [tilespmem:s10+$0x2810]  }
.Ltmp1:
0xa9: {  	v8 =	vadd.s32 v8, v6;
	(pc) =	sbr.rel @p1 .LBB2_4-.Ltmp1, $3  }
0xaa: {  	v8 =	vperm.xlane v8, v9;
	_ =	sdelay $0x1  }
0xab: {  	v8 =	vadd.s32 v10, v8  }
0xac: {  	s15 =	sshra.s32 s14, $0x2;
	s14 =	sadd.s32 $0x40, s14;
	v7 =	vperm.xlane v7, v11;
	[tilespmem:s10+$0x1E10] =	vst v8  }
0xad: {  	v8 =	vld [tilespmem:s15+$0x1E10]  }
0xae: {  	v9 =	vld [tilespmem:s15+$0x2310];
	[tilespmem:s10+$0x1910] =	vst v7  }
0xaf: {  	v7 =	vld [tilespmem:s15+$0x1410]  }
0xb0: {  	v10 =	vld [tilespmem:s15+$0x2D10]  }
0xb1: {  	v11 =	vld [tilespmem:s15+$0x2810];
	_ =	sdelay $0x1  }
0xb2: {  	v6 =	vadd.s32 v8, v6  }
0xb3: {  	v6 =	vperm.xlane v6, v9;
	_ =	sdelay $0x1  }
0xb4: {  	v7 =	vperm.xlane v7, v11;
	v6 =	vadd.s32 v10, v6  }
0xb5: {  	[tilespmem:s15+$0x1E10] =	vst v6  }
0xb6: {  	[tilespmem:s15+$0x1910] =	vst v7  }
0xb7: {  	[spmem:s3] =	stream.indirect.scatter [tilespmem:s30], [sflag:$0x1], $0x1, s29, s22, $0xb8;
	[tilespmem:$0xDE10] =	vst v63  }
0xb8: {  	_ =	swait.ge [sflag:s24], $0x500  }
0xb9: {  	[sflag:s24] =	ssyncset.done $0x0  }
0xba: {  	[sflag:s24] =	ssyncadd.s32 $0xFFFFFB00  }
0xbb: {  	[bflag:$0x0] =	sbarrier.arrive $0xFFFF  }
0xbc: {  	[tilespmem:s21], [sflag:$0x2] =	stream.linear.gather [spmem:s12], $0x500, $0x38;
	[tilespmem:$0xDE10] =	vst v63  }
0xbd: {  	_ =	swait.ge [sflag:s20], $0x500  }
0xbe: {  	[sflag:s20] =	ssyncset.done $0x0  }
0xbf: {  	[sflag:s20] =	ssyncadd.s32 $0xFFFFFB00  }
0xc0: {  	[tilespmem:s23], [sflag:$0x1] =	stream.indirect.gather [spmem:s2], $0x1, s21, s22, $0xb8;
	[tilespmem:$0xDE10] =	vst v63  }
0xc1: {  	_ =	swait.ge [sflag:s24], $0x500  }
0xc2: {  	[sflag:s24] =	ssyncset.done $0x0  }
0xc3: {  	s10 =	simm.s32 $0x0;
	[sflag:s24] =	ssyncadd.s32 $0xFFFFFB00  }
0xc4: {  	v6 =	vld [tilespmem:s10+$0xF10];
	_ =	sdelay $0x4  }
0xc5: {  	v6 =	vand.u32 $0xF0, v6  }
0xc6: {  	v6 =	vor.u32 v0, v6  }
0xc7: {  	(xrf1) =	vsort.ascd.msk.u32 $0xffff, v6, v6;
	_ =	sdelay $0xd  }
0xc8: {  	v8, _, _ =	vpop (xrf1)  }
0xc9: {  	v7 =	vshrl.u32 v8, $0x4  }
0xca: {  	v6 =	vperm.xlane v7, v1;
	_ =	sdelay $0x1  }
0xcb: {  	vm1 =	veq.s32 v7, v6  }
0xcc: {  	v6 =	vsel vm1, $0x80000000, v2  }
0xcd: {  	v9 =	vperm.xlane v7, v3;
	(xrf0) =	vmax.scan.msk.u32 $0xffff, v6;
	_ =	sdelay $0x1  }
0xce: {  	vm1 =	vne.s32 v9, v7  }
0xcf: {  	vm1 =	vmor vm1, vm0;
	_ =	sdelay $0x2  }
0xd0: {  	v6, _, _ =	vpop (xrf0)  }
0xd1: {  	v9 =	vxor.u32 $0x80000000, v6  }
0xd2: {  	[tilespmem:$0x3210] =	vst v4;
	v10 =	vsub.s32 v5, v9  }
0xd3: {  	s14 =	simm.s32 $0x80;
	s15 =	simm.s32 $0x10;
	v8 =	vand.u32 $0xF, v8;
	v6 =	vimm.s32 $0x0;
	v9 =	vsub.s32 v0, v9;
	[tilespmem:v7+s25+$0x0] =	vst.idx.msk vm1, v10  }
.LBB2_6:
0xd4: {  	p1 =	sne.s32 s14, $0x13C0;
	v10 =	vld [tilespmem:s15+$0xF10];
	[tilespmem:s10+$0x2310] =	vst v7  }
0xd5: {  	[tilespmem:s10+$0x2810] =	vst v8  }
0xd6: {  	[tilespmem:s10+$0x2D10] =	vst v9  }
0xd7: {  	[tilespmem:s10+$0x1E10] =	vst v6;
	s10 =	smov.u32 s15  }
0xd8: {  	v7 =	vld [tilespmem:$0x3210]  }
0xd9: {  	v8 =	vand.u32 $0xF0, v10  }
0xda: {  	v8 =	vor.u32 v0, v8  }
0xdb: {  	(xrf1) =	vsort.ascd.msk.u32 $0xffff, v8, v8;
	_ =	sdelay $0x1  }
0xdc: {  	v6 =	vadd.s32 v6, v7;
	_ =	sdelay $0xb  }
0xdd: {  	v8, _, _ =	vpop (xrf1)  }
0xde: {  	v7 =	vshrl.u32 v8, $0x4;
	v8 =	vand.u32 $0xF, v8  }
0xdf: {  	v9 =	vperm.xlane v7, v1;
	_ =	sdelay $0x1  }
0xe0: {  	vm1 =	veq.s32 v7, v9  }
0xe1: {  	v9 =	vsel vm1, $0x80000000, v2  }
0xe2: {  	v10 =	vperm.xlane v7, v3;
	(xrf0) =	vmax.scan.msk.u32 $0xffff, v9;
	_ =	sdelay $0x1  }
0xe3: {  	vm1 =	vne.s32 v10, v7  }
0xe4: {  	vm1 =	vmor vm1, vm0;
	_ =	sdelay $0x1  }
.Ltmp2:
0xe5: {  	(pc) =	sbr.rel @p1 .LBB2_6-.Ltmp2, $4  }
0xe6: {  	v9, _, _ =	vpop (xrf0)  }
0xe7: {  	v10 =	vxor.u32 $0x80000000, v9  }
0xe8: {  	v9 =	vsub.s32 v0, v10;
	[tilespmem:$0x3210] =	vst v4;
	v10 =	vsub.s32 v5, v10  }
0xe9: {  	s15 =	sshra.s32 s14, $0x2;
	s14 =	sadd.s32 $0x40, s14;
	[tilespmem:v7+s25+$0x0] =	vst.idx.msk vm1, v10  }
0xea: {  	v10 =	vld [tilespmem:s15+$0xF10];
	_ =	sdelay $0x4  }
0xeb: {  	v10 =	vand.u32 $0xF0, v10  }
0xec: {  	v10 =	vor.u32 v0, v10  }
0xed: {  	(xrf1) =	vsort.ascd.msk.u32 $0xffff, v10, v10;
	_ =	sdelay $0xd  }
0xee: {  	v10, _, _ =	vpop (xrf1)  }
0xef: {  	v11 =	vshrl.u32 v10, $0x4  }
0xf0: {  	v12 =	vperm.xlane v11, v1;
	_ =	sdelay $0x1  }
0xf1: {  	vm1 =	veq.s32 v11, v12  }
0xf2: {  	v12 =	vsel vm1, $0x80000000, v2  }
0xf3: {  	v13 =	vperm.xlane v11, v3;
	(xrf0) =	vmax.scan.msk.u32 $0xffff, v12;
	_ =	sdelay $0x1  }
0xf4: {  	vm1 =	vne.s32 v13, v11  }
0xf5: {  	[tilespmem:s10+$0x2310] =	vst v7;
	vm1 =	vmor vm1, vm0  }
0xf6: {  	[tilespmem:s10+$0x2810] =	vst v8  }
0xf7: {  	[tilespmem:s10+$0x2D10] =	vst v9  }
0xf8: {  	[tilespmem:s10+$0x1E10] =	vst v6;
	v7, _, _ =	vpop (xrf0)  }
0xf9: {  	v8 =	vld [tilespmem:$0x3210];
	v7 =	vxor.u32 $0x80000000, v7  }
0xfa: {  	[tilespmem:$0x3210] =	vst v4;
	v49 =	vsub.s32 v5, v7  }
0xfb: {  	[tilespmem:v11+s25+$0x0] =	vst.idx.msk vm1, v49  }
0xfc: {  	v50 =	vand.u32 $0xF, v10;
	[tilespmem:s15+$0x2310] =	vst v11  }
0xfd: {  	v7 =	vsub.s32 v0, v7;
	[tilespmem:s15+$0x2810] =	vst v50  }
0xfe: {  	v6 =	vadd.s32 v6, v8;
	[tilespmem:s15+$0x2D10] =	vst v7  }
0xff: {  	[tilespmem:s15+$0x1E10] =	vst v6  }
0x100: {  	v7 =	vld [tilespmem:$0x3210];
	_ =	sdelay $0x4  }
0x101: {  	v6 =	vadd.s32 v6, v7  }
0x102: {  	[tilespmem:$0x3290] =	vst v6  }
0x103: {  	[spmem:s11] =	stream.linear.scatter [tilespmem:s26], [sflag:$0x2], $0x80, $0x38;
	[tilespmem:$0xDE10] =	vst v63  }
0x104: {  	_ =	swait.ge [sflag:s20], $0x80  }
0x105: {  	[sflag:s20] =	ssyncset.done $0x0  }
0x106: {  	[sflag:s20] =	ssyncadd.s32 $0xFFFFFF80  }
0x107: {  	[bflag:$0x0] =	sbarrier.arrive $0xFFFF  }
0x108: {  	[tilespmem:s28], [sflag:$0x2] =	stream.linear.gather [spmem:s1], $0x800, $0x38;
	[tilespmem:$0xDE10] =	vst v63  }
0x109: {  	_ =	swait.ge [sflag:s20], $0x800  }
0x10a: {  	[sflag:s20] =	ssyncset.done $0x0  }
0x10b: {  	[sflag:s20] =	ssyncadd.s32 $0xFFFFF800  }
0x10c: {  	v6 =	vld [tilespmem:$0x3310]  }
0x10d: {  	v7 =	vld [tilespmem:$0x3390]  }
0x10e: {  	v8 =	vld [tilespmem:$0x3410]  }
0x10f: {  	v51 =	vld [tilespmem:$0x3490]  }
0x110: {  	v52 =	vld [tilespmem:$0x3510]  }
0x111: {  	v53 =	vld [tilespmem:$0x3590]  }
0x112: {  	v55 =	vld [tilespmem:$0x3610];
	v54 =	vadd.s32 v6, v7  }
0x113: {  	v14 =	vld [tilespmem:$0x3690];
	v12 =	vadd.s32 v8, v54  }
0x114: {  	s14 =	sld [smem:$0x7FD];
	v15 =	vld [tilespmem:$0x3710];
	v6 =	vpsel p0, $0x0, v6;
	v12 =	vadd.s32 v51, v12  }
0x115: {  	v16 =	vld [tilespmem:$0x3790];
	v7 =	vpsel !p6, $0x0, v7;
	v8 =	vpsel !p5, $0x0, v8;
	v12 =	vadd.s32 v52, v12  }
0x116: {  	s15 =	sld [smem:$0x7FC];
	v17 =	vld [tilespmem:$0x3810];
	v6 =	vadd.s32 v6, v7;
	v7 =	vpsel !p4, $0x0, v51;
	v12 =	vadd.s32 v53, v12  }
0x117: {  	v18 =	vld [tilespmem:$0x3890];
	p1 =	seq.s32 s14, $0x1;
	s14 =	sld [smem:$0x7FB];
	v6 =	vadd.s32 v8, v6;
	v8 =	vpsel !p3, $0x0, v52;
	v12 =	vadd.s32 v55, v12  }
0x118: {  	v19 =	vld [tilespmem:$0x3910];
	v6 =	vadd.s32 v7, v6;
	v7 =	vpsel !p2, $0x0, v53;
	v12 =	vadd.s32 v14, v12  }
0x119: {  	v20 =	vld [tilespmem:$0x3990];
	v6 =	vadd.s32 v8, v6;
	v8 =	vpsel !p1, $0x0, v55;
	p1 =	seq.s32 s15, $0x1;
	s15 =	sld [smem:$0x7FA];
	v12 =	vadd.s32 v15, v12  }
0x11a: {  	v57 =	vld [tilespmem:$0x3A10];
	v6 =	vadd.s32 v7, v6;
	v7 =	vpsel !p1, $0x0, v14;
	p1 =	seq.s32 s14, $0x1;
	s14 =	sld [smem:$0x7F9];
	v56 =	vadd.s32 v16, v12  }
0x11b: {  	v58 =	vld [tilespmem:$0x3A90];
	v9 =	vadd.s32 v17, v56  }
0x11c: {  	v6 =	vadd.s32 v8, v6;
	v8 =	vpsel !p1, $0x0, v15;
	p1 =	seq.s32 s15, $0x1;
	s15 =	sld [smem:$0x7F8];
	v9 =	vadd.s32 v18, v9  }
0x11d: {  	v6 =	vadd.s32 v7, v6;
	v7 =	vpsel !p1, $0x0, v16;
	p1 =	seq.s32 s14, $0x1;
	s14 =	sld [smem:$0x7F7];
	v9 =	vadd.s32 v19, v9  }
0x11e: {  	v9 =	vadd.s32 v20, v9  }
0x11f: {  	v6 =	vadd.s32 v8, v6;
	v8 =	vpsel !p1, $0x0, v17;
	p1 =	seq.s32 s15, $0x1;
	v9 =	vadd.s32 v57, v9  }
0x120: {  	v6 =	vadd.s32 v7, v6;
	v7 =	vpsel !p1, $0x0, v18;
	p1 =	seq.s32 s14, $0x1;
	s14 =	sld [smem:$0x7F6];
	v9 =	vadd.s32 v58, v9  }
0x121: {  	s15 =	sld [smem:$0x7F5];
	(xrf0) =	vadd.scan.msk.s32 $0xffff, v9  }
0x122: {  	v6 =	vadd.s32 v8, v6  }
0x123: {  	s10 =	simm.s32 $0x0;
	v8 =	vpsel !p1, $0x0, v19;
	v6 =	vadd.s32 v7, v6;
	p1 =	seq.s32 s14, $0x1  }
0x124: {  	v6 =	vadd.s32 v8, v6;
	v8 =	vld [tilespmem:s10+$0x1E10];
	v7 =	vpsel !p1, $0x0, v20;
	p1 =	seq.s32 s15, $0x1  }
0x125: {  	v59 =	vpsel !p1, $0x0, v57;
	v6 =	vadd.s32 v7, v6;
	v7 =	vld [tilespmem:s10+$0x2310]  }
0x126: {  	v60 =	vld [tilespmem:s10+$0x1410];
	v6 =	vadd.s32 v59, v6  }
0x127: {  	v62 =	vld [tilespmem:s10+$0x2D10];
	v6 =	vsub.s32 v6, v9;
	v61, _, _ =	vpop (xrf0)  }
0x128: {  	v63 =	vld [tilespmem:s10+$0x2810];
	v6 =	vadd.s32 v61, v6  }
0x129: {  	v8 =	vadd.s32 v8, v6  }
0x12a: {  	v7 =	vperm.xlane v8, v7;
	_ =	sdelay $0x1  }
0x12b: {  	v8 =	vadd.s32 v62, v7  }
0x12c: {  	s14 =	simm.s32 $0x80;
	s15 =	simm.s32 $0x10;
	v7 =	vperm.xlane v60, v63;
	[tilespmem:s10+$0x1E10] =	vst v8  }
.LBB2_8:
0x12d: {  	p1 =	sne.s32 s14, $0x13C0;
	v8 =	vld [tilespmem:s15+$0x1E10]  }
0x12e: {  	v9 =	vld [tilespmem:s15+$0x2310];
	[tilespmem:s10+$0x1910] =	vst v7;
	s10 =	smov.u32 s15  }
0x12f: {  	v7 =	vld [tilespmem:s10+$0x1410]  }
0x130: {  	v10 =	vld [tilespmem:s10+$0x2D10]  }
0x131: {  	v11 =	vld [tilespmem:s10+$0x2810]  }
.Ltmp3:
0x132: {  	v8 =	vadd.s32 v8, v6;
	(pc) =	sbr.rel @p1 .LBB2_8-.Ltmp3, $3  }
0x133: {  	v8 =	vperm.xlane v8, v9;
	_ =	sdelay $0x1  }
0x134: {  	v8 =	vadd.s32 v10, v8  }
0x135: {  	s15 =	sshra.s32 s14, $0x2;
	s14 =	sadd.s32 $0x40, s14;
	v7 =	vperm.xlane v7, v11;
	[tilespmem:s10+$0x1E10] =	vst v8  }
0x136: {  	v8 =	vld [tilespmem:s15+$0x1E10]  }
0x137: {  	v9 =	vld [tilespmem:s15+$0x2310];
	[tilespmem:s10+$0x1910] =	vst v7  }
0x138: {  	v7 =	vld [tilespmem:s15+$0x1410]  }
0x139: {  	v10 =	vld [tilespmem:s15+$0x2D10]  }
0x13a: {  	v11 =	vld [tilespmem:s15+$0x2810];
	_ =	sdelay $0x1  }
0x13b: {  	v6 =	vadd.s32 v8, v6  }
0x13c: {  	v6 =	vperm.xlane v6, v9;
	_ =	sdelay $0x1  }
0x13d: {  	v7 =	vperm.xlane v7, v11;
	v6 =	vadd.s32 v10, v6  }
0x13e: {  	[tilespmem:s15+$0x1E10] =	vst v6  }
0x13f: {  	[tilespmem:s15+$0x1910] =	vst v7  }
0x140: {  	[spmem:s4] =	stream.indirect.scatter [tilespmem:s30], [sflag:$0x1], $0x1, s29, s22, $0xb8;
	[tilespmem:$0xDE10] =	vst v63  }
0x141: {  	_ =	swait.ge [sflag:s24], $0x500  }
0x142: {  	[sflag:s24] =	ssyncset.done $0x0  }
0x143: {  	[sflag:s24] =	ssyncadd.s32 $0xFFFFFB00  }
0x144: {  	[bflag:$0x0] =	sbarrier.arrive $0xFFFF  }
0x145: {  	[tilespmem:s21], [sflag:$0x2] =	stream.linear.gather [spmem:s13], $0x500, $0x38;
	[tilespmem:$0xDE10] =	vst v63  }
0x146: {  	_ =	swait.ge [sflag:s20], $0x500  }
0x147: {  	[sflag:s20] =	ssyncset.done $0x0  }
0x148: {  	[sflag:s20] =	ssyncadd.s32 $0xFFFFFB00  }
0x149: {  	[tilespmem:s23], [sflag:$0x1] =	stream.indirect.gather [spmem:s2], $0x1, s21, s22, $0xb8;
	[tilespmem:$0xDE10] =	vst v63  }
0x14a: {  	_ =	swait.ge [sflag:s24], $0x500  }
0x14b: {  	[sflag:s24] =	ssyncset.done $0x0  }
0x14c: {  	s10 =	simm.s32 $0x0;
	[sflag:s24] =	ssyncadd.s32 $0xFFFFFB00  }
0x14d: {  	v6 =	vld [tilespmem:s10+$0xF10];
	_ =	sdelay $0x4  }
0x14e: {  	v6 =	vshrl.u32 v6, $0x4  }
0x14f: {  	v6 =	vand.u32 $0xF0, v6  }
0x150: {  	v6 =	vor.u32 v0, v6  }
0x151: {  	(xrf1) =	vsort.ascd.msk.u32 $0xffff, v6, v6;
	_ =	sdelay $0xd  }
0x152: {  	v8, _, _ =	vpop (xrf1)  }
0x153: {  	v7 =	vshrl.u32 v8, $0x4  }
0x154: {  	v6 =	vperm.xlane v7, v1;
	_ =	sdelay $0x1  }
0x155: {  	vm1 =	veq.s32 v7, v6  }
0x156: {  	v6 =	vsel vm1, $0x80000000, v2  }
0x157: {  	v9 =	vperm.xlane v7, v3;
	(xrf0) =	vmax.scan.msk.u32 $0xffff, v6;
	_ =	sdelay $0x1  }
0x158: {  	vm1 =	vne.s32 v9, v7  }
0x159: {  	vm1 =	vmor vm1, vm0;
	_ =	sdelay $0x2  }
0x15a: {  	v6, _, _ =	vpop (xrf0)  }
0x15b: {  	v9 =	vxor.u32 $0x80000000, v6  }
0x15c: {  	[tilespmem:$0x3210] =	vst v4;
	v10 =	vsub.s32 v5, v9  }
0x15d: {  	s14 =	simm.s32 $0x80;
	s15 =	simm.s32 $0x10;
	v8 =	vand.u32 $0xF, v8;
	v6 =	vimm.s32 $0x0;
	v9 =	vsub.s32 v0, v9;
	[tilespmem:v7+s25+$0x0] =	vst.idx.msk vm1, v10  }
.LBB2_10:
0x15e: {  	p1 =	sne.s32 s14, $0x13C0;
	v10 =	vld [tilespmem:s15+$0xF10];
	[tilespmem:s10+$0x2310] =	vst v7  }
0x15f: {  	[tilespmem:s10+$0x2810] =	vst v8  }
0x160: {  	[tilespmem:s10+$0x2D10] =	vst v9  }
0x161: {  	[tilespmem:s10+$0x1E10] =	vst v6;
	s10 =	smov.u32 s15  }
0x162: {  	v7 =	vld [tilespmem:$0x3210]  }
0x163: {  	v8 =	vshrl.u32 v10, $0x4  }
0x164: {  	v8 =	vand.u32 $0xF0, v8  }
0x165: {  	v8 =	vor.u32 v0, v8  }
0x166: {  	(xrf1) =	vsort.ascd.msk.u32 $0xffff, v8, v8  }
0x167: {  	v6 =	vadd.s32 v6, v7;
	_ =	sdelay $0xc  }
0x168: {  	v8, _, _ =	vpop (xrf1)  }
0x169: {  	v7 =	vshrl.u32 v8, $0x4;
	v8 =	vand.u32 $0xF, v8  }
0x16a: {  	v9 =	vperm.xlane v7, v1;
	_ =	sdelay $0x1  }
0x16b: {  	vm1 =	veq.s32 v7, v9  }
0x16c: {  	v9 =	vsel vm1, $0x80000000, v2  }
0x16d: {  	v10 =	vperm.xlane v7, v3;
	(xrf0) =	vmax.scan.msk.u32 $0xffff, v9;
	_ =	sdelay $0x1  }
0x16e: {  	vm1 =	vne.s32 v10, v7  }
0x16f: {  	vm1 =	vmor vm1, vm0;
	_ =	sdelay $0x1  }
.Ltmp4:
0x170: {  	(pc) =	sbr.rel @p1 .LBB2_10-.Ltmp4, $4  }
0x171: {  	v9, _, _ =	vpop (xrf0)  }
0x172: {  	v10 =	vxor.u32 $0x80000000, v9  }
0x173: {  	v9 =	vsub.s32 v0, v10;
	[tilespmem:$0x3210] =	vst v4;
	v10 =	vsub.s32 v5, v10  }
0x174: {  	s15 =	sshra.s32 s14, $0x2;
	s14 =	sadd.s32 $0x40, s14;
	[tilespmem:v7+s25+$0x0] =	vst.idx.msk vm1, v10  }
0x175: {  	v10 =	vld [tilespmem:s15+$0xF10];
	_ =	sdelay $0x4  }
0x176: {  	v10 =	vshrl.u32 v10, $0x4  }
0x177: {  	v10 =	vand.u32 $0xF0, v10  }
0x178: {  	v10 =	vor.u32 v0, v10  }
0x179: {  	(xrf1) =	vsort.ascd.msk.u32 $0xffff, v10, v10;
	_ =	sdelay $0xd  }
0x17a: {  	v10, _, _ =	vpop (xrf1)  }
0x17b: {  	v11 =	vshrl.u32 v10, $0x4  }
0x17c: {  	v12 =	vperm.xlane v11, v1;
	_ =	sdelay $0x1  }
0x17d: {  	vm1 =	veq.s32 v11, v12  }
0x17e: {  	v12 =	vsel vm1, $0x80000000, v2  }
0x17f: {  	v13 =	vperm.xlane v11, v3;
	(xrf0) =	vmax.scan.msk.u32 $0xffff, v12;
	_ =	sdelay $0x1  }
0x180: {  	vm1 =	vne.s32 v13, v11  }
0x181: {  	[tilespmem:s10+$0x2310] =	vst v7;
	vm1 =	vmor vm1, vm0  }
0x182: {  	[tilespmem:s10+$0x2810] =	vst v8  }
0x183: {  	[tilespmem:s10+$0x2D10] =	vst v9  }
0x184: {  	[tilespmem:s10+$0x1E10] =	vst v6;
	v7, _, _ =	vpop (xrf0)  }
0x185: {  	v8 =	vld [tilespmem:$0x3210];
	v7 =	vxor.u32 $0x80000000, v7  }
0x186: {  	[tilespmem:$0x3210] =	vst v4;
	v49 =	vsub.s32 v5, v7  }
0x187: {  	[tilespmem:v11+s25+$0x0] =	vst.idx.msk vm1, v49  }
0x188: {  	v50 =	vand.u32 $0xF, v10;
	[tilespmem:s15+$0x2310] =	vst v11  }
0x189: {  	v7 =	vsub.s32 v0, v7;
	[tilespmem:s15+$0x2810] =	vst v50  }
0x18a: {  	v6 =	vadd.s32 v6, v8;
	[tilespmem:s15+$0x2D10] =	vst v7  }
0x18b: {  	[tilespmem:s15+$0x1E10] =	vst v6  }
0x18c: {  	v7 =	vld [tilespmem:$0x3210];
	_ =	sdelay $0x4  }
0x18d: {  	v6 =	vadd.s32 v6, v7  }
0x18e: {  	[tilespmem:$0x3290] =	vst v6  }
0x18f: {  	[spmem:s11] =	stream.linear.scatter [tilespmem:s26], [sflag:$0x2], $0x80, $0x38;
	[tilespmem:$0xDE10] =	vst v63  }
0x190: {  	_ =	swait.ge [sflag:s20], $0x80  }
0x191: {  	[sflag:s20] =	ssyncset.done $0x0  }
0x192: {  	[sflag:s20] =	ssyncadd.s32 $0xFFFFFF80  }
0x193: {  	[bflag:$0x0] =	sbarrier.arrive $0xFFFF  }
0x194: {  	[tilespmem:s28], [sflag:$0x2] =	stream.linear.gather [spmem:s1], $0x800, $0x38;
	[tilespmem:$0xDE10] =	vst v63  }
0x195: {  	_ =	swait.ge [sflag:s20], $0x800  }
0x196: {  	[sflag:s20] =	ssyncset.done $0x0  }
0x197: {  	[sflag:s20] =	ssyncadd.s32 $0xFFFFF800  }
0x198: {  	v6 =	vld [tilespmem:$0x3310]  }
0x199: {  	v7 =	vld [tilespmem:$0x3390]  }
0x19a: {  	v8 =	vld [tilespmem:$0x3410]  }
0x19b: {  	v51 =	vld [tilespmem:$0x3490]  }
0x19c: {  	v52 =	vld [tilespmem:$0x3510]  }
0x19d: {  	v53 =	vld [tilespmem:$0x3590]  }
0x19e: {  	v55 =	vld [tilespmem:$0x3610];
	v54 =	vadd.s32 v6, v7  }
0x19f: {  	v14 =	vld [tilespmem:$0x3690];
	v12 =	vadd.s32 v8, v54  }
0x1a0: {  	s14 =	sld [smem:$0x7FD];
	v15 =	vld [tilespmem:$0x3710];
	v6 =	vpsel p0, $0x0, v6;
	v12 =	vadd.s32 v51, v12  }
0x1a1: {  	v16 =	vld [tilespmem:$0x3790];
	v7 =	vpsel !p6, $0x0, v7;
	v8 =	vpsel !p5, $0x0, v8;
	v12 =	vadd.s32 v52, v12  }
0x1a2: {  	s15 =	sld [smem:$0x7FC];
	v17 =	vld [tilespmem:$0x3810];
	v6 =	vadd.s32 v6, v7;
	v7 =	vpsel !p4, $0x0, v51;
	v12 =	vadd.s32 v53, v12  }
0x1a3: {  	v18 =	vld [tilespmem:$0x3890];
	p1 =	seq.s32 s14, $0x1;
	s14 =	sld [smem:$0x7FB];
	v6 =	vadd.s32 v8, v6;
	v8 =	vpsel !p3, $0x0, v52;
	v12 =	vadd.s32 v55, v12  }
0x1a4: {  	v19 =	vld [tilespmem:$0x3910];
	v6 =	vadd.s32 v7, v6;
	v7 =	vpsel !p2, $0x0, v53;
	v12 =	vadd.s32 v14, v12  }
0x1a5: {  	v20 =	vld [tilespmem:$0x3990];
	v6 =	vadd.s32 v8, v6;
	v8 =	vpsel !p1, $0x0, v55;
	p1 =	seq.s32 s15, $0x1;
	s15 =	sld [smem:$0x7FA];
	v12 =	vadd.s32 v15, v12  }
0x1a6: {  	v57 =	vld [tilespmem:$0x3A10];
	v6 =	vadd.s32 v7, v6;
	v7 =	vpsel !p1, $0x0, v14;
	p1 =	seq.s32 s14, $0x1;
	s14 =	sld [smem:$0x7F9];
	v56 =	vadd.s32 v16, v12  }
0x1a7: {  	v58 =	vld [tilespmem:$0x3A90];
	v9 =	vadd.s32 v17, v56  }
0x1a8: {  	v6 =	vadd.s32 v8, v6;
	v8 =	vpsel !p1, $0x0, v15;
	p1 =	seq.s32 s15, $0x1;
	s15 =	sld [smem:$0x7F8];
	v9 =	vadd.s32 v18, v9  }
0x1a9: {  	v6 =	vadd.s32 v7, v6;
	v7 =	vpsel !p1, $0x0, v16;
	p1 =	seq.s32 s14, $0x1;
	s14 =	sld [smem:$0x7F7];
	v9 =	vadd.s32 v19, v9  }
0x1aa: {  	v9 =	vadd.s32 v20, v9  }
0x1ab: {  	v6 =	vadd.s32 v8, v6;
	v8 =	vpsel !p1, $0x0, v17;
	p1 =	seq.s32 s15, $0x1;
	v9 =	vadd.s32 v57, v9  }
0x1ac: {  	v6 =	vadd.s32 v7, v6;
	v7 =	vpsel !p1, $0x0, v18;
	p1 =	seq.s32 s14, $0x1;
	s14 =	sld [smem:$0x7F6];
	v9 =	vadd.s32 v58, v9  }
0x1ad: {  	s15 =	sld [smem:$0x7F5];
	(xrf0) =	vadd.scan.msk.s32 $0xffff, v9  }
0x1ae: {  	v6 =	vadd.s32 v8, v6  }
0x1af: {  	s10 =	simm.s32 $0x0;
	v8 =	vpsel !p1, $0x0, v19;
	v6 =	vadd.s32 v7, v6;
	p1 =	seq.s32 s14, $0x1  }
0x1b0: {  	v6 =	vadd.s32 v8, v6;
	v8 =	vld [tilespmem:s10+$0x1E10];
	v7 =	vpsel !p1, $0x0, v20;
	p1 =	seq.s32 s15, $0x1  }
0x1b1: {  	v59 =	vpsel !p1, $0x0, v57;
	v6 =	vadd.s32 v7, v6;
	v7 =	vld [tilespmem:s10+$0x2310]  }
0x1b2: {  	v60 =	vld [tilespmem:s10+$0x1410];
	v6 =	vadd.s32 v59, v6  }
0x1b3: {  	v62 =	vld [tilespmem:s10+$0x2D10];
	v6 =	vsub.s32 v6, v9;
	v61, _, _ =	vpop (xrf0)  }
0x1b4: {  	v63 =	vld [tilespmem:s10+$0x2810];
	v6 =	vadd.s32 v61, v6  }
0x1b5: {  	v8 =	vadd.s32 v8, v6  }
0x1b6: {  	v7 =	vperm.xlane v8, v7;
	_ =	sdelay $0x1  }
0x1b7: {  	v8 =	vadd.s32 v62, v7  }
0x1b8: {  	s14 =	simm.s32 $0x80;
	s15 =	simm.s32 $0x10;
	v7 =	vperm.xlane v60, v63;
	[tilespmem:s10+$0x1E10] =	vst v8  }
.LBB2_12:
0x1b9: {  	p1 =	sne.s32 s14, $0x13C0;
	v8 =	vld [tilespmem:s15+$0x1E10]  }
0x1ba: {  	v9 =	vld [tilespmem:s15+$0x2310];
	[tilespmem:s10+$0x1910] =	vst v7;
	s10 =	smov.u32 s15  }
0x1bb: {  	v7 =	vld [tilespmem:s10+$0x1410]  }
0x1bc: {  	v10 =	vld [tilespmem:s10+$0x2D10]  }
0x1bd: {  	v11 =	vld [tilespmem:s10+$0x2810]  }
.Ltmp5:
0x1be: {  	v8 =	vadd.s32 v8, v6;
	(pc) =	sbr.rel @p1 .LBB2_12-.Ltmp5, $3  }
0x1bf: {  	v8 =	vperm.xlane v8, v9;
	_ =	sdelay $0x1  }
0x1c0: {  	v8 =	vadd.s32 v10, v8  }
0x1c1: {  	s15 =	sshra.s32 s14, $0x2;
	s14 =	sadd.s32 $0x40, s14;
	v7 =	vperm.xlane v7, v11;
	[tilespmem:s10+$0x1E10] =	vst v8  }
0x1c2: {  	v8 =	vld [tilespmem:s15+$0x1E10]  }
0x1c3: {  	v9 =	vld [tilespmem:s15+$0x2310];
	[tilespmem:s10+$0x1910] =	vst v7  }
0x1c4: {  	v7 =	vld [tilespmem:s15+$0x1410]  }
0x1c5: {  	v10 =	vld [tilespmem:s15+$0x2D10]  }
0x1c6: {  	v11 =	vld [tilespmem:s15+$0x2810];
	_ =	sdelay $0x1  }
0x1c7: {  	v6 =	vadd.s32 v8, v6  }
0x1c8: {  	v6 =	vperm.xlane v6, v9;
	_ =	sdelay $0x1  }
0x1c9: {  	v7 =	vperm.xlane v7, v11;
	v6 =	vadd.s32 v10, v6  }
0x1ca: {  	[tilespmem:s15+$0x1E10] =	vst v6  }
0x1cb: {  	[tilespmem:s15+$0x1910] =	vst v7  }
0x1cc: {  	[spmem:s3] =	stream.indirect.scatter [tilespmem:s30], [sflag:$0x1], $0x1, s29, s22, $0xb8;
	[tilespmem:$0xDE10] =	vst v63  }
0x1cd: {  	_ =	swait.ge [sflag:s24], $0x500  }
0x1ce: {  	[sflag:s24] =	ssyncset.done $0x0  }
0x1cf: {  	[sflag:s24] =	ssyncadd.s32 $0xFFFFFB00  }
0x1d0: {  	[bflag:$0x0] =	sbarrier.arrive $0xFFFF  }
0x1d1: {  	[tilespmem:s21], [sflag:$0x2] =	stream.linear.gather [spmem:s12], $0x500, $0x38;
	[tilespmem:$0xDE10] =	vst v63  }
0x1d2: {  	_ =	swait.ge [sflag:s20], $0x500  }
0x1d3: {  	[sflag:s20] =	ssyncset.done $0x0  }
0x1d4: {  	[sflag:s20] =	ssyncadd.s32 $0xFFFFFB00  }
0x1d5: {  	[tilespmem:s23], [sflag:$0x1] =	stream.indirect.gather [spmem:s2], $0x1, s21, s22, $0xb8;
	[tilespmem:$0xDE10] =	vst v63  }
0x1d6: {  	_ =	swait.ge [sflag:s24], $0x500  }
0x1d7: {  	[sflag:s24] =	ssyncset.done $0x0  }
0x1d8: {  	s10 =	simm.s32 $0x0;
	[sflag:s24] =	ssyncadd.s32 $0xFFFFFB00  }
0x1d9: {  	v6 =	vld [tilespmem:s10+$0xF10];
	_ =	sdelay $0x4  }
0x1da: {  	v6 =	vshrl.u32 v6, $0x8  }
0x1db: {  	v6 =	vand.u32 $0xF0, v6  }
0x1dc: {  	v6 =	vor.u32 v0, v6  }
0x1dd: {  	(xrf1) =	vsort.ascd.msk.u32 $0xffff, v6, v6;
	_ =	sdelay $0xd  }
0x1de: {  	v8, _, _ =	vpop (xrf1)  }
0x1df: {  	v7 =	vshrl.u32 v8, $0x4  }
0x1e0: {  	v6 =	vperm.xlane v7, v1;
	_ =	sdelay $0x1  }
0x1e1: {  	vm1 =	veq.s32 v7, v6  }
0x1e2: {  	v6 =	vsel vm1, $0x80000000, v2  }
0x1e3: {  	v9 =	vperm.xlane v7, v3;
	(xrf0) =	vmax.scan.msk.u32 $0xffff, v6;
	_ =	sdelay $0x1  }
0x1e4: {  	vm1 =	vne.s32 v9, v7  }
0x1e5: {  	vm1 =	vmor vm1, vm0;
	_ =	sdelay $0x2  }
0x1e6: {  	v6, _, _ =	vpop (xrf0)  }
0x1e7: {  	v9 =	vxor.u32 $0x80000000, v6  }
0x1e8: {  	[tilespmem:$0x3210] =	vst v4;
	v10 =	vsub.s32 v5, v9  }
0x1e9: {  	s14 =	simm.s32 $0x80;
	s15 =	simm.s32 $0x10;
	v8 =	vand.u32 $0xF, v8;
	v6 =	vimm.s32 $0x0;
	v9 =	vsub.s32 v0, v9;
	[tilespmem:v7+s25+$0x0] =	vst.idx.msk vm1, v10  }
.LBB2_14:
0x1ea: {  	p1 =	sne.s32 s14, $0x13C0;
	v10 =	vld [tilespmem:s15+$0xF10];
	[tilespmem:s10+$0x2310] =	vst v7  }
0x1eb: {  	[tilespmem:s10+$0x2810] =	vst v8  }
0x1ec: {  	[tilespmem:s10+$0x2D10] =	vst v9  }
0x1ed: {  	[tilespmem:s10+$0x1E10] =	vst v6;
	s10 =	smov.u32 s15  }
0x1ee: {  	v7 =	vld [tilespmem:$0x3210]  }
0x1ef: {  	v8 =	vshrl.u32 v10, $0x8  }
0x1f0: {  	v8 =	vand.u32 $0xF0, v8  }
0x1f1: {  	v8 =	vor.u32 v0, v8  }
0x1f2: {  	(xrf1) =	vsort.ascd.msk.u32 $0xffff, v8, v8  }
0x1f3: {  	v6 =	vadd.s32 v6, v7;
	_ =	sdelay $0xc  }
0x1f4: {  	v8, _, _ =	vpop (xrf1)  }
0x1f5: {  	v7 =	vshrl.u32 v8, $0x4;
	v8 =	vand.u32 $0xF, v8  }
0x1f6: {  	v9 =	vperm.xlane v7, v1;
	_ =	sdelay $0x1  }
0x1f7: {  	vm1 =	veq.s32 v7, v9  }
0x1f8: {  	v9 =	vsel vm1, $0x80000000, v2  }
0x1f9: {  	v10 =	vperm.xlane v7, v3;
	(xrf0) =	vmax.scan.msk.u32 $0xffff, v9;
	_ =	sdelay $0x1  }
0x1fa: {  	vm1 =	vne.s32 v10, v7  }
0x1fb: {  	vm1 =	vmor vm1, vm0;
	_ =	sdelay $0x1  }
.Ltmp6:
0x1fc: {  	(pc) =	sbr.rel @p1 .LBB2_14-.Ltmp6, $4  }
0x1fd: {  	v9, _, _ =	vpop (xrf0)  }
0x1fe: {  	v10 =	vxor.u32 $0x80000000, v9  }
0x1ff: {  	v9 =	vsub.s32 v0, v10;
	[tilespmem:$0x3210] =	vst v4;
	v10 =	vsub.s32 v5, v10  }
0x200: {  	s15 =	sshra.s32 s14, $0x2;
	s14 =	sadd.s32 $0x40, s14;
	[tilespmem:v7+s25+$0x0] =	vst.idx.msk vm1, v10  }
0x201: {  	v10 =	vld [tilespmem:s15+$0xF10];
	_ =	sdelay $0x4  }
0x202: {  	v10 =	vshrl.u32 v10, $0x8  }
0x203: {  	v10 =	vand.u32 $0xF0, v10  }
0x204: {  	v10 =	vor.u32 v0, v10  }
0x205: {  	(xrf1) =	vsort.ascd.msk.u32 $0xffff, v10, v10;
	_ =	sdelay $0xd  }
0x206: {  	v10, _, _ =	vpop (xrf1)  }
0x207: {  	v11 =	vshrl.u32 v10, $0x4  }
0x208: {  	v12 =	vperm.xlane v11, v1;
	_ =	sdelay $0x1  }
0x209: {  	vm1 =	veq.s32 v11, v12  }
0x20a: {  	v12 =	vsel vm1, $0x80000000, v2  }
0x20b: {  	v13 =	vperm.xlane v11, v3;
	(xrf0) =	vmax.scan.msk.u32 $0xffff, v12;
	_ =	sdelay $0x1  }
0x20c: {  	vm1 =	vne.s32 v13, v11  }
0x20d: {  	[tilespmem:s10+$0x2310] =	vst v7;
	vm1 =	vmor vm1, vm0  }
0x20e: {  	[tilespmem:s10+$0x2810] =	vst v8  }
0x20f: {  	[tilespmem:s10+$0x2D10] =	vst v9  }
0x210: {  	[tilespmem:s10+$0x1E10] =	vst v6;
	v7, _, _ =	vpop (xrf0)  }
0x211: {  	v8 =	vld [tilespmem:$0x3210];
	v7 =	vxor.u32 $0x80000000, v7  }
0x212: {  	[tilespmem:$0x3210] =	vst v4;
	v49 =	vsub.s32 v5, v7  }
0x213: {  	[tilespmem:v11+s25+$0x0] =	vst.idx.msk vm1, v49  }
0x214: {  	v50 =	vand.u32 $0xF, v10;
	[tilespmem:s15+$0x2310] =	vst v11  }
0x215: {  	v7 =	vsub.s32 v0, v7;
	[tilespmem:s15+$0x2810] =	vst v50  }
0x216: {  	v6 =	vadd.s32 v6, v8;
	[tilespmem:s15+$0x2D10] =	vst v7  }
0x217: {  	[tilespmem:s15+$0x1E10] =	vst v6  }
0x218: {  	v7 =	vld [tilespmem:$0x3210];
	_ =	sdelay $0x4  }
0x219: {  	v6 =	vadd.s32 v6, v7  }
0x21a: {  	[tilespmem:$0x3290] =	vst v6  }
0x21b: {  	[spmem:s11] =	stream.linear.scatter [tilespmem:s26], [sflag:$0x2], $0x80, $0x38;
	[tilespmem:$0xDE10] =	vst v63  }
0x21c: {  	_ =	swait.ge [sflag:s20], $0x80  }
0x21d: {  	[sflag:s20] =	ssyncset.done $0x0  }
0x21e: {  	[sflag:s20] =	ssyncadd.s32 $0xFFFFFF80  }
0x21f: {  	[bflag:$0x0] =	sbarrier.arrive $0xFFFF  }
0x220: {  	[tilespmem:s28], [sflag:$0x2] =	stream.linear.gather [spmem:s1], $0x800, $0x38;
	[tilespmem:$0xDE10] =	vst v63  }
0x221: {  	_ =	swait.ge [sflag:s20], $0x800  }
0x222: {  	[sflag:s20] =	ssyncset.done $0x0  }
0x223: {  	[sflag:s20] =	ssyncadd.s32 $0xFFFFF800  }
0x224: {  	v6 =	vld [tilespmem:$0x3310]  }
0x225: {  	v7 =	vld [tilespmem:$0x3390]  }
0x226: {  	v8 =	vld [tilespmem:$0x3410]  }
0x227: {  	v51 =	vld [tilespmem:$0x3490]  }
0x228: {  	v52 =	vld [tilespmem:$0x3510]  }
0x229: {  	v53 =	vld [tilespmem:$0x3590]  }
0x22a: {  	v55 =	vld [tilespmem:$0x3610];
	v54 =	vadd.s32 v6, v7  }
0x22b: {  	v14 =	vld [tilespmem:$0x3690];
	v12 =	vadd.s32 v8, v54  }
0x22c: {  	s14 =	sld [smem:$0x7FD];
	v15 =	vld [tilespmem:$0x3710];
	v6 =	vpsel p0, $0x0, v6;
	v12 =	vadd.s32 v51, v12  }
0x22d: {  	v16 =	vld [tilespmem:$0x3790];
	v7 =	vpsel !p6, $0x0, v7;
	v8 =	vpsel !p5, $0x0, v8;
	v12 =	vadd.s32 v52, v12  }
0x22e: {  	s15 =	sld [smem:$0x7FC];
	v17 =	vld [tilespmem:$0x3810];
	v6 =	vadd.s32 v6, v7;
	v7 =	vpsel !p4, $0x0, v51;
	v12 =	vadd.s32 v53, v12  }
0x22f: {  	v18 =	vld [tilespmem:$0x3890];
	p1 =	seq.s32 s14, $0x1;
	s14 =	sld [smem:$0x7FB];
	v6 =	vadd.s32 v8, v6;
	v8 =	vpsel !p3, $0x0, v52;
	v12 =	vadd.s32 v55, v12  }
0x230: {  	v19 =	vld [tilespmem:$0x3910];
	v6 =	vadd.s32 v7, v6;
	v7 =	vpsel !p2, $0x0, v53;
	v12 =	vadd.s32 v14, v12  }
0x231: {  	v20 =	vld [tilespmem:$0x3990];
	v6 =	vadd.s32 v8, v6;
	v8 =	vpsel !p1, $0x0, v55;
	p1 =	seq.s32 s15, $0x1;
	s15 =	sld [smem:$0x7FA];
	v12 =	vadd.s32 v15, v12  }
0x232: {  	v57 =	vld [tilespmem:$0x3A10];
	v6 =	vadd.s32 v7, v6;
	v7 =	vpsel !p1, $0x0, v14;
	p1 =	seq.s32 s14, $0x1;
	s14 =	sld [smem:$0x7F9];
	v56 =	vadd.s32 v16, v12  }
0x233: {  	v58 =	vld [tilespmem:$0x3A90];
	v9 =	vadd.s32 v17, v56  }
0x234: {  	v6 =	vadd.s32 v8, v6;
	v8 =	vpsel !p1, $0x0, v15;
	p1 =	seq.s32 s15, $0x1;
	s15 =	sld [smem:$0x7F8];
	v9 =	vadd.s32 v18, v9  }
0x235: {  	v6 =	vadd.s32 v7, v6;
	v7 =	vpsel !p1, $0x0, v16;
	p1 =	seq.s32 s14, $0x1;
	s14 =	sld [smem:$0x7F7];
	v9 =	vadd.s32 v19, v9  }
0x236: {  	v9 =	vadd.s32 v20, v9  }
0x237: {  	v6 =	vadd.s32 v8, v6;
	v8 =	vpsel !p1, $0x0, v17;
	p1 =	seq.s32 s15, $0x1;
	v9 =	vadd.s32 v57, v9  }
0x238: {  	v6 =	vadd.s32 v7, v6;
	v7 =	vpsel !p1, $0x0, v18;
	p1 =	seq.s32 s14, $0x1;
	s14 =	sld [smem:$0x7F6];
	v9 =	vadd.s32 v58, v9  }
0x239: {  	s15 =	sld [smem:$0x7F5];
	(xrf0) =	vadd.scan.msk.s32 $0xffff, v9  }
0x23a: {  	v6 =	vadd.s32 v8, v6  }
0x23b: {  	s10 =	simm.s32 $0x0;
	v8 =	vpsel !p1, $0x0, v19;
	v6 =	vadd.s32 v7, v6;
	p1 =	seq.s32 s14, $0x1  }
0x23c: {  	v6 =	vadd.s32 v8, v6;
	v8 =	vld [tilespmem:s10+$0x1E10];
	v7 =	vpsel !p1, $0x0, v20;
	p1 =	seq.s32 s15, $0x1  }
0x23d: {  	v59 =	vpsel !p1, $0x0, v57;
	v6 =	vadd.s32 v7, v6;
	v7 =	vld [tilespmem:s10+$0x2310]  }
0x23e: {  	v60 =	vld [tilespmem:s10+$0x1410];
	v6 =	vadd.s32 v59, v6  }
0x23f: {  	v62 =	vld [tilespmem:s10+$0x2D10];
	v6 =	vsub.s32 v6, v9;
	v61, _, _ =	vpop (xrf0)  }
0x240: {  	v63 =	vld [tilespmem:s10+$0x2810];
	v6 =	vadd.s32 v61, v6  }
0x241: {  	v8 =	vadd.s32 v8, v6  }
0x242: {  	v7 =	vperm.xlane v8, v7;
	_ =	sdelay $0x1  }
0x243: {  	v8 =	vadd.s32 v62, v7  }
0x244: {  	s14 =	simm.s32 $0x80;
	s15 =	simm.s32 $0x10;
	v7 =	vperm.xlane v60, v63;
	[tilespmem:s10+$0x1E10] =	vst v8  }
.LBB2_16:
0x245: {  	p1 =	sne.s32 s14, $0x13C0;
	v8 =	vld [tilespmem:s15+$0x1E10]  }
0x246: {  	v9 =	vld [tilespmem:s15+$0x2310];
	[tilespmem:s10+$0x1910] =	vst v7;
	s10 =	smov.u32 s15  }
0x247: {  	v7 =	vld [tilespmem:s10+$0x1410]  }
0x248: {  	v10 =	vld [tilespmem:s10+$0x2D10]  }
0x249: {  	v11 =	vld [tilespmem:s10+$0x2810]  }
.Ltmp7:
0x24a: {  	v8 =	vadd.s32 v8, v6;
	(pc) =	sbr.rel @p1 .LBB2_16-.Ltmp7, $3  }
0x24b: {  	v8 =	vperm.xlane v8, v9;
	_ =	sdelay $0x1  }
0x24c: {  	v8 =	vadd.s32 v10, v8  }
0x24d: {  	s15 =	sshra.s32 s14, $0x2;
	s14 =	sadd.s32 $0x40, s14;
	v7 =	vperm.xlane v7, v11;
	[tilespmem:s10+$0x1E10] =	vst v8  }
0x24e: {  	v8 =	vld [tilespmem:s15+$0x1E10]  }
0x24f: {  	v9 =	vld [tilespmem:s15+$0x2310];
	[tilespmem:s10+$0x1910] =	vst v7  }
0x250: {  	v7 =	vld [tilespmem:s15+$0x1410]  }
0x251: {  	v10 =	vld [tilespmem:s15+$0x2D10]  }
0x252: {  	v11 =	vld [tilespmem:s15+$0x2810];
	_ =	sdelay $0x1  }
0x253: {  	v6 =	vadd.s32 v8, v6  }
0x254: {  	v6 =	vperm.xlane v6, v9;
	_ =	sdelay $0x1  }
0x255: {  	v7 =	vperm.xlane v7, v11;
	v6 =	vadd.s32 v10, v6  }
0x256: {  	[tilespmem:s15+$0x1E10] =	vst v6  }
0x257: {  	[tilespmem:s15+$0x1910] =	vst v7  }
0x258: {  	[spmem:s4] =	stream.indirect.scatter [tilespmem:s30], [sflag:$0x1], $0x1, s29, s22, $0xb8;
	[tilespmem:$0xDE10] =	vst v63  }
0x259: {  	_ =	swait.ge [sflag:s24], $0x500  }
0x25a: {  	[sflag:s24] =	ssyncset.done $0x0  }
0x25b: {  	[sflag:s24] =	ssyncadd.s32 $0xFFFFFB00  }
0x25c: {  	[bflag:$0x0] =	sbarrier.arrive $0xFFFF  }
0x25d: {  	[tilespmem:s21], [sflag:$0x2] =	stream.linear.gather [spmem:s13], $0x500, $0x38;
	[tilespmem:$0xDE10] =	vst v63  }
0x25e: {  	_ =	swait.ge [sflag:s20], $0x500  }
0x25f: {  	[sflag:s20] =	ssyncset.done $0x0  }
0x260: {  	[sflag:s20] =	ssyncadd.s32 $0xFFFFFB00  }
0x261: {  	[tilespmem:s23], [sflag:$0x1] =	stream.indirect.gather [spmem:s2], $0x1, s21, s22, $0xb8;
	[tilespmem:$0xDE10] =	vst v63  }
0x262: {  	_ =	swait.ge [sflag:s24], $0x500  }
0x263: {  	[sflag:s24] =	ssyncset.done $0x0  }
0x264: {  	s10 =	simm.s32 $0x0;
	[sflag:s24] =	ssyncadd.s32 $0xFFFFFB00  }
0x265: {  	v6 =	vld [tilespmem:s10+$0xF10];
	_ =	sdelay $0x4  }
0x266: {  	v6 =	vshrl.u32 v6, $0xC  }
0x267: {  	v6 =	vand.u32 $0xF0, v6  }
0x268: {  	v6 =	vor.u32 v0, v6  }
0x269: {  	(xrf1) =	vsort.ascd.msk.u32 $0xffff, v6, v6;
	_ =	sdelay $0xd  }
0x26a: {  	v8, _, _ =	vpop (xrf1)  }
0x26b: {  	v7 =	vshrl.u32 v8, $0x4  }
0x26c: {  	v6 =	vperm.xlane v7, v1;
	_ =	sdelay $0x1  }
0x26d: {  	vm1 =	veq.s32 v7, v6  }
0x26e: {  	v6 =	vsel vm1, $0x80000000, v2  }
0x26f: {  	v9 =	vperm.xlane v7, v3;
	(xrf0) =	vmax.scan.msk.u32 $0xffff, v6;
	_ =	sdelay $0x1  }
0x270: {  	vm1 =	vne.s32 v9, v7  }
0x271: {  	vm1 =	vmor vm1, vm0;
	_ =	sdelay $0x2  }
0x272: {  	v6, _, _ =	vpop (xrf0)  }
0x273: {  	v9 =	vxor.u32 $0x80000000, v6  }
0x274: {  	[tilespmem:$0x3210] =	vst v4;
	v10 =	vsub.s32 v5, v9  }
0x275: {  	s14 =	simm.s32 $0x80;
	s15 =	simm.s32 $0x10;
	v8 =	vand.u32 $0xF, v8;
	v6 =	vimm.s32 $0x0;
	v9 =	vsub.s32 v0, v9;
	[tilespmem:v7+s25+$0x0] =	vst.idx.msk vm1, v10  }
.LBB2_18:
0x276: {  	p1 =	sne.s32 s14, $0x13C0;
	v10 =	vld [tilespmem:s15+$0xF10];
	[tilespmem:s10+$0x2310] =	vst v7  }
0x277: {  	[tilespmem:s10+$0x2810] =	vst v8  }
0x278: {  	[tilespmem:s10+$0x2D10] =	vst v9  }
0x279: {  	[tilespmem:s10+$0x1E10] =	vst v6;
	s10 =	smov.u32 s15  }
0x27a: {  	v7 =	vld [tilespmem:$0x3210]  }
0x27b: {  	v8 =	vshrl.u32 v10, $0xC  }
0x27c: {  	v8 =	vand.u32 $0xF0, v8  }
0x27d: {  	v8 =	vor.u32 v0, v8  }
0x27e: {  	(xrf1) =	vsort.ascd.msk.u32 $0xffff, v8, v8  }
0x27f: {  	v6 =	vadd.s32 v6, v7;
	_ =	sdelay $0xc  }
0x280: {  	v8, _, _ =	vpop (xrf1)  }
0x281: {  	v7 =	vshrl.u32 v8, $0x4;
	v8 =	vand.u32 $0xF, v8  }
0x282: {  	v9 =	vperm.xlane v7, v1;
	_ =	sdelay $0x1  }
0x283: {  	vm1 =	veq.s32 v7, v9  }
0x284: {  	v9 =	vsel vm1, $0x80000000, v2  }
0x285: {  	v10 =	vperm.xlane v7, v3;
	(xrf0) =	vmax.scan.msk.u32 $0xffff, v9;
	_ =	sdelay $0x1  }
0x286: {  	vm1 =	vne.s32 v10, v7  }
0x287: {  	vm1 =	vmor vm1, vm0;
	_ =	sdelay $0x1  }
.Ltmp8:
0x288: {  	(pc) =	sbr.rel @p1 .LBB2_18-.Ltmp8, $4  }
0x289: {  	v9, _, _ =	vpop (xrf0)  }
0x28a: {  	v10 =	vxor.u32 $0x80000000, v9  }
0x28b: {  	v9 =	vsub.s32 v0, v10;
	[tilespmem:$0x3210] =	vst v4;
	v10 =	vsub.s32 v5, v10  }
0x28c: {  	s15 =	sshra.s32 s14, $0x2;
	s14 =	sadd.s32 $0x40, s14;
	[tilespmem:v7+s25+$0x0] =	vst.idx.msk vm1, v10  }
0x28d: {  	v10 =	vld [tilespmem:s15+$0xF10];
	_ =	sdelay $0x4  }
0x28e: {  	v10 =	vshrl.u32 v10, $0xC  }
0x28f: {  	v10 =	vand.u32 $0xF0, v10  }
0x290: {  	v10 =	vor.u32 v0, v10  }
0x291: {  	(xrf1) =	vsort.ascd.msk.u32 $0xffff, v10, v10;
	_ =	sdelay $0xd  }
0x292: {  	v10, _, _ =	vpop (xrf1)  }
0x293: {  	v11 =	vshrl.u32 v10, $0x4  }
0x294: {  	v12 =	vperm.xlane v11, v1;
	_ =	sdelay $0x1  }
0x295: {  	vm1 =	veq.s32 v11, v12  }
0x296: {  	v12 =	vsel vm1, $0x80000000, v2  }
0x297: {  	v13 =	vperm.xlane v11, v3;
	(xrf0) =	vmax.scan.msk.u32 $0xffff, v12;
	_ =	sdelay $0x1  }
0x298: {  	vm1 =	vne.s32 v13, v11  }
0x299: {  	[tilespmem:s10+$0x2310] =	vst v7;
	vm1 =	vmor vm1, vm0  }
0x29a: {  	[tilespmem:s10+$0x2810] =	vst v8  }
0x29b: {  	[tilespmem:s10+$0x2D10] =	vst v9  }
0x29c: {  	[tilespmem:s10+$0x1E10] =	vst v6;
	v7, _, _ =	vpop (xrf0)  }
0x29d: {  	v8 =	vld [tilespmem:$0x3210];
	v7 =	vxor.u32 $0x80000000, v7  }
0x29e: {  	[tilespmem:$0x3210] =	vst v4;
	v49 =	vsub.s32 v5, v7  }
0x29f: {  	[tilespmem:v11+s25+$0x0] =	vst.idx.msk vm1, v49  }
0x2a0: {  	v50 =	vand.u32 $0xF, v10;
	[tilespmem:s15+$0x2310] =	vst v11  }
0x2a1: {  	v7 =	vsub.s32 v0, v7;
	[tilespmem:s15+$0x2810] =	vst v50  }
0x2a2: {  	v6 =	vadd.s32 v6, v8;
	[tilespmem:s15+$0x2D10] =	vst v7  }
0x2a3: {  	[tilespmem:s15+$0x1E10] =	vst v6  }
0x2a4: {  	v7 =	vld [tilespmem:$0x3210];
	_ =	sdelay $0x4  }
0x2a5: {  	v6 =	vadd.s32 v6, v7  }
0x2a6: {  	[tilespmem:$0x3290] =	vst v6  }
0x2a7: {  	[spmem:s11] =	stream.linear.scatter [tilespmem:s26], [sflag:$0x2], $0x80, $0x38;
	[tilespmem:$0xDE10] =	vst v63  }
0x2a8: {  	_ =	swait.ge [sflag:s20], $0x80  }
0x2a9: {  	[sflag:s20] =	ssyncset.done $0x0  }
0x2aa: {  	[sflag:s20] =	ssyncadd.s32 $0xFFFFFF80  }
0x2ab: {  	[bflag:$0x0] =	sbarrier.arrive $0xFFFF  }
0x2ac: {  	[tilespmem:s28], [sflag:$0x2] =	stream.linear.gather [spmem:s1], $0x800, $0x38;
	[tilespmem:$0xDE10] =	vst v63  }
0x2ad: {  	_ =	swait.ge [sflag:s20], $0x800  }
0x2ae: {  	[sflag:s20] =	ssyncset.done $0x0  }
0x2af: {  	[sflag:s20] =	ssyncadd.s32 $0xFFFFF800  }
0x2b0: {  	v6 =	vld [tilespmem:$0x3310]  }
0x2b1: {  	v7 =	vld [tilespmem:$0x3390]  }
0x2b2: {  	v8 =	vld [tilespmem:$0x3410]  }
0x2b3: {  	v51 =	vld [tilespmem:$0x3490]  }
0x2b4: {  	v52 =	vld [tilespmem:$0x3510]  }
0x2b5: {  	v53 =	vld [tilespmem:$0x3590]  }
0x2b6: {  	v55 =	vld [tilespmem:$0x3610];
	v54 =	vadd.s32 v6, v7  }
0x2b7: {  	v14 =	vld [tilespmem:$0x3690];
	v12 =	vadd.s32 v8, v54  }
0x2b8: {  	s14 =	sld [smem:$0x7FD];
	v15 =	vld [tilespmem:$0x3710];
	v6 =	vpsel p0, $0x0, v6;
	v12 =	vadd.s32 v51, v12  }
0x2b9: {  	v16 =	vld [tilespmem:$0x3790];
	v7 =	vpsel !p6, $0x0, v7;
	v8 =	vpsel !p5, $0x0, v8;
	v12 =	vadd.s32 v52, v12  }
0x2ba: {  	s15 =	sld [smem:$0x7FC];
	v17 =	vld [tilespmem:$0x3810];
	v6 =	vadd.s32 v6, v7;
	v7 =	vpsel !p4, $0x0, v51;
	v12 =	vadd.s32 v53, v12  }
0x2bb: {  	v18 =	vld [tilespmem:$0x3890];
	p1 =	seq.s32 s14, $0x1;
	s14 =	sld [smem:$0x7FB];
	v6 =	vadd.s32 v8, v6;
	v8 =	vpsel !p3, $0x0, v52;
	v12 =	vadd.s32 v55, v12  }
0x2bc: {  	v19 =	vld [tilespmem:$0x3910];
	v6 =	vadd.s32 v7, v6;
	v7 =	vpsel !p2, $0x0, v53;
	v12 =	vadd.s32 v14, v12  }
0x2bd: {  	v20 =	vld [tilespmem:$0x3990];
	v6 =	vadd.s32 v8, v6;
	v8 =	vpsel !p1, $0x0, v55;
	p1 =	seq.s32 s15, $0x1;
	s15 =	sld [smem:$0x7FA];
	v12 =	vadd.s32 v15, v12  }
0x2be: {  	v57 =	vld [tilespmem:$0x3A10];
	v6 =	vadd.s32 v7, v6;
	v7 =	vpsel !p1, $0x0, v14;
	p1 =	seq.s32 s14, $0x1;
	s14 =	sld [smem:$0x7F9];
	v56 =	vadd.s32 v16, v12  }
0x2bf: {  	v58 =	vld [tilespmem:$0x3A90];
	v9 =	vadd.s32 v17, v56  }
0x2c0: {  	v6 =	vadd.s32 v8, v6;
	v8 =	vpsel !p1, $0x0, v15;
	p1 =	seq.s32 s15, $0x1;
	s15 =	sld [smem:$0x7F8];
	v9 =	vadd.s32 v18, v9  }
0x2c1: {  	v6 =	vadd.s32 v7, v6;
	v7 =	vpsel !p1, $0x0, v16;
	p1 =	seq.s32 s14, $0x1;
	s14 =	sld [smem:$0x7F7];
	v9 =	vadd.s32 v19, v9  }
0x2c2: {  	v9 =	vadd.s32 v20, v9  }
0x2c3: {  	v6 =	vadd.s32 v8, v6;
	v8 =	vpsel !p1, $0x0, v17;
	p1 =	seq.s32 s15, $0x1;
	v9 =	vadd.s32 v57, v9  }
0x2c4: {  	v6 =	vadd.s32 v7, v6;
	v7 =	vpsel !p1, $0x0, v18;
	p1 =	seq.s32 s14, $0x1;
	s14 =	sld [smem:$0x7F6];
	v9 =	vadd.s32 v58, v9  }
0x2c5: {  	s15 =	sld [smem:$0x7F5];
	(xrf0) =	vadd.scan.msk.s32 $0xffff, v9  }
0x2c6: {  	v6 =	vadd.s32 v8, v6  }
0x2c7: {  	s10 =	simm.s32 $0x0;
	v8 =	vpsel !p1, $0x0, v19;
	v6 =	vadd.s32 v7, v6;
	p1 =	seq.s32 s14, $0x1  }
0x2c8: {  	v6 =	vadd.s32 v8, v6;
	v8 =	vld [tilespmem:s10+$0x1E10];
	v7 =	vpsel !p1, $0x0, v20;
	p1 =	seq.s32 s15, $0x1  }
0x2c9: {  	v59 =	vpsel !p1, $0x0, v57;
	v6 =	vadd.s32 v7, v6;
	v7 =	vld [tilespmem:s10+$0x2310]  }
0x2ca: {  	v60 =	vld [tilespmem:s10+$0x1410];
	v6 =	vadd.s32 v59, v6  }
0x2cb: {  	v62 =	vld [tilespmem:s10+$0x2D10];
	v6 =	vsub.s32 v6, v9;
	v61, _, _ =	vpop (xrf0)  }
0x2cc: {  	v63 =	vld [tilespmem:s10+$0x2810];
	v6 =	vadd.s32 v61, v6  }
0x2cd: {  	v8 =	vadd.s32 v8, v6  }
0x2ce: {  	v7 =	vperm.xlane v8, v7;
	_ =	sdelay $0x1  }
0x2cf: {  	v8 =	vadd.s32 v62, v7  }
0x2d0: {  	s14 =	simm.s32 $0x80;
	s15 =	simm.s32 $0x10;
	v7 =	vperm.xlane v60, v63;
	[tilespmem:s10+$0x1E10] =	vst v8  }
.LBB2_20:
0x2d1: {  	p1 =	sne.s32 s14, $0x13C0;
	v8 =	vld [tilespmem:s15+$0x1E10]  }
0x2d2: {  	v9 =	vld [tilespmem:s15+$0x2310];
	[tilespmem:s10+$0x1910] =	vst v7;
	s10 =	smov.u32 s15  }
0x2d3: {  	v7 =	vld [tilespmem:s10+$0x1410]  }
0x2d4: {  	v10 =	vld [tilespmem:s10+$0x2D10]  }
0x2d5: {  	v11 =	vld [tilespmem:s10+$0x2810]  }
.Ltmp9:
0x2d6: {  	v8 =	vadd.s32 v8, v6;
	(pc) =	sbr.rel @p1 .LBB2_20-.Ltmp9, $3  }
0x2d7: {  	v8 =	vperm.xlane v8, v9;
	_ =	sdelay $0x1  }
0x2d8: {  	v8 =	vadd.s32 v10, v8  }
0x2d9: {  	s15 =	sshra.s32 s14, $0x2;
	s14 =	sadd.s32 $0x40, s14;
	v7 =	vperm.xlane v7, v11;
	[tilespmem:s10+$0x1E10] =	vst v8  }
0x2da: {  	v8 =	vld [tilespmem:s15+$0x1E10]  }
0x2db: {  	v9 =	vld [tilespmem:s15+$0x2310];
	[tilespmem:s10+$0x1910] =	vst v7  }
0x2dc: {  	v7 =	vld [tilespmem:s15+$0x1410]  }
0x2dd: {  	v10 =	vld [tilespmem:s15+$0x2D10]  }
0x2de: {  	v11 =	vld [tilespmem:s15+$0x2810];
	_ =	sdelay $0x1  }
0x2df: {  	v6 =	vadd.s32 v8, v6  }
0x2e0: {  	v6 =	vperm.xlane v6, v9;
	_ =	sdelay $0x1  }
0x2e1: {  	v7 =	vperm.xlane v7, v11;
	v6 =	vadd.s32 v10, v6  }
0x2e2: {  	[tilespmem:s15+$0x1E10] =	vst v6  }
0x2e3: {  	[tilespmem:s15+$0x1910] =	vst v7  }
0x2e4: {  	[spmem:s3] =	stream.indirect.scatter [tilespmem:s30], [sflag:$0x1], $0x1, s29, s22, $0xb8;
	[tilespmem:$0xDE10] =	vst v63  }
0x2e5: {  	_ =	swait.ge [sflag:s24], $0x500  }
0x2e6: {  	[sflag:s24] =	ssyncset.done $0x0  }
0x2e7: {  	[sflag:s24] =	ssyncadd.s32 $0xFFFFFB00  }
0x2e8: {  	[bflag:$0x0] =	sbarrier.arrive $0xFFFF  }
0x2e9: {  	[tilespmem:s21], [sflag:$0x2] =	stream.linear.gather [spmem:s12], $0x500, $0x38;
	[tilespmem:$0xDE10] =	vst v63  }
0x2ea: {  	_ =	swait.ge [sflag:s20], $0x500  }
0x2eb: {  	[sflag:s20] =	ssyncset.done $0x0  }
0x2ec: {  	[sflag:s20] =	ssyncadd.s32 $0xFFFFFB00  }
0x2ed: {  	[tilespmem:s23], [sflag:$0x1] =	stream.indirect.gather [spmem:s2], $0x1, s21, s22, $0xb8;
	[tilespmem:$0xDE10] =	vst v63  }
0x2ee: {  	_ =	swait.ge [sflag:s24], $0x500  }
0x2ef: {  	[sflag:s24] =	ssyncset.done $0x0  }
0x2f0: {  	s10 =	simm.s32 $0x0;
	[sflag:s24] =	ssyncadd.s32 $0xFFFFFB00  }
0x2f1: {  	v6 =	vld [tilespmem:s10+$0xF10];
	_ =	sdelay $0x4  }
0x2f2: {  	v6 =	vshrl.u32 v6, $0x10  }
0x2f3: {  	v6 =	vand.u32 $0xF0, v6  }
0x2f4: {  	v6 =	vor.u32 v0, v6  }
0x2f5: {  	(xrf1) =	vsort.ascd.msk.u32 $0xffff, v6, v6;
	_ =	sdelay $0xd  }
0x2f6: {  	v8, _, _ =	vpop (xrf1)  }
0x2f7: {  	v7 =	vshrl.u32 v8, $0x4  }
0x2f8: {  	v6 =	vperm.xlane v7, v1;
	_ =	sdelay $0x1  }
0x2f9: {  	vm1 =	veq.s32 v7, v6  }
0x2fa: {  	v6 =	vsel vm1, $0x80000000, v2  }
0x2fb: {  	v9 =	vperm.xlane v7, v3;
	(xrf0) =	vmax.scan.msk.u32 $0xffff, v6;
	_ =	sdelay $0x1  }
0x2fc: {  	vm1 =	vne.s32 v9, v7  }
0x2fd: {  	vm1 =	vmor vm1, vm0;
	_ =	sdelay $0x2  }
0x2fe: {  	v6, _, _ =	vpop (xrf0)  }
0x2ff: {  	v9 =	vxor.u32 $0x80000000, v6  }
0x300: {  	[tilespmem:$0x3210] =	vst v4;
	v10 =	vsub.s32 v5, v9  }
0x301: {  	s14 =	simm.s32 $0x80;
	s15 =	simm.s32 $0x10;
	v8 =	vand.u32 $0xF, v8;
	v6 =	vimm.s32 $0x0;
	v9 =	vsub.s32 v0, v9;
	[tilespmem:v7+s25+$0x0] =	vst.idx.msk vm1, v10  }
.LBB2_22:
0x302: {  	p1 =	sne.s32 s14, $0x13C0;
	v10 =	vld [tilespmem:s15+$0xF10];
	[tilespmem:s10+$0x2310] =	vst v7  }
0x303: {  	[tilespmem:s10+$0x2810] =	vst v8  }
0x304: {  	[tilespmem:s10+$0x2D10] =	vst v9  }
0x305: {  	[tilespmem:s10+$0x1E10] =	vst v6;
	s10 =	smov.u32 s15  }
0x306: {  	v7 =	vld [tilespmem:$0x3210]  }
0x307: {  	v8 =	vshrl.u32 v10, $0x10  }
0x308: {  	v8 =	vand.u32 $0xF0, v8  }
0x309: {  	v8 =	vor.u32 v0, v8  }
0x30a: {  	(xrf1) =	vsort.ascd.msk.u32 $0xffff, v8, v8  }
0x30b: {  	v6 =	vadd.s32 v6, v7;
	_ =	sdelay $0xc  }
0x30c: {  	v8, _, _ =	vpop (xrf1)  }
0x30d: {  	v7 =	vshrl.u32 v8, $0x4;
	v8 =	vand.u32 $0xF, v8  }
0x30e: {  	v9 =	vperm.xlane v7, v1;
	_ =	sdelay $0x1  }
0x30f: {  	vm1 =	veq.s32 v7, v9  }
0x310: {  	v9 =	vsel vm1, $0x80000000, v2  }
0x311: {  	v10 =	vperm.xlane v7, v3;
	(xrf0) =	vmax.scan.msk.u32 $0xffff, v9;
	_ =	sdelay $0x1  }
0x312: {  	vm1 =	vne.s32 v10, v7  }
0x313: {  	vm1 =	vmor vm1, vm0;
	_ =	sdelay $0x1  }
.Ltmp10:
0x314: {  	(pc) =	sbr.rel @p1 .LBB2_22-.Ltmp10, $4  }
0x315: {  	v9, _, _ =	vpop (xrf0)  }
0x316: {  	v10 =	vxor.u32 $0x80000000, v9  }
0x317: {  	v9 =	vsub.s32 v0, v10;
	[tilespmem:$0x3210] =	vst v4;
	v10 =	vsub.s32 v5, v10  }
0x318: {  	s15 =	sshra.s32 s14, $0x2;
	s14 =	sadd.s32 $0x40, s14;
	[tilespmem:v7+s25+$0x0] =	vst.idx.msk vm1, v10  }
0x319: {  	v10 =	vld [tilespmem:s15+$0xF10];
	_ =	sdelay $0x4  }
0x31a: {  	v10 =	vshrl.u32 v10, $0x10  }
0x31b: {  	v10 =	vand.u32 $0xF0, v10  }
0x31c: {  	v10 =	vor.u32 v0, v10  }
0x31d: {  	(xrf1) =	vsort.ascd.msk.u32 $0xffff, v10, v10;
	_ =	sdelay $0xd  }
0x31e: {  	v10, _, _ =	vpop (xrf1)  }
0x31f: {  	v11 =	vshrl.u32 v10, $0x4  }
0x320: {  	v12 =	vperm.xlane v11, v1;
	_ =	sdelay $0x1  }
0x321: {  	vm1 =	veq.s32 v11, v12  }
0x322: {  	v12 =	vsel vm1, $0x80000000, v2  }
0x323: {  	v13 =	vperm.xlane v11, v3;
	(xrf0) =	vmax.scan.msk.u32 $0xffff, v12;
	_ =	sdelay $0x1  }
0x324: {  	vm1 =	vne.s32 v13, v11  }
0x325: {  	[tilespmem:s10+$0x2310] =	vst v7;
	vm1 =	vmor vm1, vm0  }
0x326: {  	[tilespmem:s10+$0x2810] =	vst v8  }
0x327: {  	[tilespmem:s10+$0x2D10] =	vst v9  }
0x328: {  	[tilespmem:s10+$0x1E10] =	vst v6;
	v7, _, _ =	vpop (xrf0)  }
0x329: {  	v8 =	vld [tilespmem:$0x3210];
	v7 =	vxor.u32 $0x80000000, v7  }
0x32a: {  	[tilespmem:$0x3210] =	vst v4;
	v49 =	vsub.s32 v5, v7  }
0x32b: {  	[tilespmem:v11+s25+$0x0] =	vst.idx.msk vm1, v49  }
0x32c: {  	v50 =	vand.u32 $0xF, v10;
	[tilespmem:s15+$0x2310] =	vst v11  }
0x32d: {  	v7 =	vsub.s32 v0, v7;
	[tilespmem:s15+$0x2810] =	vst v50  }
0x32e: {  	v6 =	vadd.s32 v6, v8;
	[tilespmem:s15+$0x2D10] =	vst v7  }
0x32f: {  	[tilespmem:s15+$0x1E10] =	vst v6  }
0x330: {  	v7 =	vld [tilespmem:$0x3210];
	_ =	sdelay $0x4  }
0x331: {  	v6 =	vadd.s32 v6, v7  }
0x332: {  	[tilespmem:$0x3290] =	vst v6  }
0x333: {  	[spmem:s11] =	stream.linear.scatter [tilespmem:s26], [sflag:$0x2], $0x80, $0x38;
	[tilespmem:$0xDE10] =	vst v63  }
0x334: {  	_ =	swait.ge [sflag:s20], $0x80  }
0x335: {  	[sflag:s20] =	ssyncset.done $0x0  }
0x336: {  	[sflag:s20] =	ssyncadd.s32 $0xFFFFFF80  }
0x337: {  	[bflag:$0x0] =	sbarrier.arrive $0xFFFF  }
0x338: {  	[tilespmem:s28], [sflag:$0x2] =	stream.linear.gather [spmem:s1], $0x800, $0x38;
	[tilespmem:$0xDE10] =	vst v63  }
0x339: {  	_ =	swait.ge [sflag:s20], $0x800  }
0x33a: {  	[sflag:s20] =	ssyncset.done $0x0  }
0x33b: {  	[sflag:s20] =	ssyncadd.s32 $0xFFFFF800  }
0x33c: {  	v6 =	vld [tilespmem:$0x3310]  }
0x33d: {  	v7 =	vld [tilespmem:$0x3390]  }
0x33e: {  	v8 =	vld [tilespmem:$0x3410]  }
0x33f: {  	v51 =	vld [tilespmem:$0x3490]  }
0x340: {  	v52 =	vld [tilespmem:$0x3510]  }
0x341: {  	v53 =	vld [tilespmem:$0x3590]  }
0x342: {  	v55 =	vld [tilespmem:$0x3610];
	v54 =	vadd.s32 v6, v7  }
0x343: {  	v14 =	vld [tilespmem:$0x3690];
	v12 =	vadd.s32 v8, v54  }
0x344: {  	s14 =	sld [smem:$0x7FD];
	v15 =	vld [tilespmem:$0x3710];
	v6 =	vpsel p0, $0x0, v6;
	v12 =	vadd.s32 v51, v12  }
0x345: {  	v16 =	vld [tilespmem:$0x3790];
	v7 =	vpsel !p6, $0x0, v7;
	v8 =	vpsel !p5, $0x0, v8;
	v12 =	vadd.s32 v52, v12  }
0x346: {  	s15 =	sld [smem:$0x7FC];
	v17 =	vld [tilespmem:$0x3810];
	v6 =	vadd.s32 v6, v7;
	v7 =	vpsel !p4, $0x0, v51;
	v12 =	vadd.s32 v53, v12  }
0x347: {  	v18 =	vld [tilespmem:$0x3890];
	p1 =	seq.s32 s14, $0x1;
	s14 =	sld [smem:$0x7FB];
	v6 =	vadd.s32 v8, v6;
	v8 =	vpsel !p3, $0x0, v52;
	v12 =	vadd.s32 v55, v12  }
0x348: {  	v19 =	vld [tilespmem:$0x3910];
	v6 =	vadd.s32 v7, v6;
	v7 =	vpsel !p2, $0x0, v53;
	v12 =	vadd.s32 v14, v12  }
0x349: {  	v20 =	vld [tilespmem:$0x3990];
	v6 =	vadd.s32 v8, v6;
	v8 =	vpsel !p1, $0x0, v55;
	p1 =	seq.s32 s15, $0x1;
	s15 =	sld [smem:$0x7FA];
	v12 =	vadd.s32 v15, v12  }
0x34a: {  	v57 =	vld [tilespmem:$0x3A10];
	v6 =	vadd.s32 v7, v6;
	v7 =	vpsel !p1, $0x0, v14;
	p1 =	seq.s32 s14, $0x1;
	s14 =	sld [smem:$0x7F9];
	v56 =	vadd.s32 v16, v12  }
0x34b: {  	v58 =	vld [tilespmem:$0x3A90];
	v9 =	vadd.s32 v17, v56  }
0x34c: {  	v6 =	vadd.s32 v8, v6;
	v8 =	vpsel !p1, $0x0, v15;
	p1 =	seq.s32 s15, $0x1;
	s15 =	sld [smem:$0x7F8];
	v9 =	vadd.s32 v18, v9  }
0x34d: {  	v6 =	vadd.s32 v7, v6;
	v7 =	vpsel !p1, $0x0, v16;
	p1 =	seq.s32 s14, $0x1;
	s14 =	sld [smem:$0x7F7];
	v9 =	vadd.s32 v19, v9  }
0x34e: {  	v9 =	vadd.s32 v20, v9  }
0x34f: {  	v6 =	vadd.s32 v8, v6;
	v8 =	vpsel !p1, $0x0, v17;
	p1 =	seq.s32 s15, $0x1;
	v9 =	vadd.s32 v57, v9  }
0x350: {  	v6 =	vadd.s32 v7, v6;
	v7 =	vpsel !p1, $0x0, v18;
	p1 =	seq.s32 s14, $0x1;
	s14 =	sld [smem:$0x7F6];
	v9 =	vadd.s32 v58, v9  }
0x351: {  	s15 =	sld [smem:$0x7F5];
	(xrf0) =	vadd.scan.msk.s32 $0xffff, v9  }
0x352: {  	v6 =	vadd.s32 v8, v6  }
0x353: {  	s10 =	simm.s32 $0x0;
	v8 =	vpsel !p1, $0x0, v19;
	v6 =	vadd.s32 v7, v6;
	p1 =	seq.s32 s14, $0x1  }
0x354: {  	v6 =	vadd.s32 v8, v6;
	v8 =	vld [tilespmem:s10+$0x1E10];
	v7 =	vpsel !p1, $0x0, v20;
	p1 =	seq.s32 s15, $0x1  }
0x355: {  	v59 =	vpsel !p1, $0x0, v57;
	v6 =	vadd.s32 v7, v6;
	v7 =	vld [tilespmem:s10+$0x2310]  }
0x356: {  	v60 =	vld [tilespmem:s10+$0x1410];
	v6 =	vadd.s32 v59, v6  }
0x357: {  	v62 =	vld [tilespmem:s10+$0x2D10];
	v6 =	vsub.s32 v6, v9;
	v61, _, _ =	vpop (xrf0)  }
0x358: {  	v63 =	vld [tilespmem:s10+$0x2810];
	v6 =	vadd.s32 v61, v6  }
0x359: {  	v8 =	vadd.s32 v8, v6  }
0x35a: {  	v7 =	vperm.xlane v8, v7;
	_ =	sdelay $0x1  }
0x35b: {  	v8 =	vadd.s32 v62, v7  }
0x35c: {  	s14 =	simm.s32 $0x80;
	s15 =	simm.s32 $0x10;
	v7 =	vperm.xlane v60, v63;
	[tilespmem:s10+$0x1E10] =	vst v8  }
.LBB2_24:
0x35d: {  	p1 =	sne.s32 s14, $0x13C0;
	v8 =	vld [tilespmem:s15+$0x1E10]  }
0x35e: {  	v9 =	vld [tilespmem:s15+$0x2310];
	[tilespmem:s10+$0x1910] =	vst v7;
	s10 =	smov.u32 s15  }
0x35f: {  	v7 =	vld [tilespmem:s10+$0x1410]  }
0x360: {  	v10 =	vld [tilespmem:s10+$0x2D10]  }
0x361: {  	v11 =	vld [tilespmem:s10+$0x2810]  }
.Ltmp11:
0x362: {  	v8 =	vadd.s32 v8, v6;
	(pc) =	sbr.rel @p1 .LBB2_24-.Ltmp11, $3  }
0x363: {  	v8 =	vperm.xlane v8, v9;
	_ =	sdelay $0x1  }
0x364: {  	v8 =	vadd.s32 v10, v8  }
0x365: {  	s15 =	sshra.s32 s14, $0x2;
	s14 =	sadd.s32 $0x40, s14;
	v7 =	vperm.xlane v7, v11;
	[tilespmem:s10+$0x1E10] =	vst v8  }
0x366: {  	v8 =	vld [tilespmem:s15+$0x1E10]  }
0x367: {  	v9 =	vld [tilespmem:s15+$0x2310];
	[tilespmem:s10+$0x1910] =	vst v7  }
0x368: {  	v7 =	vld [tilespmem:s15+$0x1410]  }
0x369: {  	v10 =	vld [tilespmem:s15+$0x2D10]  }
0x36a: {  	v11 =	vld [tilespmem:s15+$0x2810];
	_ =	sdelay $0x1  }
0x36b: {  	v6 =	vadd.s32 v8, v6  }
0x36c: {  	v6 =	vperm.xlane v6, v9;
	_ =	sdelay $0x1  }
0x36d: {  	v7 =	vperm.xlane v7, v11;
	v6 =	vadd.s32 v10, v6  }
0x36e: {  	[tilespmem:s15+$0x1E10] =	vst v6  }
0x36f: {  	[tilespmem:s15+$0x1910] =	vst v7  }
0x370: {  	[spmem:s4] =	stream.indirect.scatter [tilespmem:s30], [sflag:$0x1], $0x1, s29, s22, $0xb8;
	[tilespmem:$0xDE10] =	vst v63  }
0x371: {  	_ =	swait.ge [sflag:s24], $0x500  }
0x372: {  	[sflag:s24] =	ssyncset.done $0x0  }
0x373: {  	[sflag:s24] =	ssyncadd.s32 $0xFFFFFB00  }
0x374: {  	[bflag:$0x0] =	sbarrier.arrive $0xFFFF  }
0x375: {  	[tilespmem:s21], [sflag:$0x2] =	stream.linear.gather [spmem:s13], $0x500, $0x38;
	[tilespmem:$0xDE10] =	vst v63  }
0x376: {  	_ =	swait.ge [sflag:s20], $0x500  }
0x377: {  	[sflag:s20] =	ssyncset.done $0x0  }
0x378: {  	[sflag:s20] =	ssyncadd.s32 $0xFFFFFB00  }
0x379: {  	[tilespmem:s23], [sflag:$0x1] =	stream.indirect.gather [spmem:s2], $0x1, s21, s22, $0xb8;
	[tilespmem:$0xDE10] =	vst v63  }
0x37a: {  	_ =	swait.ge [sflag:s24], $0x500  }
0x37b: {  	[sflag:s24] =	ssyncset.done $0x0  }
0x37c: {  	s10 =	simm.s32 $0x0;
	[sflag:s24] =	ssyncadd.s32 $0xFFFFFB00  }
0x37d: {  	v6 =	vld [tilespmem:s10+$0xF10];
	_ =	sdelay $0x4  }
0x37e: {  	v6 =	vshrl.u32 v6, $0x14  }
0x37f: {  	v6 =	vand.u32 $0xF0, v6  }
0x380: {  	v6 =	vor.u32 v0, v6  }
0x381: {  	(xrf1) =	vsort.ascd.msk.u32 $0xffff, v6, v6;
	_ =	sdelay $0xd  }
0x382: {  	v8, _, _ =	vpop (xrf1)  }
0x383: {  	v7 =	vshrl.u32 v8, $0x4  }
0x384: {  	v6 =	vperm.xlane v7, v1;
	_ =	sdelay $0x1  }
0x385: {  	vm1 =	veq.s32 v7, v6  }
0x386: {  	v6 =	vsel vm1, $0x80000000, v2  }
0x387: {  	v9 =	vperm.xlane v7, v3;
	(xrf0) =	vmax.scan.msk.u32 $0xffff, v6;
	_ =	sdelay $0x1  }
0x388: {  	vm1 =	vne.s32 v9, v7  }
0x389: {  	vm1 =	vmor vm1, vm0;
	_ =	sdelay $0x2  }
0x38a: {  	v6, _, _ =	vpop (xrf0)  }
0x38b: {  	v9 =	vxor.u32 $0x80000000, v6  }
0x38c: {  	[tilespmem:$0x3210] =	vst v4;
	v10 =	vsub.s32 v5, v9  }
0x38d: {  	s14 =	simm.s32 $0x80;
	s15 =	simm.s32 $0x10;
	v8 =	vand.u32 $0xF, v8;
	v6 =	vimm.s32 $0x0;
	v9 =	vsub.s32 v0, v9;
	[tilespmem:v7+s25+$0x0] =	vst.idx.msk vm1, v10  }
.LBB2_26:
0x38e: {  	p1 =	sne.s32 s14, $0x13C0;
	v10 =	vld [tilespmem:s15+$0xF10];
	[tilespmem:s10+$0x2310] =	vst v7  }
0x38f: {  	[tilespmem:s10+$0x2810] =	vst v8  }
0x390: {  	[tilespmem:s10+$0x2D10] =	vst v9  }
0x391: {  	[tilespmem:s10+$0x1E10] =	vst v6;
	s10 =	smov.u32 s15  }
0x392: {  	v7 =	vld [tilespmem:$0x3210]  }
0x393: {  	v8 =	vshrl.u32 v10, $0x14  }
0x394: {  	v8 =	vand.u32 $0xF0, v8  }
0x395: {  	v8 =	vor.u32 v0, v8  }
0x396: {  	(xrf1) =	vsort.ascd.msk.u32 $0xffff, v8, v8  }
0x397: {  	v6 =	vadd.s32 v6, v7;
	_ =	sdelay $0xc  }
0x398: {  	v8, _, _ =	vpop (xrf1)  }
0x399: {  	v7 =	vshrl.u32 v8, $0x4;
	v8 =	vand.u32 $0xF, v8  }
0x39a: {  	v9 =	vperm.xlane v7, v1;
	_ =	sdelay $0x1  }
0x39b: {  	vm1 =	veq.s32 v7, v9  }
0x39c: {  	v9 =	vsel vm1, $0x80000000, v2  }
0x39d: {  	v10 =	vperm.xlane v7, v3;
	(xrf0) =	vmax.scan.msk.u32 $0xffff, v9;
	_ =	sdelay $0x1  }
0x39e: {  	vm1 =	vne.s32 v10, v7  }
0x39f: {  	vm1 =	vmor vm1, vm0;
	_ =	sdelay $0x1  }
.Ltmp12:
0x3a0: {  	(pc) =	sbr.rel @p1 .LBB2_26-.Ltmp12, $4  }
0x3a1: {  	v9, _, _ =	vpop (xrf0)  }
0x3a2: {  	v10 =	vxor.u32 $0x80000000, v9  }
0x3a3: {  	v9 =	vsub.s32 v0, v10;
	[tilespmem:$0x3210] =	vst v4;
	v10 =	vsub.s32 v5, v10  }
0x3a4: {  	s15 =	sshra.s32 s14, $0x2;
	s14 =	sadd.s32 $0x40, s14;
	[tilespmem:v7+s25+$0x0] =	vst.idx.msk vm1, v10  }
0x3a5: {  	v10 =	vld [tilespmem:s15+$0xF10];
	_ =	sdelay $0x4  }
0x3a6: {  	v10 =	vshrl.u32 v10, $0x14  }
0x3a7: {  	v10 =	vand.u32 $0xF0, v10  }
0x3a8: {  	v10 =	vor.u32 v0, v10  }
0x3a9: {  	(xrf1) =	vsort.ascd.msk.u32 $0xffff, v10, v10;
	_ =	sdelay $0xd  }
0x3aa: {  	v10, _, _ =	vpop (xrf1)  }
0x3ab: {  	v11 =	vshrl.u32 v10, $0x4  }
0x3ac: {  	v12 =	vperm.xlane v11, v1;
	_ =	sdelay $0x1  }
0x3ad: {  	vm1 =	veq.s32 v11, v12  }
0x3ae: {  	v12 =	vsel vm1, $0x80000000, v2  }
0x3af: {  	v13 =	vperm.xlane v11, v3;
	(xrf0) =	vmax.scan.msk.u32 $0xffff, v12;
	_ =	sdelay $0x1  }
0x3b0: {  	vm1 =	vne.s32 v13, v11  }
0x3b1: {  	[tilespmem:s10+$0x2310] =	vst v7;
	vm1 =	vmor vm1, vm0  }
0x3b2: {  	[tilespmem:s10+$0x2810] =	vst v8  }
0x3b3: {  	[tilespmem:s10+$0x2D10] =	vst v9  }
0x3b4: {  	[tilespmem:s10+$0x1E10] =	vst v6;
	v7, _, _ =	vpop (xrf0)  }
0x3b5: {  	v8 =	vld [tilespmem:$0x3210];
	v7 =	vxor.u32 $0x80000000, v7  }
0x3b6: {  	[tilespmem:$0x3210] =	vst v4;
	v49 =	vsub.s32 v5, v7  }
0x3b7: {  	[tilespmem:v11+s25+$0x0] =	vst.idx.msk vm1, v49  }
0x3b8: {  	v50 =	vand.u32 $0xF, v10;
	[tilespmem:s15+$0x2310] =	vst v11  }
0x3b9: {  	v7 =	vsub.s32 v0, v7;
	[tilespmem:s15+$0x2810] =	vst v50  }
0x3ba: {  	v6 =	vadd.s32 v6, v8;
	[tilespmem:s15+$0x2D10] =	vst v7  }
0x3bb: {  	[tilespmem:s15+$0x1E10] =	vst v6  }
0x3bc: {  	v7 =	vld [tilespmem:$0x3210];
	_ =	sdelay $0x4  }
0x3bd: {  	v6 =	vadd.s32 v6, v7  }
0x3be: {  	[tilespmem:$0x3290] =	vst v6  }
0x3bf: {  	[spmem:s11] =	stream.linear.scatter [tilespmem:s26], [sflag:$0x2], $0x80, $0x38;
	[tilespmem:$0xDE10] =	vst v63  }
0x3c0: {  	_ =	swait.ge [sflag:s20], $0x80  }
0x3c1: {  	[sflag:s20] =	ssyncset.done $0x0  }
0x3c2: {  	[sflag:s20] =	ssyncadd.s32 $0xFFFFFF80  }
0x3c3: {  	[bflag:$0x0] =	sbarrier.arrive $0xFFFF  }
0x3c4: {  	[tilespmem:s28], [sflag:$0x2] =	stream.linear.gather [spmem:s1], $0x800, $0x38;
	[tilespmem:$0xDE10] =	vst v63  }
0x3c5: {  	_ =	swait.ge [sflag:s20], $0x800  }
0x3c6: {  	[sflag:s20] =	ssyncset.done $0x0  }
0x3c7: {  	[sflag:s20] =	ssyncadd.s32 $0xFFFFF800  }
0x3c8: {  	v6 =	vld [tilespmem:$0x3310]  }
0x3c9: {  	v7 =	vld [tilespmem:$0x3390]  }
0x3ca: {  	v8 =	vld [tilespmem:$0x3410]  }
0x3cb: {  	v51 =	vld [tilespmem:$0x3490]  }
0x3cc: {  	v52 =	vld [tilespmem:$0x3510]  }
0x3cd: {  	v53 =	vld [tilespmem:$0x3590]  }
0x3ce: {  	v55 =	vld [tilespmem:$0x3610];
	v54 =	vadd.s32 v6, v7  }
0x3cf: {  	v14 =	vld [tilespmem:$0x3690];
	v12 =	vadd.s32 v8, v54  }
0x3d0: {  	s14 =	sld [smem:$0x7FD];
	v15 =	vld [tilespmem:$0x3710];
	v6 =	vpsel p0, $0x0, v6;
	v12 =	vadd.s32 v51, v12  }
0x3d1: {  	v16 =	vld [tilespmem:$0x3790];
	v7 =	vpsel !p6, $0x0, v7;
	v8 =	vpsel !p5, $0x0, v8;
	v12 =	vadd.s32 v52, v12  }
0x3d2: {  	s15 =	sld [smem:$0x7FC];
	v17 =	vld [tilespmem:$0x3810];
	v6 =	vadd.s32 v6, v7;
	v7 =	vpsel !p4, $0x0, v51;
	v12 =	vadd.s32 v53, v12  }
0x3d3: {  	v18 =	vld [tilespmem:$0x3890];
	p1 =	seq.s32 s14, $0x1;
	s14 =	sld [smem:$0x7FB];
	v6 =	vadd.s32 v8, v6;
	v8 =	vpsel !p3, $0x0, v52;
	v12 =	vadd.s32 v55, v12  }
0x3d4: {  	v19 =	vld [tilespmem:$0x3910];
	v6 =	vadd.s32 v7, v6;
	v7 =	vpsel !p2, $0x0, v53;
	v12 =	vadd.s32 v14, v12  }
0x3d5: {  	v20 =	vld [tilespmem:$0x3990];
	v6 =	vadd.s32 v8, v6;
	v8 =	vpsel !p1, $0x0, v55;
	p1 =	seq.s32 s15, $0x1;
	s15 =	sld [smem:$0x7FA];
	v12 =	vadd.s32 v15, v12  }
0x3d6: {  	v57 =	vld [tilespmem:$0x3A10];
	v6 =	vadd.s32 v7, v6;
	v7 =	vpsel !p1, $0x0, v14;
	p1 =	seq.s32 s14, $0x1;
	s14 =	sld [smem:$0x7F9];
	v56 =	vadd.s32 v16, v12  }
0x3d7: {  	v58 =	vld [tilespmem:$0x3A90];
	v9 =	vadd.s32 v17, v56  }
0x3d8: {  	v6 =	vadd.s32 v8, v6;
	v8 =	vpsel !p1, $0x0, v15;
	p1 =	seq.s32 s15, $0x1;
	s15 =	sld [smem:$0x7F8];
	v9 =	vadd.s32 v18, v9  }
0x3d9: {  	v6 =	vadd.s32 v7, v6;
	v7 =	vpsel !p1, $0x0, v16;
	p1 =	seq.s32 s14, $0x1;
	s14 =	sld [smem:$0x7F7];
	v9 =	vadd.s32 v19, v9  }
0x3da: {  	v9 =	vadd.s32 v20, v9  }
0x3db: {  	v6 =	vadd.s32 v8, v6;
	v8 =	vpsel !p1, $0x0, v17;
	p1 =	seq.s32 s15, $0x1;
	v9 =	vadd.s32 v57, v9  }
0x3dc: {  	v6 =	vadd.s32 v7, v6;
	v7 =	vpsel !p1, $0x0, v18;
	p1 =	seq.s32 s14, $0x1;
	s14 =	sld [smem:$0x7F6];
	v9 =	vadd.s32 v58, v9  }
0x3dd: {  	s15 =	sld [smem:$0x7F5];
	(xrf0) =	vadd.scan.msk.s32 $0xffff, v9  }
0x3de: {  	v6 =	vadd.s32 v8, v6  }
0x3df: {  	s10 =	simm.s32 $0x0;
	v8 =	vpsel !p1, $0x0, v19;
	v6 =	vadd.s32 v7, v6;
	p1 =	seq.s32 s14, $0x1  }
0x3e0: {  	v6 =	vadd.s32 v8, v6;
	v8 =	vld [tilespmem:s10+$0x1E10];
	v7 =	vpsel !p1, $0x0, v20;
	p1 =	seq.s32 s15, $0x1  }
0x3e1: {  	v59 =	vpsel !p1, $0x0, v57;
	v6 =	vadd.s32 v7, v6;
	v7 =	vld [tilespmem:s10+$0x2310]  }
0x3e2: {  	v60 =	vld [tilespmem:s10+$0x1410];
	v6 =	vadd.s32 v59, v6  }
0x3e3: {  	v62 =	vld [tilespmem:s10+$0x2D10];
	v6 =	vsub.s32 v6, v9;
	v61, _, _ =	vpop (xrf0)  }
0x3e4: {  	v63 =	vld [tilespmem:s10+$0x2810];
	v6 =	vadd.s32 v61, v6  }
0x3e5: {  	v8 =	vadd.s32 v8, v6  }
0x3e6: {  	v7 =	vperm.xlane v8, v7;
	_ =	sdelay $0x1  }
0x3e7: {  	v8 =	vadd.s32 v62, v7  }
0x3e8: {  	s14 =	simm.s32 $0x80;
	s15 =	simm.s32 $0x10;
	v7 =	vperm.xlane v60, v63;
	[tilespmem:s10+$0x1E10] =	vst v8  }
.LBB2_28:
0x3e9: {  	p1 =	sne.s32 s14, $0x13C0;
	v8 =	vld [tilespmem:s15+$0x1E10]  }
0x3ea: {  	v9 =	vld [tilespmem:s15+$0x2310];
	[tilespmem:s10+$0x1910] =	vst v7;
	s10 =	smov.u32 s15  }
0x3eb: {  	v7 =	vld [tilespmem:s10+$0x1410]  }
0x3ec: {  	v10 =	vld [tilespmem:s10+$0x2D10]  }
0x3ed: {  	v11 =	vld [tilespmem:s10+$0x2810]  }
.Ltmp13:
0x3ee: {  	v8 =	vadd.s32 v8, v6;
	(pc) =	sbr.rel @p1 .LBB2_28-.Ltmp13, $3  }
0x3ef: {  	v8 =	vperm.xlane v8, v9;
	_ =	sdelay $0x1  }
0x3f0: {  	v8 =	vadd.s32 v10, v8  }
0x3f1: {  	s15 =	sshra.s32 s14, $0x2;
	s14 =	sadd.s32 $0x40, s14;
	v7 =	vperm.xlane v7, v11;
	[tilespmem:s10+$0x1E10] =	vst v8  }
0x3f2: {  	v8 =	vld [tilespmem:s15+$0x1E10]  }
0x3f3: {  	v9 =	vld [tilespmem:s15+$0x2310];
	[tilespmem:s10+$0x1910] =	vst v7  }
0x3f4: {  	v7 =	vld [tilespmem:s15+$0x1410]  }
0x3f5: {  	v10 =	vld [tilespmem:s15+$0x2D10]  }
0x3f6: {  	v11 =	vld [tilespmem:s15+$0x2810];
	_ =	sdelay $0x1  }
0x3f7: {  	v6 =	vadd.s32 v8, v6  }
0x3f8: {  	v6 =	vperm.xlane v6, v9;
	_ =	sdelay $0x1  }
0x3f9: {  	v7 =	vperm.xlane v7, v11;
	v6 =	vadd.s32 v10, v6  }
0x3fa: {  	[tilespmem:s15+$0x1E10] =	vst v6  }
0x3fb: {  	[tilespmem:s15+$0x1910] =	vst v7  }
0x3fc: {  	[spmem:s3] =	stream.indirect.scatter [tilespmem:s30], [sflag:$0x1], $0x1, s29, s22, $0xb8;
	[tilespmem:$0xDE10] =	vst v63  }
0x3fd: {  	_ =	swait.ge [sflag:s24], $0x500  }
0x3fe: {  	[sflag:s24] =	ssyncset.done $0x0  }
0x3ff: {  	[sflag:s24] =	ssyncadd.s32 $0xFFFFFB00  }
0x400: {  	[bflag:$0x0] =	sbarrier.arrive $0xFFFF  }
0x401: {  	[tilespmem:s21], [sflag:$0x2] =	stream.linear.gather [spmem:s12], $0x500, $0x38;
	[tilespmem:$0xDE10] =	vst v63  }
0x402: {  	_ =	swait.ge [sflag:s20], $0x500  }
0x403: {  	[sflag:s20] =	ssyncset.done $0x0  }
0x404: {  	[sflag:s20] =	ssyncadd.s32 $0xFFFFFB00  }
0x405: {  	[tilespmem:s23], [sflag:$0x1] =	stream.indirect.gather [spmem:s2], $0x1, s21, s22, $0xb8;
	[tilespmem:$0xDE10] =	vst v63  }
0x406: {  	_ =	swait.ge [sflag:s24], $0x500  }
0x407: {  	[sflag:s24] =	ssyncset.done $0x0  }
0x408: {  	s10 =	simm.s32 $0x0;
	[sflag:s24] =	ssyncadd.s32 $0xFFFFFB00  }
0x409: {  	v6 =	vld [tilespmem:s10+$0xF10];
	_ =	sdelay $0x4  }
0x40a: {  	v6 =	vshrl.u32 v6, $0x18  }
0x40b: {  	v6 =	vand.u32 $0xF0, v6  }
0x40c: {  	v6 =	vor.u32 v0, v6  }
0x40d: {  	(xrf1) =	vsort.ascd.msk.u32 $0xffff, v6, v6;
	_ =	sdelay $0xd  }
0x40e: {  	v8, _, _ =	vpop (xrf1)  }
0x40f: {  	v7 =	vshrl.u32 v8, $0x4  }
0x410: {  	v6 =	vperm.xlane v7, v1;
	_ =	sdelay $0x1  }
0x411: {  	vm1 =	veq.s32 v7, v6  }
0x412: {  	v6 =	vsel vm1, $0x80000000, v2  }
0x413: {  	v9 =	vperm.xlane v7, v3;
	(xrf0) =	vmax.scan.msk.u32 $0xffff, v6;
	_ =	sdelay $0x1  }
0x414: {  	vm1 =	vne.s32 v9, v7  }
0x415: {  	vm1 =	vmor vm1, vm0;
	_ =	sdelay $0x2  }
0x416: {  	v6, _, _ =	vpop (xrf0)  }
0x417: {  	v9 =	vxor.u32 $0x80000000, v6  }
0x418: {  	[tilespmem:$0x3210] =	vst v4;
	v10 =	vsub.s32 v5, v9  }
0x419: {  	s14 =	simm.s32 $0x80;
	s15 =	simm.s32 $0x10;
	v8 =	vand.u32 $0xF, v8;
	v6 =	vimm.s32 $0x0;
	v9 =	vsub.s32 v0, v9;
	[tilespmem:v7+s25+$0x0] =	vst.idx.msk vm1, v10  }
.LBB2_30:
0x41a: {  	p1 =	sne.s32 s14, $0x13C0;
	v10 =	vld [tilespmem:s15+$0xF10];
	[tilespmem:s10+$0x2310] =	vst v7  }
0x41b: {  	[tilespmem:s10+$0x2810] =	vst v8  }
0x41c: {  	[tilespmem:s10+$0x2D10] =	vst v9  }
0x41d: {  	[tilespmem:s10+$0x1E10] =	vst v6;
	s10 =	smov.u32 s15  }
0x41e: {  	v7 =	vld [tilespmem:$0x3210]  }
0x41f: {  	v8 =	vshrl.u32 v10, $0x18  }
0x420: {  	v8 =	vand.u32 $0xF0, v8  }
0x421: {  	v8 =	vor.u32 v0, v8  }
0x422: {  	(xrf1) =	vsort.ascd.msk.u32 $0xffff, v8, v8  }
0x423: {  	v6 =	vadd.s32 v6, v7;
	_ =	sdelay $0xc  }
0x424: {  	v8, _, _ =	vpop (xrf1)  }
0x425: {  	v7 =	vshrl.u32 v8, $0x4;
	v8 =	vand.u32 $0xF, v8  }
0x426: {  	v9 =	vperm.xlane v7, v1;
	_ =	sdelay $0x1  }
0x427: {  	vm1 =	veq.s32 v7, v9  }
0x428: {  	v9 =	vsel vm1, $0x80000000, v2  }
0x429: {  	v10 =	vperm.xlane v7, v3;
	(xrf0) =	vmax.scan.msk.u32 $0xffff, v9;
	_ =	sdelay $0x1  }
0x42a: {  	vm1 =	vne.s32 v10, v7  }
0x42b: {  	vm1 =	vmor vm1, vm0;
	_ =	sdelay $0x1  }
.Ltmp14:
0x42c: {  	(pc) =	sbr.rel @p1 .LBB2_30-.Ltmp14, $4  }
0x42d: {  	v9, _, _ =	vpop (xrf0)  }
0x42e: {  	v10 =	vxor.u32 $0x80000000, v9  }
0x42f: {  	v9 =	vsub.s32 v0, v10;
	[tilespmem:$0x3210] =	vst v4;
	v10 =	vsub.s32 v5, v10  }
0x430: {  	s15 =	sshra.s32 s14, $0x2;
	s14 =	sadd.s32 $0x40, s14;
	[tilespmem:v7+s25+$0x0] =	vst.idx.msk vm1, v10  }
0x431: {  	v10 =	vld [tilespmem:s15+$0xF10];
	_ =	sdelay $0x4  }
0x432: {  	v10 =	vshrl.u32 v10, $0x18  }
0x433: {  	v10 =	vand.u32 $0xF0, v10  }
0x434: {  	v10 =	vor.u32 v0, v10  }
0x435: {  	(xrf1) =	vsort.ascd.msk.u32 $0xffff, v10, v10;
	_ =	sdelay $0xd  }
0x436: {  	v10, _, _ =	vpop (xrf1)  }
0x437: {  	v11 =	vshrl.u32 v10, $0x4  }
0x438: {  	v12 =	vperm.xlane v11, v1;
	_ =	sdelay $0x1  }
0x439: {  	vm1 =	veq.s32 v11, v12  }
0x43a: {  	v12 =	vsel vm1, $0x80000000, v2  }
0x43b: {  	v13 =	vperm.xlane v11, v3;
	(xrf0) =	vmax.scan.msk.u32 $0xffff, v12;
	_ =	sdelay $0x1  }
0x43c: {  	vm1 =	vne.s32 v13, v11  }
0x43d: {  	[tilespmem:s10+$0x2310] =	vst v7;
	vm1 =	vmor vm1, vm0  }
0x43e: {  	[tilespmem:s10+$0x2810] =	vst v8  }
0x43f: {  	[tilespmem:s10+$0x2D10] =	vst v9  }
0x440: {  	[tilespmem:s10+$0x1E10] =	vst v6;
	v7, _, _ =	vpop (xrf0)  }
0x441: {  	v8 =	vld [tilespmem:$0x3210];
	v7 =	vxor.u32 $0x80000000, v7  }
0x442: {  	[tilespmem:$0x3210] =	vst v4;
	v49 =	vsub.s32 v5, v7  }
0x443: {  	[tilespmem:v11+s25+$0x0] =	vst.idx.msk vm1, v49  }
0x444: {  	v50 =	vand.u32 $0xF, v10;
	[tilespmem:s15+$0x2310] =	vst v11  }
0x445: {  	v7 =	vsub.s32 v0, v7;
	[tilespmem:s15+$0x2810] =	vst v50  }
0x446: {  	v6 =	vadd.s32 v6, v8;
	[tilespmem:s15+$0x2D10] =	vst v7  }
0x447: {  	[tilespmem:s15+$0x1E10] =	vst v6  }
0x448: {  	v7 =	vld [tilespmem:$0x3210];
	_ =	sdelay $0x4  }
0x449: {  	v6 =	vadd.s32 v6, v7  }
0x44a: {  	[tilespmem:$0x3290] =	vst v6  }
0x44b: {  	[spmem:s11] =	stream.linear.scatter [tilespmem:s26], [sflag:$0x2], $0x80, $0x38;
	[tilespmem:$0xDE10] =	vst v63  }
0x44c: {  	_ =	swait.ge [sflag:s20], $0x80  }
0x44d: {  	[sflag:s20] =	ssyncset.done $0x0  }
0x44e: {  	[sflag:s20] =	ssyncadd.s32 $0xFFFFFF80  }
0x44f: {  	[bflag:$0x0] =	sbarrier.arrive $0xFFFF  }
0x450: {  	[tilespmem:s28], [sflag:$0x2] =	stream.linear.gather [spmem:s1], $0x800, $0x38;
	[tilespmem:$0xDE10] =	vst v63  }
0x451: {  	_ =	swait.ge [sflag:s20], $0x800  }
0x452: {  	[sflag:s20] =	ssyncset.done $0x0  }
0x453: {  	[sflag:s20] =	ssyncadd.s32 $0xFFFFF800  }
0x454: {  	v6 =	vld [tilespmem:$0x3310]  }
0x455: {  	v7 =	vld [tilespmem:$0x3390]  }
0x456: {  	v8 =	vld [tilespmem:$0x3410]  }
0x457: {  	v51 =	vld [tilespmem:$0x3490]  }
0x458: {  	v52 =	vld [tilespmem:$0x3510]  }
0x459: {  	v53 =	vld [tilespmem:$0x3590]  }
0x45a: {  	v55 =	vld [tilespmem:$0x3610];
	v54 =	vadd.s32 v6, v7  }
0x45b: {  	v14 =	vld [tilespmem:$0x3690];
	v12 =	vadd.s32 v8, v54  }
0x45c: {  	s14 =	sld [smem:$0x7FD];
	v15 =	vld [tilespmem:$0x3710];
	v6 =	vpsel p0, $0x0, v6;
	v12 =	vadd.s32 v51, v12  }
0x45d: {  	v16 =	vld [tilespmem:$0x3790];
	v7 =	vpsel !p6, $0x0, v7;
	v8 =	vpsel !p5, $0x0, v8;
	v12 =	vadd.s32 v52, v12  }
0x45e: {  	s15 =	sld [smem:$0x7FC];
	v17 =	vld [tilespmem:$0x3810];
	v6 =	vadd.s32 v6, v7;
	v7 =	vpsel !p4, $0x0, v51;
	v12 =	vadd.s32 v53, v12  }
0x45f: {  	v18 =	vld [tilespmem:$0x3890];
	p1 =	seq.s32 s14, $0x1;
	s14 =	sld [smem:$0x7FB];
	v6 =	vadd.s32 v8, v6;
	v8 =	vpsel !p3, $0x0, v52;
	v12 =	vadd.s32 v55, v12  }
0x460: {  	v19 =	vld [tilespmem:$0x3910];
	v6 =	vadd.s32 v7, v6;
	v7 =	vpsel !p2, $0x0, v53;
	v12 =	vadd.s32 v14, v12  }
0x461: {  	v20 =	vld [tilespmem:$0x3990];
	v6 =	vadd.s32 v8, v6;
	v8 =	vpsel !p1, $0x0, v55;
	p1 =	seq.s32 s15, $0x1;
	s15 =	sld [smem:$0x7FA];
	v12 =	vadd.s32 v15, v12  }
0x462: {  	v57 =	vld [tilespmem:$0x3A10];
	v6 =	vadd.s32 v7, v6;
	v7 =	vpsel !p1, $0x0, v14;
	p1 =	seq.s32 s14, $0x1;
	s14 =	sld [smem:$0x7F9];
	v56 =	vadd.s32 v16, v12  }
0x463: {  	v58 =	vld [tilespmem:$0x3A90];
	v9 =	vadd.s32 v17, v56  }
0x464: {  	v6 =	vadd.s32 v8, v6;
	v8 =	vpsel !p1, $0x0, v15;
	p1 =	seq.s32 s15, $0x1;
	s15 =	sld [smem:$0x7F8];
	v9 =	vadd.s32 v18, v9  }
0x465: {  	v6 =	vadd.s32 v7, v6;
	v7 =	vpsel !p1, $0x0, v16;
	p1 =	seq.s32 s14, $0x1;
	s14 =	sld [smem:$0x7F7];
	v9 =	vadd.s32 v19, v9  }
0x466: {  	v9 =	vadd.s32 v20, v9  }
0x467: {  	v6 =	vadd.s32 v8, v6;
	v8 =	vpsel !p1, $0x0, v17;
	p1 =	seq.s32 s15, $0x1;
	v9 =	vadd.s32 v57, v9  }
0x468: {  	v6 =	vadd.s32 v7, v6;
	v7 =	vpsel !p1, $0x0, v18;
	p1 =	seq.s32 s14, $0x1;
	s14 =	sld [smem:$0x7F6];
	v9 =	vadd.s32 v58, v9  }
0x469: {  	s15 =	sld [smem:$0x7F5];
	(xrf0) =	vadd.scan.msk.s32 $0xffff, v9  }
0x46a: {  	v6 =	vadd.s32 v8, v6  }
0x46b: {  	s10 =	simm.s32 $0x0;
	v8 =	vpsel !p1, $0x0, v19;
	v6 =	vadd.s32 v7, v6;
	p1 =	seq.s32 s14, $0x1  }
0x46c: {  	v6 =	vadd.s32 v8, v6;
	v8 =	vld [tilespmem:s10+$0x1E10];
	v7 =	vpsel !p1, $0x0, v20;
	p1 =	seq.s32 s15, $0x1  }
0x46d: {  	v59 =	vpsel !p1, $0x0, v57;
	v6 =	vadd.s32 v7, v6;
	v7 =	vld [tilespmem:s10+$0x2310]  }
0x46e: {  	v60 =	vld [tilespmem:s10+$0x1410];
	v6 =	vadd.s32 v59, v6  }
0x46f: {  	v62 =	vld [tilespmem:s10+$0x2D10];
	v6 =	vsub.s32 v6, v9;
	v61, _, _ =	vpop (xrf0)  }
0x470: {  	v63 =	vld [tilespmem:s10+$0x2810];
	v6 =	vadd.s32 v61, v6  }
0x471: {  	v8 =	vadd.s32 v8, v6  }
0x472: {  	v7 =	vperm.xlane v8, v7;
	_ =	sdelay $0x1  }
0x473: {  	v8 =	vadd.s32 v62, v7  }
0x474: {  	s14 =	simm.s32 $0x80;
	s15 =	simm.s32 $0x10;
	v7 =	vperm.xlane v60, v63;
	[tilespmem:s10+$0x1E10] =	vst v8  }
.LBB2_32:
0x475: {  	p1 =	sne.s32 s14, $0x13C0;
	v8 =	vld [tilespmem:s15+$0x1E10]  }
0x476: {  	v9 =	vld [tilespmem:s15+$0x2310];
	[tilespmem:s10+$0x1910] =	vst v7;
	s10 =	smov.u32 s15  }
0x477: {  	v7 =	vld [tilespmem:s10+$0x1410]  }
0x478: {  	v10 =	vld [tilespmem:s10+$0x2D10]  }
0x479: {  	v11 =	vld [tilespmem:s10+$0x2810]  }
.Ltmp15:
0x47a: {  	v8 =	vadd.s32 v8, v6;
	(pc) =	sbr.rel @p1 .LBB2_32-.Ltmp15, $3  }
0x47b: {  	v8 =	vperm.xlane v8, v9;
	_ =	sdelay $0x1  }
0x47c: {  	v8 =	vadd.s32 v10, v8  }
0x47d: {  	s15 =	sshra.s32 s14, $0x2;
	s14 =	sadd.s32 $0x40, s14;
	v7 =	vperm.xlane v7, v11;
	[tilespmem:s10+$0x1E10] =	vst v8  }
0x47e: {  	v8 =	vld [tilespmem:s15+$0x1E10]  }
0x47f: {  	v9 =	vld [tilespmem:s15+$0x2310];
	[tilespmem:s10+$0x1910] =	vst v7  }
0x480: {  	v7 =	vld [tilespmem:s15+$0x1410]  }
0x481: {  	v10 =	vld [tilespmem:s15+$0x2D10]  }
0x482: {  	v11 =	vld [tilespmem:s15+$0x2810];
	_ =	sdelay $0x1  }
0x483: {  	v6 =	vadd.s32 v8, v6  }
0x484: {  	v6 =	vperm.xlane v6, v9;
	_ =	sdelay $0x1  }
0x485: {  	v7 =	vperm.xlane v7, v11;
	v6 =	vadd.s32 v10, v6  }
0x486: {  	[tilespmem:s15+$0x1E10] =	vst v6  }
0x487: {  	[tilespmem:s15+$0x1910] =	vst v7  }
0x488: {  	[spmem:s4] =	stream.indirect.scatter [tilespmem:s30], [sflag:$0x1], $0x1, s29, s22, $0xb8;
	[tilespmem:$0xDE10] =	vst v63  }
0x489: {  	_ =	swait.ge [sflag:s24], $0x500  }
0x48a: {  	[sflag:s24] =	ssyncset.done $0x0  }
0x48b: {  	[sflag:s24] =	ssyncadd.s32 $0xFFFFFB00  }
0x48c: {  	[bflag:$0x0] =	sbarrier.arrive $0xFFFF  }
0x48d: {  	s14 =	rddreg [dreg:$0xb]  }
0x48e: {  	[tilespmem:s31], [sflag:$0x2] =	stream.linear.gather [spmem:s14], $0x140, $0x38;
	[tilespmem:$0xDE10] =	vst v63  }
0x48f: {  	_ =	swait.ge [sflag:s20], $0x140  }
0x490: {  	[sflag:s20] =	ssyncset.done $0x0  }
0x491: {  	s15 =	rddreg [dreg:$0xc];
	[sflag:s20] =	ssyncadd.s32 $0xFFFFFEC0  }
0x492: {  	[tilespmem:s0], [sflag:$0x2] =	stream.linear.gather [spmem:s15], $0x140, $0x38;
	[tilespmem:$0xDE10] =	vst v63  }
0x493: {  	_ =	swait.ge [sflag:s20], $0x140  }
0x494: {  	[sflag:s20] =	ssyncset.done $0x0  }
0x495: {  	s10 =	simm.s32 $0x0;
	[sflag:s20] =	ssyncadd.s32 $0xFFFFFEC0  }
0x496: {  	s14 =	simm.s32 $0x40;
	v6 =	vld [tilespmem:s10+$0x3B10]  }
.LBB2_34:
0x497: {  	p1 =	sne.s32 s14, $0x4C0;
	v7 =	vld [tilespmem:s10+$0x3C90];
	_ =	sdelay $0x2  }
.Ltmp16:
0x498: {  	(pc) =	sbr.rel @p1 .LBB2_34-.Ltmp16, $4  }
0x499: {  	vm1 =	vlt.s32 v6, $0x4E1F  }
0x49a: {  	v6 =	vnsel vm1, $0x4E1F, v6;
	vm1 =	vlt.s32 v7, $0x4E1F  }
0x49b: {  	s15 =	sshra.s32 s14, $0x2;
	[tilespmem:s10+$0x3B10] =	vst v6;
	v7 =	vnsel vm1, $0x4E1F, v7  }
0x49c: {  	s14 =	sadd.s32 $0x40, s14;
	v6 =	vld [tilespmem:s15+$0x3B10];
	[tilespmem:s10+$0x3C90] =	vst v7;
	s10 =	smov.u32 s15  }
0x49d: {  	v7 =	vld [tilespmem:s10+$0x3C90];
	_ =	sdelay $0x3  }
0x49e: {  	vm1 =	vlt.s32 v6, $0x4E1F  }
0x49f: {  	v6 =	vnsel vm1, $0x4E1F, v6;
	vm1 =	vlt.s32 v7, $0x4E1F  }
0x4a0: {  	[tilespmem:s10+$0x3B10] =	vst v6;
	v6 =	vnsel vm1, $0x4E1F, v7  }
0x4a1: {  	[tilespmem:s10+$0x3C90] =	vst v6  }
0x4a2: {  	[tilespmem:s8], [sflag:$0x1] =	stream.indirect.gather [hbm4b:s7+s5], $0x80, s31, s5, $0xb8;
	[tilespmem:$0xDE10] =	vst v63  }
0x4a3: {  	_ =	swait.ge [sflag:s24], $0xA000  }
0x4a4: {  	[sflag:s24] =	ssyncset.done $0x0  }
0x4a5: {  	[sflag:s24] =	ssyncadd.s32 $0xFFFF6000  }
0x4a6: {  	[hbm4b:s16+s6] =	stream.linear.scatter [tilespmem:s8], [sflag:$0x2], $0xA000, $0x38;
	[tilespmem:$0xDE10] =	vst v63  }
0x4a7: {  	_ =	swait.ge [sflag:s20], $0xA000  }
0x4a8: {  	[sflag:s20] =	ssyncset.done $0x0  }
0x4a9: {  	[sflag:s20] =	ssyncadd.s32 $0xFFFF6000  }
0x4aa: {  	[tilespmem:s8], [sflag:$0x1] =	stream.indirect.gather [hbm4b:s7+s5], $0x80, s0, s5, $0xb8;
	[tilespmem:$0xDE10] =	vst v63  }
0x4ab: {  	s9 =	sadd.s32 $0x1, s9;
	_ =	swait.ge [sflag:s24], $0xA000  }
0x4ac: {  	p1 =	sne.s32 s9, s18;
	[sflag:s24] =	ssyncset.done $0x0  }
.Ltmp17:
0x4ad: {  	[sflag:s24] =	ssyncadd.s32 $0xFFFF6000;
	(pc) =	sbr.rel @p1 .LBB2_1-.Ltmp17, $4  }
0x4ae: {  	[hbm4b:s17+s6] =	stream.linear.scatter [tilespmem:s8], [sflag:$0x2], $0xA000, $0x38;
	[tilespmem:$0xDE10] =	vst v63  }
0x4af: {  	_ =	swait.ge [sflag:s20], $0xA000  }
0x4b0: {  	[sflag:s20] =	ssyncset.done $0x0  }
0x4b1: {  	[sflag:s20] =	ssyncadd.s32 $0xFFFF6000  }
0x4b2: {  	_ =	sfence.sel $0x180000  }
0x4b3: {  	[bflag:$0x0] =	sbarrier.arrive $0xFFFF  }
0x4b4: {  	_ =	strace $0x90000047  }
0x4b5: {  	s0 =	stileid.u32;
	[bflag:$0x2] =	sbarrier.arrive $0xFFFF  }
0x4b6: {  	p0 =	sne.s32 s0, $0x0;
	s0 =	rddreg [dreg:$0x7]  }
0x4b7: {  	s0 =	sadd.s32 @!p0 $0x100000, s0  }
0x4b8: {  	[sflag:s0] =	ssyncadd.tile.s32 @!p0 $0x1;
	_ =	shalt  }
.Lfunc_end2:
_tile_overlayer_lowered:
.L_overlay_start_2:
0x4b9: {  	(tag) =	ssettag $0x2  }
0x4ba: {  	s0 =	rddreg [dreg:$0x0];
	s2 =	stileid.u32  }
0x4bb: {  	s1 =	rddreg [dreg:$0x1];
	p0 =	sne.s32 s2, $0x0  }
0x4bc: {  	s3 =	rddreg [dreg:$0x2];
	[bflag:$0x3] =	sbarrier.arrive $0xFFFF;
	s2 =	simm.s32 @!p0 $0x1C02  }
0x4bd: {  	[timem:s3], [sflag:s2] =	dma.local @!p0 [hbm:s0], s1  }
0x4be: {  	s0 =	simm.s32 @!p0 $0x2  }
0x4bf: {  	_ =	swait.ge @!p0 [sflag:s0], s1  }
0x4c0: {  	s1 =	ssub.s32 @!p0 $0x0, s1;
	[sflag:s0] =	ssyncset.done @!p0 $0x0  }
0x4c1: {  	[sflag:s0] =	ssyncadd.s32 @!p0 s1  }
0x4c2: {  	[bflag:$0x3] =	sbarrier.arrive $0xFFFF  }
0x4c3: {  	_ =	shalt  }

</sc_bundles>
